<compile_context>
chip_gen: v7x
topology: tpu7x:2x2x1
jax: 0.10.2.dev20260603
libtpu: 0.0.44.dev20260713+nightly
codegen_flags: <defaults>
</compile_context>

<pallas_src>
import functools

import jax
import jax.numpy as jnp
from jax import lax
from jax.experimental import pallas as pl
from jax.experimental.pallas import tpu as pltpu
from jax.experimental.pallas import tpu_sc as plsc

_CH = 125
_G = 64
_RB = 2000


def _fill_rows(ref, nrows, ncols, value):
    v = jnp.full((16,), value, dtype=jnp.float32)

    def body(j, c):
        for kk in range(ncols // 16):
            ref[j, pl.ds(kk * 16, 16)] = v
        return c

    lax.fori_loop(0, nrows, body, 0)



def _round_up(a, b):
    return -(-a // b) * b


@functools.cache
def _make_deg(N, E, NC, NS):
    NW = NC * NS
    NCH = E // (NW * _CH)
    RPT = _round_up(N, 16 * NS) // NS
    NPAD = RPT * NS
    mesh = plsc.VectorSubcoreMesh(core_axis_name="c", subcore_axis_name="s")

    @functools.partial(
        pl.kernel,
        out_type=jax.ShapeDtypeStruct((NC, NPAD, 16), jnp.float32),
        mesh=mesh,
        compiler_params=pltpu.CompilerParams(use_tc_tiling_on_sc=False),
        scratch_types=[
            pltpu.VMEM((NCH, _CH), jnp.int32),
            pltpu.VMEM((_CH, 16), jnp.float32),
            pltpu.VMEM((RPT, 16), jnp.float32),
            pltpu.SemaphoreType.DMA,
            pltpu.VMEM_SHARED((NPAD, 16), jnp.float32),
        ],
    )
    def k(e4_hbm, out_hbm, dstv, onesv, zbuf, ssem, acc):
        c = lax.axis_index("c")
        s = lax.axis_index("s")
        wid = s * NC + c
        _fill_rows(onesv, _CH, 16, 1.0)
        _fill_rows(zbuf, RPT, 16, 0.0)
        pltpu.sync_copy(zbuf, acc.at[pl.ds(s * RPT, RPT)])
        pltpu.sync_copy(e4_hbm.at[1, wid], dstv)
        plsc.subcore_barrier()

        def step(kk, carry):
            ds_ = [pltpu.async_copy(onesv, acc.at[dstv.at[8 * kk + b]],
                                    ssem, add=True) for b in range(8)]
            for d in ds_:
                d.wait()
            return carry

        lax.fori_loop(0, NCH // 8, step, 0)
        for j in range(NCH - NCH % 8, NCH):
            pltpu.sync_copy(onesv, acc.at[dstv.at[j]], add=True)
        plsc.subcore_barrier()
        pltpu.sync_copy(acc.at[pl.ds(s * RPT, RPT)],
                        out_hbm.at[c, pl.ds(s * RPT, RPT)])

    return k


@functools.cache
def _make_msg(N, E, D, NC, NS):
    NW = NC * NS
    NCH = E // (NW * _CH)
    RPT = _round_up(N, 16 * NS) // NS
    NPAD = RPT * NS
    mesh = plsc.VectorSubcoreMesh(core_axis_name="c", subcore_axis_name="s")

    KB = 4

    @functools.partial(
        pl.kernel,
        out_type=jax.ShapeDtypeStruct((NC, NPAD, D), jnp.bfloat16),
        mesh=mesh,
        compiler_params=pltpu.CompilerParams(use_tc_tiling_on_sc=False),
        scratch_types=[
            pltpu.VMEM((NCH, _CH), jnp.int32),
            pltpu.VMEM((NCH, _CH), jnp.int32),
            pltpu.VMEM((2 * KB, _CH, D), jnp.bfloat16),
            pltpu.SemaphoreType.DMA,
            pltpu.SemaphoreType.DMA,
            pltpu.SemaphoreType.DMA,
            pltpu.SemaphoreType.DMA,
            pltpu.VMEM_SHARED((NPAD, D), jnp.bfloat16),
        ],
    )
    def k(t_hbm, e4_hbm, out_hbm,
          srcv, dstv, rows, gsA, gsB, ssA, ssB, acc):
        c = lax.axis_index("c")
        s = lax.axis_index("s")
        wid = s * NC + c
        ZR = RPT // 8
        zv = jnp.zeros((32,), jnp.bfloat16)

        def zfill(j, carry):
            for kk in range(D // 32):
                rows[0, j, pl.ds(kk * 32, 32)] = zv
            return carry

        lax.fori_loop(0, ZR, zfill, 0)
        for t in range(8):
            pltpu.sync_copy(rows.at[0, pl.ds(0, ZR)],
                            acc.at[pl.ds(s * RPT + t * ZR, ZR)])
        pltpu.sync_copy(e4_hbm.at[0, wid], srcv)
        pltpu.sync_copy(e4_hbm.at[1, wid], dstv)
        plsc.subcore_barrier()

        def fire_gathers(bank, base, sem):
            for b in range(KB):
                pltpu.async_copy(t_hbm.at[srcv.at[base + b]],
                                 rows.at[bank * KB + b], sem)

        def wait_gathers(bank, sem):
            for b in range(KB):
                pltpu.make_async_copy(t_hbm.at[srcv.at[0]],
                                      rows.at[bank * KB + b], sem).wait()

        def scatter_bank(bank, base, sem):
            ds_ = [pltpu.async_copy(rows.at[bank * KB + b],
                                    acc.at[dstv.at[base + b]], sem, add=True)
                   for b in range(KB)]
            for d in ds_:
                d.wait()

        NCH_B = (NCH // (2 * KB)) * 2 * KB
        fire_gathers(0, 0, gsA)

        def step(kk, carry):
            base = 2 * KB * kk
            fire_gathers(1, base + KB, gsB)
            wait_gathers(0, gsA)
            scatter_bank(0, base, ssA)

            @pl.when(base + 3 * KB <= NCH_B)
            def _():
                fire_gathers(0, base + 2 * KB, gsA)

            wait_gathers(1, gsB)
            scatter_bank(1, base + KB, ssB)
            return carry

        lax.fori_loop(0, NCH // (2 * KB), step, 0)
        for j in range(NCH - NCH % (2 * KB), NCH):
            pltpu.async_copy(t_hbm.at[srcv.at[j]], rows.at[0], gsA).wait()
            pltpu.async_copy(rows.at[0], acc.at[dstv.at[j]], gsA,
                             add=True).wait()
        plsc.subcore_barrier()
        pltpu.sync_copy(acc.at[pl.ds(s * RPT, RPT)],
                        out_hbm.at[c, pl.ds(s * RPT, RPT)])

    return k



def _stage1a_call(x, W1):
    N, Din = x.shape
    D1 = W1.shape[1]
    NB = N // _RB

    def body(x_ref, w_ref, xw_ref):
        xw_ref[...] = jnp.dot(x_ref[...], w_ref[...],
                              preferred_element_type=jnp.float32)

    return pl.pallas_call(
        body,
        grid=(NB,),
        in_specs=[
            pl.BlockSpec((_RB, Din), lambda i: (i, 0)),
            pl.BlockSpec((Din, D1), lambda i: (0, 0)),
        ],
        out_specs=pl.BlockSpec((_RB, D1), lambda i: (i, 0)),
        out_shape=jax.ShapeDtypeStruct((N, D1), jnp.float32),
    )(x, W1)


def _stage1b_call(xw, degp, b1r, NC):
    N, D1 = xw.shape
    NB = N // _RB

    def body(xw_ref, dp_ref, b_ref, sc_ref, sb_ref, dis_ref, inv_ref):
        deg = 1.0 + sum(dp_ref[i, :, 0:1] for i in range(NC))
        dis = lax.rsqrt(deg)
        inv = 1.0 / deg
        xw = xw_ref[...]
        sc_ref[...] = (xw * dis).astype(jnp.bfloat16)
        sb_ref[...] = xw * inv + b_ref[...]
        dis_ref[...] = dis
        inv_ref[...] = inv

    return pl.pallas_call(
        body,
        grid=(NB,),
        in_specs=[
            pl.BlockSpec((_RB, D1), lambda i: (i, 0)),
            pl.BlockSpec((NC, _RB, 16), lambda i: (0, i, 0)),
            pl.BlockSpec((1, D1), lambda i: (0, 0)),
        ],
        out_specs=[
            pl.BlockSpec((_RB, D1), lambda i: (i, 0)),
            pl.BlockSpec((_RB, D1), lambda i: (i, 0)),
            pl.BlockSpec((_RB, 1), lambda i: (i, 0)),
            pl.BlockSpec((_RB, 1), lambda i: (i, 0)),
        ],
        out_shape=[
            jax.ShapeDtypeStruct((N, D1), jnp.bfloat16),
            jax.ShapeDtypeStruct((N, D1), jnp.float32),
            jax.ShapeDtypeStruct((N, 1), jnp.float32),
            jax.ShapeDtypeStruct((N, 1), jnp.float32),
        ],
    )(xw, degp, b1r)


def _stage2_call(acc1, dis, inv, selfb1, W2, b2r, NC):
    N = dis.shape[0]
    D1 = selfb1.shape[1]
    D2 = W2.shape[1]
    NB = N // _RB

    def body(a_ref, dis_ref, inv_ref, sb1_ref, w_ref, b_ref,
             sc_ref, sb2_ref):
        accsum = sum(a_ref[i].astype(jnp.float32) for i in range(NC))
        dis = dis_ref[...]
        h1 = jnp.maximum(dis * accsum + sb1_ref[...], 0.0)
        xw2 = jnp.dot(h1, w_ref[...], preferred_element_type=jnp.float32)
        sc_ref[...] = (xw2 * dis).astype(jnp.bfloat16)
        sb2_ref[...] = xw2 * inv_ref[...] + b_ref[...]

    return pl.pallas_call(
        body,
        grid=(NB,),
        in_specs=[
            pl.BlockSpec((NC, _RB, D1), lambda i: (0, i, 0)),
            pl.BlockSpec((_RB, 1), lambda i: (i, 0)),
            pl.BlockSpec((_RB, 1), lambda i: (i, 0)),
            pl.BlockSpec((_RB, D1), lambda i: (i, 0)),
            pl.BlockSpec((D1, D2), lambda i: (0, 0)),
            pl.BlockSpec((1, D2), lambda i: (0, 0)),
        ],
        out_specs=[
            pl.BlockSpec((_RB, D2), lambda i: (i, 0)),
            pl.BlockSpec((_RB, D2), lambda i: (i, 0)),
        ],
        out_shape=[
            jax.ShapeDtypeStruct((N, D2), jnp.bfloat16),
            jax.ShapeDtypeStruct((N, D2), jnp.float32),
        ],
    )(acc1, dis, inv, selfb1, W2, b2r)


def _stage3_call(acc2, dis, selfb2, batch_row, Wf1, bf1r, Wf2, bf2r,
                 Wf3, bf3r, NC):
    N = dis.shape[0]
    D2 = selfb2.shape[1]
    F1 = Wf1.shape[1]
    F2 = Wf2.shape[1]
    NB = N // _RB

    def body(a_ref, dis_ref, sb2_ref, b_ref, wf1_ref, bf1_ref,
             wf2_ref, bf2_ref, wf3_ref, bf3_ref, out_ref, sum_acc, cnt_acc):
        i = pl.program_id(0)
        accsum = sum(a_ref[k].astype(jnp.float32) for k in range(NC))
        h2 = jnp.maximum(dis_ref[...] * accsum + sb2_ref[...], 0.0)
        seg = b_ref[0]
        gids = lax.broadcasted_iota(jnp.int32, (_G, _RB), 0)
        pt = (gids == seg).astype(jnp.float32)
        part = jnp.dot(pt, h2, preferred_element_type=jnp.float32)
        cnt = jnp.dot(pt, jnp.ones((_RB, 1), jnp.float32),
                      preferred_element_type=jnp.float32)

        @pl.when(i == 0)
        def _():
            sum_acc[...] = part
            cnt_acc[...] = cnt

        @pl.when(i > 0)
        def _():
            sum_acc[...] += part
            cnt_acc[...] += cnt

        @pl.when(i == NB - 1)
        def _():
            pooled = sum_acc[...] / jnp.maximum(cnt_acc[...], 1.0)
            hh = jnp.maximum(
                jnp.dot(pooled, wf1_ref[...],
                        preferred_element_type=jnp.float32) + bf1_ref[...], 0.0)
            hh = jnp.maximum(
                jnp.dot(hh, wf2_ref[...],
                        preferred_element_type=jnp.float32) + bf2_ref[...], 0.0)
            out_ref[...] = (jnp.dot(hh, wf3_ref[...],
                                    preferred_element_type=jnp.float32)
                            + bf3_ref[...])

    return pl.pallas_call(
        body,
        grid=(NB,),
        in_specs=[
            pl.BlockSpec((NC, _RB, D2), lambda i: (0, i, 0)),
            pl.BlockSpec((_RB, 1), lambda i: (i, 0)),
            pl.BlockSpec((_RB, D2), lambda i: (i, 0)),
            pl.BlockSpec((1, 1, _RB), lambda i: (i, 0, 0)),
            pl.BlockSpec((D2, F1), lambda i: (0, 0)),
            pl.BlockSpec((1, F1), lambda i: (0, 0)),
            pl.BlockSpec((F1, F2), lambda i: (0, 0)),
            pl.BlockSpec((1, F2), lambda i: (0, 0)),
            pl.BlockSpec((F2, 1), lambda i: (0, 0)),
            pl.BlockSpec((1, 1), lambda i: (0, 0)),
        ],
        out_specs=pl.BlockSpec((_G, 1), lambda i: (0, 0)),
        out_shape=jax.ShapeDtypeStruct((_G, 1), jnp.float32),
        scratch_shapes=[
            pltpu.VMEM((_G, D2), jnp.float32),
            pltpu.VMEM((_G, 1), jnp.float32),
        ],
    )(acc2, dis, selfb2, batch_row, Wf1, bf1r, Wf2, bf2r, Wf3, bf3r)



def kernel(x, edge_index, batch, W1, b1, W2, b2, Wf1, bf1, Wf2, bf2, Wf3, bf3):
    N, Din = x.shape
    E = edge_index.shape[1]
    info = plsc.get_sparse_core_info()
    NC, NS = info.num_cores, info.num_subcores
    NW = NC * NS
    assert N % _RB == 0

    assert E % (NW * _CH) == 0
    e4 = edge_index.reshape(2, NW, E // (NW * _CH), _CH)
    batch_row = batch.reshape(N // _RB, 1, _RB)
    b1r = b1.reshape(1, -1)
    b2r = b2.reshape(1, -1)
    bf1r = bf1.reshape(1, -1)
    bf2r = bf2.reshape(1, -1)
    bf3r = bf3.reshape(1, -1)

    degp = _make_deg(N, E, NC, NS)(e4)
    xw1 = _stage1a_call(x, W1)
    scaled1, selfb1, dis, inv = _stage1b_call(xw1, degp, b1r, NC)
    acc1 = _make_msg(N, E, W1.shape[1], NC, NS)(scaled1, e4)
    scaled2, selfb2 = _stage2_call(acc1, dis, inv, selfb1, W2, b2r, NC)
    acc2 = _make_msg(N, E, W2.shape[1], NC, NS)(scaled2, e4)
    return _stage3_call(acc2, dis, selfb2, batch_row, Wf1, bf1r, Wf2, bf2r,
                        Wf3, bf3r, NC)

# --- scband reference (transcript-rebuilt; emitter-appended) ---
"""Pipeline reference for scband-gcnn-61933428408578 (READ-ONLY COPY).

The authoritative reference and input builder live on the scoring server;
editing this copy changes nothing except your own understanding.
"""

import jax, jax.numpy as jnp
import numpy as np

N = 10000
E = 320000
G = 64
D_IN, D_H1, D_H2 = 128, 64, 32
FC1, FC2 = 32, 16


def gcn_conv(x, edge_index, W, b):
    # GCNConv (Kipf & Welling): add self-loops, symmetric normalization,
    # message = norm * (x W), scatter-add over destination nodes.
    n = x.shape[0]
    loop = jnp.arange(n, dtype=edge_index.dtype)
    src = jnp.concatenate([edge_index[0], loop])
    dst = jnp.concatenate([edge_index[1], loop])
    xw = x @ W
    deg = jnp.zeros((n,), dtype=x.dtype).at[dst].add(1.0)
    dis = jnp.where(deg > 0, jax.lax.rsqrt(deg), 0.0)
    norm = dis[src] * dis[dst]
    msg = xw[src] * norm[:, None]
    out = jnp.zeros((n, W.shape[1]), dtype=x.dtype).at[dst].add(msg)
    return out + b


def setup_inputs(seed: int = 0) -> dict:
    key = jax.random.key(seed)
    ks = jax.random.split(key, 12)
    x = jax.random.normal(ks[0], (N, D_IN), dtype=jnp.float32)
    edge_index = jax.random.randint(ks[1], (2, E), 0, N, dtype=jnp.int32)
    batch = jnp.sort(jax.random.randint(ks[2], (N,), 0, G, dtype=jnp.int32))

    def lin(k, fan_in, fan_out):
        bound = 1.0 / np.sqrt(fan_in)
        k1, k2 = jax.random.split(k)
        W = jax.random.uniform(k1, (fan_in, fan_out), jnp.float32, -bound, bound)
        b = jax.random.uniform(k2, (fan_out,), jnp.float32, -bound, bound)
        return W, b

    W1, b1 = lin(ks[3], D_IN, D_H1)
    W2, b2 = lin(ks[4], D_H1, D_H2)
    Wf1, bf1 = lin(ks[5], D_H2, FC1)
    Wf2, bf2 = lin(ks[6], FC1, FC2)
    Wf3, bf3 = lin(ks[7], FC2, 1)
    return {
        "x": x, "edge_index": edge_index, "batch": batch,
        "W1": W1, "b1": b1, "W2": W2, "b2": b2,
        "Wf1": Wf1, "bf1": bf1, "Wf2": Wf2, "bf2": bf2,
        "Wf3": Wf3, "bf3": bf3,
    }


def reference(x, edge_index, batch, W1, b1, W2, b2, Wf1, bf1, Wf2, bf2, Wf3, bf3):
    # Dropout layers act as identity in eval mode.
    h = jax.nn.relu(gcn_conv(x, edge_index, W1, b1))
    h = jax.nn.relu(gcn_conv(h, edge_index, W2, b2))
    # global_mean_pool over `batch` segment ids
    s = jax.ops.segment_sum(h, batch, num_segments=G)
    cnt = jax.ops.segment_sum(jnp.ones((h.shape[0],), h.dtype), batch, num_segments=G)
    pooled = s / jnp.maximum(cnt, 1.0)[:, None]
    h = jax.nn.relu(pooled @ Wf1 + bf1)
    h = jax.nn.relu(h @ Wf2 + bf2)
    return h @ Wf3 + bf3

if __name__ == "__main__":
    import jax
    _d = setup_inputs()
    print(jax.jit(kernel)(*tuple(_d.values())))

</pallas_src>

<mosaic_0001>
#map = affine_map<(d0, d1) -> (0, 0)>
#map1 = affine_map<(d0, d1) -> (0, 0, 0, 0)>
#map2 = affine_map<(d0, d1) -> (0, 0, 0)>
module attributes {stable_mosaic.version = 14 : i64} {
  func.func @k(%arg0: i32, %arg1: i32, %arg2: memref<10000x32xbf16, #tpu.memory_space<hbm>>, %arg3: memref<2x32x80x125xi32, #tpu.memory_space<hbm>>, %arg4: memref<2x10240x32xbf16, #tpu.memory_space<hbm>>, %arg5: memref<80x125xi32, #tpu.memory_space<vmem>>, %arg6: memref<80x125xi32, #tpu.memory_space<vmem>>, %arg7: memref<8x125x32xbf16, #tpu.memory_space<vmem>>, %arg8: memref<!tpu.dma_semaphore, #tpu.memory_space<semaphore_mem>>, %arg9: memref<!tpu.dma_semaphore, #tpu.memory_space<semaphore_mem>>, %arg10: memref<!tpu.dma_semaphore, #tpu.memory_space<semaphore_mem>>, %arg11: memref<!tpu.dma_semaphore, #tpu.memory_space<semaphore_mem>>, %arg12: memref<10240x32xbf16, #tpu.memory_space<vmem_shared>>) attributes {dimension_semantics = [#tpu.dimension_semantics<core_parallel>, #tpu.dimension_semantics<subcore_parallel>], iteration_bounds = array<i64: 2, 16>, scalar_prefetch = 0 : i64, scratch_operands = 8 : i64, tpu.core_type = #tpu.core_type<sc_vector_subcore>, window_params = [{transform_indices = #map}, {transform_indices = #map1}, {transform_indices = #map2}]} {
    %mul3A = arith.constant 2 : i32
    %mul3A_0 = arith.muli %arg1, %mul3A : i32
    %add3A = arith.addi %mul3A_0, %arg0 : i32
    %broadcast_in_dim3A = arith.constant 0.000000e+00 : bf16
    %broadcast_in_dim3A_1 = vector.broadcast %broadcast_in_dim3A : bf16 to vector<32xbf16>
    %scan3A = arith.constant 0 : i32
    %scan3A_2 = arith.constant 0 : i32
    %scan3A_3 = arith.constant 80 : i32
    %scan3A_4 = arith.addi %scan3A_2, %scan3A_3 : i32
    %scan3A_5 = arith.constant 1 : i32
    scf.for %scan3A_106 = %scan3A_2 to %scan3A_4 step %scan3A_5  : i32 {
      %swap3A = arith.constant 0 : i32
      %swap3A_107 = arith.index_cast %swap3A : i32 to index
      %swap3A_108 = arith.index_cast %scan3A_106 : i32 to index
      %swap3A_109 = arith.constant 0 : index
      %swap3A_110 = tpu.vector_load %arg7[%swap3A_107, %swap3A_108, %swap3A_109] {strides = array<i32>} : memref<8x125x32xbf16, #tpu.memory_space<vmem>>, vector<1x1x32xbf16>,
      %swap3A_111 = vector.shape_cast %swap3A_110 : vector<1x1x32xbf16> to vector<32xbf16>
      %swap3A_112 = vector.shape_cast %broadcast_in_dim3A_1 : vector<32xbf16> to vector<1x1x32xbf16>
      tpu.vector_store %arg7[%swap3A_107, %swap3A_108, %swap3A_109], %swap3A_112 {strides = array<i32>} : memref<8x125x32xbf16, #tpu.memory_space<vmem>>, vector<1x1x32xbf16>,
    }
    %scan3A_6 = arith.constant 80 : i32
    %mul3A_7 = arith.constant 640 : i32
    %mul3A_8 = arith.muli %arg1, %mul3A_7 : i32
    %add3A_9 = arith.constant 0 : i32
    %add3A_10 = arith.addi %mul3A_8, %add3A_9 : i32
    %run_scoped3A = arith.constant 0 : i32
    "tpu.region"() ({
      %run_scoped3A_106 = tpu.sem_alloc : memref<!tpu.dma_semaphore, #tpu.memory_space<semaphore_mem>>
      %dma_start3A_107 = arith.constant 0 : i32
      %dma_start3A_108 = arith.constant 0 : i32
      %dma_start3A_109 = tpu.memref_slice %arg7[%run_scoped3A, %dma_start3A_107, %dma_start3A_108] : memref<8x125x32xbf16, #tpu.memory_space<vmem>> -> memref<1x80x32xbf16, #tpu.memory_space<vmem>>
      %dma_start3A_110 = tpu.memref_squeeze %dma_start3A_109 : memref<1x80x32xbf16, #tpu.memory_space<vmem>> -> memref<80x32xbf16, #tpu.memory_space<vmem>>
      %dma_start3A_111 = arith.constant 0 : i32
      %dma_start3A_112 = tpu.memref_slice %arg12[%add3A_10, %dma_start3A_111] : memref<10240x32xbf16, #tpu.memory_space<vmem_shared>> -> memref<80x32xbf16, #tpu.memory_space<vmem_shared>>
      %dma_start3A_113 = arith.constant 0 : i32
      %dma_start3A_114 = tpu.memref_slice %arg12[%add3A_10, %dma_start3A_113] : memref<10240x32xbf16, #tpu.memory_space<vmem_shared>> -> memref<80x32xbf16, #tpu.memory_space<vmem_shared>>
      %dma_start3A_115 = arith.constant 0 : i32
      %dma_start3A_116 = arith.constant 0 : i32
      %dma_start3A_117 = tpu.memref_slice %arg7[%run_scoped3A, %dma_start3A_115, %dma_start3A_116] : memref<8x125x32xbf16, #tpu.memory_space<vmem>> -> memref<1x80x32xbf16, #tpu.memory_space<vmem>>
      %dma_start3A_118 = tpu.memref_squeeze %dma_start3A_117 : memref<1x80x32xbf16, #tpu.memory_space<vmem>> -> memref<80x32xbf16, #tpu.memory_space<vmem>>
      tpu.enqueue_dma source(%dma_start3A_118 : memref<80x32xbf16, #tpu.memory_space<vmem>>) target(%dma_start3A_114 : memref<80x32xbf16, #tpu.memory_space<vmem_shared>>) target_semaphore(%run_scoped3A_106 : memref<!tpu.dma_semaphore, #tpu.memory_space<semaphore_mem>>)
      %dma_wait3A = arith.constant 0 : i32
      %dma_wait3A_119 = arith.constant 0 : i32
      %dma_wait3A_120 = tpu.memref_slice %arg7[%run_scoped3A, %dma_wait3A, %dma_wait3A_119] : memref<8x125x32xbf16, #tpu.memory_space<vmem>> -> memref<1x80x32xbf16, #tpu.memory_space<vmem>>
      %dma_wait3A_121 = tpu.memref_squeeze %dma_wait3A_120 : memref<1x80x32xbf16, #tpu.memory_space<vmem>> -> memref<80x32xbf16, #tpu.memory_space<vmem>>
      %dma_wait3A_122 = arith.constant 0 : i32
      %dma_wait3A_123 = tpu.memref_slice %arg12[%add3A_10, %dma_wait3A_122] : memref<10240x32xbf16, #tpu.memory_space<vmem_shared>> -> memref<80x32xbf16, #tpu.memory_space<vmem_shared>>
      %dma_wait3A_124 = arith.constant 0 : i32
      %dma_wait3A_125 = tpu.memref_slice %arg12[%add3A_10, %dma_wait3A_124] : memref<10240x32xbf16, #tpu.memory_space<vmem_shared>> -> memref<80x32xbf16, #tpu.memory_space<vmem_shared>>
      %dma_wait3A_126 = arith.constant 0 : i32
      %dma_wait3A_127 = arith.constant 0 : i32
      %dma_wait3A_128 = tpu.memref_slice %arg7[%run_scoped3A, %dma_wait3A_126, %dma_wait3A_127] : memref<8x125x32xbf16, #tpu.memory_space<vmem>> -> memref<1x80x32xbf16, #tpu.memory_space<vmem>>
      %dma_wait3A_129 = tpu.memref_squeeze %dma_wait3A_128 : memref<1x80x32xbf16, #tpu.memory_space<vmem>> -> memref<80x32xbf16, #tpu.memory_space<vmem>>
      tpu.wait_dma2 semaphore(%run_scoped3A_106 : memref<!tpu.dma_semaphore, #tpu.memory_space<semaphore_mem>>) src(%dma_wait3A_129 : memref<80x32xbf16, #tpu.memory_space<vmem>>) dst(%dma_wait3A_125 : memref<80x32xbf16, #tpu.memory_space<vmem_shared>>)
      tpu.yield
    }) : () -> ()
    %mul3A_11 = arith.constant 640 : i32
    %mul3A_12 = arith.muli %arg1, %mul3A_11 : i32
    %add3A_13 = arith.constant 80 : i32
    %add3A_14 = arith.addi %mul3A_12, %add3A_13 : i32
    %run_scoped3A_15 = arith.constant 0 : i32
    "tpu.region"() ({
      %run_scoped3A_106 = tpu.sem_alloc : memref<!tpu.dma_semaphore, #tpu.memory_space<semaphore_mem>>
      %dma_start3A_107 = arith.constant 0 : i32
      %dma_start3A_108 = arith.constant 0 : i32
      %dma_start3A_109 = tpu.memref_slice %arg7[%run_scoped3A_15, %dma_start3A_107, %dma_start3A_108] : memref<8x125x32xbf16, #tpu.memory_space<vmem>> -> memref<1x80x32xbf16, #tpu.memory_space<vmem>>
      %dma_start3A_110 = tpu.memref_squeeze %dma_start3A_109 : memref<1x80x32xbf16, #tpu.memory_space<vmem>> -> memref<80x32xbf16, #tpu.memory_space<vmem>>
      %dma_start3A_111 = arith.constant 0 : i32
      %dma_start3A_112 = tpu.memref_slice %arg12[%add3A_14, %dma_start3A_111] : memref<10240x32xbf16, #tpu.memory_space<vmem_shared>> -> memref<80x32xbf16, #tpu.memory_space<vmem_shared>>
      %dma_start3A_113 = arith.constant 0 : i32
      %dma_start3A_114 = tpu.memref_slice %arg12[%add3A_14, %dma_start3A_113] : memref<10240x32xbf16, #tpu.memory_space<vmem_shared>> -> memref<80x32xbf16, #tpu.memory_space<vmem_shared>>
      %dma_start3A_115 = arith.constant 0 : i32
      %dma_start3A_116 = arith.constant 0 : i32
      %dma_start3A_117 = tpu.memref_slice %arg7[%run_scoped3A_15, %dma_start3A_115, %dma_start3A_116] : memref<8x125x32xbf16, #tpu.memory_space<vmem>> -> memref<1x80x32xbf16, #tpu.memory_space<vmem>>
      %dma_start3A_118 = tpu.memref_squeeze %dma_start3A_117 : memref<1x80x32xbf16, #tpu.memory_space<vmem>> -> memref<80x32xbf16, #tpu.memory_space<vmem>>
      tpu.enqueue_dma source(%dma_start3A_118 : memref<80x32xbf16, #tpu.memory_space<vmem>>) target(%dma_start3A_114 : memref<80x32xbf16, #tpu.memory_space<vmem_shared>>) target_semaphore(%run_scoped3A_106 : memref<!tpu.dma_semaphore, #tpu.memory_space<semaphore_mem>>)
      %dma_wait3A = arith.constant 0 : i32
      %dma_wait3A_119 = arith.constant 0 : i32
      %dma_wait3A_120 = tpu.memref_slice %arg7[%run_scoped3A_15, %dma_wait3A, %dma_wait3A_119] : memref<8x125x32xbf16, #tpu.memory_space<vmem>> -> memref<1x80x32xbf16, #tpu.memory_space<vmem>>
      %dma_wait3A_121 = tpu.memref_squeeze %dma_wait3A_120 : memref<1x80x32xbf16, #tpu.memory_space<vmem>> -> memref<80x32xbf16, #tpu.memory_space<vmem>>
      %dma_wait3A_122 = arith.constant 0 : i32
      %dma_wait3A_123 = tpu.memref_slice %arg12[%add3A_14, %dma_wait3A_122] : memref<10240x32xbf16, #tpu.memory_space<vmem_shared>> -> memref<80x32xbf16, #tpu.memory_space<vmem_shared>>
      %dma_wait3A_124 = arith.constant 0 : i32
      %dma_wait3A_125 = tpu.memref_slice %arg12[%add3A_14, %dma_wait3A_124] : memref<10240x32xbf16, #tpu.memory_space<vmem_shared>> -> memref<80x32xbf16, #tpu.memory_space<vmem_shared>>
      %dma_wait3A_126 = arith.constant 0 : i32
      %dma_wait3A_127 = arith.constant 0 : i32
      %dma_wait3A_128 = tpu.memref_slice %arg7[%run_scoped3A_15, %dma_wait3A_126, %dma_wait3A_127] : memref<8x125x32xbf16, #tpu.memory_space<vmem>> -> memref<1x80x32xbf16, #tpu.memory_space<vmem>>
      %dma_wait3A_129 = tpu.memref_squeeze %dma_wait3A_128 : memref<1x80x32xbf16, #tpu.memory_space<vmem>> -> memref<80x32xbf16, #tpu.memory_space<vmem>>
      tpu.wait_dma2 semaphore(%run_scoped3A_106 : memref<!tpu.dma_semaphore, #tpu.memory_space<semaphore_mem>>) src(%dma_wait3A_129 : memref<80x32xbf16, #tpu.memory_space<vmem>>) dst(%dma_wait3A_125 : memref<80x32xbf16, #tpu.memory_space<vmem_shared>>)
      tpu.yield
    }) : () -> ()
    %mul3A_16 = arith.constant 640 : i32
    %mul3A_17 = arith.muli %arg1, %mul3A_16 : i32
    %add3A_18 = arith.constant 160 : i32
    %add3A_19 = arith.addi %mul3A_17, %add3A_18 : i32
    %run_scoped3A_20 = arith.constant 0 : i32
    "tpu.region"() ({
      %run_scoped3A_106 = tpu.sem_alloc : memref<!tpu.dma_semaphore, #tpu.memory_space<semaphore_mem>>
      %dma_start3A_107 = arith.constant 0 : i32
      %dma_start3A_108 = arith.constant 0 : i32
      %dma_start3A_109 = tpu.memref_slice %arg7[%run_scoped3A_20, %dma_start3A_107, %dma_start3A_108] : memref<8x125x32xbf16, #tpu.memory_space<vmem>> -> memref<1x80x32xbf16, #tpu.memory_space<vmem>>
      %dma_start3A_110 = tpu.memref_squeeze %dma_start3A_109 : memref<1x80x32xbf16, #tpu.memory_space<vmem>> -> memref<80x32xbf16, #tpu.memory_space<vmem>>
      %dma_start3A_111 = arith.constant 0 : i32
      %dma_start3A_112 = tpu.memref_slice %arg12[%add3A_19, %dma_start3A_111] : memref<10240x32xbf16, #tpu.memory_space<vmem_shared>> -> memref<80x32xbf16, #tpu.memory_space<vmem_shared>>
      %dma_start3A_113 = arith.constant 0 : i32
      %dma_start3A_114 = tpu.memref_slice %arg12[%add3A_19, %dma_start3A_113] : memref<10240x32xbf16, #tpu.memory_space<vmem_shared>> -> memref<80x32xbf16, #tpu.memory_space<vmem_shared>>
      %dma_start3A_115 = arith.constant 0 : i32
      %dma_start3A_116 = arith.constant 0 : i32
      %dma_start3A_117 = tpu.memref_slice %arg7[%run_scoped3A_20, %dma_start3A_115, %dma_start3A_116] : memref<8x125x32xbf16, #tpu.memory_space<vmem>> -> memref<1x80x32xbf16, #tpu.memory_space<vmem>>
      %dma_start3A_118 = tpu.memref_squeeze %dma_start3A_117 : memref<1x80x32xbf16, #tpu.memory_space<vmem>> -> memref<80x32xbf16, #tpu.memory_space<vmem>>
      tpu.enqueue_dma source(%dma_start3A_118 : memref<80x32xbf16, #tpu.memory_space<vmem>>) target(%dma_start3A_114 : memref<80x32xbf16, #tpu.memory_space<vmem_shared>>) target_semaphore(%run_scoped3A_106 : memref<!tpu.dma_semaphore, #tpu.memory_space<semaphore_mem>>)
      %dma_wait3A = arith.constant 0 : i32
      %dma_wait3A_119 = arith.constant 0 : i32
      %dma_wait3A_120 = tpu.memref_slice %arg7[%run_scoped3A_20, %dma_wait3A, %dma_wait3A_119] : memref<8x125x32xbf16, #tpu.memory_space<vmem>> -> memref<1x80x32xbf16, #tpu.memory_space<vmem>>
      %dma_wait3A_121 = tpu.memref_squeeze %dma_wait3A_120 : memref<1x80x32xbf16, #tpu.memory_space<vmem>> -> memref<80x32xbf16, #tpu.memory_space<vmem>>
      %dma_wait3A_122 = arith.constant 0 : i32
      %dma_wait3A_123 = tpu.memref_slice %arg12[%add3A_19, %dma_wait3A_122] : memref<10240x32xbf16, #tpu.memory_space<vmem_shared>> -> memref<80x32xbf16, #tpu.memory_space<vmem_shared>>
      %dma_wait3A_124 = arith.constant 0 : i32
      %dma_wait3A_125 = tpu.memref_slice %arg12[%add3A_19, %dma_wait3A_124] : memref<10240x32xbf16, #tpu.memory_space<vmem_shared>> -> memref<80x32xbf16, #tpu.memory_space<vmem_shared>>
      %dma_wait3A_126 = arith.constant 0 : i32
      %dma_wait3A_127 = arith.constant 0 : i32
      %dma_wait3A_128 = tpu.memref_slice %arg7[%run_scoped3A_20, %dma_wait3A_126, %dma_wait3A_127] : memref<8x125x32xbf16, #tpu.memory_space<vmem>> -> memref<1x80x32xbf16, #tpu.memory_space<vmem>>
      %dma_wait3A_129 = tpu.memref_squeeze %dma_wait3A_128 : memref<1x80x32xbf16, #tpu.memory_space<vmem>> -> memref<80x32xbf16, #tpu.memory_space<vmem>>
      tpu.wait_dma2 semaphore(%run_scoped3A_106 : memref<!tpu.dma_semaphore, #tpu.memory_space<semaphore_mem>>) src(%dma_wait3A_129 : memref<80x32xbf16, #tpu.memory_space<vmem>>) dst(%dma_wait3A_125 : memref<80x32xbf16, #tpu.memory_space<vmem_shared>>)
      tpu.yield
    }) : () -> ()
    %mul3A_21 = arith.constant 640 : i32
    %mul3A_22 = arith.muli %arg1, %mul3A_21 : i32
    %add3A_23 = arith.constant 240 : i32
    %add3A_24 = arith.addi %mul3A_22, %add3A_23 : i32
    %run_scoped3A_25 = arith.constant 0 : i32
    "tpu.region"() ({
      %run_scoped3A_106 = tpu.sem_alloc : memref<!tpu.dma_semaphore, #tpu.memory_space<semaphore_mem>>
      %dma_start3A_107 = arith.constant 0 : i32
      %dma_start3A_108 = arith.constant 0 : i32
      %dma_start3A_109 = tpu.memref_slice %arg7[%run_scoped3A_25, %dma_start3A_107, %dma_start3A_108] : memref<8x125x32xbf16, #tpu.memory_space<vmem>> -> memref<1x80x32xbf16, #tpu.memory_space<vmem>>
      %dma_start3A_110 = tpu.memref_squeeze %dma_start3A_109 : memref<1x80x32xbf16, #tpu.memory_space<vmem>> -> memref<80x32xbf16, #tpu.memory_space<vmem>>
      %dma_start3A_111 = arith.constant 0 : i32
      %dma_start3A_112 = tpu.memref_slice %arg12[%add3A_24, %dma_start3A_111] : memref<10240x32xbf16, #tpu.memory_space<vmem_shared>> -> memref<80x32xbf16, #tpu.memory_space<vmem_shared>>
      %dma_start3A_113 = arith.constant 0 : i32
      %dma_start3A_114 = tpu.memref_slice %arg12[%add3A_24, %dma_start3A_113] : memref<10240x32xbf16, #tpu.memory_space<vmem_shared>> -> memref<80x32xbf16, #tpu.memory_space<vmem_shared>>
      %dma_start3A_115 = arith.constant 0 : i32
      %dma_start3A_116 = arith.constant 0 : i32
      %dma_start3A_117 = tpu.memref_slice %arg7[%run_scoped3A_25, %dma_start3A_115, %dma_start3A_116] : memref<8x125x32xbf16, #tpu.memory_space<vmem>> -> memref<1x80x32xbf16, #tpu.memory_space<vmem>>
      %dma_start3A_118 = tpu.memref_squeeze %dma_start3A_117 : memref<1x80x32xbf16, #tpu.memory_space<vmem>> -> memref<80x32xbf16, #tpu.memory_space<vmem>>
      tpu.enqueue_dma source(%dma_start3A_118 : memref<80x32xbf16, #tpu.memory_space<vmem>>) target(%dma_start3A_114 : memref<80x32xbf16, #tpu.memory_space<vmem_shared>>) target_semaphore(%run_scoped3A_106 : memref<!tpu.dma_semaphore, #tpu.memory_space<semaphore_mem>>)
      %dma_wait3A = arith.constant 0 : i32
      %dma_wait3A_119 = arith.constant 0 : i32
      %dma_wait3A_120 = tpu.memref_slice %arg7[%run_scoped3A_25, %dma_wait3A, %dma_wait3A_119] : memref<8x125x32xbf16, #tpu.memory_space<vmem>> -> memref<1x80x32xbf16, #tpu.memory_space<vmem>>
      %dma_wait3A_121 = tpu.memref_squeeze %dma_wait3A_120 : memref<1x80x32xbf16, #tpu.memory_space<vmem>> -> memref<80x32xbf16, #tpu.memory_space<vmem>>
      %dma_wait3A_122 = arith.constant 0 : i32
      %dma_wait3A_123 = tpu.memref_slice %arg12[%add3A_24, %dma_wait3A_122] : memref<10240x32xbf16, #tpu.memory_space<vmem_shared>> -> memref<80x32xbf16, #tpu.memory_space<vmem_shared>>
      %dma_wait3A_124 = arith.constant 0 : i32
      %dma_wait3A_125 = tpu.memref_slice %arg12[%add3A_24, %dma_wait3A_124] : memref<10240x32xbf16, #tpu.memory_space<vmem_shared>> -> memref<80x32xbf16, #tpu.memory_space<vmem_shared>>
      %dma_wait3A_126 = arith.constant 0 : i32
      %dma_wait3A_127 = arith.constant 0 : i32
      %dma_wait3A_128 = tpu.memref_slice %arg7[%run_scoped3A_25, %dma_wait3A_126, %dma_wait3A_127] : memref<8x125x32xbf16, #tpu.memory_space<vmem>> -> memref<1x80x32xbf16, #tpu.memory_space<vmem>>
      %dma_wait3A_129 = tpu.memref_squeeze %dma_wait3A_128 : memref<1x80x32xbf16, #tpu.memory_space<vmem>> -> memref<80x32xbf16, #tpu.memory_space<vmem>>
      tpu.wait_dma2 semaphore(%run_scoped3A_106 : memref<!tpu.dma_semaphore, #tpu.memory_space<semaphore_mem>>) src(%dma_wait3A_129 : memref<80x32xbf16, #tpu.memory_space<vmem>>) dst(%dma_wait3A_125 : memref<80x32xbf16, #tpu.memory_space<vmem_shared>>)
      tpu.yield
    }) : () -> ()
    %mul3A_26 = arith.constant 640 : i32
    %mul3A_27 = arith.muli %arg1, %mul3A_26 : i32
    %add3A_28 = arith.constant 320 : i32
    %add3A_29 = arith.addi %mul3A_27, %add3A_28 : i32
    %run_scoped3A_30 = arith.constant 0 : i32
    "tpu.region"() ({
      %run_scoped3A_106 = tpu.sem_alloc : memref<!tpu.dma_semaphore, #tpu.memory_space<semaphore_mem>>
      %dma_start3A_107 = arith.constant 0 : i32
      %dma_start3A_108 = arith.constant 0 : i32
      %dma_start3A_109 = tpu.memref_slice %arg7[%run_scoped3A_30, %dma_start3A_107, %dma_start3A_108] : memref<8x125x32xbf16, #tpu.memory_space<vmem>> -> memref<1x80x32xbf16, #tpu.memory_space<vmem>>
      %dma_start3A_110 = tpu.memref_squeeze %dma_start3A_109 : memref<1x80x32xbf16, #tpu.memory_space<vmem>> -> memref<80x32xbf16, #tpu.memory_space<vmem>>
      %dma_start3A_111 = arith.constant 0 : i32
      %dma_start3A_112 = tpu.memref_slice %arg12[%add3A_29, %dma_start3A_111] : memref<10240x32xbf16, #tpu.memory_space<vmem_shared>> -> memref<80x32xbf16, #tpu.memory_space<vmem_shared>>
      %dma_start3A_113 = arith.constant 0 : i32
      %dma_start3A_114 = tpu.memref_slice %arg12[%add3A_29, %dma_start3A_113] : memref<10240x32xbf16, #tpu.memory_space<vmem_shared>> -> memref<80x32xbf16, #tpu.memory_space<vmem_shared>>
      %dma_start3A_115 = arith.constant 0 : i32
      %dma_start3A_116 = arith.constant 0 : i32
      %dma_start3A_117 = tpu.memref_slice %arg7[%run_scoped3A_30, %dma_start3A_115, %dma_start3A_116] : memref<8x125x32xbf16, #tpu.memory_space<vmem>> -> memref<1x80x32xbf16, #tpu.memory_space<vmem>>
      %dma_start3A_118 = tpu.memref_squeeze %dma_start3A_117 : memref<1x80x32xbf16, #tpu.memory_space<vmem>> -> memref<80x32xbf16, #tpu.memory_space<vmem>>
      tpu.enqueue_dma source(%dma_start3A_118 : memref<80x32xbf16, #tpu.memory_space<vmem>>) target(%dma_start3A_114 : memref<80x32xbf16, #tpu.memory_space<vmem_shared>>) target_semaphore(%run_scoped3A_106 : memref<!tpu.dma_semaphore, #tpu.memory_space<semaphore_mem>>)
      %dma_wait3A = arith.constant 0 : i32
      %dma_wait3A_119 = arith.constant 0 : i32
      %dma_wait3A_120 = tpu.memref_slice %arg7[%run_scoped3A_30, %dma_wait3A, %dma_wait3A_119] : memref<8x125x32xbf16, #tpu.memory_space<vmem>> -> memref<1x80x32xbf16, #tpu.memory_space<vmem>>
      %dma_wait3A_121 = tpu.memref_squeeze %dma_wait3A_120 : memref<1x80x32xbf16, #tpu.memory_space<vmem>> -> memref<80x32xbf16, #tpu.memory_space<vmem>>
      %dma_wait3A_122 = arith.constant 0 : i32
      %dma_wait3A_123 = tpu.memref_slice %arg12[%add3A_29, %dma_wait3A_122] : memref<10240x32xbf16, #tpu.memory_space<vmem_shared>> -> memref<80x32xbf16, #tpu.memory_space<vmem_shared>>
      %dma_wait3A_124 = arith.constant 0 : i32
      %dma_wait3A_125 = tpu.memref_slice %arg12[%add3A_29, %dma_wait3A_124] : memref<10240x32xbf16, #tpu.memory_space<vmem_shared>> -> memref<80x32xbf16, #tpu.memory_space<vmem_shared>>
      %dma_wait3A_126 = arith.constant 0 : i32
      %dma_wait3A_127 = arith.constant 0 : i32
      %dma_wait3A_128 = tpu.memref_slice %arg7[%run_scoped3A_30, %dma_wait3A_126, %dma_wait3A_127] : memref<8x125x32xbf16, #tpu.memory_space<vmem>> -> memref<1x80x32xbf16, #tpu.memory_space<vmem>>
      %dma_wait3A_129 = tpu.memref_squeeze %dma_wait3A_128 : memref<1x80x32xbf16, #tpu.memory_space<vmem>> -> memref<80x32xbf16, #tpu.memory_space<vmem>>
      tpu.wait_dma2 semaphore(%run_scoped3A_106 : memref<!tpu.dma_semaphore, #tpu.memory_space<semaphore_mem>>) src(%dma_wait3A_129 : memref<80x32xbf16, #tpu.memory_space<vmem>>) dst(%dma_wait3A_125 : memref<80x32xbf16, #tpu.memory_space<vmem_shared>>)
      tpu.yield
    }) : () -> ()
    %mul3A_31 = arith.constant 640 : i32
    %mul3A_32 = arith.muli %arg1, %mul3A_31 : i32
    %add3A_33 = arith.constant 400 : i32
    %add3A_34 = arith.addi %mul3A_32, %add3A_33 : i32
    %run_scoped3A_35 = arith.constant 0 : i32
    "tpu.region"() ({
      %run_scoped3A_106 = tpu.sem_alloc : memref<!tpu.dma_semaphore, #tpu.memory_space<semaphore_mem>>
      %dma_start3A_107 = arith.constant 0 : i32
      %dma_start3A_108 = arith.constant 0 : i32
      %dma_start3A_109 = tpu.memref_slice %arg7[%run_scoped3A_35, %dma_start3A_107, %dma_start3A_108] : memref<8x125x32xbf16, #tpu.memory_space<vmem>> -> memref<1x80x32xbf16, #tpu.memory_space<vmem>>
      %dma_start3A_110 = tpu.memref_squeeze %dma_start3A_109 : memref<1x80x32xbf16, #tpu.memory_space<vmem>> -> memref<80x32xbf16, #tpu.memory_space<vmem>>
      %dma_start3A_111 = arith.constant 0 : i32
      %dma_start3A_112 = tpu.memref_slice %arg12[%add3A_34, %dma_start3A_111] : memref<10240x32xbf16, #tpu.memory_space<vmem_shared>> -> memref<80x32xbf16, #tpu.memory_space<vmem_shared>>
      %dma_start3A_113 = arith.constant 0 : i32
      %dma_start3A_114 = tpu.memref_slice %arg12[%add3A_34, %dma_start3A_113] : memref<10240x32xbf16, #tpu.memory_space<vmem_shared>> -> memref<80x32xbf16, #tpu.memory_space<vmem_shared>>
      %dma_start3A_115 = arith.constant 0 : i32
      %dma_start3A_116 = arith.constant 0 : i32
      %dma_start3A_117 = tpu.memref_slice %arg7[%run_scoped3A_35, %dma_start3A_115, %dma_start3A_116] : memref<8x125x32xbf16, #tpu.memory_space<vmem>> -> memref<1x80x32xbf16, #tpu.memory_space<vmem>>
      %dma_start3A_118 = tpu.memref_squeeze %dma_start3A_117 : memref<1x80x32xbf16, #tpu.memory_space<vmem>> -> memref<80x32xbf16, #tpu.memory_space<vmem>>
      tpu.enqueue_dma source(%dma_start3A_118 : memref<80x32xbf16, #tpu.memory_space<vmem>>) target(%dma_start3A_114 : memref<80x32xbf16, #tpu.memory_space<vmem_shared>>) target_semaphore(%run_scoped3A_106 : memref<!tpu.dma_semaphore, #tpu.memory_space<semaphore_mem>>)
      %dma_wait3A = arith.constant 0 : i32
      %dma_wait3A_119 = arith.constant 0 : i32
      %dma_wait3A_120 = tpu.memref_slice %arg7[%run_scoped3A_35, %dma_wait3A, %dma_wait3A_119] : memref<8x125x32xbf16, #tpu.memory_space<vmem>> -> memref<1x80x32xbf16, #tpu.memory_space<vmem>>
      %dma_wait3A_121 = tpu.memref_squeeze %dma_wait3A_120 : memref<1x80x32xbf16, #tpu.memory_space<vmem>> -> memref<80x32xbf16, #tpu.memory_space<vmem>>
      %dma_wait3A_122 = arith.constant 0 : i32
      %dma_wait3A_123 = tpu.memref_slice %arg12[%add3A_34, %dma_wait3A_122] : memref<10240x32xbf16, #tpu.memory_space<vmem_shared>> -> memref<80x32xbf16, #tpu.memory_space<vmem_shared>>
      %dma_wait3A_124 = arith.constant 0 : i32
      %dma_wait3A_125 = tpu.memref_slice %arg12[%add3A_34, %dma_wait3A_124] : memref<10240x32xbf16, #tpu.memory_space<vmem_shared>> -> memref<80x32xbf16, #tpu.memory_space<vmem_shared>>
      %dma_wait3A_126 = arith.constant 0 : i32
      %dma_wait3A_127 = arith.constant 0 : i32
      %dma_wait3A_128 = tpu.memref_slice %arg7[%run_scoped3A_35, %dma_wait3A_126, %dma_wait3A_127] : memref<8x125x32xbf16, #tpu.memory_space<vmem>> -> memref<1x80x32xbf16, #tpu.memory_space<vmem>>
      %dma_wait3A_129 = tpu.memref_squeeze %dma_wait3A_128 : memref<1x80x32xbf16, #tpu.memory_space<vmem>> -> memref<80x32xbf16, #tpu.memory_space<vmem>>
      tpu.wait_dma2 semaphore(%run_scoped3A_106 : memref<!tpu.dma_semaphore, #tpu.memory_space<semaphore_mem>>) src(%dma_wait3A_129 : memref<80x32xbf16, #tpu.memory_space<vmem>>) dst(%dma_wait3A_125 : memref<80x32xbf16, #tpu.memory_space<vmem_shared>>)
      tpu.yield
    }) : () -> ()
    %mul3A_36 = arith.constant 640 : i32
    %mul3A_37 = arith.muli %arg1, %mul3A_36 : i32
    %add3A_38 = arith.constant 480 : i32
    %add3A_39 = arith.addi %mul3A_37, %add3A_38 : i32
    %run_scoped3A_40 = arith.constant 0 : i32
    "tpu.region"() ({
      %run_scoped3A_106 = tpu.sem_alloc : memref<!tpu.dma_semaphore, #tpu.memory_space<semaphore_mem>>
      %dma_start3A_107 = arith.constant 0 : i32
      %dma_start3A_108 = arith.constant 0 : i32
      %dma_start3A_109 = tpu.memref_slice %arg7[%run_scoped3A_40, %dma_start3A_107, %dma_start3A_108] : memref<8x125x32xbf16, #tpu.memory_space<vmem>> -> memref<1x80x32xbf16, #tpu.memory_space<vmem>>
      %dma_start3A_110 = tpu.memref_squeeze %dma_start3A_109 : memref<1x80x32xbf16, #tpu.memory_space<vmem>> -> memref<80x32xbf16, #tpu.memory_space<vmem>>
      %dma_start3A_111 = arith.constant 0 : i32
      %dma_start3A_112 = tpu.memref_slice %arg12[%add3A_39, %dma_start3A_111] : memref<10240x32xbf16, #tpu.memory_space<vmem_shared>> -> memref<80x32xbf16, #tpu.memory_space<vmem_shared>>
      %dma_start3A_113 = arith.constant 0 : i32
      %dma_start3A_114 = tpu.memref_slice %arg12[%add3A_39, %dma_start3A_113] : memref<10240x32xbf16, #tpu.memory_space<vmem_shared>> -> memref<80x32xbf16, #tpu.memory_space<vmem_shared>>
      %dma_start3A_115 = arith.constant 0 : i32
      %dma_start3A_116 = arith.constant 0 : i32
      %dma_start3A_117 = tpu.memref_slice %arg7[%run_scoped3A_40, %dma_start3A_115, %dma_start3A_116] : memref<8x125x32xbf16, #tpu.memory_space<vmem>> -> memref<1x80x32xbf16, #tpu.memory_space<vmem>>
      %dma_start3A_118 = tpu.memref_squeeze %dma_start3A_117 : memref<1x80x32xbf16, #tpu.memory_space<vmem>> -> memref<80x32xbf16, #tpu.memory_space<vmem>>
      tpu.enqueue_dma source(%dma_start3A_118 : memref<80x32xbf16, #tpu.memory_space<vmem>>) target(%dma_start3A_114 : memref<80x32xbf16, #tpu.memory_space<vmem_shared>>) target_semaphore(%run_scoped3A_106 : memref<!tpu.dma_semaphore, #tpu.memory_space<semaphore_mem>>)
      %dma_wait3A = arith.constant 0 : i32
      %dma_wait3A_119 = arith.constant 0 : i32
      %dma_wait3A_120 = tpu.memref_slice %arg7[%run_scoped3A_40, %dma_wait3A, %dma_wait3A_119] : memref<8x125x32xbf16, #tpu.memory_space<vmem>> -> memref<1x80x32xbf16, #tpu.memory_space<vmem>>
      %dma_wait3A_121 = tpu.memref_squeeze %dma_wait3A_120 : memref<1x80x32xbf16, #tpu.memory_space<vmem>> -> memref<80x32xbf16, #tpu.memory_space<vmem>>
      %dma_wait3A_122 = arith.constant 0 : i32
      %dma_wait3A_123 = tpu.memref_slice %arg12[%add3A_39, %dma_wait3A_122] : memref<10240x32xbf16, #tpu.memory_space<vmem_shared>> -> memref<80x32xbf16, #tpu.memory_space<vmem_shared>>
      %dma_wait3A_124 = arith.constant 0 : i32
      %dma_wait3A_125 = tpu.memref_slice %arg12[%add3A_39, %dma_wait3A_124] : memref<10240x32xbf16, #tpu.memory_space<vmem_shared>> -> memref<80x32xbf16, #tpu.memory_space<vmem_shared>>
      %dma_wait3A_126 = arith.constant 0 : i32
      %dma_wait3A_127 = arith.constant 0 : i32
      %dma_wait3A_128 = tpu.memref_slice %arg7[%run_scoped3A_40, %dma_wait3A_126, %dma_wait3A_127] : memref<8x125x32xbf16, #tpu.memory_space<vmem>> -> memref<1x80x32xbf16, #tpu.memory_space<vmem>>
      %dma_wait3A_129 = tpu.memref_squeeze %dma_wait3A_128 : memref<1x80x32xbf16, #tpu.memory_space<vmem>> -> memref<80x32xbf16, #tpu.memory_space<vmem>>
      tpu.wait_dma2 semaphore(%run_scoped3A_106 : memref<!tpu.dma_semaphore, #tpu.memory_space<semaphore_mem>>) src(%dma_wait3A_129 : memref<80x32xbf16, #tpu.memory_space<vmem>>) dst(%dma_wait3A_125 : memref<80x32xbf16, #tpu.memory_space<vmem_shared>>)
      tpu.yield
    }) : () -> ()
    %mul3A_41 = arith.constant 640 : i32
    %mul3A_42 = arith.muli %arg1, %mul3A_41 : i32
    %add3A_43 = arith.constant 560 : i32
    %add3A_44 = arith.addi %mul3A_42, %add3A_43 : i32
    %run_scoped3A_45 = arith.constant 0 : i32
    "tpu.region"() ({
      %run_scoped3A_106 = tpu.sem_alloc : memref<!tpu.dma_semaphore, #tpu.memory_space<semaphore_mem>>
      %dma_start3A_107 = arith.constant 0 : i32
      %dma_start3A_108 = arith.constant 0 : i32
      %dma_start3A_109 = tpu.memref_slice %arg7[%run_scoped3A_45, %dma_start3A_107, %dma_start3A_108] : memref<8x125x32xbf16, #tpu.memory_space<vmem>> -> memref<1x80x32xbf16, #tpu.memory_space<vmem>>
      %dma_start3A_110 = tpu.memref_squeeze %dma_start3A_109 : memref<1x80x32xbf16, #tpu.memory_space<vmem>> -> memref<80x32xbf16, #tpu.memory_space<vmem>>
      %dma_start3A_111 = arith.constant 0 : i32
      %dma_start3A_112 = tpu.memref_slice %arg12[%add3A_44, %dma_start3A_111] : memref<10240x32xbf16, #tpu.memory_space<vmem_shared>> -> memref<80x32xbf16, #tpu.memory_space<vmem_shared>>
      %dma_start3A_113 = arith.constant 0 : i32
      %dma_start3A_114 = tpu.memref_slice %arg12[%add3A_44, %dma_start3A_113] : memref<10240x32xbf16, #tpu.memory_space<vmem_shared>> -> memref<80x32xbf16, #tpu.memory_space<vmem_shared>>
      %dma_start3A_115 = arith.constant 0 : i32
      %dma_start3A_116 = arith.constant 0 : i32
      %dma_start3A_117 = tpu.memref_slice %arg7[%run_scoped3A_45, %dma_start3A_115, %dma_start3A_116] : memref<8x125x32xbf16, #tpu.memory_space<vmem>> -> memref<1x80x32xbf16, #tpu.memory_space<vmem>>
      %dma_start3A_118 = tpu.memref_squeeze %dma_start3A_117 : memref<1x80x32xbf16, #tpu.memory_space<vmem>> -> memref<80x32xbf16, #tpu.memory_space<vmem>>
      tpu.enqueue_dma source(%dma_start3A_118 : memref<80x32xbf16, #tpu.memory_space<vmem>>) target(%dma_start3A_114 : memref<80x32xbf16, #tpu.memory_space<vmem_shared>>) target_semaphore(%run_scoped3A_106 : memref<!tpu.dma_semaphore, #tpu.memory_space<semaphore_mem>>)
      %dma_wait3A = arith.constant 0 : i32
      %dma_wait3A_119 = arith.constant 0 : i32
      %dma_wait3A_120 = tpu.memref_slice %arg7[%run_scoped3A_45, %dma_wait3A, %dma_wait3A_119] : memref<8x125x32xbf16, #tpu.memory_space<vmem>> -> memref<1x80x32xbf16, #tpu.memory_space<vmem>>
      %dma_wait3A_121 = tpu.memref_squeeze %dma_wait3A_120 : memref<1x80x32xbf16, #tpu.memory_space<vmem>> -> memref<80x32xbf16, #tpu.memory_space<vmem>>
      %dma_wait3A_122 = arith.constant 0 : i32
      %dma_wait3A_123 = tpu.memref_slice %arg12[%add3A_44, %dma_wait3A_122] : memref<10240x32xbf16, #tpu.memory_space<vmem_shared>> -> memref<80x32xbf16, #tpu.memory_space<vmem_shared>>
      %dma_wait3A_124 = arith.constant 0 : i32
      %dma_wait3A_125 = tpu.memref_slice %arg12[%add3A_44, %dma_wait3A_124] : memref<10240x32xbf16, #tpu.memory_space<vmem_shared>> -> memref<80x32xbf16, #tpu.memory_space<vmem_shared>>
      %dma_wait3A_126 = arith.constant 0 : i32
      %dma_wait3A_127 = arith.constant 0 : i32
      %dma_wait3A_128 = tpu.memref_slice %arg7[%run_scoped3A_45, %dma_wait3A_126, %dma_wait3A_127] : memref<8x125x32xbf16, #tpu.memory_space<vmem>> -> memref<1x80x32xbf16, #tpu.memory_space<vmem>>
      %dma_wait3A_129 = tpu.memref_squeeze %dma_wait3A_128 : memref<1x80x32xbf16, #tpu.memory_space<vmem>> -> memref<80x32xbf16, #tpu.memory_space<vmem>>
      tpu.wait_dma2 semaphore(%run_scoped3A_106 : memref<!tpu.dma_semaphore, #tpu.memory_space<semaphore_mem>>) src(%dma_wait3A_129 : memref<80x32xbf16, #tpu.memory_space<vmem>>) dst(%dma_wait3A_125 : memref<80x32xbf16, #tpu.memory_space<vmem_shared>>)
      tpu.yield
    }) : () -> ()
    %run_scoped3A_46 = arith.constant 0 : i32
    "tpu.region"() ({
      %run_scoped3A_106 = tpu.sem_alloc : memref<!tpu.dma_semaphore, #tpu.memory_space<semaphore_mem>>
      %dma_start3A_107 = arith.constant 0 : i32
      %dma_start3A_108 = arith.constant 0 : i32
      %dma_start3A_109 = tpu.memref_slice %arg3[%run_scoped3A_46, %add3A, %dma_start3A_107, %dma_start3A_108] : memref<2x32x80x125xi32, #tpu.memory_space<hbm>> -> memref<1x1x80x125xi32, #tpu.memory_space<hbm>>
      %dma_start3A_110 = tpu.memref_squeeze %dma_start3A_109 : memref<1x1x80x125xi32, #tpu.memory_space<hbm>> -> memref<80x125xi32, #tpu.memory_space<hbm>>
      %dma_start3A_111 = arith.constant 0 : i32
      %dma_start3A_112 = arith.constant 0 : i32
      %dma_start3A_113 = tpu.memref_slice %arg3[%run_scoped3A_46, %add3A, %dma_start3A_111, %dma_start3A_112] : memref<2x32x80x125xi32, #tpu.memory_space<hbm>> -> memref<1x1x80x125xi32, #tpu.memory_space<hbm>>
      %dma_start3A_114 = tpu.memref_squeeze %dma_start3A_113 : memref<1x1x80x125xi32, #tpu.memory_space<hbm>> -> memref<80x125xi32, #tpu.memory_space<hbm>>
      tpu.enqueue_dma source(%dma_start3A_114 : memref<80x125xi32, #tpu.memory_space<hbm>>) target(%arg5 : memref<80x125xi32, #tpu.memory_space<vmem>>) target_semaphore(%run_scoped3A_106 : memref<!tpu.dma_semaphore, #tpu.memory_space<semaphore_mem>>)
      %dma_wait3A = arith.constant 0 : i32
      %dma_wait3A_115 = arith.constant 0 : i32
      %dma_wait3A_116 = tpu.memref_slice %arg3[%run_scoped3A_46, %add3A, %dma_wait3A, %dma_wait3A_115] : memref<2x32x80x125xi32, #tpu.memory_space<hbm>> -> memref<1x1x80x125xi32, #tpu.memory_space<hbm>>
      %dma_wait3A_117 = tpu.memref_squeeze %dma_wait3A_116 : memref<1x1x80x125xi32, #tpu.memory_space<hbm>> -> memref<80x125xi32, #tpu.memory_space<hbm>>
      %dma_wait3A_118 = arith.constant 0 : i32
      %dma_wait3A_119 = arith.constant 0 : i32
      %dma_wait3A_120 = tpu.memref_slice %arg3[%run_scoped3A_46, %add3A, %dma_wait3A_118, %dma_wait3A_119] : memref<2x32x80x125xi32, #tpu.memory_space<hbm>> -> memref<1x1x80x125xi32, #tpu.memory_space<hbm>>
      %dma_wait3A_121 = tpu.memref_squeeze %dma_wait3A_120 : memref<1x1x80x125xi32, #tpu.memory_space<hbm>> -> memref<80x125xi32, #tpu.memory_space<hbm>>
      tpu.wait_dma2 semaphore(%run_scoped3A_106 : memref<!tpu.dma_semaphore, #tpu.memory_space<semaphore_mem>>) src(%dma_wait3A_121 : memref<80x125xi32, #tpu.memory_space<hbm>>) dst(%arg5 : memref<80x125xi32, #tpu.memory_space<vmem>>)
      tpu.yield
    }) : () -> ()
    %run_scoped3A_47 = arith.constant 1 : i32
    "tpu.region"() ({
      %run_scoped3A_106 = tpu.sem_alloc : memref<!tpu.dma_semaphore, #tpu.memory_space<semaphore_mem>>
      %dma_start3A_107 = arith.constant 0 : i32
      %dma_start3A_108 = arith.constant 0 : i32
      %dma_start3A_109 = tpu.memref_slice %arg3[%run_scoped3A_47, %add3A, %dma_start3A_107, %dma_start3A_108] : memref<2x32x80x125xi32, #tpu.memory_space<hbm>> -> memref<1x1x80x125xi32, #tpu.memory_space<hbm>>
      %dma_start3A_110 = tpu.memref_squeeze %dma_start3A_109 : memref<1x1x80x125xi32, #tpu.memory_space<hbm>> -> memref<80x125xi32, #tpu.memory_space<hbm>>
      %dma_start3A_111 = arith.constant 0 : i32
      %dma_start3A_112 = arith.constant 0 : i32
      %dma_start3A_113 = tpu.memref_slice %arg3[%run_scoped3A_47, %add3A, %dma_start3A_111, %dma_start3A_112] : memref<2x32x80x125xi32, #tpu.memory_space<hbm>> -> memref<1x1x80x125xi32, #tpu.memory_space<hbm>>
      %dma_start3A_114 = tpu.memref_squeeze %dma_start3A_113 : memref<1x1x80x125xi32, #tpu.memory_space<hbm>> -> memref<80x125xi32, #tpu.memory_space<hbm>>
      tpu.enqueue_dma source(%dma_start3A_114 : memref<80x125xi32, #tpu.memory_space<hbm>>) target(%arg6 : memref<80x125xi32, #tpu.memory_space<vmem>>) target_semaphore(%run_scoped3A_106 : memref<!tpu.dma_semaphore, #tpu.memory_space<semaphore_mem>>)
      %dma_wait3A = arith.constant 0 : i32
      %dma_wait3A_115 = arith.constant 0 : i32
      %dma_wait3A_116 = tpu.memref_slice %arg3[%run_scoped3A_47, %add3A, %dma_wait3A, %dma_wait3A_115] : memref<2x32x80x125xi32, #tpu.memory_space<hbm>> -> memref<1x1x80x125xi32, #tpu.memory_space<hbm>>
      %dma_wait3A_117 = tpu.memref_squeeze %dma_wait3A_116 : memref<1x1x80x125xi32, #tpu.memory_space<hbm>> -> memref<80x125xi32, #tpu.memory_space<hbm>>
      %dma_wait3A_118 = arith.constant 0 : i32
      %dma_wait3A_119 = arith.constant 0 : i32
      %dma_wait3A_120 = tpu.memref_slice %arg3[%run_scoped3A_47, %add3A, %dma_wait3A_118, %dma_wait3A_119] : memref<2x32x80x125xi32, #tpu.memory_space<hbm>> -> memref<1x1x80x125xi32, #tpu.memory_space<hbm>>
      %dma_wait3A_121 = tpu.memref_squeeze %dma_wait3A_120 : memref<1x1x80x125xi32, #tpu.memory_space<hbm>> -> memref<80x125xi32, #tpu.memory_space<hbm>>
      tpu.wait_dma2 semaphore(%run_scoped3A_106 : memref<!tpu.dma_semaphore, #tpu.memory_space<semaphore_mem>>) src(%dma_wait3A_121 : memref<80x125xi32, #tpu.memory_space<hbm>>) dst(%arg6 : memref<80x125xi32, #tpu.memory_space<vmem>>)
      tpu.yield
    }) : () -> ()
    %barrier3A = arith.constant 0 : index
    tpu.barrier barrier_id(%barrier3A)
    %dma_start3A = arith.constant 0 : i32
    %dma_start3A_48 = arith.constant 0 : i32
    %dma_start3A_49 = arith.constant 0 : i32
    %dma_start3A_50 = arith.constant 0 : i32
    %dma_start3A_51 = tpu.memref_slice %arg7[%dma_start3A_48, %dma_start3A_49, %dma_start3A_50] : memref<8x125x32xbf16, #tpu.memory_space<vmem>> -> memref<1x125x32xbf16, #tpu.memory_space<vmem>>
    %dma_start3A_52 = tpu.memref_squeeze %dma_start3A_51 : memref<1x125x32xbf16, #tpu.memory_space<vmem>> -> memref<125x32xbf16, #tpu.memory_space<vmem>>
    %dma_start3A_53 = arith.constant 0 : i32
    %dma_start3A_54 = tpu.memref_slice %arg5[%dma_start3A, %dma_start3A_53] : memref<80x125xi32, #tpu.memory_space<vmem>> -> memref<1x125xi32, #tpu.memory_space<vmem>>
    %dma_start3A_55 = tpu.memref_squeeze %dma_start3A_54 : memref<1x125xi32, #tpu.memory_space<vmem>> -> memref<125xi32, #tpu.memory_space<vmem>>
    %dma_start3A_56 = arith.constant 0 : i32
    %dma_start3A_57 = arith.constant 0 : i32
    %dma_start3A_58 = tpu.memref_slice %arg2[%dma_start3A_56, %dma_start3A_57] : memref<10000x32xbf16, #tpu.memory_space<hbm>> -> memref<10000x32xbf16, #tpu.memory_space<hbm>>
    tpu.enqueue_indirect_dma source(%dma_start3A_58 : memref<10000x32xbf16, #tpu.memory_space<hbm>>) target(%dma_start3A_52 : memref<125x32xbf16, #tpu.memory_space<vmem>>) offsets(%dma_start3A_55 : memref<125xi32, #tpu.memory_space<vmem>>) semaphore(%arg8 : memref<!tpu.dma_semaphore, #tpu.memory_space<semaphore_mem>>)
    %dma_start3A_59 = arith.constant 1 : i32
    %dma_start3A_60 = arith.constant 1 : i32
    %dma_start3A_61 = arith.constant 0 : i32
    %dma_start3A_62 = arith.constant 0 : i32
    %dma_start3A_63 = tpu.memref_slice %arg7[%dma_start3A_60, %dma_start3A_61, %dma_start3A_62] : memref<8x125x32xbf16, #tpu.memory_space<vmem>> -> memref<1x125x32xbf16, #tpu.memory_space<vmem>>
    %dma_start3A_64 = tpu.memref_squeeze %dma_start3A_63 : memref<1x125x32xbf16, #tpu.memory_space<vmem>> -> memref<125x32xbf16, #tpu.memory_space<vmem>>
    %dma_start3A_65 = arith.constant 0 : i32
    %dma_start3A_66 = tpu.memref_slice %arg5[%dma_start3A_59, %dma_start3A_65] : memref<80x125xi32, #tpu.memory_space<vmem>> -> memref<1x125xi32, #tpu.memory_space<vmem>>
    %dma_start3A_67 = tpu.memref_squeeze %dma_start3A_66 : memref<1x125xi32, #tpu.memory_space<vmem>> -> memref<125xi32, #tpu.memory_space<vmem>>
    %dma_start3A_68 = arith.constant 0 : i32
    %dma_start3A_69 = arith.constant 0 : i32
    %dma_start3A_70 = tpu.memref_slice %arg2[%dma_start3A_68, %dma_start3A_69] : memref<10000x32xbf16, #tpu.memory_space<hbm>> -> memref<10000x32xbf16, #tpu.memory_space<hbm>>
    tpu.enqueue_indirect_dma source(%dma_start3A_70 : memref<10000x32xbf16, #tpu.memory_space<hbm>>) target(%dma_start3A_64 : memref<125x32xbf16, #tpu.memory_space<vmem>>) offsets(%dma_start3A_67 : memref<125xi32, #tpu.memory_space<vmem>>) semaphore(%arg8 : memref<!tpu.dma_semaphore, #tpu.memory_space<semaphore_mem>>)
    %dma_start3A_71 = arith.constant 2 : i32
    %dma_start3A_72 = arith.constant 2 : i32
    %dma_start3A_73 = arith.constant 0 : i32
    %dma_start3A_74 = arith.constant 0 : i32
    %dma_start3A_75 = tpu.memref_slice %arg7[%dma_start3A_72, %dma_start3A_73, %dma_start3A_74] : memref<8x125x32xbf16, #tpu.memory_space<vmem>> -> memref<1x125x32xbf16, #tpu.memory_space<vmem>>
    %dma_start3A_76 = tpu.memref_squeeze %dma_start3A_75 : memref<1x125x32xbf16, #tpu.memory_space<vmem>> -> memref<125x32xbf16, #tpu.memory_space<vmem>>
    %dma_start3A_77 = arith.constant 0 : i32
    %dma_start3A_78 = tpu.memref_slice %arg5[%dma_start3A_71, %dma_start3A_77] : memref<80x125xi32, #tpu.memory_space<vmem>> -> memref<1x125xi32, #tpu.memory_space<vmem>>
    %dma_start3A_79 = tpu.memref_squeeze %dma_start3A_78 : memref<1x125xi32, #tpu.memory_space<vmem>> -> memref<125xi32, #tpu.memory_space<vmem>>
    %dma_start3A_80 = arith.constant 0 : i32
    %dma_start3A_81 = arith.constant 0 : i32
    %dma_start3A_82 = tpu.memref_slice %arg2[%dma_start3A_80, %dma_start3A_81] : memref<10000x32xbf16, #tpu.memory_space<hbm>> -> memref<10000x32xbf16, #tpu.memory_space<hbm>>
    tpu.enqueue_indirect_dma source(%dma_start3A_82 : memref<10000x32xbf16, #tpu.memory_space<hbm>>) target(%dma_start3A_76 : memref<125x32xbf16, #tpu.memory_space<vmem>>) offsets(%dma_start3A_79 : memref<125xi32, #tpu.memory_space<vmem>>) semaphore(%arg8 : memref<!tpu.dma_semaphore, #tpu.memory_space<semaphore_mem>>)
    %dma_start3A_83 = arith.constant 3 : i32
    %dma_start3A_84 = arith.constant 3 : i32
    %dma_start3A_85 = arith.constant 0 : i32
    %dma_start3A_86 = arith.constant 0 : i32
    %dma_start3A_87 = tpu.memref_slice %arg7[%dma_start3A_84, %dma_start3A_85, %dma_start3A_86] : memref<8x125x32xbf16, #tpu.memory_space<vmem>> -> memref<1x125x32xbf16, #tpu.memory_space<vmem>>
    %dma_start3A_88 = tpu.memref_squeeze %dma_start3A_87 : memref<1x125x32xbf16, #tpu.memory_space<vmem>> -> memref<125x32xbf16, #tpu.memory_space<vmem>>
    %dma_start3A_89 = arith.constant 0 : i32
    %dma_start3A_90 = tpu.memref_slice %arg5[%dma_start3A_83, %dma_start3A_89] : memref<80x125xi32, #tpu.memory_space<vmem>> -> memref<1x125xi32, #tpu.memory_space<vmem>>
    %dma_start3A_91 = tpu.memref_squeeze %dma_start3A_90 : memref<1x125xi32, #tpu.memory_space<vmem>> -> memref<125xi32, #tpu.memory_space<vmem>>
    %dma_start3A_92 = arith.constant 0 : i32
    %dma_start3A_93 = arith.constant 0 : i32
    %dma_start3A_94 = tpu.memref_slice %arg2[%dma_start3A_92, %dma_start3A_93] : memref<10000x32xbf16, #tpu.memory_space<hbm>> -> memref<10000x32xbf16, #tpu.memory_space<hbm>>
    tpu.enqueue_indirect_dma source(%dma_start3A_94 : memref<10000x32xbf16, #tpu.memory_space<hbm>>) target(%dma_start3A_88 : memref<125x32xbf16, #tpu.memory_space<vmem>>) offsets(%dma_start3A_91 : memref<125xi32, #tpu.memory_space<vmem>>) semaphore(%arg8 : memref<!tpu.dma_semaphore, #tpu.memory_space<semaphore_mem>>)
    %scan3A_95 = arith.constant 0 : i32
    %scan3A_96 = arith.constant 0 : i32
    %scan3A_97 = arith.constant 10 : i32
    %scan3A_98 = arith.addi %scan3A_96, %scan3A_97 : i32
    %scan3A_99 = arith.constant 1 : i32
    scf.for %scan3A_106 = %scan3A_96 to %scan3A_98 step %scan3A_99  : i32 {
      %mul3A_107 = arith.constant 8 : i32
      %mul3A_108 = arith.muli %mul3A_107, %scan3A_106 : i32
      %add3A_109 = arith.constant 4 : i32
      %add3A_110 = arith.addi %mul3A_108, %add3A_109 : i32
      %add3A_111 = arith.constant 0 : i32
      %add3A_112 = arith.addi %add3A_110, %add3A_111 : i32
      %dma_start3A_113 = arith.constant 4 : i32
      %dma_start3A_114 = arith.constant 0 : i32
      %dma_start3A_115 = arith.constant 0 : i32
      %dma_start3A_116 = tpu.memref_slice %arg7[%dma_start3A_113, %dma_start3A_114, %dma_start3A_115] : memref<8x125x32xbf16, #tpu.memory_space<vmem>> -> memref<1x125x32xbf16, #tpu.memory_space<vmem>>
      %dma_start3A_117 = tpu.memref_squeeze %dma_start3A_116 : memref<1x125x32xbf16, #tpu.memory_space<vmem>> -> memref<125x32xbf16, #tpu.memory_space<vmem>>
      %dma_start3A_118 = arith.constant 0 : i32
      %dma_start3A_119 = tpu.memref_slice %arg5[%add3A_112, %dma_start3A_118] : memref<80x125xi32, #tpu.memory_space<vmem>> -> memref<1x125xi32, #tpu.memory_space<vmem>>
      %dma_start3A_120 = tpu.memref_squeeze %dma_start3A_119 : memref<1x125xi32, #tpu.memory_space<vmem>> -> memref<125xi32, #tpu.memory_space<vmem>>
      %dma_start3A_121 = arith.constant 0 : i32
      %dma_start3A_122 = arith.constant 0 : i32
      %dma_start3A_123 = tpu.memref_slice %arg2[%dma_start3A_121, %dma_start3A_122] : memref<10000x32xbf16, #tpu.memory_space<hbm>> -> memref<10000x32xbf16, #tpu.memory_space<hbm>>
      tpu.enqueue_indirect_dma source(%dma_start3A_123 : memref<10000x32xbf16, #tpu.memory_space<hbm>>) target(%dma_start3A_117 : memref<125x32xbf16, #tpu.memory_space<vmem>>) offsets(%dma_start3A_120 : memref<125xi32, #tpu.memory_space<vmem>>) semaphore(%arg9 : memref<!tpu.dma_semaphore, #tpu.memory_space<semaphore_mem>>)
      %add3A_124 = arith.constant 1 : i32
      %add3A_125 = arith.addi %add3A_110, %add3A_124 : i32
      %dma_start3A_126 = arith.constant 5 : i32
      %dma_start3A_127 = arith.constant 0 : i32
      %dma_start3A_128 = arith.constant 0 : i32
      %dma_start3A_129 = tpu.memref_slice %arg7[%dma_start3A_126, %dma_start3A_127, %dma_start3A_128] : memref<8x125x32xbf16, #tpu.memory_space<vmem>> -> memref<1x125x32xbf16, #tpu.memory_space<vmem>>
      %dma_start3A_130 = tpu.memref_squeeze %dma_start3A_129 : memref<1x125x32xbf16, #tpu.memory_space<vmem>> -> memref<125x32xbf16, #tpu.memory_space<vmem>>
      %dma_start3A_131 = arith.constant 0 : i32
      %dma_start3A_132 = tpu.memref_slice %arg5[%add3A_125, %dma_start3A_131] : memref<80x125xi32, #tpu.memory_space<vmem>> -> memref<1x125xi32, #tpu.memory_space<vmem>>
      %dma_start3A_133 = tpu.memref_squeeze %dma_start3A_132 : memref<1x125xi32, #tpu.memory_space<vmem>> -> memref<125xi32, #tpu.memory_space<vmem>>
      %dma_start3A_134 = arith.constant 0 : i32
      %dma_start3A_135 = arith.constant 0 : i32
      %dma_start3A_136 = tpu.memref_slice %arg2[%dma_start3A_134, %dma_start3A_135] : memref<10000x32xbf16, #tpu.memory_space<hbm>> -> memref<10000x32xbf16, #tpu.memory_space<hbm>>
      tpu.enqueue_indirect_dma source(%dma_start3A_136 : memref<10000x32xbf16, #tpu.memory_space<hbm>>) target(%dma_start3A_130 : memref<125x32xbf16, #tpu.memory_space<vmem>>) offsets(%dma_start3A_133 : memref<125xi32, #tpu.memory_space<vmem>>) semaphore(%arg9 : memref<!tpu.dma_semaphore, #tpu.memory_space<semaphore_mem>>)
      %add3A_137 = arith.constant 2 : i32
      %add3A_138 = arith.addi %add3A_110, %add3A_137 : i32
      %dma_start3A_139 = arith.constant 6 : i32
      %dma_start3A_140 = arith.constant 0 : i32
      %dma_start3A_141 = arith.constant 0 : i32
      %dma_start3A_142 = tpu.memref_slice %arg7[%dma_start3A_139, %dma_start3A_140, %dma_start3A_141] : memref<8x125x32xbf16, #tpu.memory_space<vmem>> -> memref<1x125x32xbf16, #tpu.memory_space<vmem>>
      %dma_start3A_143 = tpu.memref_squeeze %dma_start3A_142 : memref<1x125x32xbf16, #tpu.memory_space<vmem>> -> memref<125x32xbf16, #tpu.memory_space<vmem>>
      %dma_start3A_144 = arith.constant 0 : i32
      %dma_start3A_145 = tpu.memref_slice %arg5[%add3A_138, %dma_start3A_144] : memref<80x125xi32, #tpu.memory_space<vmem>> -> memref<1x125xi32, #tpu.memory_space<vmem>>
      %dma_start3A_146 = tpu.memref_squeeze %dma_start3A_145 : memref<1x125xi32, #tpu.memory_space<vmem>> -> memref<125xi32, #tpu.memory_space<vmem>>
      %dma_start3A_147 = arith.constant 0 : i32
      %dma_start3A_148 = arith.constant 0 : i32
      %dma_start3A_149 = tpu.memref_slice %arg2[%dma_start3A_147, %dma_start3A_148] : memref<10000x32xbf16, #tpu.memory_space<hbm>> -> memref<10000x32xbf16, #tpu.memory_space<hbm>>
      tpu.enqueue_indirect_dma source(%dma_start3A_149 : memref<10000x32xbf16, #tpu.memory_space<hbm>>) target(%dma_start3A_143 : memref<125x32xbf16, #tpu.memory_space<vmem>>) offsets(%dma_start3A_146 : memref<125xi32, #tpu.memory_space<vmem>>) semaphore(%arg9 : memref<!tpu.dma_semaphore, #tpu.memory_space<semaphore_mem>>)
      %add3A_150 = arith.constant 3 : i32
      %add3A_151 = arith.addi %add3A_110, %add3A_150 : i32
      %dma_start3A_152 = arith.constant 7 : i32
      %dma_start3A_153 = arith.constant 0 : i32
      %dma_start3A_154 = arith.constant 0 : i32
      %dma_start3A_155 = tpu.memref_slice %arg7[%dma_start3A_152, %dma_start3A_153, %dma_start3A_154] : memref<8x125x32xbf16, #tpu.memory_space<vmem>> -> memref<1x125x32xbf16, #tpu.memory_space<vmem>>
      %dma_start3A_156 = tpu.memref_squeeze %dma_start3A_155 : memref<1x125x32xbf16, #tpu.memory_space<vmem>> -> memref<125x32xbf16, #tpu.memory_space<vmem>>
      %dma_start3A_157 = arith.constant 0 : i32
      %dma_start3A_158 = tpu.memref_slice %arg5[%add3A_151, %dma_start3A_157] : memref<80x125xi32, #tpu.memory_space<vmem>> -> memref<1x125xi32, #tpu.memory_space<vmem>>
      %dma_start3A_159 = tpu.memref_squeeze %dma_start3A_158 : memref<1x125xi32, #tpu.memory_space<vmem>> -> memref<125xi32, #tpu.memory_space<vmem>>
      %dma_start3A_160 = arith.constant 0 : i32
      %dma_start3A_161 = arith.constant 0 : i32
      %dma_start3A_162 = tpu.memref_slice %arg2[%dma_start3A_160, %dma_start3A_161] : memref<10000x32xbf16, #tpu.memory_space<hbm>> -> memref<10000x32xbf16, #tpu.memory_space<hbm>>
      tpu.enqueue_indirect_dma source(%dma_start3A_162 : memref<10000x32xbf16, #tpu.memory_space<hbm>>) target(%dma_start3A_156 : memref<125x32xbf16, #tpu.memory_space<vmem>>) offsets(%dma_start3A_159 : memref<125xi32, #tpu.memory_space<vmem>>) semaphore(%arg9 : memref<!tpu.dma_semaphore, #tpu.memory_space<semaphore_mem>>)
      %dma_wait3A = arith.constant 0 : i32
      %dma_wait3A_163 = arith.constant 0 : i32
      %dma_wait3A_164 = arith.constant 0 : i32
      %dma_wait3A_165 = arith.constant 0 : i32
      %dma_wait3A_166 = tpu.memref_slice %arg7[%dma_wait3A_163, %dma_wait3A_164, %dma_wait3A_165] : memref<8x125x32xbf16, #tpu.memory_space<vmem>> -> memref<1x125x32xbf16, #tpu.memory_space<vmem>>
      %dma_wait3A_167 = tpu.memref_squeeze %dma_wait3A_166 : memref<1x125x32xbf16, #tpu.memory_space<vmem>> -> memref<125x32xbf16, #tpu.memory_space<vmem>>
      %dma_wait3A_168 = arith.constant 0 : i32
      %dma_wait3A_169 = tpu.memref_slice %arg5[%dma_wait3A, %dma_wait3A_168] : memref<80x125xi32, #tpu.memory_space<vmem>> -> memref<1x125xi32, #tpu.memory_space<vmem>>
      %dma_wait3A_170 = tpu.memref_squeeze %dma_wait3A_169 : memref<1x125xi32, #tpu.memory_space<vmem>> -> memref<125xi32, #tpu.memory_space<vmem>>
      %dma_wait3A_171 = arith.constant 0 : i32
      %dma_wait3A_172 = arith.constant 0 : i32
      %dma_wait3A_173 = tpu.memref_slice %arg2[%dma_wait3A_171, %dma_wait3A_172] : memref<10000x32xbf16, #tpu.memory_space<hbm>> -> memref<10000x32xbf16, #tpu.memory_space<hbm>>
      tpu.wait_indirect_dma semaphore(%arg8 : memref<!tpu.dma_semaphore, #tpu.memory_space<semaphore_mem>>) src(%dma_wait3A_173 : memref<10000x32xbf16, #tpu.memory_space<hbm>>) dst(%dma_wait3A_167 : memref<125x32xbf16, #tpu.memory_space<vmem>>)
      %dma_wait3A_174 = arith.constant 0 : i32
      %dma_wait3A_175 = arith.constant 1 : i32
      %dma_wait3A_176 = arith.constant 0 : i32
      %dma_wait3A_177 = arith.constant 0 : i32
      %dma_wait3A_178 = tpu.memref_slice %arg7[%dma_wait3A_175, %dma_wait3A_176, %dma_wait3A_177] : memref<8x125x32xbf16, #tpu.memory_space<vmem>> -> memref<1x125x32xbf16, #tpu.memory_space<vmem>>
      %dma_wait3A_179 = tpu.memref_squeeze %dma_wait3A_178 : memref<1x125x32xbf16, #tpu.memory_space<vmem>> -> memref<125x32xbf16, #tpu.memory_space<vmem>>
      %dma_wait3A_180 = arith.constant 0 : i32
      %dma_wait3A_181 = tpu.memref_slice %arg5[%dma_wait3A_174, %dma_wait3A_180] : memref<80x125xi32, #tpu.memory_space<vmem>> -> memref<1x125xi32, #tpu.memory_space<vmem>>
      %dma_wait3A_182 = tpu.memref_squeeze %dma_wait3A_181 : memref<1x125xi32, #tpu.memory_space<vmem>> -> memref<125xi32, #tpu.memory_space<vmem>>
      %dma_wait3A_183 = arith.constant 0 : i32
      %dma_wait3A_184 = arith.constant 0 : i32
      %dma_wait3A_185 = tpu.memref_slice %arg2[%dma_wait3A_183, %dma_wait3A_184] : memref<10000x32xbf16, #tpu.memory_space<hbm>> -> memref<10000x32xbf16, #tpu.memory_space<hbm>>
      tpu.wait_indirect_dma semaphore(%arg8 : memref<!tpu.dma_semaphore, #tpu.memory_space<semaphore_mem>>) src(%dma_wait3A_185 : memref<10000x32xbf16, #tpu.memory_space<hbm>>) dst(%dma_wait3A_179 : memref<125x32xbf16, #tpu.memory_space<vmem>>)
      %dma_wait3A_186 = arith.constant 0 : i32
      %dma_wait3A_187 = arith.constant 2 : i32
      %dma_wait3A_188 = arith.constant 0 : i32
      %dma_wait3A_189 = arith.constant 0 : i32
      %dma_wait3A_190 = tpu.memref_slice %arg7[%dma_wait3A_187, %dma_wait3A_188, %dma_wait3A_189] : memref<8x125x32xbf16, #tpu.memory_space<vmem>> -> memref<1x125x32xbf16, #tpu.memory_space<vmem>>
      %dma_wait3A_191 = tpu.memref_squeeze %dma_wait3A_190 : memref<1x125x32xbf16, #tpu.memory_space<vmem>> -> memref<125x32xbf16, #tpu.memory_space<vmem>>
      %dma_wait3A_192 = arith.constant 0 : i32
      %dma_wait3A_193 = tpu.memref_slice %arg5[%dma_wait3A_186, %dma_wait3A_192] : memref<80x125xi32, #tpu.memory_space<vmem>> -> memref<1x125xi32, #tpu.memory_space<vmem>>
      %dma_wait3A_194 = tpu.memref_squeeze %dma_wait3A_193 : memref<1x125xi32, #tpu.memory_space<vmem>> -> memref<125xi32, #tpu.memory_space<vmem>>
      %dma_wait3A_195 = arith.constant 0 : i32
      %dma_wait3A_196 = arith.constant 0 : i32
      %dma_wait3A_197 = tpu.memref_slice %arg2[%dma_wait3A_195, %dma_wait3A_196] : memref<10000x32xbf16, #tpu.memory_space<hbm>> -> memref<10000x32xbf16, #tpu.memory_space<hbm>>
      tpu.wait_indirect_dma semaphore(%arg8 : memref<!tpu.dma_semaphore, #tpu.memory_space<semaphore_mem>>) src(%dma_wait3A_197 : memref<10000x32xbf16, #tpu.memory_space<hbm>>) dst(%dma_wait3A_191 : memref<125x32xbf16, #tpu.memory_space<vmem>>)
      %dma_wait3A_198 = arith.constant 0 : i32
      %dma_wait3A_199 = arith.constant 3 : i32
      %dma_wait3A_200 = arith.constant 0 : i32
      %dma_wait3A_201 = arith.constant 0 : i32
      %dma_wait3A_202 = tpu.memref_slice %arg7[%dma_wait3A_199, %dma_wait3A_200, %dma_wait3A_201] : memref<8x125x32xbf16, #tpu.memory_space<vmem>> -> memref<1x125x32xbf16, #tpu.memory_space<vmem>>
      %dma_wait3A_203 = tpu.memref_squeeze %dma_wait3A_202 : memref<1x125x32xbf16, #tpu.memory_space<vmem>> -> memref<125x32xbf16, #tpu.memory_space<vmem>>
      %dma_wait3A_204 = arith.constant 0 : i32
      %dma_wait3A_205 = tpu.memref_slice %arg5[%dma_wait3A_198, %dma_wait3A_204] : memref<80x125xi32, #tpu.memory_space<vmem>> -> memref<1x125xi32, #tpu.memory_space<vmem>>
      %dma_wait3A_206 = tpu.memref_squeeze %dma_wait3A_205 : memref<1x125xi32, #tpu.memory_space<vmem>> -> memref<125xi32, #tpu.memory_space<vmem>>
      %dma_wait3A_207 = arith.constant 0 : i32
      %dma_wait3A_208 = arith.constant 0 : i32
      %dma_wait3A_209 = tpu.memref_slice %arg2[%dma_wait3A_207, %dma_wait3A_208] : memref<10000x32xbf16, #tpu.memory_space<hbm>> -> memref<10000x32xbf16, #tpu.memory_space<hbm>>
      tpu.wait_indirect_dma semaphore(%arg8 : memref<!tpu.dma_semaphore, #tpu.memory_space<semaphore_mem>>) src(%dma_wait3A_209 : memref<10000x32xbf16, #tpu.memory_space<hbm>>) dst(%dma_wait3A_203 : memref<125x32xbf16, #tpu.memory_space<vmem>>)
      %add3A_210 = arith.constant 0 : i32
      %add3A_211 = arith.addi %mul3A_108, %add3A_210 : i32
      %dma_start3A_212 = arith.constant 0 : i32
      %dma_start3A_213 = arith.constant 0 : i32
      %dma_start3A_214 = arith.constant 0 : i32
      %dma_start3A_215 = tpu.memref_slice %arg7[%dma_start3A_212, %dma_start3A_213, %dma_start3A_214] : memref<8x125x32xbf16, #tpu.memory_space<vmem>> -> memref<1x125x32xbf16, #tpu.memory_space<vmem>>
      %dma_start3A_216 = tpu.memref_squeeze %dma_start3A_215 : memref<1x125x32xbf16, #tpu.memory_space<vmem>> -> memref<125x32xbf16, #tpu.memory_space<vmem>>
      %dma_start3A_217 = arith.constant 0 : i32
      %dma_start3A_218 = tpu.memref_slice %arg6[%add3A_211, %dma_start3A_217] : memref<80x125xi32, #tpu.memory_space<vmem>> -> memref<1x125xi32, #tpu.memory_space<vmem>>
      %dma_start3A_219 = tpu.memref_squeeze %dma_start3A_218 : memref<1x125xi32, #tpu.memory_space<vmem>> -> memref<125xi32, #tpu.memory_space<vmem>>
      %dma_start3A_220 = arith.constant 0 : i32
      %dma_start3A_221 = arith.constant 0 : i32
      %dma_start3A_222 = tpu.memref_slice %arg12[%dma_start3A_220, %dma_start3A_221] : memref<10240x32xbf16, #tpu.memory_space<vmem_shared>> -> memref<10240x32xbf16, #tpu.memory_space<vmem_shared>>
      tpu.enqueue_indirect_dma source(%dma_start3A_216 : memref<125x32xbf16, #tpu.memory_space<vmem>>) target(%dma_start3A_222 : memref<10240x32xbf16, #tpu.memory_space<vmem_shared>>) offsets(%dma_start3A_219 : memref<125xi32, #tpu.memory_space<vmem>>) semaphore(%arg10 : memref<!tpu.dma_semaphore, #tpu.memory_space<semaphore_mem>>) {add = true}
      %add3A_223 = arith.constant 1 : i32
      %add3A_224 = arith.addi %mul3A_108, %add3A_223 : i32
      %dma_start3A_225 = arith.constant 1 : i32
      %dma_start3A_226 = arith.constant 0 : i32
      %dma_start3A_227 = arith.constant 0 : i32
      %dma_start3A_228 = tpu.memref_slice %arg7[%dma_start3A_225, %dma_start3A_226, %dma_start3A_227] : memref<8x125x32xbf16, #tpu.memory_space<vmem>> -> memref<1x125x32xbf16, #tpu.memory_space<vmem>>
      %dma_start3A_229 = tpu.memref_squeeze %dma_start3A_228 : memref<1x125x32xbf16, #tpu.memory_space<vmem>> -> memref<125x32xbf16, #tpu.memory_space<vmem>>
      %dma_start3A_230 = arith.constant 0 : i32
      %dma_start3A_231 = tpu.memref_slice %arg6[%add3A_224, %dma_start3A_230] : memref<80x125xi32, #tpu.memory_space<vmem>> -> memref<1x125xi32, #tpu.memory_space<vmem>>
      %dma_start3A_232 = tpu.memref_squeeze %dma_start3A_231 : memref<1x125xi32, #tpu.memory_space<vmem>> -> memref<125xi32, #tpu.memory_space<vmem>>
      %dma_start3A_233 = arith.constant 0 : i32
      %dma_start3A_234 = arith.constant 0 : i32
      %dma_start3A_235 = tpu.memref_slice %arg12[%dma_start3A_233, %dma_start3A_234] : memref<10240x32xbf16, #tpu.memory_space<vmem_shared>> -> memref<10240x32xbf16, #tpu.memory_space<vmem_shared>>
      tpu.enqueue_indirect_dma source(%dma_start3A_229 : memref<125x32xbf16, #tpu.memory_space<vmem>>) target(%dma_start3A_235 : memref<10240x32xbf16, #tpu.memory_space<vmem_shared>>) offsets(%dma_start3A_232 : memref<125xi32, #tpu.memory_space<vmem>>) semaphore(%arg10 : memref<!tpu.dma_semaphore, #tpu.memory_space<semaphore_mem>>) {add = true}
      %add3A_236 = arith.constant 2 : i32
      %add3A_237 = arith.addi %mul3A_108, %add3A_236 : i32
      %dma_start3A_238 = arith.constant 2 : i32
      %dma_start3A_239 = arith.constant 0 : i32
      %dma_start3A_240 = arith.constant 0 : i32
      %dma_start3A_241 = tpu.memref_slice %arg7[%dma_start3A_238, %dma_start3A_239, %dma_start3A_240] : memref<8x125x32xbf16, #tpu.memory_space<vmem>> -> memref<1x125x32xbf16, #tpu.memory_space<vmem>>
      %dma_start3A_242 = tpu.memref_squeeze %dma_start3A_241 : memref<1x125x32xbf16, #tpu.memory_space<vmem>> -> memref<125x32xbf16, #tpu.memory_space<vmem>>
      %dma_start3A_243 = arith.constant 0 : i32
      %dma_start3A_244 = tpu.memref_slice %arg6[%add3A_237, %dma_start3A_243] : memref<80x125xi32, #tpu.memory_space<vmem>> -> memref<1x125xi32, #tpu.memory_space<vmem>>
      %dma_start3A_245 = tpu.memref_squeeze %dma_start3A_244 : memref<1x125xi32, #tpu.memory_space<vmem>> -> memref<125xi32, #tpu.memory_space<vmem>>
      %dma_start3A_246 = arith.constant 0 : i32
      %dma_start3A_247 = arith.constant 0 : i32
      %dma_start3A_248 = tpu.memref_slice %arg12[%dma_start3A_246, %dma_start3A_247] : memref<10240x32xbf16, #tpu.memory_space<vmem_shared>> -> memref<10240x32xbf16, #tpu.memory_space<vmem_shared>>
      tpu.enqueue_indirect_dma source(%dma_start3A_242 : memref<125x32xbf16, #tpu.memory_space<vmem>>) target(%dma_start3A_248 : memref<10240x32xbf16, #tpu.memory_space<vmem_shared>>) offsets(%dma_start3A_245 : memref<125xi32, #tpu.memory_space<vmem>>) semaphore(%arg10 : memref<!tpu.dma_semaphore, #tpu.memory_space<semaphore_mem>>) {add = true}
      %add3A_249 = arith.constant 3 : i32
      %add3A_250 = arith.addi %mul3A_108, %add3A_249 : i32
      %dma_start3A_251 = arith.constant 3 : i32
      %dma_start3A_252 = arith.constant 0 : i32
      %dma_start3A_253 = arith.constant 0 : i32
      %dma_start3A_254 = tpu.memref_slice %arg7[%dma_start3A_251, %dma_start3A_252, %dma_start3A_253] : memref<8x125x32xbf16, #tpu.memory_space<vmem>> -> memref<1x125x32xbf16, #tpu.memory_space<vmem>>
      %dma_start3A_255 = tpu.memref_squeeze %dma_start3A_254 : memref<1x125x32xbf16, #tpu.memory_space<vmem>> -> memref<125x32xbf16, #tpu.memory_space<vmem>>
      %dma_start3A_256 = arith.constant 0 : i32
      %dma_start3A_257 = tpu.memref_slice %arg6[%add3A_250, %dma_start3A_256] : memref<80x125xi32, #tpu.memory_space<vmem>> -> memref<1x125xi32, #tpu.memory_space<vmem>>
      %dma_start3A_258 = tpu.memref_squeeze %dma_start3A_257 : memref<1x125xi32, #tpu.memory_space<vmem>> -> memref<125xi32, #tpu.memory_space<vmem>>
      %dma_start3A_259 = arith.constant 0 : i32
      %dma_start3A_260 = arith.constant 0 : i32
      %dma_start3A_261 = tpu.memref_slice %arg12[%dma_start3A_259, %dma_start3A_260] : memref<10240x32xbf16, #tpu.memory_space<vmem_shared>> -> memref<10240x32xbf16, #tpu.memory_space<vmem_shared>>
      tpu.enqueue_indirect_dma source(%dma_start3A_255 : memref<125x32xbf16, #tpu.memory_space<vmem>>) target(%dma_start3A_261 : memref<10240x32xbf16, #tpu.memory_space<vmem_shared>>) offsets(%dma_start3A_258 : memref<125xi32, #tpu.memory_space<vmem>>) semaphore(%arg10 : memref<!tpu.dma_semaphore, #tpu.memory_space<semaphore_mem>>) {add = true}
      %dma_wait3A_262 = arith.constant 0 : i32
      %dma_wait3A_263 = arith.constant 0 : i32
      %dma_wait3A_264 = arith.constant 0 : i32
      %dma_wait3A_265 = tpu.memref_slice %arg7[%dma_wait3A_262, %dma_wait3A_263, %dma_wait3A_264] : memref<8x125x32xbf16, #tpu.memory_space<vmem>> -> memref<1x125x32xbf16, #tpu.memory_space<vmem>>
      %dma_wait3A_266 = tpu.memref_squeeze %dma_wait3A_265 : memref<1x125x32xbf16, #tpu.memory_space<vmem>> -> memref<125x32xbf16, #tpu.memory_space<vmem>>
      %dma_wait3A_267 = arith.constant 0 : i32
      %dma_wait3A_268 = tpu.memref_slice %arg6[%add3A_211, %dma_wait3A_267] : memref<80x125xi32, #tpu.memory_space<vmem>> -> memref<1x125xi32, #tpu.memory_space<vmem>>
      %dma_wait3A_269 = tpu.memref_squeeze %dma_wait3A_268 : memref<1x125xi32, #tpu.memory_space<vmem>> -> memref<125xi32, #tpu.memory_space<vmem>>
      %dma_wait3A_270 = arith.constant 0 : i32
      %dma_wait3A_271 = arith.constant 0 : i32
      %dma_wait3A_272 = tpu.memref_slice %arg12[%dma_wait3A_270, %dma_wait3A_271] : memref<10240x32xbf16, #tpu.memory_space<vmem_shared>> -> memref<10240x32xbf16, #tpu.memory_space<vmem_shared>>
      tpu.wait_indirect_dma semaphore(%arg10 : memref<!tpu.dma_semaphore, #tpu.memory_space<semaphore_mem>>) src(%dma_wait3A_266 : memref<125x32xbf16, #tpu.memory_space<vmem>>) dst(%dma_wait3A_272 : memref<10240x32xbf16, #tpu.memory_space<vmem_shared>>)
      %dma_wait3A_273 = arith.constant 1 : i32
      %dma_wait3A_274 = arith.constant 0 : i32
      %dma_wait3A_275 = arith.constant 0 : i32
      %dma_wait3A_276 = tpu.memref_slice %arg7[%dma_wait3A_273, %dma_wait3A_274, %dma_wait3A_275] : memref<8x125x32xbf16, #tpu.memory_space<vmem>> -> memref<1x125x32xbf16, #tpu.memory_space<vmem>>
      %dma_wait3A_277 = tpu.memref_squeeze %dma_wait3A_276 : memref<1x125x32xbf16, #tpu.memory_space<vmem>> -> memref<125x32xbf16, #tpu.memory_space<vmem>>
      %dma_wait3A_278 = arith.constant 0 : i32
      %dma_wait3A_279 = tpu.memref_slice %arg6[%add3A_224, %dma_wait3A_278] : memref<80x125xi32, #tpu.memory_space<vmem>> -> memref<1x125xi32, #tpu.memory_space<vmem>>
      %dma_wait3A_280 = tpu.memref_squeeze %dma_wait3A_279 : memref<1x125xi32, #tpu.memory_space<vmem>> -> memref<125xi32, #tpu.memory_space<vmem>>
      %dma_wait3A_281 = arith.constant 0 : i32
      %dma_wait3A_282 = arith.constant 0 : i32
      %dma_wait3A_283 = tpu.memref_slice %arg12[%dma_wait3A_281, %dma_wait3A_282] : memref<10240x32xbf16, #tpu.memory_space<vmem_shared>> -> memref<10240x32xbf16, #tpu.memory_space<vmem_shared>>
      tpu.wait_indirect_dma semaphore(%arg10 : memref<!tpu.dma_semaphore, #tpu.memory_space<semaphore_mem>>) src(%dma_wait3A_277 : memref<125x32xbf16, #tpu.memory_space<vmem>>) dst(%dma_wait3A_283 : memref<10240x32xbf16, #tpu.memory_space<vmem_shared>>)
      %dma_wait3A_284 = arith.constant 2 : i32
      %dma_wait3A_285 = arith.constant 0 : i32
      %dma_wait3A_286 = arith.constant 0 : i32
      %dma_wait3A_287 = tpu.memref_slice %arg7[%dma_wait3A_284, %dma_wait3A_285, %dma_wait3A_286] : memref<8x125x32xbf16, #tpu.memory_space<vmem>> -> memref<1x125x32xbf16, #tpu.memory_space<vmem>>
      %dma_wait3A_288 = tpu.memref_squeeze %dma_wait3A_287 : memref<1x125x32xbf16, #tpu.memory_space<vmem>> -> memref<125x32xbf16, #tpu.memory_space<vmem>>
      %dma_wait3A_289 = arith.constant 0 : i32
      %dma_wait3A_290 = tpu.memref_slice %arg6[%add3A_237, %dma_wait3A_289] : memref<80x125xi32, #tpu.memory_space<vmem>> -> memref<1x125xi32, #tpu.memory_space<vmem>>
      %dma_wait3A_291 = tpu.memref_squeeze %dma_wait3A_290 : memref<1x125xi32, #tpu.memory_space<vmem>> -> memref<125xi32, #tpu.memory_space<vmem>>
      %dma_wait3A_292 = arith.constant 0 : i32
      %dma_wait3A_293 = arith.constant 0 : i32
      %dma_wait3A_294 = tpu.memref_slice %arg12[%dma_wait3A_292, %dma_wait3A_293] : memref<10240x32xbf16, #tpu.memory_space<vmem_shared>> -> memref<10240x32xbf16, #tpu.memory_space<vmem_shared>>
      tpu.wait_indirect_dma semaphore(%arg10 : memref<!tpu.dma_semaphore, #tpu.memory_space<semaphore_mem>>) src(%dma_wait3A_288 : memref<125x32xbf16, #tpu.memory_space<vmem>>) dst(%dma_wait3A_294 : memref<10240x32xbf16, #tpu.memory_space<vmem_shared>>)
      %dma_wait3A_295 = arith.constant 3 : i32
      %dma_wait3A_296 = arith.constant 0 : i32
      %dma_wait3A_297 = arith.constant 0 : i32
      %dma_wait3A_298 = tpu.memref_slice %arg7[%dma_wait3A_295, %dma_wait3A_296, %dma_wait3A_297] : memref<8x125x32xbf16, #tpu.memory_space<vmem>> -> memref<1x125x32xbf16, #tpu.memory_space<vmem>>
      %dma_wait3A_299 = tpu.memref_squeeze %dma_wait3A_298 : memref<1x125x32xbf16, #tpu.memory_space<vmem>> -> memref<125x32xbf16, #tpu.memory_space<vmem>>
      %dma_wait3A_300 = arith.constant 0 : i32
      %dma_wait3A_301 = tpu.memref_slice %arg6[%add3A_250, %dma_wait3A_300] : memref<80x125xi32, #tpu.memory_space<vmem>> -> memref<1x125xi32, #tpu.memory_space<vmem>>
      %dma_wait3A_302 = tpu.memref_squeeze %dma_wait3A_301 : memref<1x125xi32, #tpu.memory_space<vmem>> -> memref<125xi32, #tpu.memory_space<vmem>>
      %dma_wait3A_303 = arith.constant 0 : i32
      %dma_wait3A_304 = arith.constant 0 : i32
      %dma_wait3A_305 = tpu.memref_slice %arg12[%dma_wait3A_303, %dma_wait3A_304] : memref<10240x32xbf16, #tpu.memory_space<vmem_shared>> -> memref<10240x32xbf16, #tpu.memory_space<vmem_shared>>
      tpu.wait_indirect_dma semaphore(%arg10 : memref<!tpu.dma_semaphore, #tpu.memory_space<semaphore_mem>>) src(%dma_wait3A_299 : memref<125x32xbf16, #tpu.memory_space<vmem>>) dst(%dma_wait3A_305 : memref<10240x32xbf16, #tpu.memory_space<vmem_shared>>)
      %add3A_306 = arith.constant 12 : i32
      %add3A_307 = arith.addi %mul3A_108, %add3A_306 : i32
      %le3A = arith.constant 80 : i32
      %le3A_308 = arith.cmpi sle, %add3A_307, %le3A : i32
      %convert_element_type3A = arith.extui %le3A_308 : i1 to i32
      %cond3A = arith.constant 0 : i32
      %cond3A_309 = arith.cmpi ne, %convert_element_type3A, %cond3A : i32
      scf.if %cond3A_309 {
        %add3A_456 = arith.constant 8 : i32
        %add3A_457 = arith.addi %mul3A_108, %add3A_456 : i32
        %add3A_458 = arith.constant 0 : i32
        %add3A_459 = arith.addi %add3A_457, %add3A_458 : i32
        %dma_start3A_460 = arith.constant 0 : i32
        %dma_start3A_461 = arith.constant 0 : i32
        %dma_start3A_462 = arith.constant 0 : i32
        %dma_start3A_463 = tpu.memref_slice %arg7[%dma_start3A_460, %dma_start3A_461, %dma_start3A_462] : memref<8x125x32xbf16, #tpu.memory_space<vmem>> -> memref<1x125x32xbf16, #tpu.memory_space<vmem>>
        %dma_start3A_464 = tpu.memref_squeeze %dma_start3A_463 : memref<1x125x32xbf16, #tpu.memory_space<vmem>> -> memref<125x32xbf16, #tpu.memory_space<vmem>>
        %dma_start3A_465 = arith.constant 0 : i32
        %dma_start3A_466 = tpu.memref_slice %arg5[%add3A_459, %dma_start3A_465] : memref<80x125xi32, #tpu.memory_space<vmem>> -> memref<1x125xi32, #tpu.memory_space<vmem>>
        %dma_start3A_467 = tpu.memref_squeeze %dma_start3A_466 : memref<1x125xi32, #tpu.memory_space<vmem>> -> memref<125xi32, #tpu.memory_space<vmem>>
        %dma_start3A_468 = arith.constant 0 : i32
        %dma_start3A_469 = arith.constant 0 : i32
        %dma_start3A_470 = tpu.memref_slice %arg2[%dma_start3A_468, %dma_start3A_469] : memref<10000x32xbf16, #tpu.memory_space<hbm>> -> memref<10000x32xbf16, #tpu.memory_space<hbm>>
        tpu.enqueue_indirect_dma source(%dma_start3A_470 : memref<10000x32xbf16, #tpu.memory_space<hbm>>) target(%dma_start3A_464 : memref<125x32xbf16, #tpu.memory_space<vmem>>) offsets(%dma_start3A_467 : memref<125xi32, #tpu.memory_space<vmem>>) semaphore(%arg8 : memref<!tpu.dma_semaphore, #tpu.memory_space<semaphore_mem>>)
        %add3A_471 = arith.constant 1 : i32
        %add3A_472 = arith.addi %add3A_457, %add3A_471 : i32
        %dma_start3A_473 = arith.constant 1 : i32
        %dma_start3A_474 = arith.constant 0 : i32
        %dma_start3A_475 = arith.constant 0 : i32
        %dma_start3A_476 = tpu.memref_slice %arg7[%dma_start3A_473, %dma_start3A_474, %dma_start3A_475] : memref<8x125x32xbf16, #tpu.memory_space<vmem>> -> memref<1x125x32xbf16, #tpu.memory_space<vmem>>
        %dma_start3A_477 = tpu.memref_squeeze %dma_start3A_476 : memref<1x125x32xbf16, #tpu.memory_space<vmem>> -> memref<125x32xbf16, #tpu.memory_space<vmem>>
        %dma_start3A_478 = arith.constant 0 : i32
        %dma_start3A_479 = tpu.memref_slice %arg5[%add3A_472, %dma_start3A_478] : memref<80x125xi32, #tpu.memory_space<vmem>> -> memref<1x125xi32, #tpu.memory_space<vmem>>
        %dma_start3A_480 = tpu.memref_squeeze %dma_start3A_479 : memref<1x125xi32, #tpu.memory_space<vmem>> -> memref<125xi32, #tpu.memory_space<vmem>>
        %dma_start3A_481 = arith.constant 0 : i32
        %dma_start3A_482 = arith.constant 0 : i32
        %dma_start3A_483 = tpu.memref_slice %arg2[%dma_start3A_481, %dma_start3A_482] : memref<10000x32xbf16, #tpu.memory_space<hbm>> -> memref<10000x32xbf16, #tpu.memory_space<hbm>>
        tpu.enqueue_indirect_dma source(%dma_start3A_483 : memref<10000x32xbf16, #tpu.memory_space<hbm>>) target(%dma_start3A_477 : memref<125x32xbf16, #tpu.memory_space<vmem>>) offsets(%dma_start3A_480 : memref<125xi32, #tpu.memory_space<vmem>>) semaphore(%arg8 : memref<!tpu.dma_semaphore, #tpu.memory_space<semaphore_mem>>)
        %add3A_484 = arith.constant 2 : i32
        %add3A_485 = arith.addi %add3A_457, %add3A_484 : i32
        %dma_start3A_486 = arith.constant 2 : i32
        %dma_start3A_487 = arith.constant 0 : i32
        %dma_start3A_488 = arith.constant 0 : i32
        %dma_start3A_489 = tpu.memref_slice %arg7[%dma_start3A_486, %dma_start3A_487, %dma_start3A_488] : memref<8x125x32xbf16, #tpu.memory_space<vmem>> -> memref<1x125x32xbf16, #tpu.memory_space<vmem>>
        %dma_start3A_490 = tpu.memref_squeeze %dma_start3A_489 : memref<1x125x32xbf16, #tpu.memory_space<vmem>> -> memref<125x32xbf16, #tpu.memory_space<vmem>>
        %dma_start3A_491 = arith.constant 0 : i32
        %dma_start3A_492 = tpu.memref_slice %arg5[%add3A_485, %dma_start3A_491] : memref<80x125xi32, #tpu.memory_space<vmem>> -> memref<1x125xi32, #tpu.memory_space<vmem>>
        %dma_start3A_493 = tpu.memref_squeeze %dma_start3A_492 : memref<1x125xi32, #tpu.memory_space<vmem>> -> memref<125xi32, #tpu.memory_space<vmem>>
        %dma_start3A_494 = arith.constant 0 : i32
        %dma_start3A_495 = arith.constant 0 : i32
        %dma_start3A_496 = tpu.memref_slice %arg2[%dma_start3A_494, %dma_start3A_495] : memref<10000x32xbf16, #tpu.memory_space<hbm>> -> memref<10000x32xbf16, #tpu.memory_space<hbm>>
        tpu.enqueue_indirect_dma source(%dma_start3A_496 : memref<10000x32xbf16, #tpu.memory_space<hbm>>) target(%dma_start3A_490 : memref<125x32xbf16, #tpu.memory_space<vmem>>) offsets(%dma_start3A_493 : memref<125xi32, #tpu.memory_space<vmem>>) semaphore(%arg8 : memref<!tpu.dma_semaphore, #tpu.memory_space<semaphore_mem>>)
        %add3A_497 = arith.constant 3 : i32
        %add3A_498 = arith.addi %add3A_457, %add3A_497 : i32
        %dma_start3A_499 = arith.constant 3 : i32
        %dma_start3A_500 = arith.constant 0 : i32
        %dma_start3A_501 = arith.constant 0 : i32
        %dma_start3A_502 = tpu.memref_slice %arg7[%dma_start3A_499, %dma_start3A_500, %dma_start3A_501] : memref<8x125x32xbf16, #tpu.memory_space<vmem>> -> memref<1x125x32xbf16, #tpu.memory_space<vmem>>
        %dma_start3A_503 = tpu.memref_squeeze %dma_start3A_502 : memref<1x125x32xbf16, #tpu.memory_space<vmem>> -> memref<125x32xbf16, #tpu.memory_space<vmem>>
        %dma_start3A_504 = arith.constant 0 : i32
        %dma_start3A_505 = tpu.memref_slice %arg5[%add3A_498, %dma_start3A_504] : memref<80x125xi32, #tpu.memory_space<vmem>> -> memref<1x125xi32, #tpu.memory_space<vmem>>
        %dma_start3A_506 = tpu.memref_squeeze %dma_start3A_505 : memref<1x125xi32, #tpu.memory_space<vmem>> -> memref<125xi32, #tpu.memory_space<vmem>>
        %dma_start3A_507 = arith.constant 0 : i32
        %dma_start3A_508 = arith.constant 0 : i32
        %dma_start3A_509 = tpu.memref_slice %arg2[%dma_start3A_507, %dma_start3A_508] : memref<10000x32xbf16, #tpu.memory_space<hbm>> -> memref<10000x32xbf16, #tpu.memory_space<hbm>>
        tpu.enqueue_indirect_dma source(%dma_start3A_509 : memref<10000x32xbf16, #tpu.memory_space<hbm>>) target(%dma_start3A_503 : memref<125x32xbf16, #tpu.memory_space<vmem>>) offsets(%dma_start3A_506 : memref<125xi32, #tpu.memory_space<vmem>>) semaphore(%arg8 : memref<!tpu.dma_semaphore, #tpu.memory_space<semaphore_mem>>)
      } else {
      }
      %dma_wait3A_310 = arith.constant 0 : i32
      %dma_wait3A_311 = arith.constant 4 : i32
      %dma_wait3A_312 = arith.constant 0 : i32
      %dma_wait3A_313 = arith.constant 0 : i32
      %dma_wait3A_314 = tpu.memref_slice %arg7[%dma_wait3A_311, %dma_wait3A_312, %dma_wait3A_313] : memref<8x125x32xbf16, #tpu.memory_space<vmem>> -> memref<1x125x32xbf16, #tpu.memory_space<vmem>>
      %dma_wait3A_315 = tpu.memref_squeeze %dma_wait3A_314 : memref<1x125x32xbf16, #tpu.memory_space<vmem>> -> memref<125x32xbf16, #tpu.memory_space<vmem>>
      %dma_wait3A_316 = arith.constant 0 : i32
      %dma_wait3A_317 = tpu.memref_slice %arg5[%dma_wait3A_310, %dma_wait3A_316] : memref<80x125xi32, #tpu.memory_space<vmem>> -> memref<1x125xi32, #tpu.memory_space<vmem>>
      %dma_wait3A_318 = tpu.memref_squeeze %dma_wait3A_317 : memref<1x125xi32, #tpu.memory_space<vmem>> -> memref<125xi32, #tpu.memory_space<vmem>>
      %dma_wait3A_319 = arith.constant 0 : i32
      %dma_wait3A_320 = arith.constant 0 : i32
      %dma_wait3A_321 = tpu.memref_slice %arg2[%dma_wait3A_319, %dma_wait3A_320] : memref<10000x32xbf16, #tpu.memory_space<hbm>> -> memref<10000x32xbf16, #tpu.memory_space<hbm>>
      tpu.wait_indirect_dma semaphore(%arg9 : memref<!tpu.dma_semaphore, #tpu.memory_space<semaphore_mem>>) src(%dma_wait3A_321 : memref<10000x32xbf16, #tpu.memory_space<hbm>>) dst(%dma_wait3A_315 : memref<125x32xbf16, #tpu.memory_space<vmem>>)
      %dma_wait3A_322 = arith.constant 0 : i32
      %dma_wait3A_323 = arith.constant 5 : i32
      %dma_wait3A_324 = arith.constant 0 : i32
      %dma_wait3A_325 = arith.constant 0 : i32
      %dma_wait3A_326 = tpu.memref_slice %arg7[%dma_wait3A_323, %dma_wait3A_324, %dma_wait3A_325] : memref<8x125x32xbf16, #tpu.memory_space<vmem>> -> memref<1x125x32xbf16, #tpu.memory_space<vmem>>
      %dma_wait3A_327 = tpu.memref_squeeze %dma_wait3A_326 : memref<1x125x32xbf16, #tpu.memory_space<vmem>> -> memref<125x32xbf16, #tpu.memory_space<vmem>>
      %dma_wait3A_328 = arith.constant 0 : i32
      %dma_wait3A_329 = tpu.memref_slice %arg5[%dma_wait3A_322, %dma_wait3A_328] : memref<80x125xi32, #tpu.memory_space<vmem>> -> memref<1x125xi32, #tpu.memory_space<vmem>>
      %dma_wait3A_330 = tpu.memref_squeeze %dma_wait3A_329 : memref<1x125xi32, #tpu.memory_space<vmem>> -> memref<125xi32, #tpu.memory_space<vmem>>
      %dma_wait3A_331 = arith.constant 0 : i32
      %dma_wait3A_332 = arith.constant 0 : i32
      %dma_wait3A_333 = tpu.memref_slice %arg2[%dma_wait3A_331, %dma_wait3A_332] : memref<10000x32xbf16, #tpu.memory_space<hbm>> -> memref<10000x32xbf16, #tpu.memory_space<hbm>>
      tpu.wait_indirect_dma semaphore(%arg9 : memref<!tpu.dma_semaphore, #tpu.memory_space<semaphore_mem>>) src(%dma_wait3A_333 : memref<10000x32xbf16, #tpu.memory_space<hbm>>) dst(%dma_wait3A_327 : memref<125x32xbf16, #tpu.memory_space<vmem>>)
      %dma_wait3A_334 = arith.constant 0 : i32
      %dma_wait3A_335 = arith.constant 6 : i32
      %dma_wait3A_336 = arith.constant 0 : i32
      %dma_wait3A_337 = arith.constant 0 : i32
      %dma_wait3A_338 = tpu.memref_slice %arg7[%dma_wait3A_335, %dma_wait3A_336, %dma_wait3A_337] : memref<8x125x32xbf16, #tpu.memory_space<vmem>> -> memref<1x125x32xbf16, #tpu.memory_space<vmem>>
      %dma_wait3A_339 = tpu.memref_squeeze %dma_wait3A_338 : memref<1x125x32xbf16, #tpu.memory_space<vmem>> -> memref<125x32xbf16, #tpu.memory_space<vmem>>
      %dma_wait3A_340 = arith.constant 0 : i32
      %dma_wait3A_341 = tpu.memref_slice %arg5[%dma_wait3A_334, %dma_wait3A_340] : memref<80x125xi32, #tpu.memory_space<vmem>> -> memref<1x125xi32, #tpu.memory_space<vmem>>
      %dma_wait3A_342 = tpu.memref_squeeze %dma_wait3A_341 : memref<1x125xi32, #tpu.memory_space<vmem>> -> memref<125xi32, #tpu.memory_space<vmem>>
      %dma_wait3A_343 = arith.constant 0 : i32
      %dma_wait3A_344 = arith.constant 0 : i32
      %dma_wait3A_345 = tpu.memref_slice %arg2[%dma_wait3A_343, %dma_wait3A_344] : memref<10000x32xbf16, #tpu.memory_space<hbm>> -> memref<10000x32xbf16, #tpu.memory_space<hbm>>
      tpu.wait_indirect_dma semaphore(%arg9 : memref<!tpu.dma_semaphore, #tpu.memory_space<semaphore_mem>>) src(%dma_wait3A_345 : memref<10000x32xbf16, #tpu.memory_space<hbm>>) dst(%dma_wait3A_339 : memref<125x32xbf16, #tpu.memory_space<vmem>>)
      %dma_wait3A_346 = arith.constant 0 : i32
      %dma_wait3A_347 = arith.constant 7 : i32
      %dma_wait3A_348 = arith.constant 0 : i32
      %dma_wait3A_349 = arith.constant 0 : i32
      %dma_wait3A_350 = tpu.memref_slice %arg7[%dma_wait3A_347, %dma_wait3A_348, %dma_wait3A_349] : memref<8x125x32xbf16, #tpu.memory_space<vmem>> -> memref<1x125x32xbf16, #tpu.memory_space<vmem>>
      %dma_wait3A_351 = tpu.memref_squeeze %dma_wait3A_350 : memref<1x125x32xbf16, #tpu.memory_space<vmem>> -> memref<125x32xbf16, #tpu.memory_space<vmem>>
      %dma_wait3A_352 = arith.constant 0 : i32
      %dma_wait3A_353 = tpu.memref_slice %arg5[%dma_wait3A_346, %dma_wait3A_352] : memref<80x125xi32, #tpu.memory_space<vmem>> -> memref<1x125xi32, #tpu.memory_space<vmem>>
      %dma_wait3A_354 = tpu.memref_squeeze %dma_wait3A_353 : memref<1x125xi32, #tpu.memory_space<vmem>> -> memref<125xi32, #tpu.memory_space<vmem>>
      %dma_wait3A_355 = arith.constant 0 : i32
      %dma_wait3A_356 = arith.constant 0 : i32
      %dma_wait3A_357 = tpu.memref_slice %arg2[%dma_wait3A_355, %dma_wait3A_356] : memref<10000x32xbf16, #tpu.memory_space<hbm>> -> memref<10000x32xbf16, #tpu.memory_space<hbm>>
      tpu.wait_indirect_dma semaphore(%arg9 : memref<!tpu.dma_semaphore, #tpu.memory_space<semaphore_mem>>) src(%dma_wait3A_357 : memref<10000x32xbf16, #tpu.memory_space<hbm>>) dst(%dma_wait3A_351 : memref<125x32xbf16, #tpu.memory_space<vmem>>)
      %add3A_358 = arith.constant 4 : i32
      %add3A_359 = arith.addi %mul3A_108, %add3A_358 : i32
      %add3A_360 = arith.constant 0 : i32
      %add3A_361 = arith.addi %add3A_359, %add3A_360 : i32
      %dma_start3A_362 = arith.constant 4 : i32
      %dma_start3A_363 = arith.constant 0 : i32
      %dma_start3A_364 = arith.constant 0 : i32
      %dma_start3A_365 = tpu.memref_slice %arg7[%dma_start3A_362, %dma_start3A_363, %dma_start3A_364] : memref<8x125x32xbf16, #tpu.memory_space<vmem>> -> memref<1x125x32xbf16, #tpu.memory_space<vmem>>
      %dma_start3A_366 = tpu.memref_squeeze %dma_start3A_365 : memref<1x125x32xbf16, #tpu.memory_space<vmem>> -> memref<125x32xbf16, #tpu.memory_space<vmem>>
      %dma_start3A_367 = arith.constant 0 : i32
      %dma_start3A_368 = tpu.memref_slice %arg6[%add3A_361, %dma_start3A_367] : memref<80x125xi32, #tpu.memory_space<vmem>> -> memref<1x125xi32, #tpu.memory_space<vmem>>
      %dma_start3A_369 = tpu.memref_squeeze %dma_start3A_368 : memref<1x125xi32, #tpu.memory_space<vmem>> -> memref<125xi32, #tpu.memory_space<vmem>>
      %dma_start3A_370 = arith.constant 0 : i32
      %dma_start3A_371 = arith.constant 0 : i32
      %dma_start3A_372 = tpu.memref_slice %arg12[%dma_start3A_370, %dma_start3A_371] : memref<10240x32xbf16, #tpu.memory_space<vmem_shared>> -> memref<10240x32xbf16, #tpu.memory_space<vmem_shared>>
      tpu.enqueue_indirect_dma source(%dma_start3A_366 : memref<125x32xbf16, #tpu.memory_space<vmem>>) target(%dma_start3A_372 : memref<10240x32xbf16, #tpu.memory_space<vmem_shared>>) offsets(%dma_start3A_369 : memref<125xi32, #tpu.memory_space<vmem>>) semaphore(%arg11 : memref<!tpu.dma_semaphore, #tpu.memory_space<semaphore_mem>>) {add = true}
      %add3A_373 = arith.constant 1 : i32
      %add3A_374 = arith.addi %add3A_359, %add3A_373 : i32
      %dma_start3A_375 = arith.constant 5 : i32
      %dma_start3A_376 = arith.constant 0 : i32
      %dma_start3A_377 = arith.constant 0 : i32
      %dma_start3A_378 = tpu.memref_slice %arg7[%dma_start3A_375, %dma_start3A_376, %dma_start3A_377] : memref<8x125x32xbf16, #tpu.memory_space<vmem>> -> memref<1x125x32xbf16, #tpu.memory_space<vmem>>
      %dma_start3A_379 = tpu.memref_squeeze %dma_start3A_378 : memref<1x125x32xbf16, #tpu.memory_space<vmem>> -> memref<125x32xbf16, #tpu.memory_space<vmem>>
      %dma_start3A_380 = arith.constant 0 : i32
      %dma_start3A_381 = tpu.memref_slice %arg6[%add3A_374, %dma_start3A_380] : memref<80x125xi32, #tpu.memory_space<vmem>> -> memref<1x125xi32, #tpu.memory_space<vmem>>
      %dma_start3A_382 = tpu.memref_squeeze %dma_start3A_381 : memref<1x125xi32, #tpu.memory_space<vmem>> -> memref<125xi32, #tpu.memory_space<vmem>>
      %dma_start3A_383 = arith.constant 0 : i32
      %dma_start3A_384 = arith.constant 0 : i32
      %dma_start3A_385 = tpu.memref_slice %arg12[%dma_start3A_383, %dma_start3A_384] : memref<10240x32xbf16, #tpu.memory_space<vmem_shared>> -> memref<10240x32xbf16, #tpu.memory_space<vmem_shared>>
      tpu.enqueue_indirect_dma source(%dma_start3A_379 : memref<125x32xbf16, #tpu.memory_space<vmem>>) target(%dma_start3A_385 : memref<10240x32xbf16, #tpu.memory_space<vmem_shared>>) offsets(%dma_start3A_382 : memref<125xi32, #tpu.memory_space<vmem>>) semaphore(%arg11 : memref<!tpu.dma_semaphore, #tpu.memory_space<semaphore_mem>>) {add = true}
      %add3A_386 = arith.constant 2 : i32
      %add3A_387 = arith.addi %add3A_359, %add3A_386 : i32
      %dma_start3A_388 = arith.constant 6 : i32
      %dma_start3A_389 = arith.constant 0 : i32
      %dma_start3A_390 = arith.constant 0 : i32
      %dma_start3A_391 = tpu.memref_slice %arg7[%dma_start3A_388, %dma_start3A_389, %dma_start3A_390] : memref<8x125x32xbf16, #tpu.memory_space<vmem>> -> memref<1x125x32xbf16, #tpu.memory_space<vmem>>
      %dma_start3A_392 = tpu.memref_squeeze %dma_start3A_391 : memref<1x125x32xbf16, #tpu.memory_space<vmem>> -> memref<125x32xbf16, #tpu.memory_space<vmem>>
      %dma_start3A_393 = arith.constant 0 : i32
      %dma_start3A_394 = tpu.memref_slice %arg6[%add3A_387, %dma_start3A_393] : memref<80x125xi32, #tpu.memory_space<vmem>> -> memref<1x125xi32, #tpu.memory_space<vmem>>
      %dma_start3A_395 = tpu.memref_squeeze %dma_start3A_394 : memref<1x125xi32, #tpu.memory_space<vmem>> -> memref<125xi32, #tpu.memory_space<vmem>>
      %dma_start3A_396 = arith.constant 0 : i32
      %dma_start3A_397 = arith.constant 0 : i32
      %dma_start3A_398 = tpu.memref_slice %arg12[%dma_start3A_396, %dma_start3A_397] : memref<10240x32xbf16, #tpu.memory_space<vmem_shared>> -> memref<10240x32xbf16, #tpu.memory_space<vmem_shared>>
      tpu.enqueue_indirect_dma source(%dma_start3A_392 : memref<125x32xbf16, #tpu.memory_space<vmem>>) target(%dma_start3A_398 : memref<10240x32xbf16, #tpu.memory_space<vmem_shared>>) offsets(%dma_start3A_395 : memref<125xi32, #tpu.memory_space<vmem>>) semaphore(%arg11 : memref<!tpu.dma_semaphore, #tpu.memory_space<semaphore_mem>>) {add = true}
      %add3A_399 = arith.constant 3 : i32
      %add3A_400 = arith.addi %add3A_359, %add3A_399 : i32
      %dma_start3A_401 = arith.constant 7 : i32
      %dma_start3A_402 = arith.constant 0 : i32
      %dma_start3A_403 = arith.constant 0 : i32
      %dma_start3A_404 = tpu.memref_slice %arg7[%dma_start3A_401, %dma_start3A_402, %dma_start3A_403] : memref<8x125x32xbf16, #tpu.memory_space<vmem>> -> memref<1x125x32xbf16, #tpu.memory_space<vmem>>
      %dma_start3A_405 = tpu.memref_squeeze %dma_start3A_404 : memref<1x125x32xbf16, #tpu.memory_space<vmem>> -> memref<125x32xbf16, #tpu.memory_space<vmem>>
      %dma_start3A_406 = arith.constant 0 : i32
      %dma_start3A_407 = tpu.memref_slice %arg6[%add3A_400, %dma_start3A_406] : memref<80x125xi32, #tpu.memory_space<vmem>> -> memref<1x125xi32, #tpu.memory_space<vmem>>
      %dma_start3A_408 = tpu.memref_squeeze %dma_start3A_407 : memref<1x125xi32, #tpu.memory_space<vmem>> -> memref<125xi32, #tpu.memory_space<vmem>>
      %dma_start3A_409 = arith.constant 0 : i32
      %dma_start3A_410 = arith.constant 0 : i32
      %dma_start3A_411 = tpu.memref_slice %arg12[%dma_start3A_409, %dma_start3A_410] : memref<10240x32xbf16, #tpu.memory_space<vmem_shared>> -> memref<10240x32xbf16, #tpu.memory_space<vmem_shared>>
      tpu.enqueue_indirect_dma source(%dma_start3A_405 : memref<125x32xbf16, #tpu.memory_space<vmem>>) target(%dma_start3A_411 : memref<10240x32xbf16, #tpu.memory_space<vmem_shared>>) offsets(%dma_start3A_408 : memref<125xi32, #tpu.memory_space<vmem>>) semaphore(%arg11 : memref<!tpu.dma_semaphore, #tpu.memory_space<semaphore_mem>>) {add = true}
      %dma_wait3A_412 = arith.constant 4 : i32
      %dma_wait3A_413 = arith.constant 0 : i32
      %dma_wait3A_414 = arith.constant 0 : i32
      %dma_wait3A_415 = tpu.memref_slice %arg7[%dma_wait3A_412, %dma_wait3A_413, %dma_wait3A_414] : memref<8x125x32xbf16, #tpu.memory_space<vmem>> -> memref<1x125x32xbf16, #tpu.memory_space<vmem>>
      %dma_wait3A_416 = tpu.memref_squeeze %dma_wait3A_415 : memref<1x125x32xbf16, #tpu.memory_space<vmem>> -> memref<125x32xbf16, #tpu.memory_space<vmem>>
      %dma_wait3A_417 = arith.constant 0 : i32
      %dma_wait3A_418 = tpu.memref_slice %arg6[%add3A_361, %dma_wait3A_417] : memref<80x125xi32, #tpu.memory_space<vmem>> -> memref<1x125xi32, #tpu.memory_space<vmem>>
      %dma_wait3A_419 = tpu.memref_squeeze %dma_wait3A_418 : memref<1x125xi32, #tpu.memory_space<vmem>> -> memref<125xi32, #tpu.memory_space<vmem>>
      %dma_wait3A_420 = arith.constant 0 : i32
      %dma_wait3A_421 = arith.constant 0 : i32
      %dma_wait3A_422 = tpu.memref_slice %arg12[%dma_wait3A_420, %dma_wait3A_421] : memref<10240x32xbf16, #tpu.memory_space<vmem_shared>> -> memref<10240x32xbf16, #tpu.memory_space<vmem_shared>>
      tpu.wait_indirect_dma semaphore(%arg11 : memref<!tpu.dma_semaphore, #tpu.memory_space<semaphore_mem>>) src(%dma_wait3A_416 : memref<125x32xbf16, #tpu.memory_space<vmem>>) dst(%dma_wait3A_422 : memref<10240x32xbf16, #tpu.memory_space<vmem_shared>>)
      %dma_wait3A_423 = arith.constant 5 : i32
      %dma_wait3A_424 = arith.constant 0 : i32
      %dma_wait3A_425 = arith.constant 0 : i32
      %dma_wait3A_426 = tpu.memref_slice %arg7[%dma_wait3A_423, %dma_wait3A_424, %dma_wait3A_425] : memref<8x125x32xbf16, #tpu.memory_space<vmem>> -> memref<1x125x32xbf16, #tpu.memory_space<vmem>>
      %dma_wait3A_427 = tpu.memref_squeeze %dma_wait3A_426 : memref<1x125x32xbf16, #tpu.memory_space<vmem>> -> memref<125x32xbf16, #tpu.memory_space<vmem>>
      %dma_wait3A_428 = arith.constant 0 : i32
      %dma_wait3A_429 = tpu.memref_slice %arg6[%add3A_374, %dma_wait3A_428] : memref<80x125xi32, #tpu.memory_space<vmem>> -> memref<1x125xi32, #tpu.memory_space<vmem>>
      %dma_wait3A_430 = tpu.memref_squeeze %dma_wait3A_429 : memref<1x125xi32, #tpu.memory_space<vmem>> -> memref<125xi32, #tpu.memory_space<vmem>>
      %dma_wait3A_431 = arith.constant 0 : i32
      %dma_wait3A_432 = arith.constant 0 : i32
      %dma_wait3A_433 = tpu.memref_slice %arg12[%dma_wait3A_431, %dma_wait3A_432] : memref<10240x32xbf16, #tpu.memory_space<vmem_shared>> -> memref<10240x32xbf16, #tpu.memory_space<vmem_shared>>
      tpu.wait_indirect_dma semaphore(%arg11 : memref<!tpu.dma_semaphore, #tpu.memory_space<semaphore_mem>>) src(%dma_wait3A_427 : memref<125x32xbf16, #tpu.memory_space<vmem>>) dst(%dma_wait3A_433 : memref<10240x32xbf16, #tpu.memory_space<vmem_shared>>)
      %dma_wait3A_434 = arith.constant 6 : i32
      %dma_wait3A_435 = arith.constant 0 : i32
      %dma_wait3A_436 = arith.constant 0 : i32
      %dma_wait3A_437 = tpu.memref_slice %arg7[%dma_wait3A_434, %dma_wait3A_435, %dma_wait3A_436] : memref<8x125x32xbf16, #tpu.memory_space<vmem>> -> memref<1x125x32xbf16, #tpu.memory_space<vmem>>
      %dma_wait3A_438 = tpu.memref_squeeze %dma_wait3A_437 : memref<1x125x32xbf16, #tpu.memory_space<vmem>> -> memref<125x32xbf16, #tpu.memory_space<vmem>>
      %dma_wait3A_439 = arith.constant 0 : i32
      %dma_wait3A_440 = tpu.memref_slice %arg6[%add3A_387, %dma_wait3A_439] : memref<80x125xi32, #tpu.memory_space<vmem>> -> memref<1x125xi32, #tpu.memory_space<vmem>>
      %dma_wait3A_441 = tpu.memref_squeeze %dma_wait3A_440 : memref<1x125xi32, #tpu.memory_space<vmem>> -> memref<125xi32, #tpu.memory_space<vmem>>
      %dma_wait3A_442 = arith.constant 0 : i32
      %dma_wait3A_443 = arith.constant 0 : i32
      %dma_wait3A_444 = tpu.memref_slice %arg12[%dma_wait3A_442, %dma_wait3A_443] : memref<10240x32xbf16, #tpu.memory_space<vmem_shared>> -> memref<10240x32xbf16, #tpu.memory_space<vmem_shared>>
      tpu.wait_indirect_dma semaphore(%arg11 : memref<!tpu.dma_semaphore, #tpu.memory_space<semaphore_mem>>) src(%dma_wait3A_438 : memref<125x32xbf16, #tpu.memory_space<vmem>>) dst(%dma_wait3A_444 : memref<10240x32xbf16, #tpu.memory_space<vmem_shared>>)
      %dma_wait3A_445 = arith.constant 7 : i32
      %dma_wait3A_446 = arith.constant 0 : i32
      %dma_wait3A_447 = arith.constant 0 : i32
      %dma_wait3A_448 = tpu.memref_slice %arg7[%dma_wait3A_445, %dma_wait3A_446, %dma_wait3A_447] : memref<8x125x32xbf16, #tpu.memory_space<vmem>> -> memref<1x125x32xbf16, #tpu.memory_space<vmem>>
      %dma_wait3A_449 = tpu.memref_squeeze %dma_wait3A_448 : memref<1x125x32xbf16, #tpu.memory_space<vmem>> -> memref<125x32xbf16, #tpu.memory_space<vmem>>
      %dma_wait3A_450 = arith.constant 0 : i32
      %dma_wait3A_451 = tpu.memref_slice %arg6[%add3A_400, %dma_wait3A_450] : memref<80x125xi32, #tpu.memory_space<vmem>> -> memref<1x125xi32, #tpu.memory_space<vmem>>
      %dma_wait3A_452 = tpu.memref_squeeze %dma_wait3A_451 : memref<1x125xi32, #tpu.memory_space<vmem>> -> memref<125xi32, #tpu.memory_space<vmem>>
      %dma_wait3A_453 = arith.constant 0 : i32
      %dma_wait3A_454 = arith.constant 0 : i32
      %dma_wait3A_455 = tpu.memref_slice %arg12[%dma_wait3A_453, %dma_wait3A_454] : memref<10240x32xbf16, #tpu.memory_space<vmem_shared>> -> memref<10240x32xbf16, #tpu.memory_space<vmem_shared>>
      tpu.wait_indirect_dma semaphore(%arg11 : memref<!tpu.dma_semaphore, #tpu.memory_space<semaphore_mem>>) src(%dma_wait3A_449 : memref<125x32xbf16, #tpu.memory_space<vmem>>) dst(%dma_wait3A_455 : memref<10240x32xbf16, #tpu.memory_space<vmem_shared>>)
    }
    %scan3A_100 = arith.constant 10 : i32
    %barrier3A_101 = arith.constant 0 : index
    tpu.barrier barrier_id(%barrier3A_101)
    %mul3A_102 = arith.constant 640 : i32
    %mul3A_103 = arith.muli %arg1, %mul3A_102 : i32
    %mul3A_104 = arith.constant 640 : i32
    %mul3A_105 = arith.muli %arg1, %mul3A_104 : i32
    "tpu.region"() ({
      %run_scoped3A_106 = tpu.sem_alloc : memref<!tpu.dma_semaphore, #tpu.memory_space<semaphore_mem>>
      %dma_start3A_107 = arith.constant 0 : i32
      %dma_start3A_108 = tpu.memref_slice %arg4[%arg0, %mul3A_105, %dma_start3A_107] : memref<2x10240x32xbf16, #tpu.memory_space<hbm>> -> memref<1x640x32xbf16, #tpu.memory_space<hbm>>
      %dma_start3A_109 = tpu.memref_squeeze %dma_start3A_108 : memref<1x640x32xbf16, #tpu.memory_space<hbm>> -> memref<640x32xbf16, #tpu.memory_space<hbm>>
      %dma_start3A_110 = arith.constant 0 : i32
      %dma_start3A_111 = tpu.memref_slice %arg12[%mul3A_103, %dma_start3A_110] : memref<10240x32xbf16, #tpu.memory_space<vmem_shared>> -> memref<640x32xbf16, #tpu.memory_space<vmem_shared>>
      tpu.enqueue_dma source(%dma_start3A_111 : memref<640x32xbf16, #tpu.memory_space<vmem_shared>>) target(%dma_start3A_109 : memref<640x32xbf16, #tpu.memory_space<hbm>>) target_semaphore(%run_scoped3A_106 : memref<!tpu.dma_semaphore, #tpu.memory_space<semaphore_mem>>)
      %dma_wait3A = arith.constant 0 : i32
      %dma_wait3A_112 = tpu.memref_slice %arg4[%arg0, %mul3A_105, %dma_wait3A] : memref<2x10240x32xbf16, #tpu.memory_space<hbm>> -> memref<1x640x32xbf16, #tpu.memory_space<hbm>>
      %dma_wait3A_113 = tpu.memref_squeeze %dma_wait3A_112 : memref<1x640x32xbf16, #tpu.memory_space<hbm>> -> memref<640x32xbf16, #tpu.memory_space<hbm>>
      %dma_wait3A_114 = arith.constant 0 : i32
      %dma_wait3A_115 = tpu.memref_slice %arg12[%mul3A_103, %dma_wait3A_114] : memref<10240x32xbf16, #tpu.memory_space<vmem_shared>> -> memref<640x32xbf16, #tpu.memory_space<vmem_shared>>
      tpu.wait_dma2 semaphore(%run_scoped3A_106 : memref<!tpu.dma_semaphore, #tpu.memory_space<semaphore_mem>>) src(%dma_wait3A_115 : memref<640x32xbf16, #tpu.memory_space<vmem_shared>>) dst(%dma_wait3A_113 : memref<640x32xbf16, #tpu.memory_space<hbm>>)
      tpu.yield
    }) : () -> ()
    return
  }
}

#map = affine_map<(d0, d1) -> (0, 0, 0, 0)>
#map1 = affine_map<(d0, d1) -> (0, 0, 0)>
module attributes {stable_mosaic.version = 14 : i64} {
  func.func @k(%arg0: i32, %arg1: i32, %arg2: memref<2x32x80x125xi32, #tpu.memory_space<hbm>>, %arg3: memref<2x10240x16xf32, #tpu.memory_space<hbm>>, %arg4: memref<80x125xi32, #tpu.memory_space<vmem>>, %arg5: memref<125x16xf32, #tpu.memory_space<vmem>>, %arg6: memref<640x16xf32, #tpu.memory_space<vmem>>, %arg7: memref<!tpu.dma_semaphore, #tpu.memory_space<semaphore_mem>>, %arg8: memref<10240x16xf32, #tpu.memory_space<vmem_shared>>) attributes {dimension_semantics = [#tpu.dimension_semantics<core_parallel>, #tpu.dimension_semantics<subcore_parallel>], iteration_bounds = array<i64: 2, 16>, scalar_prefetch = 0 : i64, scratch_operands = 5 : i64, tpu.core_type = #tpu.core_type<sc_vector_subcore>, window_params = [{transform_indices = #map}, {transform_indices = #map1}]} {
    %mul3A = arith.constant 2 : i32
    %mul3A_0 = arith.muli %arg1, %mul3A : i32
    %add3A = arith.addi %mul3A_0, %arg0 : i32
    %broadcast_in_dim3A = arith.constant 1.000000e+00 : f32
    %broadcast_in_dim3A_1 = vector.broadcast %broadcast_in_dim3A : f32 to vector<16xf32>
    %scan3A = arith.constant 0 : i32
    %scan3A_2 = arith.constant 0 : i32
    %scan3A_3 = arith.constant 125 : i32
    %scan3A_4 = arith.addi %scan3A_2, %scan3A_3 : i32
    %scan3A_5 = arith.constant 1 : i32
    scf.for %scan3A_28 = %scan3A_2 to %scan3A_4 step %scan3A_5  : i32 {
      %swap3A = arith.index_cast %scan3A_28 : i32 to index
      %swap3A_29 = arith.constant 0 : index
      %swap3A_30 = tpu.vector_load %arg5[%swap3A, %swap3A_29] {strides = array<i32>} : memref<125x16xf32, #tpu.memory_space<vmem>>, vector<1x16xf32>,
      %swap3A_31 = vector.shape_cast %swap3A_30 : vector<1x16xf32> to vector<16xf32>
      %swap3A_32 = vector.shape_cast %broadcast_in_dim3A_1 : vector<16xf32> to vector<1x16xf32>
      tpu.vector_store %arg5[%swap3A, %swap3A_29], %swap3A_32 {strides = array<i32>} : memref<125x16xf32, #tpu.memory_space<vmem>>, vector<1x16xf32>,
    }
    %scan3A_6 = arith.constant 125 : i32
    %broadcast_in_dim3A_7 = arith.constant 0.000000e+00 : f32
    %broadcast_in_dim3A_8 = vector.broadcast %broadcast_in_dim3A_7 : f32 to vector<16xf32>
    %scan3A_9 = arith.constant 0 : i32
    %scan3A_10 = arith.constant 0 : i32
    %scan3A_11 = arith.constant 640 : i32
    %scan3A_12 = arith.addi %scan3A_10, %scan3A_11 : i32
    %scan3A_13 = arith.constant 1 : i32
    scf.for %scan3A_28 = %scan3A_10 to %scan3A_12 step %scan3A_13  : i32 {
      %swap3A = arith.index_cast %scan3A_28 : i32 to index
      %swap3A_29 = arith.constant 0 : index
      %swap3A_30 = tpu.vector_load %arg6[%swap3A, %swap3A_29] {strides = array<i32>} : memref<640x16xf32, #tpu.memory_space<vmem>>, vector<1x16xf32>,
      %swap3A_31 = vector.shape_cast %swap3A_30 : vector<1x16xf32> to vector<16xf32>
      %swap3A_32 = vector.shape_cast %broadcast_in_dim3A_8 : vector<16xf32> to vector<1x16xf32>
      tpu.vector_store %arg6[%swap3A, %swap3A_29], %swap3A_32 {strides = array<i32>} : memref<640x16xf32, #tpu.memory_space<vmem>>, vector<1x16xf32>,
    }
    %scan3A_14 = arith.constant 640 : i32
    %mul3A_15 = arith.constant 640 : i32
    %mul3A_16 = arith.muli %arg1, %mul3A_15 : i32
    "tpu.region"() ({
      %run_scoped3A_28 = tpu.sem_alloc : memref<!tpu.dma_semaphore, #tpu.memory_space<semaphore_mem>>
      %dma_start3A = arith.constant 0 : i32
      %dma_start3A_29 = tpu.memref_slice %arg8[%mul3A_16, %dma_start3A] : memref<10240x16xf32, #tpu.memory_space<vmem_shared>> -> memref<640x16xf32, #tpu.memory_space<vmem_shared>>
      %dma_start3A_30 = arith.constant 0 : i32
      %dma_start3A_31 = tpu.memref_slice %arg8[%mul3A_16, %dma_start3A_30] : memref<10240x16xf32, #tpu.memory_space<vmem_shared>> -> memref<640x16xf32, #tpu.memory_space<vmem_shared>>
      tpu.enqueue_dma source(%arg6 : memref<640x16xf32, #tpu.memory_space<vmem>>) target(%dma_start3A_31 : memref<640x16xf32, #tpu.memory_space<vmem_shared>>) target_semaphore(%run_scoped3A_28 : memref<!tpu.dma_semaphore, #tpu.memory_space<semaphore_mem>>)
      %dma_wait3A = arith.constant 0 : i32
      %dma_wait3A_32 = tpu.memref_slice %arg8[%mul3A_16, %dma_wait3A] : memref<10240x16xf32, #tpu.memory_space<vmem_shared>> -> memref<640x16xf32, #tpu.memory_space<vmem_shared>>
      %dma_wait3A_33 = arith.constant 0 : i32
      %dma_wait3A_34 = tpu.memref_slice %arg8[%mul3A_16, %dma_wait3A_33] : memref<10240x16xf32, #tpu.memory_space<vmem_shared>> -> memref<640x16xf32, #tpu.memory_space<vmem_shared>>
      tpu.wait_dma2 semaphore(%run_scoped3A_28 : memref<!tpu.dma_semaphore, #tpu.memory_space<semaphore_mem>>) src(%arg6 : memref<640x16xf32, #tpu.memory_space<vmem>>) dst(%dma_wait3A_34 : memref<640x16xf32, #tpu.memory_space<vmem_shared>>)
      tpu.yield
    }) : () -> ()
    %run_scoped3A = arith.constant 1 : i32
    "tpu.region"() ({
      %run_scoped3A_28 = tpu.sem_alloc : memref<!tpu.dma_semaphore, #tpu.memory_space<semaphore_mem>>
      %dma_start3A = arith.constant 0 : i32
      %dma_start3A_29 = arith.constant 0 : i32
      %dma_start3A_30 = tpu.memref_slice %arg2[%run_scoped3A, %add3A, %dma_start3A, %dma_start3A_29] : memref<2x32x80x125xi32, #tpu.memory_space<hbm>> -> memref<1x1x80x125xi32, #tpu.memory_space<hbm>>
      %dma_start3A_31 = tpu.memref_squeeze %dma_start3A_30 : memref<1x1x80x125xi32, #tpu.memory_space<hbm>> -> memref<80x125xi32, #tpu.memory_space<hbm>>
      %dma_start3A_32 = arith.constant 0 : i32
      %dma_start3A_33 = arith.constant 0 : i32
      %dma_start3A_34 = tpu.memref_slice %arg2[%run_scoped3A, %add3A, %dma_start3A_32, %dma_start3A_33] : memref<2x32x80x125xi32, #tpu.memory_space<hbm>> -> memref<1x1x80x125xi32, #tpu.memory_space<hbm>>
      %dma_start3A_35 = tpu.memref_squeeze %dma_start3A_34 : memref<1x1x80x125xi32, #tpu.memory_space<hbm>> -> memref<80x125xi32, #tpu.memory_space<hbm>>
      tpu.enqueue_dma source(%dma_start3A_35 : memref<80x125xi32, #tpu.memory_space<hbm>>) target(%arg4 : memref<80x125xi32, #tpu.memory_space<vmem>>) target_semaphore(%run_scoped3A_28 : memref<!tpu.dma_semaphore, #tpu.memory_space<semaphore_mem>>)
      %dma_wait3A = arith.constant 0 : i32
      %dma_wait3A_36 = arith.constant 0 : i32
      %dma_wait3A_37 = tpu.memref_slice %arg2[%run_scoped3A, %add3A, %dma_wait3A, %dma_wait3A_36] : memref<2x32x80x125xi32, #tpu.memory_space<hbm>> -> memref<1x1x80x125xi32, #tpu.memory_space<hbm>>
      %dma_wait3A_38 = tpu.memref_squeeze %dma_wait3A_37 : memref<1x1x80x125xi32, #tpu.memory_space<hbm>> -> memref<80x125xi32, #tpu.memory_space<hbm>>
      %dma_wait3A_39 = arith.constant 0 : i32
      %dma_wait3A_40 = arith.constant 0 : i32
      %dma_wait3A_41 = tpu.memref_slice %arg2[%run_scoped3A, %add3A, %dma_wait3A_39, %dma_wait3A_40] : memref<2x32x80x125xi32, #tpu.memory_space<hbm>> -> memref<1x1x80x125xi32, #tpu.memory_space<hbm>>
      %dma_wait3A_42 = tpu.memref_squeeze %dma_wait3A_41 : memref<1x1x80x125xi32, #tpu.memory_space<hbm>> -> memref<80x125xi32, #tpu.memory_space<hbm>>
      tpu.wait_dma2 semaphore(%run_scoped3A_28 : memref<!tpu.dma_semaphore, #tpu.memory_space<semaphore_mem>>) src(%dma_wait3A_42 : memref<80x125xi32, #tpu.memory_space<hbm>>) dst(%arg4 : memref<80x125xi32, #tpu.memory_space<vmem>>)
      tpu.yield
    }) : () -> ()
    %barrier3A = arith.constant 0 : index
    tpu.barrier barrier_id(%barrier3A)
    %scan3A_17 = arith.constant 0 : i32
    %scan3A_18 = arith.constant 0 : i32
    %scan3A_19 = arith.constant 10 : i32
    %scan3A_20 = arith.addi %scan3A_18, %scan3A_19 : i32
    %scan3A_21 = arith.constant 1 : i32
    scf.for %scan3A_28 = %scan3A_18 to %scan3A_20 step %scan3A_21  : i32 {
      %mul3A_29 = arith.constant 8 : i32
      %mul3A_30 = arith.muli %mul3A_29, %scan3A_28 : i32
      %add3A_31 = arith.constant 0 : i32
      %add3A_32 = arith.addi %mul3A_30, %add3A_31 : i32
      %dma_start3A = arith.constant 0 : i32
      %dma_start3A_33 = tpu.memref_slice %arg4[%add3A_32, %dma_start3A] : memref<80x125xi32, #tpu.memory_space<vmem>> -> memref<1x125xi32, #tpu.memory_space<vmem>>
      %dma_start3A_34 = tpu.memref_squeeze %dma_start3A_33 : memref<1x125xi32, #tpu.memory_space<vmem>> -> memref<125xi32, #tpu.memory_space<vmem>>
      %dma_start3A_35 = arith.constant 0 : i32
      %dma_start3A_36 = arith.constant 0 : i32
      %dma_start3A_37 = tpu.memref_slice %arg8[%dma_start3A_35, %dma_start3A_36] : memref<10240x16xf32, #tpu.memory_space<vmem_shared>> -> memref<10240x16xf32, #tpu.memory_space<vmem_shared>>
      tpu.enqueue_indirect_dma source(%arg5 : memref<125x16xf32, #tpu.memory_space<vmem>>) target(%dma_start3A_37 : memref<10240x16xf32, #tpu.memory_space<vmem_shared>>) offsets(%dma_start3A_34 : memref<125xi32, #tpu.memory_space<vmem>>) semaphore(%arg7 : memref<!tpu.dma_semaphore, #tpu.memory_space<semaphore_mem>>) {add = true}
      %mul3A_38 = arith.constant 8 : i32
      %mul3A_39 = arith.muli %mul3A_38, %scan3A_28 : i32
      %add3A_40 = arith.constant 1 : i32
      %add3A_41 = arith.addi %mul3A_39, %add3A_40 : i32
      %dma_start3A_42 = arith.constant 0 : i32
      %dma_start3A_43 = tpu.memref_slice %arg4[%add3A_41, %dma_start3A_42] : memref<80x125xi32, #tpu.memory_space<vmem>> -> memref<1x125xi32, #tpu.memory_space<vmem>>
      %dma_start3A_44 = tpu.memref_squeeze %dma_start3A_43 : memref<1x125xi32, #tpu.memory_space<vmem>> -> memref<125xi32, #tpu.memory_space<vmem>>
      %dma_start3A_45 = arith.constant 0 : i32
      %dma_start3A_46 = arith.constant 0 : i32
      %dma_start3A_47 = tpu.memref_slice %arg8[%dma_start3A_45, %dma_start3A_46] : memref<10240x16xf32, #tpu.memory_space<vmem_shared>> -> memref<10240x16xf32, #tpu.memory_space<vmem_shared>>
      tpu.enqueue_indirect_dma source(%arg5 : memref<125x16xf32, #tpu.memory_space<vmem>>) target(%dma_start3A_47 : memref<10240x16xf32, #tpu.memory_space<vmem_shared>>) offsets(%dma_start3A_44 : memref<125xi32, #tpu.memory_space<vmem>>) semaphore(%arg7 : memref<!tpu.dma_semaphore, #tpu.memory_space<semaphore_mem>>) {add = true}
      %mul3A_48 = arith.constant 8 : i32
      %mul3A_49 = arith.muli %mul3A_48, %scan3A_28 : i32
      %add3A_50 = arith.constant 2 : i32
      %add3A_51 = arith.addi %mul3A_49, %add3A_50 : i32
      %dma_start3A_52 = arith.constant 0 : i32
      %dma_start3A_53 = tpu.memref_slice %arg4[%add3A_51, %dma_start3A_52] : memref<80x125xi32, #tpu.memory_space<vmem>> -> memref<1x125xi32, #tpu.memory_space<vmem>>
      %dma_start3A_54 = tpu.memref_squeeze %dma_start3A_53 : memref<1x125xi32, #tpu.memory_space<vmem>> -> memref<125xi32, #tpu.memory_space<vmem>>
      %dma_start3A_55 = arith.constant 0 : i32
      %dma_start3A_56 = arith.constant 0 : i32
      %dma_start3A_57 = tpu.memref_slice %arg8[%dma_start3A_55, %dma_start3A_56] : memref<10240x16xf32, #tpu.memory_space<vmem_shared>> -> memref<10240x16xf32, #tpu.memory_space<vmem_shared>>
      tpu.enqueue_indirect_dma source(%arg5 : memref<125x16xf32, #tpu.memory_space<vmem>>) target(%dma_start3A_57 : memref<10240x16xf32, #tpu.memory_space<vmem_shared>>) offsets(%dma_start3A_54 : memref<125xi32, #tpu.memory_space<vmem>>) semaphore(%arg7 : memref<!tpu.dma_semaphore, #tpu.memory_space<semaphore_mem>>) {add = true}
      %mul3A_58 = arith.constant 8 : i32
      %mul3A_59 = arith.muli %mul3A_58, %scan3A_28 : i32
      %add3A_60 = arith.constant 3 : i32
      %add3A_61 = arith.addi %mul3A_59, %add3A_60 : i32
      %dma_start3A_62 = arith.constant 0 : i32
      %dma_start3A_63 = tpu.memref_slice %arg4[%add3A_61, %dma_start3A_62] : memref<80x125xi32, #tpu.memory_space<vmem>> -> memref<1x125xi32, #tpu.memory_space<vmem>>
      %dma_start3A_64 = tpu.memref_squeeze %dma_start3A_63 : memref<1x125xi32, #tpu.memory_space<vmem>> -> memref<125xi32, #tpu.memory_space<vmem>>
      %dma_start3A_65 = arith.constant 0 : i32
      %dma_start3A_66 = arith.constant 0 : i32
      %dma_start3A_67 = tpu.memref_slice %arg8[%dma_start3A_65, %dma_start3A_66] : memref<10240x16xf32, #tpu.memory_space<vmem_shared>> -> memref<10240x16xf32, #tpu.memory_space<vmem_shared>>
      tpu.enqueue_indirect_dma source(%arg5 : memref<125x16xf32, #tpu.memory_space<vmem>>) target(%dma_start3A_67 : memref<10240x16xf32, #tpu.memory_space<vmem_shared>>) offsets(%dma_start3A_64 : memref<125xi32, #tpu.memory_space<vmem>>) semaphore(%arg7 : memref<!tpu.dma_semaphore, #tpu.memory_space<semaphore_mem>>) {add = true}
      %mul3A_68 = arith.constant 8 : i32
      %mul3A_69 = arith.muli %mul3A_68, %scan3A_28 : i32
      %add3A_70 = arith.constant 4 : i32
      %add3A_71 = arith.addi %mul3A_69, %add3A_70 : i32
      %dma_start3A_72 = arith.constant 0 : i32
      %dma_start3A_73 = tpu.memref_slice %arg4[%add3A_71, %dma_start3A_72] : memref<80x125xi32, #tpu.memory_space<vmem>> -> memref<1x125xi32, #tpu.memory_space<vmem>>
      %dma_start3A_74 = tpu.memref_squeeze %dma_start3A_73 : memref<1x125xi32, #tpu.memory_space<vmem>> -> memref<125xi32, #tpu.memory_space<vmem>>
      %dma_start3A_75 = arith.constant 0 : i32
      %dma_start3A_76 = arith.constant 0 : i32
      %dma_start3A_77 = tpu.memref_slice %arg8[%dma_start3A_75, %dma_start3A_76] : memref<10240x16xf32, #tpu.memory_space<vmem_shared>> -> memref<10240x16xf32, #tpu.memory_space<vmem_shared>>
      tpu.enqueue_indirect_dma source(%arg5 : memref<125x16xf32, #tpu.memory_space<vmem>>) target(%dma_start3A_77 : memref<10240x16xf32, #tpu.memory_space<vmem_shared>>) offsets(%dma_start3A_74 : memref<125xi32, #tpu.memory_space<vmem>>) semaphore(%arg7 : memref<!tpu.dma_semaphore, #tpu.memory_space<semaphore_mem>>) {add = true}
      %mul3A_78 = arith.constant 8 : i32
      %mul3A_79 = arith.muli %mul3A_78, %scan3A_28 : i32
      %add3A_80 = arith.constant 5 : i32
      %add3A_81 = arith.addi %mul3A_79, %add3A_80 : i32
      %dma_start3A_82 = arith.constant 0 : i32
      %dma_start3A_83 = tpu.memref_slice %arg4[%add3A_81, %dma_start3A_82] : memref<80x125xi32, #tpu.memory_space<vmem>> -> memref<1x125xi32, #tpu.memory_space<vmem>>
      %dma_start3A_84 = tpu.memref_squeeze %dma_start3A_83 : memref<1x125xi32, #tpu.memory_space<vmem>> -> memref<125xi32, #tpu.memory_space<vmem>>
      %dma_start3A_85 = arith.constant 0 : i32
      %dma_start3A_86 = arith.constant 0 : i32
      %dma_start3A_87 = tpu.memref_slice %arg8[%dma_start3A_85, %dma_start3A_86] : memref<10240x16xf32, #tpu.memory_space<vmem_shared>> -> memref<10240x16xf32, #tpu.memory_space<vmem_shared>>
      tpu.enqueue_indirect_dma source(%arg5 : memref<125x16xf32, #tpu.memory_space<vmem>>) target(%dma_start3A_87 : memref<10240x16xf32, #tpu.memory_space<vmem_shared>>) offsets(%dma_start3A_84 : memref<125xi32, #tpu.memory_space<vmem>>) semaphore(%arg7 : memref<!tpu.dma_semaphore, #tpu.memory_space<semaphore_mem>>) {add = true}
      %mul3A_88 = arith.constant 8 : i32
      %mul3A_89 = arith.muli %mul3A_88, %scan3A_28 : i32
      %add3A_90 = arith.constant 6 : i32
      %add3A_91 = arith.addi %mul3A_89, %add3A_90 : i32
      %dma_start3A_92 = arith.constant 0 : i32
      %dma_start3A_93 = tpu.memref_slice %arg4[%add3A_91, %dma_start3A_92] : memref<80x125xi32, #tpu.memory_space<vmem>> -> memref<1x125xi32, #tpu.memory_space<vmem>>
      %dma_start3A_94 = tpu.memref_squeeze %dma_start3A_93 : memref<1x125xi32, #tpu.memory_space<vmem>> -> memref<125xi32, #tpu.memory_space<vmem>>
      %dma_start3A_95 = arith.constant 0 : i32
      %dma_start3A_96 = arith.constant 0 : i32
      %dma_start3A_97 = tpu.memref_slice %arg8[%dma_start3A_95, %dma_start3A_96] : memref<10240x16xf32, #tpu.memory_space<vmem_shared>> -> memref<10240x16xf32, #tpu.memory_space<vmem_shared>>
      tpu.enqueue_indirect_dma source(%arg5 : memref<125x16xf32, #tpu.memory_space<vmem>>) target(%dma_start3A_97 : memref<10240x16xf32, #tpu.memory_space<vmem_shared>>) offsets(%dma_start3A_94 : memref<125xi32, #tpu.memory_space<vmem>>) semaphore(%arg7 : memref<!tpu.dma_semaphore, #tpu.memory_space<semaphore_mem>>) {add = true}
      %mul3A_98 = arith.constant 8 : i32
      %mul3A_99 = arith.muli %mul3A_98, %scan3A_28 : i32
      %add3A_100 = arith.constant 7 : i32
      %add3A_101 = arith.addi %mul3A_99, %add3A_100 : i32
      %dma_start3A_102 = arith.constant 0 : i32
      %dma_start3A_103 = tpu.memref_slice %arg4[%add3A_101, %dma_start3A_102] : memref<80x125xi32, #tpu.memory_space<vmem>> -> memref<1x125xi32, #tpu.memory_space<vmem>>
      %dma_start3A_104 = tpu.memref_squeeze %dma_start3A_103 : memref<1x125xi32, #tpu.memory_space<vmem>> -> memref<125xi32, #tpu.memory_space<vmem>>
      %dma_start3A_105 = arith.constant 0 : i32
      %dma_start3A_106 = arith.constant 0 : i32
      %dma_start3A_107 = tpu.memref_slice %arg8[%dma_start3A_105, %dma_start3A_106] : memref<10240x16xf32, #tpu.memory_space<vmem_shared>> -> memref<10240x16xf32, #tpu.memory_space<vmem_shared>>
      tpu.enqueue_indirect_dma source(%arg5 : memref<125x16xf32, #tpu.memory_space<vmem>>) target(%dma_start3A_107 : memref<10240x16xf32, #tpu.memory_space<vmem_shared>>) offsets(%dma_start3A_104 : memref<125xi32, #tpu.memory_space<vmem>>) semaphore(%arg7 : memref<!tpu.dma_semaphore, #tpu.memory_space<semaphore_mem>>) {add = true}
      %dma_wait3A = arith.constant 0 : i32
      %dma_wait3A_108 = tpu.memref_slice %arg4[%add3A_32, %dma_wait3A] : memref<80x125xi32, #tpu.memory_space<vmem>> -> memref<1x125xi32, #tpu.memory_space<vmem>>
      %dma_wait3A_109 = tpu.memref_squeeze %dma_wait3A_108 : memref<1x125xi32, #tpu.memory_space<vmem>> -> memref<125xi32, #tpu.memory_space<vmem>>
      %dma_wait3A_110 = arith.constant 0 : i32
      %dma_wait3A_111 = arith.constant 0 : i32
      %dma_wait3A_112 = tpu.memref_slice %arg8[%dma_wait3A_110, %dma_wait3A_111] : memref<10240x16xf32, #tpu.memory_space<vmem_shared>> -> memref<10240x16xf32, #tpu.memory_space<vmem_shared>>
      tpu.wait_indirect_dma semaphore(%arg7 : memref<!tpu.dma_semaphore, #tpu.memory_space<semaphore_mem>>) src(%arg5 : memref<125x16xf32, #tpu.memory_space<vmem>>) dst(%dma_wait3A_112 : memref<10240x16xf32, #tpu.memory_space<vmem_shared>>)
      %dma_wait3A_113 = arith.constant 0 : i32
      %dma_wait3A_114 = tpu.memref_slice %arg4[%add3A_41, %dma_wait3A_113] : memref<80x125xi32, #tpu.memory_space<vmem>> -> memref<1x125xi32, #tpu.memory_space<vmem>>
      %dma_wait3A_115 = tpu.memref_squeeze %dma_wait3A_114 : memref<1x125xi32, #tpu.memory_space<vmem>> -> memref<125xi32, #tpu.memory_space<vmem>>
      %dma_wait3A_116 = arith.constant 0 : i32
      %dma_wait3A_117 = arith.constant 0 : i32
      %dma_wait3A_118 = tpu.memref_slice %arg8[%dma_wait3A_116, %dma_wait3A_117] : memref<10240x16xf32, #tpu.memory_space<vmem_shared>> -> memref<10240x16xf32, #tpu.memory_space<vmem_shared>>
      tpu.wait_indirect_dma semaphore(%arg7 : memref<!tpu.dma_semaphore, #tpu.memory_space<semaphore_mem>>) src(%arg5 : memref<125x16xf32, #tpu.memory_space<vmem>>) dst(%dma_wait3A_118 : memref<10240x16xf32, #tpu.memory_space<vmem_shared>>)
      %dma_wait3A_119 = arith.constant 0 : i32
      %dma_wait3A_120 = tpu.memref_slice %arg4[%add3A_51, %dma_wait3A_119] : memref<80x125xi32, #tpu.memory_space<vmem>> -> memref<1x125xi32, #tpu.memory_space<vmem>>
      %dma_wait3A_121 = tpu.memref_squeeze %dma_wait3A_120 : memref<1x125xi32, #tpu.memory_space<vmem>> -> memref<125xi32, #tpu.memory_space<vmem>>
      %dma_wait3A_122 = arith.constant 0 : i32
      %dma_wait3A_123 = arith.constant 0 : i32
      %dma_wait3A_124 = tpu.memref_slice %arg8[%dma_wait3A_122, %dma_wait3A_123] : memref<10240x16xf32, #tpu.memory_space<vmem_shared>> -> memref<10240x16xf32, #tpu.memory_space<vmem_shared>>
      tpu.wait_indirect_dma semaphore(%arg7 : memref<!tpu.dma_semaphore, #tpu.memory_space<semaphore_mem>>) src(%arg5 : memref<125x16xf32, #tpu.memory_space<vmem>>) dst(%dma_wait3A_124 : memref<10240x16xf32, #tpu.memory_space<vmem_shared>>)
      %dma_wait3A_125 = arith.constant 0 : i32
      %dma_wait3A_126 = tpu.memref_slice %arg4[%add3A_61, %dma_wait3A_125] : memref<80x125xi32, #tpu.memory_space<vmem>> -> memref<1x125xi32, #tpu.memory_space<vmem>>
      %dma_wait3A_127 = tpu.memref_squeeze %dma_wait3A_126 : memref<1x125xi32, #tpu.memory_space<vmem>> -> memref<125xi32, #tpu.memory_space<vmem>>
      %dma_wait3A_128 = arith.constant 0 : i32
      %dma_wait3A_129 = arith.constant 0 : i32
      %dma_wait3A_130 = tpu.memref_slice %arg8[%dma_wait3A_128, %dma_wait3A_129] : memref<10240x16xf32, #tpu.memory_space<vmem_shared>> -> memref<10240x16xf32, #tpu.memory_space<vmem_shared>>
      tpu.wait_indirect_dma semaphore(%arg7 : memref<!tpu.dma_semaphore, #tpu.memory_space<semaphore_mem>>) src(%arg5 : memref<125x16xf32, #tpu.memory_space<vmem>>) dst(%dma_wait3A_130 : memref<10240x16xf32, #tpu.memory_space<vmem_shared>>)
      %dma_wait3A_131 = arith.constant 0 : i32
      %dma_wait3A_132 = tpu.memref_slice %arg4[%add3A_71, %dma_wait3A_131] : memref<80x125xi32, #tpu.memory_space<vmem>> -> memref<1x125xi32, #tpu.memory_space<vmem>>
      %dma_wait3A_133 = tpu.memref_squeeze %dma_wait3A_132 : memref<1x125xi32, #tpu.memory_space<vmem>> -> memref<125xi32, #tpu.memory_space<vmem>>
      %dma_wait3A_134 = arith.constant 0 : i32
      %dma_wait3A_135 = arith.constant 0 : i32
      %dma_wait3A_136 = tpu.memref_slice %arg8[%dma_wait3A_134, %dma_wait3A_135] : memref<10240x16xf32, #tpu.memory_space<vmem_shared>> -> memref<10240x16xf32, #tpu.memory_space<vmem_shared>>
      tpu.wait_indirect_dma semaphore(%arg7 : memref<!tpu.dma_semaphore, #tpu.memory_space<semaphore_mem>>) src(%arg5 : memref<125x16xf32, #tpu.memory_space<vmem>>) dst(%dma_wait3A_136 : memref<10240x16xf32, #tpu.memory_space<vmem_shared>>)
      %dma_wait3A_137 = arith.constant 0 : i32
      %dma_wait3A_138 = tpu.memref_slice %arg4[%add3A_81, %dma_wait3A_137] : memref<80x125xi32, #tpu.memory_space<vmem>> -> memref<1x125xi32, #tpu.memory_space<vmem>>
      %dma_wait3A_139 = tpu.memref_squeeze %dma_wait3A_138 : memref<1x125xi32, #tpu.memory_space<vmem>> -> memref<125xi32, #tpu.memory_space<vmem>>
      %dma_wait3A_140 = arith.constant 0 : i32
      %dma_wait3A_141 = arith.constant 0 : i32
      %dma_wait3A_142 = tpu.memref_slice %arg8[%dma_wait3A_140, %dma_wait3A_141] : memref<10240x16xf32, #tpu.memory_space<vmem_shared>> -> memref<10240x16xf32, #tpu.memory_space<vmem_shared>>
      tpu.wait_indirect_dma semaphore(%arg7 : memref<!tpu.dma_semaphore, #tpu.memory_space<semaphore_mem>>) src(%arg5 : memref<125x16xf32, #tpu.memory_space<vmem>>) dst(%dma_wait3A_142 : memref<10240x16xf32, #tpu.memory_space<vmem_shared>>)
      %dma_wait3A_143 = arith.constant 0 : i32
      %dma_wait3A_144 = tpu.memref_slice %arg4[%add3A_91, %dma_wait3A_143] : memref<80x125xi32, #tpu.memory_space<vmem>> -> memref<1x125xi32, #tpu.memory_space<vmem>>
      %dma_wait3A_145 = tpu.memref_squeeze %dma_wait3A_144 : memref<1x125xi32, #tpu.memory_space<vmem>> -> memref<125xi32, #tpu.memory_space<vmem>>
      %dma_wait3A_146 = arith.constant 0 : i32
      %dma_wait3A_147 = arith.constant 0 : i32
      %dma_wait3A_148 = tpu.memref_slice %arg8[%dma_wait3A_146, %dma_wait3A_147] : memref<10240x16xf32, #tpu.memory_space<vmem_shared>> -> memref<10240x16xf32, #tpu.memory_space<vmem_shared>>
      tpu.wait_indirect_dma semaphore(%arg7 : memref<!tpu.dma_semaphore, #tpu.memory_space<semaphore_mem>>) src(%arg5 : memref<125x16xf32, #tpu.memory_space<vmem>>) dst(%dma_wait3A_148 : memref<10240x16xf32, #tpu.memory_space<vmem_shared>>)
      %dma_wait3A_149 = arith.constant 0 : i32
      %dma_wait3A_150 = tpu.memref_slice %arg4[%add3A_101, %dma_wait3A_149] : memref<80x125xi32, #tpu.memory_space<vmem>> -> memref<1x125xi32, #tpu.memory_space<vmem>>
      %dma_wait3A_151 = tpu.memref_squeeze %dma_wait3A_150 : memref<1x125xi32, #tpu.memory_space<vmem>> -> memref<125xi32, #tpu.memory_space<vmem>>
      %dma_wait3A_152 = arith.constant 0 : i32
      %dma_wait3A_153 = arith.constant 0 : i32
      %dma_wait3A_154 = tpu.memref_slice %arg8[%dma_wait3A_152, %dma_wait3A_153] : memref<10240x16xf32, #tpu.memory_space<vmem_shared>> -> memref<10240x16xf32, #tpu.memory_space<vmem_shared>>
      tpu.wait_indirect_dma semaphore(%arg7 : memref<!tpu.dma_semaphore, #tpu.memory_space<semaphore_mem>>) src(%arg5 : memref<125x16xf32, #tpu.memory_space<vmem>>) dst(%dma_wait3A_154 : memref<10240x16xf32, #tpu.memory_space<vmem_shared>>)
    }
    %scan3A_22 = arith.constant 10 : i32
    %barrier3A_23 = arith.constant 0 : index
    tpu.barrier barrier_id(%barrier3A_23)
    %mul3A_24 = arith.constant 640 : i32
    %mul3A_25 = arith.muli %arg1, %mul3A_24 : i32
    %mul3A_26 = arith.constant 640 : i32
    %mul3A_27 = arith.muli %arg1, %mul3A_26 : i32
    "tpu.region"() ({
      %run_scoped3A_28 = tpu.sem_alloc : memref<!tpu.dma_semaphore, #tpu.memory_space<semaphore_mem>>
      %dma_start3A = arith.constant 0 : i32
      %dma_start3A_29 = tpu.memref_slice %arg3[%arg0, %mul3A_27, %dma_start3A] : memref<2x10240x16xf32, #tpu.memory_space<hbm>> -> memref<1x640x16xf32, #tpu.memory_space<hbm>>
      %dma_start3A_30 = tpu.memref_squeeze %dma_start3A_29 : memref<1x640x16xf32, #tpu.memory_space<hbm>> -> memref<640x16xf32, #tpu.memory_space<hbm>>
      %dma_start3A_31 = arith.constant 0 : i32
      %dma_start3A_32 = tpu.memref_slice %arg8[%mul3A_25, %dma_start3A_31] : memref<10240x16xf32, #tpu.memory_space<vmem_shared>> -> memref<640x16xf32, #tpu.memory_space<vmem_shared>>
      tpu.enqueue_dma source(%dma_start3A_32 : memref<640x16xf32, #tpu.memory_space<vmem_shared>>) target(%dma_start3A_30 : memref<640x16xf32, #tpu.memory_space<hbm>>) target_semaphore(%run_scoped3A_28 : memref<!tpu.dma_semaphore, #tpu.memory_space<semaphore_mem>>)
      %dma_wait3A = arith.constant 0 : i32
      %dma_wait3A_33 = tpu.memref_slice %arg3[%arg0, %mul3A_27, %dma_wait3A] : memref<2x10240x16xf32, #tpu.memory_space<hbm>> -> memref<1x640x16xf32, #tpu.memory_space<hbm>>
      %dma_wait3A_34 = tpu.memref_squeeze %dma_wait3A_33 : memref<1x640x16xf32, #tpu.memory_space<hbm>> -> memref<640x16xf32, #tpu.memory_space<hbm>>
      %dma_wait3A_35 = arith.constant 0 : i32
      %dma_wait3A_36 = tpu.memref_slice %arg8[%mul3A_25, %dma_wait3A_35] : memref<10240x16xf32, #tpu.memory_space<vmem_shared>> -> memref<640x16xf32, #tpu.memory_space<vmem_shared>>
      tpu.wait_dma2 semaphore(%run_scoped3A_28 : memref<!tpu.dma_semaphore, #tpu.memory_space<semaphore_mem>>) src(%dma_wait3A_36 : memref<640x16xf32, #tpu.memory_space<vmem_shared>>) dst(%dma_wait3A_34 : memref<640x16xf32, #tpu.memory_space<hbm>>)
      tpu.yield
    }) : () -> ()
    return
  }
}

#map = affine_map<(d0, d1) -> (0, 0)>
#map1 = affine_map<(d0, d1) -> (0, 0, 0, 0)>
#map2 = affine_map<(d0, d1) -> (0, 0, 0)>
module attributes {stable_mosaic.version = 14 : i64} {
  func.func @k(%arg0: i32, %arg1: i32, %arg2: memref<10000x64xbf16, #tpu.memory_space<hbm>>, %arg3: memref<2x32x80x125xi32, #tpu.memory_space<hbm>>, %arg4: memref<2x10240x64xbf16, #tpu.memory_space<hbm>>, %arg5: memref<80x125xi32, #tpu.memory_space<vmem>>, %arg6: memref<80x125xi32, #tpu.memory_space<vmem>>, %arg7: memref<8x125x64xbf16, #tpu.memory_space<vmem>>, %arg8: memref<!tpu.dma_semaphore, #tpu.memory_space<semaphore_mem>>, %arg9: memref<!tpu.dma_semaphore, #tpu.memory_space<semaphore_mem>>, %arg10: memref<!tpu.dma_semaphore, #tpu.memory_space<semaphore_mem>>, %arg11: memref<!tpu.dma_semaphore, #tpu.memory_space<semaphore_mem>>, %arg12: memref<10240x64xbf16, #tpu.memory_space<vmem_shared>>) attributes {dimension_semantics = [#tpu.dimension_semantics<core_parallel>, #tpu.dimension_semantics<subcore_parallel>], iteration_bounds = array<i64: 2, 16>, scalar_prefetch = 0 : i64, scratch_operands = 8 : i64, tpu.core_type = #tpu.core_type<sc_vector_subcore>, window_params = [{transform_indices = #map}, {transform_indices = #map1}, {transform_indices = #map2}]} {
    %mul3A = arith.constant 2 : i32
    %mul3A_0 = arith.muli %arg1, %mul3A : i32
    %add3A = arith.addi %mul3A_0, %arg0 : i32
    %broadcast_in_dim3A = arith.constant 0.000000e+00 : bf16
    %broadcast_in_dim3A_1 = vector.broadcast %broadcast_in_dim3A : bf16 to vector<32xbf16>
    %scan3A = arith.constant 0 : i32
    %scan3A_2 = arith.constant 0 : i32
    %scan3A_3 = arith.constant 80 : i32
    %scan3A_4 = arith.addi %scan3A_2, %scan3A_3 : i32
    %scan3A_5 = arith.constant 1 : i32
    scf.for %scan3A_106 = %scan3A_2 to %scan3A_4 step %scan3A_5  : i32 {
      %swap3A = arith.constant 0 : i32
      %swap3A_107 = arith.index_cast %swap3A : i32 to index
      %swap3A_108 = arith.index_cast %scan3A_106 : i32 to index
      %swap3A_109 = arith.constant 0 : index
      %swap3A_110 = tpu.vector_load %arg7[%swap3A_107, %swap3A_108, %swap3A_109] {strides = array<i32>} : memref<8x125x64xbf16, #tpu.memory_space<vmem>>, vector<1x1x32xbf16>,
      %swap3A_111 = vector.shape_cast %swap3A_110 : vector<1x1x32xbf16> to vector<32xbf16>
      %swap3A_112 = vector.shape_cast %broadcast_in_dim3A_1 : vector<32xbf16> to vector<1x1x32xbf16>
      tpu.vector_store %arg7[%swap3A_107, %swap3A_108, %swap3A_109], %swap3A_112 {strides = array<i32>} : memref<8x125x64xbf16, #tpu.memory_space<vmem>>, vector<1x1x32xbf16>,
      %swap3A_113 = arith.constant 0 : i32
      %swap3A_114 = arith.index_cast %swap3A_113 : i32 to index
      %swap3A_115 = arith.index_cast %scan3A_106 : i32 to index
      %swap3A_116 = arith.constant 32 : index
      %swap3A_117 = tpu.vector_load %arg7[%swap3A_114, %swap3A_115, %swap3A_116] {strides = array<i32>} : memref<8x125x64xbf16, #tpu.memory_space<vmem>>, vector<1x1x32xbf16>,
      %swap3A_118 = vector.shape_cast %swap3A_117 : vector<1x1x32xbf16> to vector<32xbf16>
      %swap3A_119 = vector.shape_cast %broadcast_in_dim3A_1 : vector<32xbf16> to vector<1x1x32xbf16>
      tpu.vector_store %arg7[%swap3A_114, %swap3A_115, %swap3A_116], %swap3A_119 {strides = array<i32>} : memref<8x125x64xbf16, #tpu.memory_space<vmem>>, vector<1x1x32xbf16>,
    }
    %scan3A_6 = arith.constant 80 : i32
    %mul3A_7 = arith.constant 640 : i32
    %mul3A_8 = arith.muli %arg1, %mul3A_7 : i32
    %add3A_9 = arith.constant 0 : i32
    %add3A_10 = arith.addi %mul3A_8, %add3A_9 : i32
    %run_scoped3A = arith.constant 0 : i32
    "tpu.region"() ({
      %run_scoped3A_106 = tpu.sem_alloc : memref<!tpu.dma_semaphore, #tpu.memory_space<semaphore_mem>>
      %dma_start3A_107 = arith.constant 0 : i32
      %dma_start3A_108 = arith.constant 0 : i32
      %dma_start3A_109 = tpu.memref_slice %arg7[%run_scoped3A, %dma_start3A_107, %dma_start3A_108] : memref<8x125x64xbf16, #tpu.memory_space<vmem>> -> memref<1x80x64xbf16, #tpu.memory_space<vmem>>
      %dma_start3A_110 = tpu.memref_squeeze %dma_start3A_109 : memref<1x80x64xbf16, #tpu.memory_space<vmem>> -> memref<80x64xbf16, #tpu.memory_space<vmem>>
      %dma_start3A_111 = arith.constant 0 : i32
      %dma_start3A_112 = tpu.memref_slice %arg12[%add3A_10, %dma_start3A_111] : memref<10240x64xbf16, #tpu.memory_space<vmem_shared>> -> memref<80x64xbf16, #tpu.memory_space<vmem_shared>>
      %dma_start3A_113 = arith.constant 0 : i32
      %dma_start3A_114 = tpu.memref_slice %arg12[%add3A_10, %dma_start3A_113] : memref<10240x64xbf16, #tpu.memory_space<vmem_shared>> -> memref<80x64xbf16, #tpu.memory_space<vmem_shared>>
      %dma_start3A_115 = arith.constant 0 : i32
      %dma_start3A_116 = arith.constant 0 : i32
      %dma_start3A_117 = tpu.memref_slice %arg7[%run_scoped3A, %dma_start3A_115, %dma_start3A_116] : memref<8x125x64xbf16, #tpu.memory_space<vmem>> -> memref<1x80x64xbf16, #tpu.memory_space<vmem>>
      %dma_start3A_118 = tpu.memref_squeeze %dma_start3A_117 : memref<1x80x64xbf16, #tpu.memory_space<vmem>> -> memref<80x64xbf16, #tpu.memory_space<vmem>>
      tpu.enqueue_dma source(%dma_start3A_118 : memref<80x64xbf16, #tpu.memory_space<vmem>>) target(%dma_start3A_114 : memref<80x64xbf16, #tpu.memory_space<vmem_shared>>) target_semaphore(%run_scoped3A_106 : memref<!tpu.dma_semaphore, #tpu.memory_space<semaphore_mem>>)
      %dma_wait3A = arith.constant 0 : i32
      %dma_wait3A_119 = arith.constant 0 : i32
      %dma_wait3A_120 = tpu.memref_slice %arg7[%run_scoped3A, %dma_wait3A, %dma_wait3A_119] : memref<8x125x64xbf16, #tpu.memory_space<vmem>> -> memref<1x80x64xbf16, #tpu.memory_space<vmem>>
      %dma_wait3A_121 = tpu.memref_squeeze %dma_wait3A_120 : memref<1x80x64xbf16, #tpu.memory_space<vmem>> -> memref<80x64xbf16, #tpu.memory_space<vmem>>
      %dma_wait3A_122 = arith.constant 0 : i32
      %dma_wait3A_123 = tpu.memref_slice %arg12[%add3A_10, %dma_wait3A_122] : memref<10240x64xbf16, #tpu.memory_space<vmem_shared>> -> memref<80x64xbf16, #tpu.memory_space<vmem_shared>>
      %dma_wait3A_124 = arith.constant 0 : i32
      %dma_wait3A_125 = tpu.memref_slice %arg12[%add3A_10, %dma_wait3A_124] : memref<10240x64xbf16, #tpu.memory_space<vmem_shared>> -> memref<80x64xbf16, #tpu.memory_space<vmem_shared>>
      %dma_wait3A_126 = arith.constant 0 : i32
      %dma_wait3A_127 = arith.constant 0 : i32
      %dma_wait3A_128 = tpu.memref_slice %arg7[%run_scoped3A, %dma_wait3A_126, %dma_wait3A_127] : memref<8x125x64xbf16, #tpu.memory_space<vmem>> -> memref<1x80x64xbf16, #tpu.memory_space<vmem>>
      %dma_wait3A_129 = tpu.memref_squeeze %dma_wait3A_128 : memref<1x80x64xbf16, #tpu.memory_space<vmem>> -> memref<80x64xbf16, #tpu.memory_space<vmem>>
      tpu.wait_dma2 semaphore(%run_scoped3A_106 : memref<!tpu.dma_semaphore, #tpu.memory_space<semaphore_mem>>) src(%dma_wait3A_129 : memref<80x64xbf16, #tpu.memory_space<vmem>>) dst(%dma_wait3A_125 : memref<80x64xbf16, #tpu.memory_space<vmem_shared>>)
      tpu.yield
    }) : () -> ()
    %mul3A_11 = arith.constant 640 : i32
    %mul3A_12 = arith.muli %arg1, %mul3A_11 : i32
    %add3A_13 = arith.constant 80 : i32
    %add3A_14 = arith.addi %mul3A_12, %add3A_13 : i32
    %run_scoped3A_15 = arith.constant 0 : i32
    "tpu.region"() ({
      %run_scoped3A_106 = tpu.sem_alloc : memref<!tpu.dma_semaphore, #tpu.memory_space<semaphore_mem>>
      %dma_start3A_107 = arith.constant 0 : i32
      %dma_start3A_108 = arith.constant 0 : i32
      %dma_start3A_109 = tpu.memref_slice %arg7[%run_scoped3A_15, %dma_start3A_107, %dma_start3A_108] : memref<8x125x64xbf16, #tpu.memory_space<vmem>> -> memref<1x80x64xbf16, #tpu.memory_space<vmem>>
      %dma_start3A_110 = tpu.memref_squeeze %dma_start3A_109 : memref<1x80x64xbf16, #tpu.memory_space<vmem>> -> memref<80x64xbf16, #tpu.memory_space<vmem>>
      %dma_start3A_111 = arith.constant 0 : i32
      %dma_start3A_112 = tpu.memref_slice %arg12[%add3A_14, %dma_start3A_111] : memref<10240x64xbf16, #tpu.memory_space<vmem_shared>> -> memref<80x64xbf16, #tpu.memory_space<vmem_shared>>
      %dma_start3A_113 = arith.constant 0 : i32
      %dma_start3A_114 = tpu.memref_slice %arg12[%add3A_14, %dma_start3A_113] : memref<10240x64xbf16, #tpu.memory_space<vmem_shared>> -> memref<80x64xbf16, #tpu.memory_space<vmem_shared>>
      %dma_start3A_115 = arith.constant 0 : i32
      %dma_start3A_116 = arith.constant 0 : i32
      %dma_start3A_117 = tpu.memref_slice %arg7[%run_scoped3A_15, %dma_start3A_115, %dma_start3A_116] : memref<8x125x64xbf16, #tpu.memory_space<vmem>> -> memref<1x80x64xbf16, #tpu.memory_space<vmem>>
      %dma_start3A_118 = tpu.memref_squeeze %dma_start3A_117 : memref<1x80x64xbf16, #tpu.memory_space<vmem>> -> memref<80x64xbf16, #tpu.memory_space<vmem>>
      tpu.enqueue_dma source(%dma_start3A_118 : memref<80x64xbf16, #tpu.memory_space<vmem>>) target(%dma_start3A_114 : memref<80x64xbf16, #tpu.memory_space<vmem_shared>>) target_semaphore(%run_scoped3A_106 : memref<!tpu.dma_semaphore, #tpu.memory_space<semaphore_mem>>)
      %dma_wait3A = arith.constant 0 : i32
      %dma_wait3A_119 = arith.constant 0 : i32
      %dma_wait3A_120 = tpu.memref_slice %arg7[%run_scoped3A_15, %dma_wait3A, %dma_wait3A_119] : memref<8x125x64xbf16, #tpu.memory_space<vmem>> -> memref<1x80x64xbf16, #tpu.memory_space<vmem>>
      %dma_wait3A_121 = tpu.memref_squeeze %dma_wait3A_120 : memref<1x80x64xbf16, #tpu.memory_space<vmem>> -> memref<80x64xbf16, #tpu.memory_space<vmem>>
      %dma_wait3A_122 = arith.constant 0 : i32
      %dma_wait3A_123 = tpu.memref_slice %arg12[%add3A_14, %dma_wait3A_122] : memref<10240x64xbf16, #tpu.memory_space<vmem_shared>> -> memref<80x64xbf16, #tpu.memory_space<vmem_shared>>
      %dma_wait3A_124 = arith.constant 0 : i32
      %dma_wait3A_125 = tpu.memref_slice %arg12[%add3A_14, %dma_wait3A_124] : memref<10240x64xbf16, #tpu.memory_space<vmem_shared>> -> memref<80x64xbf16, #tpu.memory_space<vmem_shared>>
      %dma_wait3A_126 = arith.constant 0 : i32
      %dma_wait3A_127 = arith.constant 0 : i32
      %dma_wait3A_128 = tpu.memref_slice %arg7[%run_scoped3A_15, %dma_wait3A_126, %dma_wait3A_127] : memref<8x125x64xbf16, #tpu.memory_space<vmem>> -> memref<1x80x64xbf16, #tpu.memory_space<vmem>>
      %dma_wait3A_129 = tpu.memref_squeeze %dma_wait3A_128 : memref<1x80x64xbf16, #tpu.memory_space<vmem>> -> memref<80x64xbf16, #tpu.memory_space<vmem>>
      tpu.wait_dma2 semaphore(%run_scoped3A_106 : memref<!tpu.dma_semaphore, #tpu.memory_space<semaphore_mem>>) src(%dma_wait3A_129 : memref<80x64xbf16, #tpu.memory_space<vmem>>) dst(%dma_wait3A_125 : memref<80x64xbf16, #tpu.memory_space<vmem_shared>>)
      tpu.yield
    }) : () -> ()
    %mul3A_16 = arith.constant 640 : i32
    %mul3A_17 = arith.muli %arg1, %mul3A_16 : i32
    %add3A_18 = arith.constant 160 : i32
    %add3A_19 = arith.addi %mul3A_17, %add3A_18 : i32
    %run_scoped3A_20 = arith.constant 0 : i32
    "tpu.region"() ({
      %run_scoped3A_106 = tpu.sem_alloc : memref<!tpu.dma_semaphore, #tpu.memory_space<semaphore_mem>>
      %dma_start3A_107 = arith.constant 0 : i32
      %dma_start3A_108 = arith.constant 0 : i32
      %dma_start3A_109 = tpu.memref_slice %arg7[%run_scoped3A_20, %dma_start3A_107, %dma_start3A_108] : memref<8x125x64xbf16, #tpu.memory_space<vmem>> -> memref<1x80x64xbf16, #tpu.memory_space<vmem>>
      %dma_start3A_110 = tpu.memref_squeeze %dma_start3A_109 : memref<1x80x64xbf16, #tpu.memory_space<vmem>> -> memref<80x64xbf16, #tpu.memory_space<vmem>>
      %dma_start3A_111 = arith.constant 0 : i32
      %dma_start3A_112 = tpu.memref_slice %arg12[%add3A_19, %dma_start3A_111] : memref<10240x64xbf16, #tpu.memory_space<vmem_shared>> -> memref<80x64xbf16, #tpu.memory_space<vmem_shared>>
      %dma_start3A_113 = arith.constant 0 : i32
      %dma_start3A_114 = tpu.memref_slice %arg12[%add3A_19, %dma_start3A_113] : memref<10240x64xbf16, #tpu.memory_space<vmem_shared>> -> memref<80x64xbf16, #tpu.memory_space<vmem_shared>>
      %dma_start3A_115 = arith.constant 0 : i32
      %dma_start3A_116 = arith.constant 0 : i32
      %dma_start3A_117 = tpu.memref_slice %arg7[%run_scoped3A_20, %dma_start3A_115, %dma_start3A_116] : memref<8x125x64xbf16, #tpu.memory_space<vmem>> -> memref<1x80x64xbf16, #tpu.memory_space<vmem>>
      %dma_start3A_118 = tpu.memref_squeeze %dma_start3A_117 : memref<1x80x64xbf16, #tpu.memory_space<vmem>> -> memref<80x64xbf16, #tpu.memory_space<vmem>>
      tpu.enqueue_dma source(%dma_start3A_118 : memref<80x64xbf16, #tpu.memory_space<vmem>>) target(%dma_start3A_114 : memref<80x64xbf16, #tpu.memory_space<vmem_shared>>) target_semaphore(%run_scoped3A_106 : memref<!tpu.dma_semaphore, #tpu.memory_space<semaphore_mem>>)
      %dma_wait3A = arith.constant 0 : i32
      %dma_wait3A_119 = arith.constant 0 : i32
      %dma_wait3A_120 = tpu.memref_slice %arg7[%run_scoped3A_20, %dma_wait3A, %dma_wait3A_119] : memref<8x125x64xbf16, #tpu.memory_space<vmem>> -> memref<1x80x64xbf16, #tpu.memory_space<vmem>>
      %dma_wait3A_121 = tpu.memref_squeeze %dma_wait3A_120 : memref<1x80x64xbf16, #tpu.memory_space<vmem>> -> memref<80x64xbf16, #tpu.memory_space<vmem>>
      %dma_wait3A_122 = arith.constant 0 : i32
      %dma_wait3A_123 = tpu.memref_slice %arg12[%add3A_19, %dma_wait3A_122] : memref<10240x64xbf16, #tpu.memory_space<vmem_shared>> -> memref<80x64xbf16, #tpu.memory_space<vmem_shared>>
      %dma_wait3A_124 = arith.constant 0 : i32
      %dma_wait3A_125 = tpu.memref_slice %arg12[%add3A_19, %dma_wait3A_124] : memref<10240x64xbf16, #tpu.memory_space<vmem_shared>> -> memref<80x64xbf16, #tpu.memory_space<vmem_shared>>
      %dma_wait3A_126 = arith.constant 0 : i32
      %dma_wait3A_127 = arith.constant 0 : i32
      %dma_wait3A_128 = tpu.memref_slice %arg7[%run_scoped3A_20, %dma_wait3A_126, %dma_wait3A_127] : memref<8x125x64xbf16, #tpu.memory_space<vmem>> -> memref<1x80x64xbf16, #tpu.memory_space<vmem>>
      %dma_wait3A_129 = tpu.memref_squeeze %dma_wait3A_128 : memref<1x80x64xbf16, #tpu.memory_space<vmem>> -> memref<80x64xbf16, #tpu.memory_space<vmem>>
      tpu.wait_dma2 semaphore(%run_scoped3A_106 : memref<!tpu.dma_semaphore, #tpu.memory_space<semaphore_mem>>) src(%dma_wait3A_129 : memref<80x64xbf16, #tpu.memory_space<vmem>>) dst(%dma_wait3A_125 : memref<80x64xbf16, #tpu.memory_space<vmem_shared>>)
      tpu.yield
    }) : () -> ()
    %mul3A_21 = arith.constant 640 : i32
    %mul3A_22 = arith.muli %arg1, %mul3A_21 : i32
    %add3A_23 = arith.constant 240 : i32
    %add3A_24 = arith.addi %mul3A_22, %add3A_23 : i32
    %run_scoped3A_25 = arith.constant 0 : i32
    "tpu.region"() ({
      %run_scoped3A_106 = tpu.sem_alloc : memref<!tpu.dma_semaphore, #tpu.memory_space<semaphore_mem>>
      %dma_start3A_107 = arith.constant 0 : i32
      %dma_start3A_108 = arith.constant 0 : i32
      %dma_start3A_109 = tpu.memref_slice %arg7[%run_scoped3A_25, %dma_start3A_107, %dma_start3A_108] : memref<8x125x64xbf16, #tpu.memory_space<vmem>> -> memref<1x80x64xbf16, #tpu.memory_space<vmem>>
      %dma_start3A_110 = tpu.memref_squeeze %dma_start3A_109 : memref<1x80x64xbf16, #tpu.memory_space<vmem>> -> memref<80x64xbf16, #tpu.memory_space<vmem>>
      %dma_start3A_111 = arith.constant 0 : i32
      %dma_start3A_112 = tpu.memref_slice %arg12[%add3A_24, %dma_start3A_111] : memref<10240x64xbf16, #tpu.memory_space<vmem_shared>> -> memref<80x64xbf16, #tpu.memory_space<vmem_shared>>
      %dma_start3A_113 = arith.constant 0 : i32
      %dma_start3A_114 = tpu.memref_slice %arg12[%add3A_24, %dma_start3A_113] : memref<10240x64xbf16, #tpu.memory_space<vmem_shared>> -> memref<80x64xbf16, #tpu.memory_space<vmem_shared>>
      %dma_start3A_115 = arith.constant 0 : i32
      %dma_start3A_116 = arith.constant 0 : i32
      %dma_start3A_117 = tpu.memref_slice %arg7[%run_scoped3A_25, %dma_start3A_115, %dma_start3A_116] : memref<8x125x64xbf16, #tpu.memory_space<vmem>> -> memref<1x80x64xbf16, #tpu.memory_space<vmem>>
      %dma_start3A_118 = tpu.memref_squeeze %dma_start3A_117 : memref<1x80x64xbf16, #tpu.memory_space<vmem>> -> memref<80x64xbf16, #tpu.memory_space<vmem>>
      tpu.enqueue_dma source(%dma_start3A_118 : memref<80x64xbf16, #tpu.memory_space<vmem>>) target(%dma_start3A_114 : memref<80x64xbf16, #tpu.memory_space<vmem_shared>>) target_semaphore(%run_scoped3A_106 : memref<!tpu.dma_semaphore, #tpu.memory_space<semaphore_mem>>)
      %dma_wait3A = arith.constant 0 : i32
      %dma_wait3A_119 = arith.constant 0 : i32
      %dma_wait3A_120 = tpu.memref_slice %arg7[%run_scoped3A_25, %dma_wait3A, %dma_wait3A_119] : memref<8x125x64xbf16, #tpu.memory_space<vmem>> -> memref<1x80x64xbf16, #tpu.memory_space<vmem>>
      %dma_wait3A_121 = tpu.memref_squeeze %dma_wait3A_120 : memref<1x80x64xbf16, #tpu.memory_space<vmem>> -> memref<80x64xbf16, #tpu.memory_space<vmem>>
      %dma_wait3A_122 = arith.constant 0 : i32
      %dma_wait3A_123 = tpu.memref_slice %arg12[%add3A_24, %dma_wait3A_122] : memref<10240x64xbf16, #tpu.memory_space<vmem_shared>> -> memref<80x64xbf16, #tpu.memory_space<vmem_shared>>
      %dma_wait3A_124 = arith.constant 0 : i32
      %dma_wait3A_125 = tpu.memref_slice %arg12[%add3A_24, %dma_wait3A_124] : memref<10240x64xbf16, #tpu.memory_space<vmem_shared>> -> memref<80x64xbf16, #tpu.memory_space<vmem_shared>>
      %dma_wait3A_126 = arith.constant 0 : i32
      %dma_wait3A_127 = arith.constant 0 : i32
      %dma_wait3A_128 = tpu.memref_slice %arg7[%run_scoped3A_25, %dma_wait3A_126, %dma_wait3A_127] : memref<8x125x64xbf16, #tpu.memory_space<vmem>> -> memref<1x80x64xbf16, #tpu.memory_space<vmem>>
      %dma_wait3A_129 = tpu.memref_squeeze %dma_wait3A_128 : memref<1x80x64xbf16, #tpu.memory_space<vmem>> -> memref<80x64xbf16, #tpu.memory_space<vmem>>
      tpu.wait_dma2 semaphore(%run_scoped3A_106 : memref<!tpu.dma_semaphore, #tpu.memory_space<semaphore_mem>>) src(%dma_wait3A_129 : memref<80x64xbf16, #tpu.memory_space<vmem>>) dst(%dma_wait3A_125 : memref<80x64xbf16, #tpu.memory_space<vmem_shared>>)
      tpu.yield
    }) : () -> ()
    %mul3A_26 = arith.constant 640 : i32
    %mul3A_27 = arith.muli %arg1, %mul3A_26 : i32
    %add3A_28 = arith.constant 320 : i32
    %add3A_29 = arith.addi %mul3A_27, %add3A_28 : i32
    %run_scoped3A_30 = arith.constant 0 : i32
    "tpu.region"() ({
      %run_scoped3A_106 = tpu.sem_alloc : memref<!tpu.dma_semaphore, #tpu.memory_space<semaphore_mem>>
      %dma_start3A_107 = arith.constant 0 : i32
      %dma_start3A_108 = arith.constant 0 : i32
      %dma_start3A_109 = tpu.memref_slice %arg7[%run_scoped3A_30, %dma_start3A_107, %dma_start3A_108] : memref<8x125x64xbf16, #tpu.memory_space<vmem>> -> memref<1x80x64xbf16, #tpu.memory_space<vmem>>
      %dma_start3A_110 = tpu.memref_squeeze %dma_start3A_109 : memref<1x80x64xbf16, #tpu.memory_space<vmem>> -> memref<80x64xbf16, #tpu.memory_space<vmem>>
      %dma_start3A_111 = arith.constant 0 : i32
      %dma_start3A_112 = tpu.memref_slice %arg12[%add3A_29, %dma_start3A_111] : memref<10240x64xbf16, #tpu.memory_space<vmem_shared>> -> memref<80x64xbf16, #tpu.memory_space<vmem_shared>>
      %dma_start3A_113 = arith.constant 0 : i32
      %dma_start3A_114 = tpu.memref_slice %arg12[%add3A_29, %dma_start3A_113] : memref<10240x64xbf16, #tpu.memory_space<vmem_shared>> -> memref<80x64xbf16, #tpu.memory_space<vmem_shared>>
      %dma_start3A_115 = arith.constant 0 : i32
      %dma_start3A_116 = arith.constant 0 : i32
      %dma_start3A_117 = tpu.memref_slice %arg7[%run_scoped3A_30, %dma_start3A_115, %dma_start3A_116] : memref<8x125x64xbf16, #tpu.memory_space<vmem>> -> memref<1x80x64xbf16, #tpu.memory_space<vmem>>
      %dma_start3A_118 = tpu.memref_squeeze %dma_start3A_117 : memref<1x80x64xbf16, #tpu.memory_space<vmem>> -> memref<80x64xbf16, #tpu.memory_space<vmem>>
      tpu.enqueue_dma source(%dma_start3A_118 : memref<80x64xbf16, #tpu.memory_space<vmem>>) target(%dma_start3A_114 : memref<80x64xbf16, #tpu.memory_space<vmem_shared>>) target_semaphore(%run_scoped3A_106 : memref<!tpu.dma_semaphore, #tpu.memory_space<semaphore_mem>>)
      %dma_wait3A = arith.constant 0 : i32
      %dma_wait3A_119 = arith.constant 0 : i32
      %dma_wait3A_120 = tpu.memref_slice %arg7[%run_scoped3A_30, %dma_wait3A, %dma_wait3A_119] : memref<8x125x64xbf16, #tpu.memory_space<vmem>> -> memref<1x80x64xbf16, #tpu.memory_space<vmem>>
      %dma_wait3A_121 = tpu.memref_squeeze %dma_wait3A_120 : memref<1x80x64xbf16, #tpu.memory_space<vmem>> -> memref<80x64xbf16, #tpu.memory_space<vmem>>
      %dma_wait3A_122 = arith.constant 0 : i32
      %dma_wait3A_123 = tpu.memref_slice %arg12[%add3A_29, %dma_wait3A_122] : memref<10240x64xbf16, #tpu.memory_space<vmem_shared>> -> memref<80x64xbf16, #tpu.memory_space<vmem_shared>>
      %dma_wait3A_124 = arith.constant 0 : i32
      %dma_wait3A_125 = tpu.memref_slice %arg12[%add3A_29, %dma_wait3A_124] : memref<10240x64xbf16, #tpu.memory_space<vmem_shared>> -> memref<80x64xbf16, #tpu.memory_space<vmem_shared>>
      %dma_wait3A_126 = arith.constant 0 : i32
      %dma_wait3A_127 = arith.constant 0 : i32
      %dma_wait3A_128 = tpu.memref_slice %arg7[%run_scoped3A_30, %dma_wait3A_126, %dma_wait3A_127] : memref<8x125x64xbf16, #tpu.memory_space<vmem>> -> memref<1x80x64xbf16, #tpu.memory_space<vmem>>
      %dma_wait3A_129 = tpu.memref_squeeze %dma_wait3A_128 : memref<1x80x64xbf16, #tpu.memory_space<vmem>> -> memref<80x64xbf16, #tpu.memory_space<vmem>>
      tpu.wait_dma2 semaphore(%run_scoped3A_106 : memref<!tpu.dma_semaphore, #tpu.memory_space<semaphore_mem>>) src(%dma_wait3A_129 : memref<80x64xbf16, #tpu.memory_space<vmem>>) dst(%dma_wait3A_125 : memref<80x64xbf16, #tpu.memory_space<vmem_shared>>)
      tpu.yield
    }) : () -> ()
    %mul3A_31 = arith.constant 640 : i32
    %mul3A_32 = arith.muli %arg1, %mul3A_31 : i32
    %add3A_33 = arith.constant 400 : i32
    %add3A_34 = arith.addi %mul3A_32, %add3A_33 : i32
    %run_scoped3A_35 = arith.constant 0 : i32
    "tpu.region"() ({
      %run_scoped3A_106 = tpu.sem_alloc : memref<!tpu.dma_semaphore, #tpu.memory_space<semaphore_mem>>
      %dma_start3A_107 = arith.constant 0 : i32
      %dma_start3A_108 = arith.constant 0 : i32
      %dma_start3A_109 = tpu.memref_slice %arg7[%run_scoped3A_35, %dma_start3A_107, %dma_start3A_108] : memref<8x125x64xbf16, #tpu.memory_space<vmem>> -> memref<1x80x64xbf16, #tpu.memory_space<vmem>>
      %dma_start3A_110 = tpu.memref_squeeze %dma_start3A_109 : memref<1x80x64xbf16, #tpu.memory_space<vmem>> -> memref<80x64xbf16, #tpu.memory_space<vmem>>
      %dma_start3A_111 = arith.constant 0 : i32
      %dma_start3A_112 = tpu.memref_slice %arg12[%add3A_34, %dma_start3A_111] : memref<10240x64xbf16, #tpu.memory_space<vmem_shared>> -> memref<80x64xbf16, #tpu.memory_space<vmem_shared>>
      %dma_start3A_113 = arith.constant 0 : i32
      %dma_start3A_114 = tpu.memref_slice %arg12[%add3A_34, %dma_start3A_113] : memref<10240x64xbf16, #tpu.memory_space<vmem_shared>> -> memref<80x64xbf16, #tpu.memory_space<vmem_shared>>
      %dma_start3A_115 = arith.constant 0 : i32
      %dma_start3A_116 = arith.constant 0 : i32
      %dma_start3A_117 = tpu.memref_slice %arg7[%run_scoped3A_35, %dma_start3A_115, %dma_start3A_116] : memref<8x125x64xbf16, #tpu.memory_space<vmem>> -> memref<1x80x64xbf16, #tpu.memory_space<vmem>>
      %dma_start3A_118 = tpu.memref_squeeze %dma_start3A_117 : memref<1x80x64xbf16, #tpu.memory_space<vmem>> -> memref<80x64xbf16, #tpu.memory_space<vmem>>
      tpu.enqueue_dma source(%dma_start3A_118 : memref<80x64xbf16, #tpu.memory_space<vmem>>) target(%dma_start3A_114 : memref<80x64xbf16, #tpu.memory_space<vmem_shared>>) target_semaphore(%run_scoped3A_106 : memref<!tpu.dma_semaphore, #tpu.memory_space<semaphore_mem>>)
      %dma_wait3A = arith.constant 0 : i32
      %dma_wait3A_119 = arith.constant 0 : i32
      %dma_wait3A_120 = tpu.memref_slice %arg7[%run_scoped3A_35, %dma_wait3A, %dma_wait3A_119] : memref<8x125x64xbf16, #tpu.memory_space<vmem>> -> memref<1x80x64xbf16, #tpu.memory_space<vmem>>
      %dma_wait3A_121 = tpu.memref_squeeze %dma_wait3A_120 : memref<1x80x64xbf16, #tpu.memory_space<vmem>> -> memref<80x64xbf16, #tpu.memory_space<vmem>>
      %dma_wait3A_122 = arith.constant 0 : i32
      %dma_wait3A_123 = tpu.memref_slice %arg12[%add3A_34, %dma_wait3A_122] : memref<10240x64xbf16, #tpu.memory_space<vmem_shared>> -> memref<80x64xbf16, #tpu.memory_space<vmem_shared>>
      %dma_wait3A_124 = arith.constant 0 : i32
      %dma_wait3A_125 = tpu.memref_slice %arg12[%add3A_34, %dma_wait3A_124] : memref<10240x64xbf16, #tpu.memory_space<vmem_shared>> -> memref<80x64xbf16, #tpu.memory_space<vmem_shared>>
      %dma_wait3A_126 = arith.constant 0 : i32
      %dma_wait3A_127 = arith.constant 0 : i32
      %dma_wait3A_128 = tpu.memref_slice %arg7[%run_scoped3A_35, %dma_wait3A_126, %dma_wait3A_127] : memref<8x125x64xbf16, #tpu.memory_space<vmem>> -> memref<1x80x64xbf16, #tpu.memory_space<vmem>>
      %dma_wait3A_129 = tpu.memref_squeeze %dma_wait3A_128 : memref<1x80x64xbf16, #tpu.memory_space<vmem>> -> memref<80x64xbf16, #tpu.memory_space<vmem>>
      tpu.wait_dma2 semaphore(%run_scoped3A_106 : memref<!tpu.dma_semaphore, #tpu.memory_space<semaphore_mem>>) src(%dma_wait3A_129 : memref<80x64xbf16, #tpu.memory_space<vmem>>) dst(%dma_wait3A_125 : memref<80x64xbf16, #tpu.memory_space<vmem_shared>>)
      tpu.yield
    }) : () -> ()
    %mul3A_36 = arith.constant 640 : i32
    %mul3A_37 = arith.muli %arg1, %mul3A_36 : i32
    %add3A_38 = arith.constant 480 : i32
    %add3A_39 = arith.addi %mul3A_37, %add3A_38 : i32
    %run_scoped3A_40 = arith.constant 0 : i32
    "tpu.region"() ({
      %run_scoped3A_106 = tpu.sem_alloc : memref<!tpu.dma_semaphore, #tpu.memory_space<semaphore_mem>>
      %dma_start3A_107 = arith.constant 0 : i32
      %dma_start3A_108 = arith.constant 0 : i32
      %dma_start3A_109 = tpu.memref_slice %arg7[%run_scoped3A_40, %dma_start3A_107, %dma_start3A_108] : memref<8x125x64xbf16, #tpu.memory_space<vmem>> -> memref<1x80x64xbf16, #tpu.memory_space<vmem>>
      %dma_start3A_110 = tpu.memref_squeeze %dma_start3A_109 : memref<1x80x64xbf16, #tpu.memory_space<vmem>> -> memref<80x64xbf16, #tpu.memory_space<vmem>>
      %dma_start3A_111 = arith.constant 0 : i32
      %dma_start3A_112 = tpu.memref_slice %arg12[%add3A_39, %dma_start3A_111] : memref<10240x64xbf16, #tpu.memory_space<vmem_shared>> -> memref<80x64xbf16, #tpu.memory_space<vmem_shared>>
      %dma_start3A_113 = arith.constant 0 : i32
      %dma_start3A_114 = tpu.memref_slice %arg12[%add3A_39, %dma_start3A_113] : memref<10240x64xbf16, #tpu.memory_space<vmem_shared>> -> memref<80x64xbf16, #tpu.memory_space<vmem_shared>>
      %dma_start3A_115 = arith.constant 0 : i32
      %dma_start3A_116 = arith.constant 0 : i32
      %dma_start3A_117 = tpu.memref_slice %arg7[%run_scoped3A_40, %dma_start3A_115, %dma_start3A_116] : memref<8x125x64xbf16, #tpu.memory_space<vmem>> -> memref<1x80x64xbf16, #tpu.memory_space<vmem>>
      %dma_start3A_118 = tpu.memref_squeeze %dma_start3A_117 : memref<1x80x64xbf16, #tpu.memory_space<vmem>> -> memref<80x64xbf16, #tpu.memory_space<vmem>>
      tpu.enqueue_dma source(%dma_start3A_118 : memref<80x64xbf16, #tpu.memory_space<vmem>>) target(%dma_start3A_114 : memref<80x64xbf16, #tpu.memory_space<vmem_shared>>) target_semaphore(%run_scoped3A_106 : memref<!tpu.dma_semaphore, #tpu.memory_space<semaphore_mem>>)
      %dma_wait3A = arith.constant 0 : i32
      %dma_wait3A_119 = arith.constant 0 : i32
      %dma_wait3A_120 = tpu.memref_slice %arg7[%run_scoped3A_40, %dma_wait3A, %dma_wait3A_119] : memref<8x125x64xbf16, #tpu.memory_space<vmem>> -> memref<1x80x64xbf16, #tpu.memory_space<vmem>>
      %dma_wait3A_121 = tpu.memref_squeeze %dma_wait3A_120 : memref<1x80x64xbf16, #tpu.memory_space<vmem>> -> memref<80x64xbf16, #tpu.memory_space<vmem>>
      %dma_wait3A_122 = arith.constant 0 : i32
      %dma_wait3A_123 = tpu.memref_slice %arg12[%add3A_39, %dma_wait3A_122] : memref<10240x64xbf16, #tpu.memory_space<vmem_shared>> -> memref<80x64xbf16, #tpu.memory_space<vmem_shared>>
      %dma_wait3A_124 = arith.constant 0 : i32
      %dma_wait3A_125 = tpu.memref_slice %arg12[%add3A_39, %dma_wait3A_124] : memref<10240x64xbf16, #tpu.memory_space<vmem_shared>> -> memref<80x64xbf16, #tpu.memory_space<vmem_shared>>
      %dma_wait3A_126 = arith.constant 0 : i32
      %dma_wait3A_127 = arith.constant 0 : i32
      %dma_wait3A_128 = tpu.memref_slice %arg7[%run_scoped3A_40, %dma_wait3A_126, %dma_wait3A_127] : memref<8x125x64xbf16, #tpu.memory_space<vmem>> -> memref<1x80x64xbf16, #tpu.memory_space<vmem>>
      %dma_wait3A_129 = tpu.memref_squeeze %dma_wait3A_128 : memref<1x80x64xbf16, #tpu.memory_space<vmem>> -> memref<80x64xbf16, #tpu.memory_space<vmem>>
      tpu.wait_dma2 semaphore(%run_scoped3A_106 : memref<!tpu.dma_semaphore, #tpu.memory_space<semaphore_mem>>) src(%dma_wait3A_129 : memref<80x64xbf16, #tpu.memory_space<vmem>>) dst(%dma_wait3A_125 : memref<80x64xbf16, #tpu.memory_space<vmem_shared>>)
      tpu.yield
    }) : () -> ()
    %mul3A_41 = arith.constant 640 : i32
    %mul3A_42 = arith.muli %arg1, %mul3A_41 : i32
    %add3A_43 = arith.constant 560 : i32
    %add3A_44 = arith.addi %mul3A_42, %add3A_43 : i32
    %run_scoped3A_45 = arith.constant 0 : i32
    "tpu.region"() ({
      %run_scoped3A_106 = tpu.sem_alloc : memref<!tpu.dma_semaphore, #tpu.memory_space<semaphore_mem>>
      %dma_start3A_107 = arith.constant 0 : i32
      %dma_start3A_108 = arith.constant 0 : i32
      %dma_start3A_109 = tpu.memref_slice %arg7[%run_scoped3A_45, %dma_start3A_107, %dma_start3A_108] : memref<8x125x64xbf16, #tpu.memory_space<vmem>> -> memref<1x80x64xbf16, #tpu.memory_space<vmem>>
      %dma_start3A_110 = tpu.memref_squeeze %dma_start3A_109 : memref<1x80x64xbf16, #tpu.memory_space<vmem>> -> memref<80x64xbf16, #tpu.memory_space<vmem>>
      %dma_start3A_111 = arith.constant 0 : i32
      %dma_start3A_112 = tpu.memref_slice %arg12[%add3A_44, %dma_start3A_111] : memref<10240x64xbf16, #tpu.memory_space<vmem_shared>> -> memref<80x64xbf16, #tpu.memory_space<vmem_shared>>
      %dma_start3A_113 = arith.constant 0 : i32
      %dma_start3A_114 = tpu.memref_slice %arg12[%add3A_44, %dma_start3A_113] : memref<10240x64xbf16, #tpu.memory_space<vmem_shared>> -> memref<80x64xbf16, #tpu.memory_space<vmem_shared>>
      %dma_start3A_115 = arith.constant 0 : i32
      %dma_start3A_116 = arith.constant 0 : i32
      %dma_start3A_117 = tpu.memref_slice %arg7[%run_scoped3A_45, %dma_start3A_115, %dma_start3A_116] : memref<8x125x64xbf16, #tpu.memory_space<vmem>> -> memref<1x80x64xbf16, #tpu.memory_space<vmem>>
      %dma_start3A_118 = tpu.memref_squeeze %dma_start3A_117 : memref<1x80x64xbf16, #tpu.memory_space<vmem>> -> memref<80x64xbf16, #tpu.memory_space<vmem>>
      tpu.enqueue_dma source(%dma_start3A_118 : memref<80x64xbf16, #tpu.memory_space<vmem>>) target(%dma_start3A_114 : memref<80x64xbf16, #tpu.memory_space<vmem_shared>>) target_semaphore(%run_scoped3A_106 : memref<!tpu.dma_semaphore, #tpu.memory_space<semaphore_mem>>)
      %dma_wait3A = arith.constant 0 : i32
      %dma_wait3A_119 = arith.constant 0 : i32
      %dma_wait3A_120 = tpu.memref_slice %arg7[%run_scoped3A_45, %dma_wait3A, %dma_wait3A_119] : memref<8x125x64xbf16, #tpu.memory_space<vmem>> -> memref<1x80x64xbf16, #tpu.memory_space<vmem>>
      %dma_wait3A_121 = tpu.memref_squeeze %dma_wait3A_120 : memref<1x80x64xbf16, #tpu.memory_space<vmem>> -> memref<80x64xbf16, #tpu.memory_space<vmem>>
      %dma_wait3A_122 = arith.constant 0 : i32
      %dma_wait3A_123 = tpu.memref_slice %arg12[%add3A_44, %dma_wait3A_122] : memref<10240x64xbf16, #tpu.memory_space<vmem_shared>> -> memref<80x64xbf16, #tpu.memory_space<vmem_shared>>
      %dma_wait3A_124 = arith.constant 0 : i32
      %dma_wait3A_125 = tpu.memref_slice %arg12[%add3A_44, %dma_wait3A_124] : memref<10240x64xbf16, #tpu.memory_space<vmem_shared>> -> memref<80x64xbf16, #tpu.memory_space<vmem_shared>>
      %dma_wait3A_126 = arith.constant 0 : i32
      %dma_wait3A_127 = arith.constant 0 : i32
      %dma_wait3A_128 = tpu.memref_slice %arg7[%run_scoped3A_45, %dma_wait3A_126, %dma_wait3A_127] : memref<8x125x64xbf16, #tpu.memory_space<vmem>> -> memref<1x80x64xbf16, #tpu.memory_space<vmem>>
      %dma_wait3A_129 = tpu.memref_squeeze %dma_wait3A_128 : memref<1x80x64xbf16, #tpu.memory_space<vmem>> -> memref<80x64xbf16, #tpu.memory_space<vmem>>
      tpu.wait_dma2 semaphore(%run_scoped3A_106 : memref<!tpu.dma_semaphore, #tpu.memory_space<semaphore_mem>>) src(%dma_wait3A_129 : memref<80x64xbf16, #tpu.memory_space<vmem>>) dst(%dma_wait3A_125 : memref<80x64xbf16, #tpu.memory_space<vmem_shared>>)
      tpu.yield
    }) : () -> ()
    %run_scoped3A_46 = arith.constant 0 : i32
    "tpu.region"() ({
      %run_scoped3A_106 = tpu.sem_alloc : memref<!tpu.dma_semaphore, #tpu.memory_space<semaphore_mem>>
      %dma_start3A_107 = arith.constant 0 : i32
      %dma_start3A_108 = arith.constant 0 : i32
      %dma_start3A_109 = tpu.memref_slice %arg3[%run_scoped3A_46, %add3A, %dma_start3A_107, %dma_start3A_108] : memref<2x32x80x125xi32, #tpu.memory_space<hbm>> -> memref<1x1x80x125xi32, #tpu.memory_space<hbm>>
      %dma_start3A_110 = tpu.memref_squeeze %dma_start3A_109 : memref<1x1x80x125xi32, #tpu.memory_space<hbm>> -> memref<80x125xi32, #tpu.memory_space<hbm>>
      %dma_start3A_111 = arith.constant 0 : i32
      %dma_start3A_112 = arith.constant 0 : i32
      %dma_start3A_113 = tpu.memref_slice %arg3[%run_scoped3A_46, %add3A, %dma_start3A_111, %dma_start3A_112] : memref<2x32x80x125xi32, #tpu.memory_space<hbm>> -> memref<1x1x80x125xi32, #tpu.memory_space<hbm>>
      %dma_start3A_114 = tpu.memref_squeeze %dma_start3A_113 : memref<1x1x80x125xi32, #tpu.memory_space<hbm>> -> memref<80x125xi32, #tpu.memory_space<hbm>>
      tpu.enqueue_dma source(%dma_start3A_114 : memref<80x125xi32, #tpu.memory_space<hbm>>) target(%arg5 : memref<80x125xi32, #tpu.memory_space<vmem>>) target_semaphore(%run_scoped3A_106 : memref<!tpu.dma_semaphore, #tpu.memory_space<semaphore_mem>>)
      %dma_wait3A = arith.constant 0 : i32
      %dma_wait3A_115 = arith.constant 0 : i32
      %dma_wait3A_116 = tpu.memref_slice %arg3[%run_scoped3A_46, %add3A, %dma_wait3A, %dma_wait3A_115] : memref<2x32x80x125xi32, #tpu.memory_space<hbm>> -> memref<1x1x80x125xi32, #tpu.memory_space<hbm>>
      %dma_wait3A_117 = tpu.memref_squeeze %dma_wait3A_116 : memref<1x1x80x125xi32, #tpu.memory_space<hbm>> -> memref<80x125xi32, #tpu.memory_space<hbm>>
      %dma_wait3A_118 = arith.constant 0 : i32
      %dma_wait3A_119 = arith.constant 0 : i32
      %dma_wait3A_120 = tpu.memref_slice %arg3[%run_scoped3A_46, %add3A, %dma_wait3A_118, %dma_wait3A_119] : memref<2x32x80x125xi32, #tpu.memory_space<hbm>> -> memref<1x1x80x125xi32, #tpu.memory_space<hbm>>
      %dma_wait3A_121 = tpu.memref_squeeze %dma_wait3A_120 : memref<1x1x80x125xi32, #tpu.memory_space<hbm>> -> memref<80x125xi32, #tpu.memory_space<hbm>>
      tpu.wait_dma2 semaphore(%run_scoped3A_106 : memref<!tpu.dma_semaphore, #tpu.memory_space<semaphore_mem>>) src(%dma_wait3A_121 : memref<80x125xi32, #tpu.memory_space<hbm>>) dst(%arg5 : memref<80x125xi32, #tpu.memory_space<vmem>>)
      tpu.yield
    }) : () -> ()
    %run_scoped3A_47 = arith.constant 1 : i32
    "tpu.region"() ({
      %run_scoped3A_106 = tpu.sem_alloc : memref<!tpu.dma_semaphore, #tpu.memory_space<semaphore_mem>>
      %dma_start3A_107 = arith.constant 0 : i32
      %dma_start3A_108 = arith.constant 0 : i32
      %dma_start3A_109 = tpu.memref_slice %arg3[%run_scoped3A_47, %add3A, %dma_start3A_107, %dma_start3A_108] : memref<2x32x80x125xi32, #tpu.memory_space<hbm>> -> memref<1x1x80x125xi32, #tpu.memory_space<hbm>>
      %dma_start3A_110 = tpu.memref_squeeze %dma_start3A_109 : memref<1x1x80x125xi32, #tpu.memory_space<hbm>> -> memref<80x125xi32, #tpu.memory_space<hbm>>
      %dma_start3A_111 = arith.constant 0 : i32
      %dma_start3A_112 = arith.constant 0 : i32
      %dma_start3A_113 = tpu.memref_slice %arg3[%run_scoped3A_47, %add3A, %dma_start3A_111, %dma_start3A_112] : memref<2x32x80x125xi32, #tpu.memory_space<hbm>> -> memref<1x1x80x125xi32, #tpu.memory_space<hbm>>
      %dma_start3A_114 = tpu.memref_squeeze %dma_start3A_113 : memref<1x1x80x125xi32, #tpu.memory_space<hbm>> -> memref<80x125xi32, #tpu.memory_space<hbm>>
      tpu.enqueue_dma source(%dma_start3A_114 : memref<80x125xi32, #tpu.memory_space<hbm>>) target(%arg6 : memref<80x125xi32, #tpu.memory_space<vmem>>) target_semaphore(%run_scoped3A_106 : memref<!tpu.dma_semaphore, #tpu.memory_space<semaphore_mem>>)
      %dma_wait3A = arith.constant 0 : i32
      %dma_wait3A_115 = arith.constant 0 : i32
      %dma_wait3A_116 = tpu.memref_slice %arg3[%run_scoped3A_47, %add3A, %dma_wait3A, %dma_wait3A_115] : memref<2x32x80x125xi32, #tpu.memory_space<hbm>> -> memref<1x1x80x125xi32, #tpu.memory_space<hbm>>
      %dma_wait3A_117 = tpu.memref_squeeze %dma_wait3A_116 : memref<1x1x80x125xi32, #tpu.memory_space<hbm>> -> memref<80x125xi32, #tpu.memory_space<hbm>>
      %dma_wait3A_118 = arith.constant 0 : i32
      %dma_wait3A_119 = arith.constant 0 : i32
      %dma_wait3A_120 = tpu.memref_slice %arg3[%run_scoped3A_47, %add3A, %dma_wait3A_118, %dma_wait3A_119] : memref<2x32x80x125xi32, #tpu.memory_space<hbm>> -> memref<1x1x80x125xi32, #tpu.memory_space<hbm>>
      %dma_wait3A_121 = tpu.memref_squeeze %dma_wait3A_120 : memref<1x1x80x125xi32, #tpu.memory_space<hbm>> -> memref<80x125xi32, #tpu.memory_space<hbm>>
      tpu.wait_dma2 semaphore(%run_scoped3A_106 : memref<!tpu.dma_semaphore, #tpu.memory_space<semaphore_mem>>) src(%dma_wait3A_121 : memref<80x125xi32, #tpu.memory_space<hbm>>) dst(%arg6 : memref<80x125xi32, #tpu.memory_space<vmem>>)
      tpu.yield
    }) : () -> ()
    %barrier3A = arith.constant 0 : index
    tpu.barrier barrier_id(%barrier3A)
    %dma_start3A = arith.constant 0 : i32
    %dma_start3A_48 = arith.constant 0 : i32
    %dma_start3A_49 = arith.constant 0 : i32
    %dma_start3A_50 = arith.constant 0 : i32
    %dma_start3A_51 = tpu.memref_slice %arg7[%dma_start3A_48, %dma_start3A_49, %dma_start3A_50] : memref<8x125x64xbf16, #tpu.memory_space<vmem>> -> memref<1x125x64xbf16, #tpu.memory_space<vmem>>
    %dma_start3A_52 = tpu.memref_squeeze %dma_start3A_51 : memref<1x125x64xbf16, #tpu.memory_space<vmem>> -> memref<125x64xbf16, #tpu.memory_space<vmem>>
    %dma_start3A_53 = arith.constant 0 : i32
    %dma_start3A_54 = tpu.memref_slice %arg5[%dma_start3A, %dma_start3A_53] : memref<80x125xi32, #tpu.memory_space<vmem>> -> memref<1x125xi32, #tpu.memory_space<vmem>>
    %dma_start3A_55 = tpu.memref_squeeze %dma_start3A_54 : memref<1x125xi32, #tpu.memory_space<vmem>> -> memref<125xi32, #tpu.memory_space<vmem>>
    %dma_start3A_56 = arith.constant 0 : i32
    %dma_start3A_57 = arith.constant 0 : i32
    %dma_start3A_58 = tpu.memref_slice %arg2[%dma_start3A_56, %dma_start3A_57] : memref<10000x64xbf16, #tpu.memory_space<hbm>> -> memref<10000x64xbf16, #tpu.memory_space<hbm>>
    tpu.enqueue_indirect_dma source(%dma_start3A_58 : memref<10000x64xbf16, #tpu.memory_space<hbm>>) target(%dma_start3A_52 : memref<125x64xbf16, #tpu.memory_space<vmem>>) offsets(%dma_start3A_55 : memref<125xi32, #tpu.memory_space<vmem>>) semaphore(%arg8 : memref<!tpu.dma_semaphore, #tpu.memory_space<semaphore_mem>>)
    %dma_start3A_59 = arith.constant 1 : i32
    %dma_start3A_60 = arith.constant 1 : i32
    %dma_start3A_61 = arith.constant 0 : i32
    %dma_start3A_62 = arith.constant 0 : i32
    %dma_start3A_63 = tpu.memref_slice %arg7[%dma_start3A_60, %dma_start3A_61, %dma_start3A_62] : memref<8x125x64xbf16, #tpu.memory_space<vmem>> -> memref<1x125x64xbf16, #tpu.memory_space<vmem>>
    %dma_start3A_64 = tpu.memref_squeeze %dma_start3A_63 : memref<1x125x64xbf16, #tpu.memory_space<vmem>> -> memref<125x64xbf16, #tpu.memory_space<vmem>>
    %dma_start3A_65 = arith.constant 0 : i32
    %dma_start3A_66 = tpu.memref_slice %arg5[%dma_start3A_59, %dma_start3A_65] : memref<80x125xi32, #tpu.memory_space<vmem>> -> memref<1x125xi32, #tpu.memory_space<vmem>>
    %dma_start3A_67 = tpu.memref_squeeze %dma_start3A_66 : memref<1x125xi32, #tpu.memory_space<vmem>> -> memref<125xi32, #tpu.memory_space<vmem>>
    %dma_start3A_68 = arith.constant 0 : i32
    %dma_start3A_69 = arith.constant 0 : i32
    %dma_start3A_70 = tpu.memref_slice %arg2[%dma_start3A_68, %dma_start3A_69] : memref<10000x64xbf16, #tpu.memory_space<hbm>> -> memref<10000x64xbf16, #tpu.memory_space<hbm>>
    tpu.enqueue_indirect_dma source(%dma_start3A_70 : memref<10000x64xbf16, #tpu.memory_space<hbm>>) target(%dma_start3A_64 : memref<125x64xbf16, #tpu.memory_space<vmem>>) offsets(%dma_start3A_67 : memref<125xi32, #tpu.memory_space<vmem>>) semaphore(%arg8 : memref<!tpu.dma_semaphore, #tpu.memory_space<semaphore_mem>>)
    %dma_start3A_71 = arith.constant 2 : i32
    %dma_start3A_72 = arith.constant 2 : i32
    %dma_start3A_73 = arith.constant 0 : i32
    %dma_start3A_74 = arith.constant 0 : i32
    %dma_start3A_75 = tpu.memref_slice %arg7[%dma_start3A_72, %dma_start3A_73, %dma_start3A_74] : memref<8x125x64xbf16, #tpu.memory_space<vmem>> -> memref<1x125x64xbf16, #tpu.memory_space<vmem>>
    %dma_start3A_76 = tpu.memref_squeeze %dma_start3A_75 : memref<1x125x64xbf16, #tpu.memory_space<vmem>> -> memref<125x64xbf16, #tpu.memory_space<vmem>>
    %dma_start3A_77 = arith.constant 0 : i32
    %dma_start3A_78 = tpu.memref_slice %arg5[%dma_start3A_71, %dma_start3A_77] : memref<80x125xi32, #tpu.memory_space<vmem>> -> memref<1x125xi32, #tpu.memory_space<vmem>>
    %dma_start3A_79 = tpu.memref_squeeze %dma_start3A_78 : memref<1x125xi32, #tpu.memory_space<vmem>> -> memref<125xi32, #tpu.memory_space<vmem>>
    %dma_start3A_80 = arith.constant 0 : i32
    %dma_start3A_81 = arith.constant 0 : i32
    %dma_start3A_82 = tpu.memref_slice %arg2[%dma_start3A_80, %dma_start3A_81] : memref<10000x64xbf16, #tpu.memory_space<hbm>> -> memref<10000x64xbf16, #tpu.memory_space<hbm>>
    tpu.enqueue_indirect_dma source(%dma_start3A_82 : memref<10000x64xbf16, #tpu.memory_space<hbm>>) target(%dma_start3A_76 : memref<125x64xbf16, #tpu.memory_space<vmem>>) offsets(%dma_start3A_79 : memref<125xi32, #tpu.memory_space<vmem>>) semaphore(%arg8 : memref<!tpu.dma_semaphore, #tpu.memory_space<semaphore_mem>>)
    %dma_start3A_83 = arith.constant 3 : i32
    %dma_start3A_84 = arith.constant 3 : i32
    %dma_start3A_85 = arith.constant 0 : i32
    %dma_start3A_86 = arith.constant 0 : i32
    %dma_start3A_87 = tpu.memref_slice %arg7[%dma_start3A_84, %dma_start3A_85, %dma_start3A_86] : memref<8x125x64xbf16, #tpu.memory_space<vmem>> -> memref<1x125x64xbf16, #tpu.memory_space<vmem>>
    %dma_start3A_88 = tpu.memref_squeeze %dma_start3A_87 : memref<1x125x64xbf16, #tpu.memory_space<vmem>> -> memref<125x64xbf16, #tpu.memory_space<vmem>>
    %dma_start3A_89 = arith.constant 0 : i32
    %dma_start3A_90 = tpu.memref_slice %arg5[%dma_start3A_83, %dma_start3A_89] : memref<80x125xi32, #tpu.memory_space<vmem>> -> memref<1x125xi32, #tpu.memory_space<vmem>>
    %dma_start3A_91 = tpu.memref_squeeze %dma_start3A_90 : memref<1x125xi32, #tpu.memory_space<vmem>> -> memref<125xi32, #tpu.memory_space<vmem>>
    %dma_start3A_92 = arith.constant 0 : i32
    %dma_start3A_93 = arith.constant 0 : i32
    %dma_start3A_94 = tpu.memref_slice %arg2[%dma_start3A_92, %dma_start3A_93] : memref<10000x64xbf16, #tpu.memory_space<hbm>> -> memref<10000x64xbf16, #tpu.memory_space<hbm>>
    tpu.enqueue_indirect_dma source(%dma_start3A_94 : memref<10000x64xbf16, #tpu.memory_space<hbm>>) target(%dma_start3A_88 : memref<125x64xbf16, #tpu.memory_space<vmem>>) offsets(%dma_start3A_91 : memref<125xi32, #tpu.memory_space<vmem>>) semaphore(%arg8 : memref<!tpu.dma_semaphore, #tpu.memory_space<semaphore_mem>>)
    %scan3A_95 = arith.constant 0 : i32
    %scan3A_96 = arith.constant 0 : i32
    %scan3A_97 = arith.constant 10 : i32
    %scan3A_98 = arith.addi %scan3A_96, %scan3A_97 : i32
    %scan3A_99 = arith.constant 1 : i32
    scf.for %scan3A_106 = %scan3A_96 to %scan3A_98 step %scan3A_99  : i32 {
      %mul3A_107 = arith.constant 8 : i32
      %mul3A_108 = arith.muli %mul3A_107, %scan3A_106 : i32
      %add3A_109 = arith.constant 4 : i32
      %add3A_110 = arith.addi %mul3A_108, %add3A_109 : i32
      %add3A_111 = arith.constant 0 : i32
      %add3A_112 = arith.addi %add3A_110, %add3A_111 : i32
      %dma_start3A_113 = arith.constant 4 : i32
      %dma_start3A_114 = arith.constant 0 : i32
      %dma_start3A_115 = arith.constant 0 : i32
      %dma_start3A_116 = tpu.memref_slice %arg7[%dma_start3A_113, %dma_start3A_114, %dma_start3A_115] : memref<8x125x64xbf16, #tpu.memory_space<vmem>> -> memref<1x125x64xbf16, #tpu.memory_space<vmem>>
      %dma_start3A_117 = tpu.memref_squeeze %dma_start3A_116 : memref<1x125x64xbf16, #tpu.memory_space<vmem>> -> memref<125x64xbf16, #tpu.memory_space<vmem>>
      %dma_start3A_118 = arith.constant 0 : i32
      %dma_start3A_119 = tpu.memref_slice %arg5[%add3A_112, %dma_start3A_118] : memref<80x125xi32, #tpu.memory_space<vmem>> -> memref<1x125xi32, #tpu.memory_space<vmem>>
      %dma_start3A_120 = tpu.memref_squeeze %dma_start3A_119 : memref<1x125xi32, #tpu.memory_space<vmem>> -> memref<125xi32, #tpu.memory_space<vmem>>
      %dma_start3A_121 = arith.constant 0 : i32
      %dma_start3A_122 = arith.constant 0 : i32
      %dma_start3A_123 = tpu.memref_slice %arg2[%dma_start3A_121, %dma_start3A_122] : memref<10000x64xbf16, #tpu.memory_space<hbm>> -> memref<10000x64xbf16, #tpu.memory_space<hbm>>
      tpu.enqueue_indirect_dma source(%dma_start3A_123 : memref<10000x64xbf16, #tpu.memory_space<hbm>>) target(%dma_start3A_117 : memref<125x64xbf16, #tpu.memory_space<vmem>>) offsets(%dma_start3A_120 : memref<125xi32, #tpu.memory_space<vmem>>) semaphore(%arg9 : memref<!tpu.dma_semaphore, #tpu.memory_space<semaphore_mem>>)
      %add3A_124 = arith.constant 1 : i32
      %add3A_125 = arith.addi %add3A_110, %add3A_124 : i32
      %dma_start3A_126 = arith.constant 5 : i32
      %dma_start3A_127 = arith.constant 0 : i32
      %dma_start3A_128 = arith.constant 0 : i32
      %dma_start3A_129 = tpu.memref_slice %arg7[%dma_start3A_126, %dma_start3A_127, %dma_start3A_128] : memref<8x125x64xbf16, #tpu.memory_space<vmem>> -> memref<1x125x64xbf16, #tpu.memory_space<vmem>>
      %dma_start3A_130 = tpu.memref_squeeze %dma_start3A_129 : memref<1x125x64xbf16, #tpu.memory_space<vmem>> -> memref<125x64xbf16, #tpu.memory_space<vmem>>
      %dma_start3A_131 = arith.constant 0 : i32
      %dma_start3A_132 = tpu.memref_slice %arg5[%add3A_125, %dma_start3A_131] : memref<80x125xi32, #tpu.memory_space<vmem>> -> memref<1x125xi32, #tpu.memory_space<vmem>>
      %dma_start3A_133 = tpu.memref_squeeze %dma_start3A_132 : memref<1x125xi32, #tpu.memory_space<vmem>> -> memref<125xi32, #tpu.memory_space<vmem>>
      %dma_start3A_134 = arith.constant 0 : i32
      %dma_start3A_135 = arith.constant 0 : i32
      %dma_start3A_136 = tpu.memref_slice %arg2[%dma_start3A_134, %dma_start3A_135] : memref<10000x64xbf16, #tpu.memory_space<hbm>> -> memref<10000x64xbf16, #tpu.memory_space<hbm>>
      tpu.enqueue_indirect_dma source(%dma_start3A_136 : memref<10000x64xbf16, #tpu.memory_space<hbm>>) target(%dma_start3A_130 : memref<125x64xbf16, #tpu.memory_space<vmem>>) offsets(%dma_start3A_133 : memref<125xi32, #tpu.memory_space<vmem>>) semaphore(%arg9 : memref<!tpu.dma_semaphore, #tpu.memory_space<semaphore_mem>>)
      %add3A_137 = arith.constant 2 : i32
      %add3A_138 = arith.addi %add3A_110, %add3A_137 : i32
      %dma_start3A_139 = arith.constant 6 : i32
      %dma_start3A_140 = arith.constant 0 : i32
      %dma_start3A_141 = arith.constant 0 : i32
      %dma_start3A_142 = tpu.memref_slice %arg7[%dma_start3A_139, %dma_start3A_140, %dma_start3A_141] : memref<8x125x64xbf16, #tpu.memory_space<vmem>> -> memref<1x125x64xbf16, #tpu.memory_space<vmem>>
      %dma_start3A_143 = tpu.memref_squeeze %dma_start3A_142 : memref<1x125x64xbf16, #tpu.memory_space<vmem>> -> memref<125x64xbf16, #tpu.memory_space<vmem>>
      %dma_start3A_144 = arith.constant 0 : i32
      %dma_start3A_145 = tpu.memref_slice %arg5[%add3A_138, %dma_start3A_144] : memref<80x125xi32, #tpu.memory_space<vmem>> -> memref<1x125xi32, #tpu.memory_space<vmem>>
      %dma_start3A_146 = tpu.memref_squeeze %dma_start3A_145 : memref<1x125xi32, #tpu.memory_space<vmem>> -> memref<125xi32, #tpu.memory_space<vmem>>
      %dma_start3A_147 = arith.constant 0 : i32
      %dma_start3A_148 = arith.constant 0 : i32
      %dma_start3A_149 = tpu.memref_slice %arg2[%dma_start3A_147, %dma_start3A_148] : memref<10000x64xbf16, #tpu.memory_space<hbm>> -> memref<10000x64xbf16, #tpu.memory_space<hbm>>
      tpu.enqueue_indirect_dma source(%dma_start3A_149 : memref<10000x64xbf16, #tpu.memory_space<hbm>>) target(%dma_start3A_143 : memref<125x64xbf16, #tpu.memory_space<vmem>>) offsets(%dma_start3A_146 : memref<125xi32, #tpu.memory_space<vmem>>) semaphore(%arg9 : memref<!tpu.dma_semaphore, #tpu.memory_space<semaphore_mem>>)
      %add3A_150 = arith.constant 3 : i32
      %add3A_151 = arith.addi %add3A_110, %add3A_150 : i32
      %dma_start3A_152 = arith.constant 7 : i32
      %dma_start3A_153 = arith.constant 0 : i32
      %dma_start3A_154 = arith.constant 0 : i32
      %dma_start3A_155 = tpu.memref_slice %arg7[%dma_start3A_152, %dma_start3A_153, %dma_start3A_154] : memref<8x125x64xbf16, #tpu.memory_space<vmem>> -> memref<1x125x64xbf16, #tpu.memory_space<vmem>>
      %dma_start3A_156 = tpu.memref_squeeze %dma_start3A_155 : memref<1x125x64xbf16, #tpu.memory_space<vmem>> -> memref<125x64xbf16, #tpu.memory_space<vmem>>
      %dma_start3A_157 = arith.constant 0 : i32
      %dma_start3A_158 = tpu.memref_slice %arg5[%add3A_151, %dma_start3A_157] : memref<80x125xi32, #tpu.memory_space<vmem>> -> memref<1x125xi32, #tpu.memory_space<vmem>>
      %dma_start3A_159 = tpu.memref_squeeze %dma_start3A_158 : memref<1x125xi32, #tpu.memory_space<vmem>> -> memref<125xi32, #tpu.memory_space<vmem>>
      %dma_start3A_160 = arith.constant 0 : i32
      %dma_start3A_161 = arith.constant 0 : i32
      %dma_start3A_162 = tpu.memref_slice %arg2[%dma_start3A_160, %dma_start3A_161] : memref<10000x64xbf16, #tpu.memory_space<hbm>> -> memref<10000x64xbf16, #tpu.memory_space<hbm>>
      tpu.enqueue_indirect_dma source(%dma_start3A_162 : memref<10000x64xbf16, #tpu.memory_space<hbm>>) target(%dma_start3A_156 : memref<125x64xbf16, #tpu.memory_space<vmem>>) offsets(%dma_start3A_159 : memref<125xi32, #tpu.memory_space<vmem>>) semaphore(%arg9 : memref<!tpu.dma_semaphore, #tpu.memory_space<semaphore_mem>>)
      %dma_wait3A = arith.constant 0 : i32
      %dma_wait3A_163 = arith.constant 0 : i32
      %dma_wait3A_164 = arith.constant 0 : i32
      %dma_wait3A_165 = arith.constant 0 : i32
      %dma_wait3A_166 = tpu.memref_slice %arg7[%dma_wait3A_163, %dma_wait3A_164, %dma_wait3A_165] : memref<8x125x64xbf16, #tpu.memory_space<vmem>> -> memref<1x125x64xbf16, #tpu.memory_space<vmem>>
      %dma_wait3A_167 = tpu.memref_squeeze %dma_wait3A_166 : memref<1x125x64xbf16, #tpu.memory_space<vmem>> -> memref<125x64xbf16, #tpu.memory_space<vmem>>
      %dma_wait3A_168 = arith.constant 0 : i32
      %dma_wait3A_169 = tpu.memref_slice %arg5[%dma_wait3A, %dma_wait3A_168] : memref<80x125xi32, #tpu.memory_space<vmem>> -> memref<1x125xi32, #tpu.memory_space<vmem>>
      %dma_wait3A_170 = tpu.memref_squeeze %dma_wait3A_169 : memref<1x125xi32, #tpu.memory_space<vmem>> -> memref<125xi32, #tpu.memory_space<vmem>>
      %dma_wait3A_171 = arith.constant 0 : i32
      %dma_wait3A_172 = arith.constant 0 : i32
      %dma_wait3A_173 = tpu.memref_slice %arg2[%dma_wait3A_171, %dma_wait3A_172] : memref<10000x64xbf16, #tpu.memory_space<hbm>> -> memref<10000x64xbf16, #tpu.memory_space<hbm>>
      tpu.wait_indirect_dma semaphore(%arg8 : memref<!tpu.dma_semaphore, #tpu.memory_space<semaphore_mem>>) src(%dma_wait3A_173 : memref<10000x64xbf16, #tpu.memory_space<hbm>>) dst(%dma_wait3A_167 : memref<125x64xbf16, #tpu.memory_space<vmem>>)
      %dma_wait3A_174 = arith.constant 0 : i32
      %dma_wait3A_175 = arith.constant 1 : i32
      %dma_wait3A_176 = arith.constant 0 : i32
      %dma_wait3A_177 = arith.constant 0 : i32
      %dma_wait3A_178 = tpu.memref_slice %arg7[%dma_wait3A_175, %dma_wait3A_176, %dma_wait3A_177] : memref<8x125x64xbf16, #tpu.memory_space<vmem>> -> memref<1x125x64xbf16, #tpu.memory_space<vmem>>
      %dma_wait3A_179 = tpu.memref_squeeze %dma_wait3A_178 : memref<1x125x64xbf16, #tpu.memory_space<vmem>> -> memref<125x64xbf16, #tpu.memory_space<vmem>>
      %dma_wait3A_180 = arith.constant 0 : i32
      %dma_wait3A_181 = tpu.memref_slice %arg5[%dma_wait3A_174, %dma_wait3A_180] : memref<80x125xi32, #tpu.memory_space<vmem>> -> memref<1x125xi32, #tpu.memory_space<vmem>>
      %dma_wait3A_182 = tpu.memref_squeeze %dma_wait3A_181 : memref<1x125xi32, #tpu.memory_space<vmem>> -> memref<125xi32, #tpu.memory_space<vmem>>
      %dma_wait3A_183 = arith.constant 0 : i32
      %dma_wait3A_184 = arith.constant 0 : i32
      %dma_wait3A_185 = tpu.memref_slice %arg2[%dma_wait3A_183, %dma_wait3A_184] : memref<10000x64xbf16, #tpu.memory_space<hbm>> -> memref<10000x64xbf16, #tpu.memory_space<hbm>>
      tpu.wait_indirect_dma semaphore(%arg8 : memref<!tpu.dma_semaphore, #tpu.memory_space<semaphore_mem>>) src(%dma_wait3A_185 : memref<10000x64xbf16, #tpu.memory_space<hbm>>) dst(%dma_wait3A_179 : memref<125x64xbf16, #tpu.memory_space<vmem>>)
      %dma_wait3A_186 = arith.constant 0 : i32
      %dma_wait3A_187 = arith.constant 2 : i32
      %dma_wait3A_188 = arith.constant 0 : i32
      %dma_wait3A_189 = arith.constant 0 : i32
      %dma_wait3A_190 = tpu.memref_slice %arg7[%dma_wait3A_187, %dma_wait3A_188, %dma_wait3A_189] : memref<8x125x64xbf16, #tpu.memory_space<vmem>> -> memref<1x125x64xbf16, #tpu.memory_space<vmem>>
      %dma_wait3A_191 = tpu.memref_squeeze %dma_wait3A_190 : memref<1x125x64xbf16, #tpu.memory_space<vmem>> -> memref<125x64xbf16, #tpu.memory_space<vmem>>
      %dma_wait3A_192 = arith.constant 0 : i32
      %dma_wait3A_193 = tpu.memref_slice %arg5[%dma_wait3A_186, %dma_wait3A_192] : memref<80x125xi32, #tpu.memory_space<vmem>> -> memref<1x125xi32, #tpu.memory_space<vmem>>
      %dma_wait3A_194 = tpu.memref_squeeze %dma_wait3A_193 : memref<1x125xi32, #tpu.memory_space<vmem>> -> memref<125xi32, #tpu.memory_space<vmem>>
      %dma_wait3A_195 = arith.constant 0 : i32
      %dma_wait3A_196 = arith.constant 0 : i32
      %dma_wait3A_197 = tpu.memref_slice %arg2[%dma_wait3A_195, %dma_wait3A_196] : memref<10000x64xbf16, #tpu.memory_space<hbm>> -> memref<10000x64xbf16, #tpu.memory_space<hbm>>
      tpu.wait_indirect_dma semaphore(%arg8 : memref<!tpu.dma_semaphore, #tpu.memory_space<semaphore_mem>>) src(%dma_wait3A_197 : memref<10000x64xbf16, #tpu.memory_space<hbm>>) dst(%dma_wait3A_191 : memref<125x64xbf16, #tpu.memory_space<vmem>>)
      %dma_wait3A_198 = arith.constant 0 : i32
      %dma_wait3A_199 = arith.constant 3 : i32
      %dma_wait3A_200 = arith.constant 0 : i32
      %dma_wait3A_201 = arith.constant 0 : i32
      %dma_wait3A_202 = tpu.memref_slice %arg7[%dma_wait3A_199, %dma_wait3A_200, %dma_wait3A_201] : memref<8x125x64xbf16, #tpu.memory_space<vmem>> -> memref<1x125x64xbf16, #tpu.memory_space<vmem>>
      %dma_wait3A_203 = tpu.memref_squeeze %dma_wait3A_202 : memref<1x125x64xbf16, #tpu.memory_space<vmem>> -> memref<125x64xbf16, #tpu.memory_space<vmem>>
      %dma_wait3A_204 = arith.constant 0 : i32
      %dma_wait3A_205 = tpu.memref_slice %arg5[%dma_wait3A_198, %dma_wait3A_204] : memref<80x125xi32, #tpu.memory_space<vmem>> -> memref<1x125xi32, #tpu.memory_space<vmem>>
      %dma_wait3A_206 = tpu.memref_squeeze %dma_wait3A_205 : memref<1x125xi32, #tpu.memory_space<vmem>> -> memref<125xi32, #tpu.memory_space<vmem>>
      %dma_wait3A_207 = arith.constant 0 : i32
      %dma_wait3A_208 = arith.constant 0 : i32
      %dma_wait3A_209 = tpu.memref_slice %arg2[%dma_wait3A_207, %dma_wait3A_208] : memref<10000x64xbf16, #tpu.memory_space<hbm>> -> memref<10000x64xbf16, #tpu.memory_space<hbm>>
      tpu.wait_indirect_dma semaphore(%arg8 : memref<!tpu.dma_semaphore, #tpu.memory_space<semaphore_mem>>) src(%dma_wait3A_209 : memref<10000x64xbf16, #tpu.memory_space<hbm>>) dst(%dma_wait3A_203 : memref<125x64xbf16, #tpu.memory_space<vmem>>)
      %add3A_210 = arith.constant 0 : i32
      %add3A_211 = arith.addi %mul3A_108, %add3A_210 : i32
      %dma_start3A_212 = arith.constant 0 : i32
      %dma_start3A_213 = arith.constant 0 : i32
      %dma_start3A_214 = arith.constant 0 : i32
      %dma_start3A_215 = tpu.memref_slice %arg7[%dma_start3A_212, %dma_start3A_213, %dma_start3A_214] : memref<8x125x64xbf16, #tpu.memory_space<vmem>> -> memref<1x125x64xbf16, #tpu.memory_space<vmem>>
      %dma_start3A_216 = tpu.memref_squeeze %dma_start3A_215 : memref<1x125x64xbf16, #tpu.memory_space<vmem>> -> memref<125x64xbf16, #tpu.memory_space<vmem>>
      %dma_start3A_217 = arith.constant 0 : i32
      %dma_start3A_218 = tpu.memref_slice %arg6[%add3A_211, %dma_start3A_217] : memref<80x125xi32, #tpu.memory_space<vmem>> -> memref<1x125xi32, #tpu.memory_space<vmem>>
      %dma_start3A_219 = tpu.memref_squeeze %dma_start3A_218 : memref<1x125xi32, #tpu.memory_space<vmem>> -> memref<125xi32, #tpu.memory_space<vmem>>
      %dma_start3A_220 = arith.constant 0 : i32
      %dma_start3A_221 = arith.constant 0 : i32
      %dma_start3A_222 = tpu.memref_slice %arg12[%dma_start3A_220, %dma_start3A_221] : memref<10240x64xbf16, #tpu.memory_space<vmem_shared>> -> memref<10240x64xbf16, #tpu.memory_space<vmem_shared>>
      tpu.enqueue_indirect_dma source(%dma_start3A_216 : memref<125x64xbf16, #tpu.memory_space<vmem>>) target(%dma_start3A_222 : memref<10240x64xbf16, #tpu.memory_space<vmem_shared>>) offsets(%dma_start3A_219 : memref<125xi32, #tpu.memory_space<vmem>>) semaphore(%arg10 : memref<!tpu.dma_semaphore, #tpu.memory_space<semaphore_mem>>) {add = true}
      %add3A_223 = arith.constant 1 : i32
      %add3A_224 = arith.addi %mul3A_108, %add3A_223 : i32
      %dma_start3A_225 = arith.constant 1 : i32
      %dma_start3A_226 = arith.constant 0 : i32
      %dma_start3A_227 = arith.constant 0 : i32
      %dma_start3A_228 = tpu.memref_slice %arg7[%dma_start3A_225, %dma_start3A_226, %dma_start3A_227] : memref<8x125x64xbf16, #tpu.memory_space<vmem>> -> memref<1x125x64xbf16, #tpu.memory_space<vmem>>
      %dma_start3A_229 = tpu.memref_squeeze %dma_start3A_228 : memref<1x125x64xbf16, #tpu.memory_space<vmem>> -> memref<125x64xbf16, #tpu.memory_space<vmem>>
      %dma_start3A_230 = arith.constant 0 : i32
      %dma_start3A_231 = tpu.memref_slice %arg6[%add3A_224, %dma_start3A_230] : memref<80x125xi32, #tpu.memory_space<vmem>> -> memref<1x125xi32, #tpu.memory_space<vmem>>
      %dma_start3A_232 = tpu.memref_squeeze %dma_start3A_231 : memref<1x125xi32, #tpu.memory_space<vmem>> -> memref<125xi32, #tpu.memory_space<vmem>>
      %dma_start3A_233 = arith.constant 0 : i32
      %dma_start3A_234 = arith.constant 0 : i32
      %dma_start3A_235 = tpu.memref_slice %arg12[%dma_start3A_233, %dma_start3A_234] : memref<10240x64xbf16, #tpu.memory_space<vmem_shared>> -> memref<10240x64xbf16, #tpu.memory_space<vmem_shared>>
      tpu.enqueue_indirect_dma source(%dma_start3A_229 : memref<125x64xbf16, #tpu.memory_space<vmem>>) target(%dma_start3A_235 : memref<10240x64xbf16, #tpu.memory_space<vmem_shared>>) offsets(%dma_start3A_232 : memref<125xi32, #tpu.memory_space<vmem>>) semaphore(%arg10 : memref<!tpu.dma_semaphore, #tpu.memory_space<semaphore_mem>>) {add = true}
      %add3A_236 = arith.constant 2 : i32
      %add3A_237 = arith.addi %mul3A_108, %add3A_236 : i32
      %dma_start3A_238 = arith.constant 2 : i32
      %dma_start3A_239 = arith.constant 0 : i32
      %dma_start3A_240 = arith.constant 0 : i32
      %dma_start3A_241 = tpu.memref_slice %arg7[%dma_start3A_238, %dma_start3A_239, %dma_start3A_240] : memref<8x125x64xbf16, #tpu.memory_space<vmem>> -> memref<1x125x64xbf16, #tpu.memory_space<vmem>>
      %dma_start3A_242 = tpu.memref_squeeze %dma_start3A_241 : memref<1x125x64xbf16, #tpu.memory_space<vmem>> -> memref<125x64xbf16, #tpu.memory_space<vmem>>
      %dma_start3A_243 = arith.constant 0 : i32
      %dma_start3A_244 = tpu.memref_slice %arg6[%add3A_237, %dma_start3A_243] : memref<80x125xi32, #tpu.memory_space<vmem>> -> memref<1x125xi32, #tpu.memory_space<vmem>>
      %dma_start3A_245 = tpu.memref_squeeze %dma_start3A_244 : memref<1x125xi32, #tpu.memory_space<vmem>> -> memref<125xi32, #tpu.memory_space<vmem>>
      %dma_start3A_246 = arith.constant 0 : i32
      %dma_start3A_247 = arith.constant 0 : i32
      %dma_start3A_248 = tpu.memref_slice %arg12[%dma_start3A_246, %dma_start3A_247] : memref<10240x64xbf16, #tpu.memory_space<vmem_shared>> -> memref<10240x64xbf16, #tpu.memory_space<vmem_shared>>
      tpu.enqueue_indirect_dma source(%dma_start3A_242 : memref<125x64xbf16, #tpu.memory_space<vmem>>) target(%dma_start3A_248 : memref<10240x64xbf16, #tpu.memory_space<vmem_shared>>) offsets(%dma_start3A_245 : memref<125xi32, #tpu.memory_space<vmem>>) semaphore(%arg10 : memref<!tpu.dma_semaphore, #tpu.memory_space<semaphore_mem>>) {add = true}
      %add3A_249 = arith.constant 3 : i32
      %add3A_250 = arith.addi %mul3A_108, %add3A_249 : i32
      %dma_start3A_251 = arith.constant 3 : i32
      %dma_start3A_252 = arith.constant 0 : i32
      %dma_start3A_253 = arith.constant 0 : i32
      %dma_start3A_254 = tpu.memref_slice %arg7[%dma_start3A_251, %dma_start3A_252, %dma_start3A_253] : memref<8x125x64xbf16, #tpu.memory_space<vmem>> -> memref<1x125x64xbf16, #tpu.memory_space<vmem>>
      %dma_start3A_255 = tpu.memref_squeeze %dma_start3A_254 : memref<1x125x64xbf16, #tpu.memory_space<vmem>> -> memref<125x64xbf16, #tpu.memory_space<vmem>>
      %dma_start3A_256 = arith.constant 0 : i32
      %dma_start3A_257 = tpu.memref_slice %arg6[%add3A_250, %dma_start3A_256] : memref<80x125xi32, #tpu.memory_space<vmem>> -> memref<1x125xi32, #tpu.memory_space<vmem>>
      %dma_start3A_258 = tpu.memref_squeeze %dma_start3A_257 : memref<1x125xi32, #tpu.memory_space<vmem>> -> memref<125xi32, #tpu.memory_space<vmem>>
      %dma_start3A_259 = arith.constant 0 : i32
      %dma_start3A_260 = arith.constant 0 : i32
      %dma_start3A_261 = tpu.memref_slice %arg12[%dma_start3A_259, %dma_start3A_260] : memref<10240x64xbf16, #tpu.memory_space<vmem_shared>> -> memref<10240x64xbf16, #tpu.memory_space<vmem_shared>>
      tpu.enqueue_indirect_dma source(%dma_start3A_255 : memref<125x64xbf16, #tpu.memory_space<vmem>>) target(%dma_start3A_261 : memref<10240x64xbf16, #tpu.memory_space<vmem_shared>>) offsets(%dma_start3A_258 : memref<125xi32, #tpu.memory_space<vmem>>) semaphore(%arg10 : memref<!tpu.dma_semaphore, #tpu.memory_space<semaphore_mem>>) {add = true}
      %dma_wait3A_262 = arith.constant 0 : i32
      %dma_wait3A_263 = arith.constant 0 : i32
      %dma_wait3A_264 = arith.constant 0 : i32
      %dma_wait3A_265 = tpu.memref_slice %arg7[%dma_wait3A_262, %dma_wait3A_263, %dma_wait3A_264] : memref<8x125x64xbf16, #tpu.memory_space<vmem>> -> memref<1x125x64xbf16, #tpu.memory_space<vmem>>
      %dma_wait3A_266 = tpu.memref_squeeze %dma_wait3A_265 : memref<1x125x64xbf16, #tpu.memory_space<vmem>> -> memref<125x64xbf16, #tpu.memory_space<vmem>>
      %dma_wait3A_267 = arith.constant 0 : i32
      %dma_wait3A_268 = tpu.memref_slice %arg6[%add3A_211, %dma_wait3A_267] : memref<80x125xi32, #tpu.memory_space<vmem>> -> memref<1x125xi32, #tpu.memory_space<vmem>>
      %dma_wait3A_269 = tpu.memref_squeeze %dma_wait3A_268 : memref<1x125xi32, #tpu.memory_space<vmem>> -> memref<125xi32, #tpu.memory_space<vmem>>
      %dma_wait3A_270 = arith.constant 0 : i32
      %dma_wait3A_271 = arith.constant 0 : i32
      %dma_wait3A_272 = tpu.memref_slice %arg12[%dma_wait3A_270, %dma_wait3A_271] : memref<10240x64xbf16, #tpu.memory_space<vmem_shared>> -> memref<10240x64xbf16, #tpu.memory_space<vmem_shared>>
      tpu.wait_indirect_dma semaphore(%arg10 : memref<!tpu.dma_semaphore, #tpu.memory_space<semaphore_mem>>) src(%dma_wait3A_266 : memref<125x64xbf16, #tpu.memory_space<vmem>>) dst(%dma_wait3A_272 : memref<10240x64xbf16, #tpu.memory_space<vmem_shared>>)
      %dma_wait3A_273 = arith.constant 1 : i32
      %dma_wait3A_274 = arith.constant 0 : i32
      %dma_wait3A_275 = arith.constant 0 : i32
      %dma_wait3A_276 = tpu.memref_slice %arg7[%dma_wait3A_273, %dma_wait3A_274, %dma_wait3A_275] : memref<8x125x64xbf16, #tpu.memory_space<vmem>> -> memref<1x125x64xbf16, #tpu.memory_space<vmem>>
      %dma_wait3A_277 = tpu.memref_squeeze %dma_wait3A_276 : memref<1x125x64xbf16, #tpu.memory_space<vmem>> -> memref<125x64xbf16, #tpu.memory_space<vmem>>
      %dma_wait3A_278 = arith.constant 0 : i32
      %dma_wait3A_279 = tpu.memref_slice %arg6[%add3A_224, %dma_wait3A_278] : memref<80x125xi32, #tpu.memory_space<vmem>> -> memref<1x125xi32, #tpu.memory_space<vmem>>
      %dma_wait3A_280 = tpu.memref_squeeze %dma_wait3A_279 : memref<1x125xi32, #tpu.memory_space<vmem>> -> memref<125xi32, #tpu.memory_space<vmem>>
      %dma_wait3A_281 = arith.constant 0 : i32
      %dma_wait3A_282 = arith.constant 0 : i32
      %dma_wait3A_283 = tpu.memref_slice %arg12[%dma_wait3A_281, %dma_wait3A_282] : memref<10240x64xbf16, #tpu.memory_space<vmem_shared>> -> memref<10240x64xbf16, #tpu.memory_space<vmem_shared>>
      tpu.wait_indirect_dma semaphore(%arg10 : memref<!tpu.dma_semaphore, #tpu.memory_space<semaphore_mem>>) src(%dma_wait3A_277 : memref<125x64xbf16, #tpu.memory_space<vmem>>) dst(%dma_wait3A_283 : memref<10240x64xbf16, #tpu.memory_space<vmem_shared>>)
      %dma_wait3A_284 = arith.constant 2 : i32
      %dma_wait3A_285 = arith.constant 0 : i32
      %dma_wait3A_286 = arith.constant 0 : i32
      %dma_wait3A_287 = tpu.memref_slice %arg7[%dma_wait3A_284, %dma_wait3A_285, %dma_wait3A_286] : memref<8x125x64xbf16, #tpu.memory_space<vmem>> -> memref<1x125x64xbf16, #tpu.memory_space<vmem>>
      %dma_wait3A_288 = tpu.memref_squeeze %dma_wait3A_287 : memref<1x125x64xbf16, #tpu.memory_space<vmem>> -> memref<125x64xbf16, #tpu.memory_space<vmem>>
      %dma_wait3A_289 = arith.constant 0 : i32
      %dma_wait3A_290 = tpu.memref_slice %arg6[%add3A_237, %dma_wait3A_289] : memref<80x125xi32, #tpu.memory_space<vmem>> -> memref<1x125xi32, #tpu.memory_space<vmem>>
      %dma_wait3A_291 = tpu.memref_squeeze %dma_wait3A_290 : memref<1x125xi32, #tpu.memory_space<vmem>> -> memref<125xi32, #tpu.memory_space<vmem>>
      %dma_wait3A_292 = arith.constant 0 : i32
      %dma_wait3A_293 = arith.constant 0 : i32
      %dma_wait3A_294 = tpu.memref_slice %arg12[%dma_wait3A_292, %dma_wait3A_293] : memref<10240x64xbf16, #tpu.memory_space<vmem_shared>> -> memref<10240x64xbf16, #tpu.memory_space<vmem_shared>>
      tpu.wait_indirect_dma semaphore(%arg10 : memref<!tpu.dma_semaphore, #tpu.memory_space<semaphore_mem>>) src(%dma_wait3A_288 : memref<125x64xbf16, #tpu.memory_space<vmem>>) dst(%dma_wait3A_294 : memref<10240x64xbf16, #tpu.memory_space<vmem_shared>>)
      %dma_wait3A_295 = arith.constant 3 : i32
      %dma_wait3A_296 = arith.constant 0 : i32
      %dma_wait3A_297 = arith.constant 0 : i32
      %dma_wait3A_298 = tpu.memref_slice %arg7[%dma_wait3A_295, %dma_wait3A_296, %dma_wait3A_297] : memref<8x125x64xbf16, #tpu.memory_space<vmem>> -> memref<1x125x64xbf16, #tpu.memory_space<vmem>>
      %dma_wait3A_299 = tpu.memref_squeeze %dma_wait3A_298 : memref<1x125x64xbf16, #tpu.memory_space<vmem>> -> memref<125x64xbf16, #tpu.memory_space<vmem>>
      %dma_wait3A_300 = arith.constant 0 : i32
      %dma_wait3A_301 = tpu.memref_slice %arg6[%add3A_250, %dma_wait3A_300] : memref<80x125xi32, #tpu.memory_space<vmem>> -> memref<1x125xi32, #tpu.memory_space<vmem>>
      %dma_wait3A_302 = tpu.memref_squeeze %dma_wait3A_301 : memref<1x125xi32, #tpu.memory_space<vmem>> -> memref<125xi32, #tpu.memory_space<vmem>>
      %dma_wait3A_303 = arith.constant 0 : i32
      %dma_wait3A_304 = arith.constant 0 : i32
      %dma_wait3A_305 = tpu.memref_slice %arg12[%dma_wait3A_303, %dma_wait3A_304] : memref<10240x64xbf16, #tpu.memory_space<vmem_shared>> -> memref<10240x64xbf16, #tpu.memory_space<vmem_shared>>
      tpu.wait_indirect_dma semaphore(%arg10 : memref<!tpu.dma_semaphore, #tpu.memory_space<semaphore_mem>>) src(%dma_wait3A_299 : memref<125x64xbf16, #tpu.memory_space<vmem>>) dst(%dma_wait3A_305 : memref<10240x64xbf16, #tpu.memory_space<vmem_shared>>)
      %add3A_306 = arith.constant 12 : i32
      %add3A_307 = arith.addi %mul3A_108, %add3A_306 : i32
      %le3A = arith.constant 80 : i32
      %le3A_308 = arith.cmpi sle, %add3A_307, %le3A : i32
      %convert_element_type3A = arith.extui %le3A_308 : i1 to i32
      %cond3A = arith.constant 0 : i32
      %cond3A_309 = arith.cmpi ne, %convert_element_type3A, %cond3A : i32
      scf.if %cond3A_309 {
        %add3A_456 = arith.constant 8 : i32
        %add3A_457 = arith.addi %mul3A_108, %add3A_456 : i32
        %add3A_458 = arith.constant 0 : i32
        %add3A_459 = arith.addi %add3A_457, %add3A_458 : i32
        %dma_start3A_460 = arith.constant 0 : i32
        %dma_start3A_461 = arith.constant 0 : i32
        %dma_start3A_462 = arith.constant 0 : i32
        %dma_start3A_463 = tpu.memref_slice %arg7[%dma_start3A_460, %dma_start3A_461, %dma_start3A_462] : memref<8x125x64xbf16, #tpu.memory_space<vmem>> -> memref<1x125x64xbf16, #tpu.memory_space<vmem>>
        %dma_start3A_464 = tpu.memref_squeeze %dma_start3A_463 : memref<1x125x64xbf16, #tpu.memory_space<vmem>> -> memref<125x64xbf16, #tpu.memory_space<vmem>>
        %dma_start3A_465 = arith.constant 0 : i32
        %dma_start3A_466 = tpu.memref_slice %arg5[%add3A_459, %dma_start3A_465] : memref<80x125xi32, #tpu.memory_space<vmem>> -> memref<1x125xi32, #tpu.memory_space<vmem>>
        %dma_start3A_467 = tpu.memref_squeeze %dma_start3A_466 : memref<1x125xi32, #tpu.memory_space<vmem>> -> memref<125xi32, #tpu.memory_space<vmem>>
        %dma_start3A_468 = arith.constant 0 : i32
        %dma_start3A_469 = arith.constant 0 : i32
        %dma_start3A_470 = tpu.memref_slice %arg2[%dma_start3A_468, %dma_start3A_469] : memref<10000x64xbf16, #tpu.memory_space<hbm>> -> memref<10000x64xbf16, #tpu.memory_space<hbm>>
        tpu.enqueue_indirect_dma source(%dma_start3A_470 : memref<10000x64xbf16, #tpu.memory_space<hbm>>) target(%dma_start3A_464 : memref<125x64xbf16, #tpu.memory_space<vmem>>) offsets(%dma_start3A_467 : memref<125xi32, #tpu.memory_space<vmem>>) semaphore(%arg8 : memref<!tpu.dma_semaphore, #tpu.memory_space<semaphore_mem>>)
        %add3A_471 = arith.constant 1 : i32
        %add3A_472 = arith.addi %add3A_457, %add3A_471 : i32
        %dma_start3A_473 = arith.constant 1 : i32
        %dma_start3A_474 = arith.constant 0 : i32
        %dma_start3A_475 = arith.constant 0 : i32
        %dma_start3A_476 = tpu.memref_slice %arg7[%dma_start3A_473, %dma_start3A_474, %dma_start3A_475] : memref<8x125x64xbf16, #tpu.memory_space<vmem>> -> memref<1x125x64xbf16, #tpu.memory_space<vmem>>
        %dma_start3A_477 = tpu.memref_squeeze %dma_start3A_476 : memref<1x125x64xbf16, #tpu.memory_space<vmem>> -> memref<125x64xbf16, #tpu.memory_space<vmem>>
        %dma_start3A_478 = arith.constant 0 : i32
        %dma_start3A_479 = tpu.memref_slice %arg5[%add3A_472, %dma_start3A_478] : memref<80x125xi32, #tpu.memory_space<vmem>> -> memref<1x125xi32, #tpu.memory_space<vmem>>
        %dma_start3A_480 = tpu.memref_squeeze %dma_start3A_479 : memref<1x125xi32, #tpu.memory_space<vmem>> -> memref<125xi32, #tpu.memory_space<vmem>>
        %dma_start3A_481 = arith.constant 0 : i32
        %dma_start3A_482 = arith.constant 0 : i32
        %dma_start3A_483 = tpu.memref_slice %arg2[%dma_start3A_481, %dma_start3A_482] : memref<10000x64xbf16, #tpu.memory_space<hbm>> -> memref<10000x64xbf16, #tpu.memory_space<hbm>>
        tpu.enqueue_indirect_dma source(%dma_start3A_483 : memref<10000x64xbf16, #tpu.memory_space<hbm>>) target(%dma_start3A_477 : memref<125x64xbf16, #tpu.memory_space<vmem>>) offsets(%dma_start3A_480 : memref<125xi32, #tpu.memory_space<vmem>>) semaphore(%arg8 : memref<!tpu.dma_semaphore, #tpu.memory_space<semaphore_mem>>)
        %add3A_484 = arith.constant 2 : i32
        %add3A_485 = arith.addi %add3A_457, %add3A_484 : i32
        %dma_start3A_486 = arith.constant 2 : i32
        %dma_start3A_487 = arith.constant 0 : i32
        %dma_start3A_488 = arith.constant 0 : i32
        %dma_start3A_489 = tpu.memref_slice %arg7[%dma_start3A_486, %dma_start3A_487, %dma_start3A_488] : memref<8x125x64xbf16, #tpu.memory_space<vmem>> -> memref<1x125x64xbf16, #tpu.memory_space<vmem>>
        %dma_start3A_490 = tpu.memref_squeeze %dma_start3A_489 : memref<1x125x64xbf16, #tpu.memory_space<vmem>> -> memref<125x64xbf16, #tpu.memory_space<vmem>>
        %dma_start3A_491 = arith.constant 0 : i32
        %dma_start3A_492 = tpu.memref_slice %arg5[%add3A_485, %dma_start3A_491] : memref<80x125xi32, #tpu.memory_space<vmem>> -> memref<1x125xi32, #tpu.memory_space<vmem>>
        %dma_start3A_493 = tpu.memref_squeeze %dma_start3A_492 : memref<1x125xi32, #tpu.memory_space<vmem>> -> memref<125xi32, #tpu.memory_space<vmem>>
        %dma_start3A_494 = arith.constant 0 : i32
        %dma_start3A_495 = arith.constant 0 : i32
        %dma_start3A_496 = tpu.memref_slice %arg2[%dma_start3A_494, %dma_start3A_495] : memref<10000x64xbf16, #tpu.memory_space<hbm>> -> memref<10000x64xbf16, #tpu.memory_space<hbm>>
        tpu.enqueue_indirect_dma source(%dma_start3A_496 : memref<10000x64xbf16, #tpu.memory_space<hbm>>) target(%dma_start3A_490 : memref<125x64xbf16, #tpu.memory_space<vmem>>) offsets(%dma_start3A_493 : memref<125xi32, #tpu.memory_space<vmem>>) semaphore(%arg8 : memref<!tpu.dma_semaphore, #tpu.memory_space<semaphore_mem>>)
        %add3A_497 = arith.constant 3 : i32
        %add3A_498 = arith.addi %add3A_457, %add3A_497 : i32
        %dma_start3A_499 = arith.constant 3 : i32
        %dma_start3A_500 = arith.constant 0 : i32
        %dma_start3A_501 = arith.constant 0 : i32
        %dma_start3A_502 = tpu.memref_slice %arg7[%dma_start3A_499, %dma_start3A_500, %dma_start3A_501] : memref<8x125x64xbf16, #tpu.memory_space<vmem>> -> memref<1x125x64xbf16, #tpu.memory_space<vmem>>
        %dma_start3A_503 = tpu.memref_squeeze %dma_start3A_502 : memref<1x125x64xbf16, #tpu.memory_space<vmem>> -> memref<125x64xbf16, #tpu.memory_space<vmem>>
        %dma_start3A_504 = arith.constant 0 : i32
        %dma_start3A_505 = tpu.memref_slice %arg5[%add3A_498, %dma_start3A_504] : memref<80x125xi32, #tpu.memory_space<vmem>> -> memref<1x125xi32, #tpu.memory_space<vmem>>
        %dma_start3A_506 = tpu.memref_squeeze %dma_start3A_505 : memref<1x125xi32, #tpu.memory_space<vmem>> -> memref<125xi32, #tpu.memory_space<vmem>>
        %dma_start3A_507 = arith.constant 0 : i32
        %dma_start3A_508 = arith.constant 0 : i32
        %dma_start3A_509 = tpu.memref_slice %arg2[%dma_start3A_507, %dma_start3A_508] : memref<10000x64xbf16, #tpu.memory_space<hbm>> -> memref<10000x64xbf16, #tpu.memory_space<hbm>>
        tpu.enqueue_indirect_dma source(%dma_start3A_509 : memref<10000x64xbf16, #tpu.memory_space<hbm>>) target(%dma_start3A_503 : memref<125x64xbf16, #tpu.memory_space<vmem>>) offsets(%dma_start3A_506 : memref<125xi32, #tpu.memory_space<vmem>>) semaphore(%arg8 : memref<!tpu.dma_semaphore, #tpu.memory_space<semaphore_mem>>)
      } else {
      }
      %dma_wait3A_310 = arith.constant 0 : i32
      %dma_wait3A_311 = arith.constant 4 : i32
      %dma_wait3A_312 = arith.constant 0 : i32
      %dma_wait3A_313 = arith.constant 0 : i32
      %dma_wait3A_314 = tpu.memref_slice %arg7[%dma_wait3A_311, %dma_wait3A_312, %dma_wait3A_313] : memref<8x125x64xbf16, #tpu.memory_space<vmem>> -> memref<1x125x64xbf16, #tpu.memory_space<vmem>>
      %dma_wait3A_315 = tpu.memref_squeeze %dma_wait3A_314 : memref<1x125x64xbf16, #tpu.memory_space<vmem>> -> memref<125x64xbf16, #tpu.memory_space<vmem>>
      %dma_wait3A_316 = arith.constant 0 : i32
      %dma_wait3A_317 = tpu.memref_slice %arg5[%dma_wait3A_310, %dma_wait3A_316] : memref<80x125xi32, #tpu.memory_space<vmem>> -> memref<1x125xi32, #tpu.memory_space<vmem>>
      %dma_wait3A_318 = tpu.memref_squeeze %dma_wait3A_317 : memref<1x125xi32, #tpu.memory_space<vmem>> -> memref<125xi32, #tpu.memory_space<vmem>>
      %dma_wait3A_319 = arith.constant 0 : i32
      %dma_wait3A_320 = arith.constant 0 : i32
      %dma_wait3A_321 = tpu.memref_slice %arg2[%dma_wait3A_319, %dma_wait3A_320] : memref<10000x64xbf16, #tpu.memory_space<hbm>> -> memref<10000x64xbf16, #tpu.memory_space<hbm>>
      tpu.wait_indirect_dma semaphore(%arg9 : memref<!tpu.dma_semaphore, #tpu.memory_space<semaphore_mem>>) src(%dma_wait3A_321 : memref<10000x64xbf16, #tpu.memory_space<hbm>>) dst(%dma_wait3A_315 : memref<125x64xbf16, #tpu.memory_space<vmem>>)
      %dma_wait3A_322 = arith.constant 0 : i32
      %dma_wait3A_323 = arith.constant 5 : i32
      %dma_wait3A_324 = arith.constant 0 : i32
      %dma_wait3A_325 = arith.constant 0 : i32
      %dma_wait3A_326 = tpu.memref_slice %arg7[%dma_wait3A_323, %dma_wait3A_324, %dma_wait3A_325] : memref<8x125x64xbf16, #tpu.memory_space<vmem>> -> memref<1x125x64xbf16, #tpu.memory_space<vmem>>
      %dma_wait3A_327 = tpu.memref_squeeze %dma_wait3A_326 : memref<1x125x64xbf16, #tpu.memory_space<vmem>> -> memref<125x64xbf16, #tpu.memory_space<vmem>>
      %dma_wait3A_328 = arith.constant 0 : i32
      %dma_wait3A_329 = tpu.memref_slice %arg5[%dma_wait3A_322, %dma_wait3A_328] : memref<80x125xi32, #tpu.memory_space<vmem>> -> memref<1x125xi32, #tpu.memory_space<vmem>>
      %dma_wait3A_330 = tpu.memref_squeeze %dma_wait3A_329 : memref<1x125xi32, #tpu.memory_space<vmem>> -> memref<125xi32, #tpu.memory_space<vmem>>
      %dma_wait3A_331 = arith.constant 0 : i32
      %dma_wait3A_332 = arith.constant 0 : i32
      %dma_wait3A_333 = tpu.memref_slice %arg2[%dma_wait3A_331, %dma_wait3A_332] : memref<10000x64xbf16, #tpu.memory_space<hbm>> -> memref<10000x64xbf16, #tpu.memory_space<hbm>>
      tpu.wait_indirect_dma semaphore(%arg9 : memref<!tpu.dma_semaphore, #tpu.memory_space<semaphore_mem>>) src(%dma_wait3A_333 : memref<10000x64xbf16, #tpu.memory_space<hbm>>) dst(%dma_wait3A_327 : memref<125x64xbf16, #tpu.memory_space<vmem>>)
      %dma_wait3A_334 = arith.constant 0 : i32
      %dma_wait3A_335 = arith.constant 6 : i32
      %dma_wait3A_336 = arith.constant 0 : i32
      %dma_wait3A_337 = arith.constant 0 : i32
      %dma_wait3A_338 = tpu.memref_slice %arg7[%dma_wait3A_335, %dma_wait3A_336, %dma_wait3A_337] : memref<8x125x64xbf16, #tpu.memory_space<vmem>> -> memref<1x125x64xbf16, #tpu.memory_space<vmem>>
      %dma_wait3A_339 = tpu.memref_squeeze %dma_wait3A_338 : memref<1x125x64xbf16, #tpu.memory_space<vmem>> -> memref<125x64xbf16, #tpu.memory_space<vmem>>
      %dma_wait3A_340 = arith.constant 0 : i32
      %dma_wait3A_341 = tpu.memref_slice %arg5[%dma_wait3A_334, %dma_wait3A_340] : memref<80x125xi32, #tpu.memory_space<vmem>> -> memref<1x125xi32, #tpu.memory_space<vmem>>
      %dma_wait3A_342 = tpu.memref_squeeze %dma_wait3A_341 : memref<1x125xi32, #tpu.memory_space<vmem>> -> memref<125xi32, #tpu.memory_space<vmem>>
      %dma_wait3A_343 = arith.constant 0 : i32
      %dma_wait3A_344 = arith.constant 0 : i32
      %dma_wait3A_345 = tpu.memref_slice %arg2[%dma_wait3A_343, %dma_wait3A_344] : memref<10000x64xbf16, #tpu.memory_space<hbm>> -> memref<10000x64xbf16, #tpu.memory_space<hbm>>
      tpu.wait_indirect_dma semaphore(%arg9 : memref<!tpu.dma_semaphore, #tpu.memory_space<semaphore_mem>>) src(%dma_wait3A_345 : memref<10000x64xbf16, #tpu.memory_space<hbm>>) dst(%dma_wait3A_339 : memref<125x64xbf16, #tpu.memory_space<vmem>>)
      %dma_wait3A_346 = arith.constant 0 : i32
      %dma_wait3A_347 = arith.constant 7 : i32
      %dma_wait3A_348 = arith.constant 0 : i32
      %dma_wait3A_349 = arith.constant 0 : i32
      %dma_wait3A_350 = tpu.memref_slice %arg7[%dma_wait3A_347, %dma_wait3A_348, %dma_wait3A_349] : memref<8x125x64xbf16, #tpu.memory_space<vmem>> -> memref<1x125x64xbf16, #tpu.memory_space<vmem>>
      %dma_wait3A_351 = tpu.memref_squeeze %dma_wait3A_350 : memref<1x125x64xbf16, #tpu.memory_space<vmem>> -> memref<125x64xbf16, #tpu.memory_space<vmem>>
      %dma_wait3A_352 = arith.constant 0 : i32
      %dma_wait3A_353 = tpu.memref_slice %arg5[%dma_wait3A_346, %dma_wait3A_352] : memref<80x125xi32, #tpu.memory_space<vmem>> -> memref<1x125xi32, #tpu.memory_space<vmem>>
      %dma_wait3A_354 = tpu.memref_squeeze %dma_wait3A_353 : memref<1x125xi32, #tpu.memory_space<vmem>> -> memref<125xi32, #tpu.memory_space<vmem>>
      %dma_wait3A_355 = arith.constant 0 : i32
      %dma_wait3A_356 = arith.constant 0 : i32
      %dma_wait3A_357 = tpu.memref_slice %arg2[%dma_wait3A_355, %dma_wait3A_356] : memref<10000x64xbf16, #tpu.memory_space<hbm>> -> memref<10000x64xbf16, #tpu.memory_space<hbm>>
      tpu.wait_indirect_dma semaphore(%arg9 : memref<!tpu.dma_semaphore, #tpu.memory_space<semaphore_mem>>) src(%dma_wait3A_357 : memref<10000x64xbf16, #tpu.memory_space<hbm>>) dst(%dma_wait3A_351 : memref<125x64xbf16, #tpu.memory_space<vmem>>)
      %add3A_358 = arith.constant 4 : i32
      %add3A_359 = arith.addi %mul3A_108, %add3A_358 : i32
      %add3A_360 = arith.constant 0 : i32
      %add3A_361 = arith.addi %add3A_359, %add3A_360 : i32
      %dma_start3A_362 = arith.constant 4 : i32
      %dma_start3A_363 = arith.constant 0 : i32
      %dma_start3A_364 = arith.constant 0 : i32
      %dma_start3A_365 = tpu.memref_slice %arg7[%dma_start3A_362, %dma_start3A_363, %dma_start3A_364] : memref<8x125x64xbf16, #tpu.memory_space<vmem>> -> memref<1x125x64xbf16, #tpu.memory_space<vmem>>
      %dma_start3A_366 = tpu.memref_squeeze %dma_start3A_365 : memref<1x125x64xbf16, #tpu.memory_space<vmem>> -> memref<125x64xbf16, #tpu.memory_space<vmem>>
      %dma_start3A_367 = arith.constant 0 : i32
      %dma_start3A_368 = tpu.memref_slice %arg6[%add3A_361, %dma_start3A_367] : memref<80x125xi32, #tpu.memory_space<vmem>> -> memref<1x125xi32, #tpu.memory_space<vmem>>
      %dma_start3A_369 = tpu.memref_squeeze %dma_start3A_368 : memref<1x125xi32, #tpu.memory_space<vmem>> -> memref<125xi32, #tpu.memory_space<vmem>>
      %dma_start3A_370 = arith.constant 0 : i32
      %dma_start3A_371 = arith.constant 0 : i32
      %dma_start3A_372 = tpu.memref_slice %arg12[%dma_start3A_370, %dma_start3A_371] : memref<10240x64xbf16, #tpu.memory_space<vmem_shared>> -> memref<10240x64xbf16, #tpu.memory_space<vmem_shared>>
      tpu.enqueue_indirect_dma source(%dma_start3A_366 : memref<125x64xbf16, #tpu.memory_space<vmem>>) target(%dma_start3A_372 : memref<10240x64xbf16, #tpu.memory_space<vmem_shared>>) offsets(%dma_start3A_369 : memref<125xi32, #tpu.memory_space<vmem>>) semaphore(%arg11 : memref<!tpu.dma_semaphore, #tpu.memory_space<semaphore_mem>>) {add = true}
      %add3A_373 = arith.constant 1 : i32
      %add3A_374 = arith.addi %add3A_359, %add3A_373 : i32
      %dma_start3A_375 = arith.constant 5 : i32
      %dma_start3A_376 = arith.constant 0 : i32
      %dma_start3A_377 = arith.constant 0 : i32
      %dma_start3A_378 = tpu.memref_slice %arg7[%dma_start3A_375, %dma_start3A_376, %dma_start3A_377] : memref<8x125x64xbf16, #tpu.memory_space<vmem>> -> memref<1x125x64xbf16, #tpu.memory_space<vmem>>
      %dma_start3A_379 = tpu.memref_squeeze %dma_start3A_378 : memref<1x125x64xbf16, #tpu.memory_space<vmem>> -> memref<125x64xbf16, #tpu.memory_space<vmem>>
      %dma_start3A_380 = arith.constant 0 : i32
      %dma_start3A_381 = tpu.memref_slice %arg6[%add3A_374, %dma_start3A_380] : memref<80x125xi32, #tpu.memory_space<vmem>> -> memref<1x125xi32, #tpu.memory_space<vmem>>
      %dma_start3A_382 = tpu.memref_squeeze %dma_start3A_381 : memref<1x125xi32, #tpu.memory_space<vmem>> -> memref<125xi32, #tpu.memory_space<vmem>>
      %dma_start3A_383 = arith.constant 0 : i32
      %dma_start3A_384 = arith.constant 0 : i32
      %dma_start3A_385 = tpu.memref_slice %arg12[%dma_start3A_383, %dma_start3A_384] : memref<10240x64xbf16, #tpu.memory_space<vmem_shared>> -> memref<10240x64xbf16, #tpu.memory_space<vmem_shared>>
      tpu.enqueue_indirect_dma source(%dma_start3A_379 : memref<125x64xbf16, #tpu.memory_space<vmem>>) target(%dma_start3A_385 : memref<10240x64xbf16, #tpu.memory_space<vmem_shared>>) offsets(%dma_start3A_382 : memref<125xi32, #tpu.memory_space<vmem>>) semaphore(%arg11 : memref<!tpu.dma_semaphore, #tpu.memory_space<semaphore_mem>>) {add = true}
      %add3A_386 = arith.constant 2 : i32
      %add3A_387 = arith.addi %add3A_359, %add3A_386 : i32
      %dma_start3A_388 = arith.constant 6 : i32
      %dma_start3A_389 = arith.constant 0 : i32
      %dma_start3A_390 = arith.constant 0 : i32
      %dma_start3A_391 = tpu.memref_slice %arg7[%dma_start3A_388, %dma_start3A_389, %dma_start3A_390] : memref<8x125x64xbf16, #tpu.memory_space<vmem>> -> memref<1x125x64xbf16, #tpu.memory_space<vmem>>
      %dma_start3A_392 = tpu.memref_squeeze %dma_start3A_391 : memref<1x125x64xbf16, #tpu.memory_space<vmem>> -> memref<125x64xbf16, #tpu.memory_space<vmem>>
      %dma_start3A_393 = arith.constant 0 : i32
      %dma_start3A_394 = tpu.memref_slice %arg6[%add3A_387, %dma_start3A_393] : memref<80x125xi32, #tpu.memory_space<vmem>> -> memref<1x125xi32, #tpu.memory_space<vmem>>
      %dma_start3A_395 = tpu.memref_squeeze %dma_start3A_394 : memref<1x125xi32, #tpu.memory_space<vmem>> -> memref<125xi32, #tpu.memory_space<vmem>>
      %dma_start3A_396 = arith.constant 0 : i32
      %dma_start3A_397 = arith.constant 0 : i32
      %dma_start3A_398 = tpu.memref_slice %arg12[%dma_start3A_396, %dma_start3A_397] : memref<10240x64xbf16, #tpu.memory_space<vmem_shared>> -> memref<10240x64xbf16, #tpu.memory_space<vmem_shared>>
      tpu.enqueue_indirect_dma source(%dma_start3A_392 : memref<125x64xbf16, #tpu.memory_space<vmem>>) target(%dma_start3A_398 : memref<10240x64xbf16, #tpu.memory_space<vmem_shared>>) offsets(%dma_start3A_395 : memref<125xi32, #tpu.memory_space<vmem>>) semaphore(%arg11 : memref<!tpu.dma_semaphore, #tpu.memory_space<semaphore_mem>>) {add = true}
      %add3A_399 = arith.constant 3 : i32
      %add3A_400 = arith.addi %add3A_359, %add3A_399 : i32
      %dma_start3A_401 = arith.constant 7 : i32
      %dma_start3A_402 = arith.constant 0 : i32
      %dma_start3A_403 = arith.constant 0 : i32
      %dma_start3A_404 = tpu.memref_slice %arg7[%dma_start3A_401, %dma_start3A_402, %dma_start3A_403] : memref<8x125x64xbf16, #tpu.memory_space<vmem>> -> memref<1x125x64xbf16, #tpu.memory_space<vmem>>
      %dma_start3A_405 = tpu.memref_squeeze %dma_start3A_404 : memref<1x125x64xbf16, #tpu.memory_space<vmem>> -> memref<125x64xbf16, #tpu.memory_space<vmem>>
      %dma_start3A_406 = arith.constant 0 : i32
      %dma_start3A_407 = tpu.memref_slice %arg6[%add3A_400, %dma_start3A_406] : memref<80x125xi32, #tpu.memory_space<vmem>> -> memref<1x125xi32, #tpu.memory_space<vmem>>
      %dma_start3A_408 = tpu.memref_squeeze %dma_start3A_407 : memref<1x125xi32, #tpu.memory_space<vmem>> -> memref<125xi32, #tpu.memory_space<vmem>>
      %dma_start3A_409 = arith.constant 0 : i32
      %dma_start3A_410 = arith.constant 0 : i32
      %dma_start3A_411 = tpu.memref_slice %arg12[%dma_start3A_409, %dma_start3A_410] : memref<10240x64xbf16, #tpu.memory_space<vmem_shared>> -> memref<10240x64xbf16, #tpu.memory_space<vmem_shared>>
      tpu.enqueue_indirect_dma source(%dma_start3A_405 : memref<125x64xbf16, #tpu.memory_space<vmem>>) target(%dma_start3A_411 : memref<10240x64xbf16, #tpu.memory_space<vmem_shared>>) offsets(%dma_start3A_408 : memref<125xi32, #tpu.memory_space<vmem>>) semaphore(%arg11 : memref<!tpu.dma_semaphore, #tpu.memory_space<semaphore_mem>>) {add = true}
      %dma_wait3A_412 = arith.constant 4 : i32
      %dma_wait3A_413 = arith.constant 0 : i32
      %dma_wait3A_414 = arith.constant 0 : i32
      %dma_wait3A_415 = tpu.memref_slice %arg7[%dma_wait3A_412, %dma_wait3A_413, %dma_wait3A_414] : memref<8x125x64xbf16, #tpu.memory_space<vmem>> -> memref<1x125x64xbf16, #tpu.memory_space<vmem>>
      %dma_wait3A_416 = tpu.memref_squeeze %dma_wait3A_415 : memref<1x125x64xbf16, #tpu.memory_space<vmem>> -> memref<125x64xbf16, #tpu.memory_space<vmem>>
      %dma_wait3A_417 = arith.constant 0 : i32
      %dma_wait3A_418 = tpu.memref_slice %arg6[%add3A_361, %dma_wait3A_417] : memref<80x125xi32, #tpu.memory_space<vmem>> -> memref<1x125xi32, #tpu.memory_space<vmem>>
      %dma_wait3A_419 = tpu.memref_squeeze %dma_wait3A_418 : memref<1x125xi32, #tpu.memory_space<vmem>> -> memref<125xi32, #tpu.memory_space<vmem>>
      %dma_wait3A_420 = arith.constant 0 : i32
      %dma_wait3A_421 = arith.constant 0 : i32
      %dma_wait3A_422 = tpu.memref_slice %arg12[%dma_wait3A_420, %dma_wait3A_421] : memref<10240x64xbf16, #tpu.memory_space<vmem_shared>> -> memref<10240x64xbf16, #tpu.memory_space<vmem_shared>>
      tpu.wait_indirect_dma semaphore(%arg11 : memref<!tpu.dma_semaphore, #tpu.memory_space<semaphore_mem>>) src(%dma_wait3A_416 : memref<125x64xbf16, #tpu.memory_space<vmem>>) dst(%dma_wait3A_422 : memref<10240x64xbf16, #tpu.memory_space<vmem_shared>>)
      %dma_wait3A_423 = arith.constant 5 : i32
      %dma_wait3A_424 = arith.constant 0 : i32
      %dma_wait3A_425 = arith.constant 0 : i32
      %dma_wait3A_426 = tpu.memref_slice %arg7[%dma_wait3A_423, %dma_wait3A_424, %dma_wait3A_425] : memref<8x125x64xbf16, #tpu.memory_space<vmem>> -> memref<1x125x64xbf16, #tpu.memory_space<vmem>>
      %dma_wait3A_427 = tpu.memref_squeeze %dma_wait3A_426 : memref<1x125x64xbf16, #tpu.memory_space<vmem>> -> memref<125x64xbf16, #tpu.memory_space<vmem>>
      %dma_wait3A_428 = arith.constant 0 : i32
      %dma_wait3A_429 = tpu.memref_slice %arg6[%add3A_374, %dma_wait3A_428] : memref<80x125xi32, #tpu.memory_space<vmem>> -> memref<1x125xi32, #tpu.memory_space<vmem>>
      %dma_wait3A_430 = tpu.memref_squeeze %dma_wait3A_429 : memref<1x125xi32, #tpu.memory_space<vmem>> -> memref<125xi32, #tpu.memory_space<vmem>>
      %dma_wait3A_431 = arith.constant 0 : i32
      %dma_wait3A_432 = arith.constant 0 : i32
      %dma_wait3A_433 = tpu.memref_slice %arg12[%dma_wait3A_431, %dma_wait3A_432] : memref<10240x64xbf16, #tpu.memory_space<vmem_shared>> -> memref<10240x64xbf16, #tpu.memory_space<vmem_shared>>
      tpu.wait_indirect_dma semaphore(%arg11 : memref<!tpu.dma_semaphore, #tpu.memory_space<semaphore_mem>>) src(%dma_wait3A_427 : memref<125x64xbf16, #tpu.memory_space<vmem>>) dst(%dma_wait3A_433 : memref<10240x64xbf16, #tpu.memory_space<vmem_shared>>)
      %dma_wait3A_434 = arith.constant 6 : i32
      %dma_wait3A_435 = arith.constant 0 : i32
      %dma_wait3A_436 = arith.constant 0 : i32
      %dma_wait3A_437 = tpu.memref_slice %arg7[%dma_wait3A_434, %dma_wait3A_435, %dma_wait3A_436] : memref<8x125x64xbf16, #tpu.memory_space<vmem>> -> memref<1x125x64xbf16, #tpu.memory_space<vmem>>
      %dma_wait3A_438 = tpu.memref_squeeze %dma_wait3A_437 : memref<1x125x64xbf16, #tpu.memory_space<vmem>> -> memref<125x64xbf16, #tpu.memory_space<vmem>>
      %dma_wait3A_439 = arith.constant 0 : i32
      %dma_wait3A_440 = tpu.memref_slice %arg6[%add3A_387, %dma_wait3A_439] : memref<80x125xi32, #tpu.memory_space<vmem>> -> memref<1x125xi32, #tpu.memory_space<vmem>>
      %dma_wait3A_441 = tpu.memref_squeeze %dma_wait3A_440 : memref<1x125xi32, #tpu.memory_space<vmem>> -> memref<125xi32, #tpu.memory_space<vmem>>
      %dma_wait3A_442 = arith.constant 0 : i32
      %dma_wait3A_443 = arith.constant 0 : i32
      %dma_wait3A_444 = tpu.memref_slice %arg12[%dma_wait3A_442, %dma_wait3A_443] : memref<10240x64xbf16, #tpu.memory_space<vmem_shared>> -> memref<10240x64xbf16, #tpu.memory_space<vmem_shared>>
      tpu.wait_indirect_dma semaphore(%arg11 : memref<!tpu.dma_semaphore, #tpu.memory_space<semaphore_mem>>) src(%dma_wait3A_438 : memref<125x64xbf16, #tpu.memory_space<vmem>>) dst(%dma_wait3A_444 : memref<10240x64xbf16, #tpu.memory_space<vmem_shared>>)
      %dma_wait3A_445 = arith.constant 7 : i32
      %dma_wait3A_446 = arith.constant 0 : i32
      %dma_wait3A_447 = arith.constant 0 : i32
      %dma_wait3A_448 = tpu.memref_slice %arg7[%dma_wait3A_445, %dma_wait3A_446, %dma_wait3A_447] : memref<8x125x64xbf16, #tpu.memory_space<vmem>> -> memref<1x125x64xbf16, #tpu.memory_space<vmem>>
      %dma_wait3A_449 = tpu.memref_squeeze %dma_wait3A_448 : memref<1x125x64xbf16, #tpu.memory_space<vmem>> -> memref<125x64xbf16, #tpu.memory_space<vmem>>
      %dma_wait3A_450 = arith.constant 0 : i32
      %dma_wait3A_451 = tpu.memref_slice %arg6[%add3A_400, %dma_wait3A_450] : memref<80x125xi32, #tpu.memory_space<vmem>> -> memref<1x125xi32, #tpu.memory_space<vmem>>
      %dma_wait3A_452 = tpu.memref_squeeze %dma_wait3A_451 : memref<1x125xi32, #tpu.memory_space<vmem>> -> memref<125xi32, #tpu.memory_space<vmem>>
      %dma_wait3A_453 = arith.constant 0 : i32
      %dma_wait3A_454 = arith.constant 0 : i32
      %dma_wait3A_455 = tpu.memref_slice %arg12[%dma_wait3A_453, %dma_wait3A_454] : memref<10240x64xbf16, #tpu.memory_space<vmem_shared>> -> memref<10240x64xbf16, #tpu.memory_space<vmem_shared>>
      tpu.wait_indirect_dma semaphore(%arg11 : memref<!tpu.dma_semaphore, #tpu.memory_space<semaphore_mem>>) src(%dma_wait3A_449 : memref<125x64xbf16, #tpu.memory_space<vmem>>) dst(%dma_wait3A_455 : memref<10240x64xbf16, #tpu.memory_space<vmem_shared>>)
    }
    %scan3A_100 = arith.constant 10 : i32
    %barrier3A_101 = arith.constant 0 : index
    tpu.barrier barrier_id(%barrier3A_101)
    %mul3A_102 = arith.constant 640 : i32
    %mul3A_103 = arith.muli %arg1, %mul3A_102 : i32
    %mul3A_104 = arith.constant 640 : i32
    %mul3A_105 = arith.muli %arg1, %mul3A_104 : i32
    "tpu.region"() ({
      %run_scoped3A_106 = tpu.sem_alloc : memref<!tpu.dma_semaphore, #tpu.memory_space<semaphore_mem>>
      %dma_start3A_107 = arith.constant 0 : i32
      %dma_start3A_108 = tpu.memref_slice %arg4[%arg0, %mul3A_105, %dma_start3A_107] : memref<2x10240x64xbf16, #tpu.memory_space<hbm>> -> memref<1x640x64xbf16, #tpu.memory_space<hbm>>
      %dma_start3A_109 = tpu.memref_squeeze %dma_start3A_108 : memref<1x640x64xbf16, #tpu.memory_space<hbm>> -> memref<640x64xbf16, #tpu.memory_space<hbm>>
      %dma_start3A_110 = arith.constant 0 : i32
      %dma_start3A_111 = tpu.memref_slice %arg12[%mul3A_103, %dma_start3A_110] : memref<10240x64xbf16, #tpu.memory_space<vmem_shared>> -> memref<640x64xbf16, #tpu.memory_space<vmem_shared>>
      tpu.enqueue_dma source(%dma_start3A_111 : memref<640x64xbf16, #tpu.memory_space<vmem_shared>>) target(%dma_start3A_109 : memref<640x64xbf16, #tpu.memory_space<hbm>>) target_semaphore(%run_scoped3A_106 : memref<!tpu.dma_semaphore, #tpu.memory_space<semaphore_mem>>)
      %dma_wait3A = arith.constant 0 : i32
      %dma_wait3A_112 = tpu.memref_slice %arg4[%arg0, %mul3A_105, %dma_wait3A] : memref<2x10240x64xbf16, #tpu.memory_space<hbm>> -> memref<1x640x64xbf16, #tpu.memory_space<hbm>>
      %dma_wait3A_113 = tpu.memref_squeeze %dma_wait3A_112 : memref<1x640x64xbf16, #tpu.memory_space<hbm>> -> memref<640x64xbf16, #tpu.memory_space<hbm>>
      %dma_wait3A_114 = arith.constant 0 : i32
      %dma_wait3A_115 = tpu.memref_slice %arg12[%mul3A_103, %dma_wait3A_114] : memref<10240x64xbf16, #tpu.memory_space<vmem_shared>> -> memref<640x64xbf16, #tpu.memory_space<vmem_shared>>
      tpu.wait_dma2 semaphore(%run_scoped3A_106 : memref<!tpu.dma_semaphore, #tpu.memory_space<semaphore_mem>>) src(%dma_wait3A_115 : memref<640x64xbf16, #tpu.memory_space<vmem_shared>>) dst(%dma_wait3A_113 : memref<640x64xbf16, #tpu.memory_space<hbm>>)
      tpu.yield
    }) : () -> ()
    return
  }
}

module attributes {stable_mosaic.version = 14 : i64} {
  func.func @body(%arg0: i32, %arg1: memref<2000x128xf32, #tpu.memory_space<vmem>>, %arg2: memref<128x64xf32, #tpu.memory_space<vmem>>, %arg3: memref<2000x64xf32, #tpu.memory_space<vmem>>) attributes {dimension_semantics = [#tpu.dimension_semantics<arbitrary>], iteration_bounds = array<i64: 5>, scalar_prefetch = 0 : i64, scratch_operands = 0 : i64, tpu.core_type = #tpu.core_type<tc>, window_params = [{transform_indices = @transform_0, window_bounds = array<i64: 2000, 128>}, {pipeline_mode = #tpu.pipeline_mode<synchronous>, transform_indices = @transform_1, window_bounds = array<i64: 128, 64>}, {transform_indices = @transform_2, window_bounds = array<i64: 2000, 64>}]} {
    %get3A = arith.constant 0 : index
    %get3A_0 = arith.constant 0 : index
    %get3A_1 = vector.load %arg1[%get3A, %get3A_0] : memref<2000x128xf32, #tpu.memory_space<vmem>>, vector<2000x128xf32>
    %get3A_2 = arith.constant 0 : index
    %get3A_3 = arith.constant 0 : index
    %get3A_4 = vector.load %arg2[%get3A_2, %get3A_3] : memref<128x64xf32, #tpu.memory_space<vmem>>, vector<128x64xf32>
    %dot_general3A = arith.constant dense<0.000000e+00> : vector<2000x64xf32>
    %dot_general3A_5 = tpu.matmul %get3A_1, %get3A_4, %dot_general3A {dimension_numbers = #tpu.dot_dimension_numbers<[1], [0], [0], [1], [0, 0, 1, 1], [], []>, transpose_lhs_hint = false} : vector<2000x128xf32>, vector<128x64xf32>, vector<2000x64xf32> -> vector<2000x64xf32>
    %swap3A = arith.constant 0 : index
    %swap3A_6 = arith.constant 0 : index
    %swap3A_7 = vector.load %arg3[%swap3A, %swap3A_6] : memref<2000x64xf32, #tpu.memory_space<vmem>>, vector<2000x64xf32>
    tpu.vector_store %arg3[%swap3A, %swap3A_6], %dot_general3A_5 {strides = array<i32>} : memref<2000x64xf32, #tpu.memory_space<vmem>>, vector<2000x64xf32>,
    return
  }
  func.func @transform_0(%arg0: i32) -> (i32, i32) {
    %c0_i32 = arith.constant 0 : i32
    %c0_i32_0 = arith.constant 0 : i32
    return %arg0, %c0_i32 : i32, i32
  }
  func.func @transform_1(%arg0: i32) -> (i32, i32) {
    %c0_i32 = arith.constant 0 : i32
    %c0_i32_0 = arith.constant 0 : i32
    %c0_i32_1 = arith.constant 0 : i32
    return %c0_i32, %c0_i32_0 : i32, i32
  }
  func.func @transform_2(%arg0: i32) -> (i32, i32) {
    %c0_i32 = arith.constant 0 : i32
    %c0_i32_0 = arith.constant 0 : i32
    return %arg0, %c0_i32 : i32, i32
  }
}

module attributes {stable_mosaic.version = 14 : i64} {
  func.func @body(%arg0: i32, %arg1: memref<2000x64xf32, #tpu.memory_space<vmem>>, %arg2: memref<2x2000x16xf32, #tpu.memory_space<vmem>>, %arg3: memref<1x64xf32, #tpu.memory_space<vmem>>, %arg4: memref<2000x64xbf16, #tpu.memory_space<vmem>>, %arg5: memref<2000x64xf32, #tpu.memory_space<vmem>>, %arg6: memref<2000x1xf32, #tpu.memory_space<vmem>>, %arg7: memref<2000x1xf32, #tpu.memory_space<vmem>>) attributes {dimension_semantics = [#tpu.dimension_semantics<arbitrary>], iteration_bounds = array<i64: 5>, scalar_prefetch = 0 : i64, scratch_operands = 0 : i64, tpu.core_type = #tpu.core_type<tc>, window_params = [{transform_indices = @transform_0, window_bounds = array<i64: 2000, 64>}, {transform_indices = @transform_1, window_bounds = array<i64: 2, 2000, 16>}, {pipeline_mode = #tpu.pipeline_mode<synchronous>, transform_indices = @transform_2, window_bounds = array<i64: 1, 64>}, {transform_indices = @transform_3, window_bounds = array<i64: 2000, 64>}, {transform_indices = @transform_4, window_bounds = array<i64: 2000, 64>}, {transform_indices = @transform_5, window_bounds = array<i64: 2000, 1>}, {transform_indices = @transform_6, window_bounds = array<i64: 2000, 1>}]} {
    %get3A = arith.constant 0 : index
    %get3A_0 = arith.constant 0 : index
    %get3A_1 = arith.constant 0 : index
    %get3A_2 = vector.load %arg2[%get3A, %get3A_0, %get3A_1] : memref<2x2000x16xf32, #tpu.memory_space<vmem>>, vector<1x2000x1xf32>
    %get3A_3 = vector.shape_cast %get3A_2 : vector<1x2000x1xf32> to vector<2000x1xf32>
    %add3A = arith.constant 0.000000e+00 : f32
    %add3A_4 = vector.broadcast %add3A : f32 to vector<2000x1xf32>
    %add3A_5 = arith.addf %add3A_4, %get3A_3 : vector<2000x1xf32>
    %get3A_6 = arith.constant 1 : index
    %get3A_7 = arith.constant 0 : index
    %get3A_8 = arith.constant 0 : index
    %get3A_9 = vector.load %arg2[%get3A_6, %get3A_7, %get3A_8] : memref<2x2000x16xf32, #tpu.memory_space<vmem>>, vector<1x2000x1xf32>
    %get3A_10 = vector.shape_cast %get3A_9 : vector<1x2000x1xf32> to vector<2000x1xf32>
    %add3A_11 = arith.addf %add3A_5, %get3A_10 : vector<2000x1xf32>
    %add3A_12 = arith.constant 1.000000e+00 : f32
    %add3A_13 = vector.broadcast %add3A_12 : f32 to vector<2000x1xf32>
    %add3A_14 = arith.addf %add3A_13, %add3A_11 : vector<2000x1xf32>
    %rsqrt3A = math.rsqrt %add3A_14 : vector<2000x1xf32>
    %div3A = arith.constant 1.000000e+00 : f32
    %div3A_15 = vector.broadcast %div3A : f32 to vector<2000x1xf32>
    %div3A_16 = arith.divf %div3A_15, %add3A_14 : vector<2000x1xf32>
    %get3A_17 = arith.constant 0 : index
    %get3A_18 = arith.constant 0 : index
    %get3A_19 = vector.load %arg1[%get3A_17, %get3A_18] : memref<2000x64xf32, #tpu.memory_space<vmem>>, vector<2000x64xf32>
    %mul3A = vector.broadcast %rsqrt3A : vector<2000x1xf32> to vector<2000x64xf32>
    %mul3A_20 = arith.mulf %get3A_19, %mul3A : vector<2000x64xf32>
    %convert_element_type3A = arith.truncf %mul3A_20 : vector<2000x64xf32> to vector<2000x64xbf16>
    %swap3A = arith.constant 0 : index
    %swap3A_21 = arith.constant 0 : index
    %swap3A_22 = vector.load %arg4[%swap3A, %swap3A_21] : memref<2000x64xbf16, #tpu.memory_space<vmem>>, vector<2000x64xbf16>
    tpu.vector_store %arg4[%swap3A, %swap3A_21], %convert_element_type3A {strides = array<i32>} : memref<2000x64xbf16, #tpu.memory_space<vmem>>, vector<2000x64xbf16>,
    %mul3A_23 = vector.broadcast %div3A_16 : vector<2000x1xf32> to vector<2000x64xf32>
    %mul3A_24 = arith.mulf %get3A_19, %mul3A_23 : vector<2000x64xf32>
    %get3A_25 = arith.constant 0 : index
    %get3A_26 = arith.constant 0 : index
    %get3A_27 = vector.load %arg3[%get3A_25, %get3A_26] : memref<1x64xf32, #tpu.memory_space<vmem>>, vector<1x64xf32>
    %add3A_28 = vector.broadcast %get3A_27 : vector<1x64xf32> to vector<2000x64xf32>
    %add3A_29 = arith.addf %mul3A_24, %add3A_28 : vector<2000x64xf32>
    %swap3A_30 = arith.constant 0 : index
    %swap3A_31 = arith.constant 0 : index
    %swap3A_32 = vector.load %arg5[%swap3A_30, %swap3A_31] : memref<2000x64xf32, #tpu.memory_space<vmem>>, vector<2000x64xf32>
    tpu.vector_store %arg5[%swap3A_30, %swap3A_31], %add3A_29 {strides = array<i32>} : memref<2000x64xf32, #tpu.memory_space<vmem>>, vector<2000x64xf32>,
    %swap3A_33 = arith.constant 0 : index
    %swap3A_34 = arith.constant 0 : index
    %swap3A_35 = vector.load %arg6[%swap3A_33, %swap3A_34] : memref<2000x1xf32, #tpu.memory_space<vmem>>, vector<2000x1xf32>
    tpu.vector_store %arg6[%swap3A_33, %swap3A_34], %rsqrt3A {strides = array<i32>} : memref<2000x1xf32, #tpu.memory_space<vmem>>, vector<2000x1xf32>,
    %swap3A_36 = arith.constant 0 : index
    %swap3A_37 = arith.constant 0 : index
    %swap3A_38 = vector.load %arg7[%swap3A_36, %swap3A_37] : memref<2000x1xf32, #tpu.memory_space<vmem>>, vector<2000x1xf32>
    tpu.vector_store %arg7[%swap3A_36, %swap3A_37], %div3A_16 {strides = array<i32>} : memref<2000x1xf32, #tpu.memory_space<vmem>>, vector<2000x1xf32>,
    return
  }
  func.func @transform_0(%arg0: i32) -> (i32, i32) {
    %c0_i32 = arith.constant 0 : i32
    %c0_i32_0 = arith.constant 0 : i32
    return %arg0, %c0_i32 : i32, i32
  }
  func.func @transform_1(%arg0: i32) -> (i32, i32, i32) {
    %c0_i32 = arith.constant 0 : i32
    %c0_i32_0 = arith.constant 0 : i32
    %c0_i32_1 = arith.constant 0 : i32
    return %c0_i32, %arg0, %c0_i32_0 : i32, i32, i32
  }
  func.func @transform_2(%arg0: i32) -> (i32, i32) {
    %c0_i32 = arith.constant 0 : i32
    %c0_i32_0 = arith.constant 0 : i32
    %c0_i32_1 = arith.constant 0 : i32
    return %c0_i32, %c0_i32_0 : i32, i32
  }
  func.func @transform_3(%arg0: i32) -> (i32, i32) {
    %c0_i32 = arith.constant 0 : i32
    %c0_i32_0 = arith.constant 0 : i32
    return %arg0, %c0_i32 : i32, i32
  }
  func.func @transform_4(%arg0: i32) -> (i32, i32) {
    %c0_i32 = arith.constant 0 : i32
    %c0_i32_0 = arith.constant 0 : i32
    return %arg0, %c0_i32 : i32, i32
  }
  func.func @transform_5(%arg0: i32) -> (i32, i32) {
    %c0_i32 = arith.constant 0 : i32
    %c0_i32_0 = arith.constant 0 : i32
    return %arg0, %c0_i32 : i32, i32
  }
  func.func @transform_6(%arg0: i32) -> (i32, i32) {
    %c0_i32 = arith.constant 0 : i32
    %c0_i32_0 = arith.constant 0 : i32
    return %arg0, %c0_i32 : i32, i32
  }
}

module attributes {stable_mosaic.version = 14 : i64} {
  func.func @body(%arg0: i32, %arg1: memref<2x2000x64xbf16, #tpu.memory_space<vmem>>, %arg2: memref<2000x1xf32, #tpu.memory_space<vmem>>, %arg3: memref<2000x1xf32, #tpu.memory_space<vmem>>, %arg4: memref<2000x64xf32, #tpu.memory_space<vmem>>, %arg5: memref<64x32xf32, #tpu.memory_space<vmem>>, %arg6: memref<1x32xf32, #tpu.memory_space<vmem>>, %arg7: memref<2000x32xbf16, #tpu.memory_space<vmem>>, %arg8: memref<2000x32xf32, #tpu.memory_space<vmem>>) attributes {dimension_semantics = [#tpu.dimension_semantics<arbitrary>], iteration_bounds = array<i64: 5>, scalar_prefetch = 0 : i64, scratch_operands = 0 : i64, tpu.core_type = #tpu.core_type<tc>, window_params = [{transform_indices = @transform_0, window_bounds = array<i64: 2, 2000, 64>}, {transform_indices = @transform_1, window_bounds = array<i64: 2000, 1>}, {transform_indices = @transform_2, window_bounds = array<i64: 2000, 1>}, {transform_indices = @transform_3, window_bounds = array<i64: 2000, 64>}, {pipeline_mode = #tpu.pipeline_mode<synchronous>, transform_indices = @transform_4, window_bounds = array<i64: 64, 32>}, {pipeline_mode = #tpu.pipeline_mode<synchronous>, transform_indices = @transform_5, window_bounds = array<i64: 1, 32>}, {transform_indices = @transform_6, window_bounds = array<i64: 2000, 32>}, {transform_indices = @transform_7, window_bounds = array<i64: 2000, 32>}]} {
    %get3A = arith.constant 0 : index
    %get3A_0 = arith.constant 0 : index
    %get3A_1 = arith.constant 0 : index
    %get3A_2 = vector.load %arg1[%get3A, %get3A_0, %get3A_1] : memref<2x2000x64xbf16, #tpu.memory_space<vmem>>, vector<1x2000x64xbf16>
    %get3A_3 = vector.shape_cast %get3A_2 : vector<1x2000x64xbf16> to vector<2000x64xbf16>
    %convert_element_type3A = arith.extf %get3A_3 : vector<2000x64xbf16> to vector<2000x64xf32>
    %add3A = arith.constant 0.000000e+00 : f32
    %add3A_4 = vector.broadcast %add3A : f32 to vector<2000x64xf32>
    %add3A_5 = arith.addf %add3A_4, %convert_element_type3A : vector<2000x64xf32>
    %get3A_6 = arith.constant 1 : index
    %get3A_7 = arith.constant 0 : index
    %get3A_8 = arith.constant 0 : index
    %get3A_9 = vector.load %arg1[%get3A_6, %get3A_7, %get3A_8] : memref<2x2000x64xbf16, #tpu.memory_space<vmem>>, vector<1x2000x64xbf16>
    %get3A_10 = vector.shape_cast %get3A_9 : vector<1x2000x64xbf16> to vector<2000x64xbf16>
    %convert_element_type3A_11 = arith.extf %get3A_10 : vector<2000x64xbf16> to vector<2000x64xf32>
    %add3A_12 = arith.addf %add3A_5, %convert_element_type3A_11 : vector<2000x64xf32>
    %get3A_13 = arith.constant 0 : index
    %get3A_14 = arith.constant 0 : index
    %get3A_15 = vector.load %arg2[%get3A_13, %get3A_14] : memref<2000x1xf32, #tpu.memory_space<vmem>>, vector<2000x1xf32>
    %mul3A = vector.broadcast %get3A_15 : vector<2000x1xf32> to vector<2000x64xf32>
    %mul3A_16 = arith.mulf %mul3A, %add3A_12 : vector<2000x64xf32>
    %get3A_17 = arith.constant 0 : index
    %get3A_18 = arith.constant 0 : index
    %get3A_19 = vector.load %arg4[%get3A_17, %get3A_18] : memref<2000x64xf32, #tpu.memory_space<vmem>>, vector<2000x64xf32>
    %add3A_20 = arith.addf %mul3A_16, %get3A_19 : vector<2000x64xf32>
    %max3A = arith.constant 0.000000e+00 : f32
    %max3A_21 = vector.broadcast %max3A : f32 to vector<2000x64xf32>
    %max3A_22 = arith.maximumf %add3A_20, %max3A_21 : vector<2000x64xf32>
    %get3A_23 = arith.constant 0 : index
    %get3A_24 = arith.constant 0 : index
    %get3A_25 = vector.load %arg5[%get3A_23, %get3A_24] : memref<64x32xf32, #tpu.memory_space<vmem>>, vector<64x32xf32>
    %dot_general3A = arith.constant dense<0.000000e+00> : vector<2000x32xf32>
    %dot_general3A_26 = tpu.matmul %max3A_22, %get3A_25, %dot_general3A {dimension_numbers = #tpu.dot_dimension_numbers<[1], [0], [0], [1], [0, 0, 1, 1], [], []>, transpose_lhs_hint = false} : vector<2000x64xf32>, vector<64x32xf32>, vector<2000x32xf32> -> vector<2000x32xf32>
    %mul3A_27 = vector.broadcast %get3A_15 : vector<2000x1xf32> to vector<2000x32xf32>
    %mul3A_28 = arith.mulf %dot_general3A_26, %mul3A_27 : vector<2000x32xf32>
    %convert_element_type3A_29 = arith.truncf %mul3A_28 : vector<2000x32xf32> to vector<2000x32xbf16>
    %swap3A = arith.constant 0 : index
    %swap3A_30 = arith.constant 0 : index
    %swap3A_31 = vector.load %arg7[%swap3A, %swap3A_30] : memref<2000x32xbf16, #tpu.memory_space<vmem>>, vector<2000x32xbf16>
    tpu.vector_store %arg7[%swap3A, %swap3A_30], %convert_element_type3A_29 {strides = array<i32>} : memref<2000x32xbf16, #tpu.memory_space<vmem>>, vector<2000x32xbf16>,
    %get3A_32 = arith.constant 0 : index
    %get3A_33 = arith.constant 0 : index
    %get3A_34 = vector.load %arg3[%get3A_32, %get3A_33] : memref<2000x1xf32, #tpu.memory_space<vmem>>, vector<2000x1xf32>
    %mul3A_35 = vector.broadcast %get3A_34 : vector<2000x1xf32> to vector<2000x32xf32>
    %mul3A_36 = arith.mulf %dot_general3A_26, %mul3A_35 : vector<2000x32xf32>
    %get3A_37 = arith.constant 0 : index
    %get3A_38 = arith.constant 0 : index
    %get3A_39 = vector.load %arg6[%get3A_37, %get3A_38] : memref<1x32xf32, #tpu.memory_space<vmem>>, vector<1x32xf32>
    %add3A_40 = vector.broadcast %get3A_39 : vector<1x32xf32> to vector<2000x32xf32>
    %add3A_41 = arith.addf %mul3A_36, %add3A_40 : vector<2000x32xf32>
    %swap3A_42 = arith.constant 0 : index
    %swap3A_43 = arith.constant 0 : index
    %swap3A_44 = vector.load %arg8[%swap3A_42, %swap3A_43] : memref<2000x32xf32, #tpu.memory_space<vmem>>, vector<2000x32xf32>
    tpu.vector_store %arg8[%swap3A_42, %swap3A_43], %add3A_41 {strides = array<i32>} : memref<2000x32xf32, #tpu.memory_space<vmem>>, vector<2000x32xf32>,
    return
  }
  func.func @transform_0(%arg0: i32) -> (i32, i32, i32) {
    %c0_i32 = arith.constant 0 : i32
    %c0_i32_0 = arith.constant 0 : i32
    %c0_i32_1 = arith.constant 0 : i32
    return %c0_i32, %arg0, %c0_i32_0 : i32, i32, i32
  }
  func.func @transform_1(%arg0: i32) -> (i32, i32) {
    %c0_i32 = arith.constant 0 : i32
    %c0_i32_0 = arith.constant 0 : i32
    return %arg0, %c0_i32 : i32, i32
  }
  func.func @transform_2(%arg0: i32) -> (i32, i32) {
    %c0_i32 = arith.constant 0 : i32
    %c0_i32_0 = arith.constant 0 : i32
    return %arg0, %c0_i32 : i32, i32
  }
  func.func @transform_3(%arg0: i32) -> (i32, i32) {
    %c0_i32 = arith.constant 0 : i32
    %c0_i32_0 = arith.constant 0 : i32
    return %arg0, %c0_i32 : i32, i32
  }
  func.func @transform_4(%arg0: i32) -> (i32, i32) {
    %c0_i32 = arith.constant 0 : i32
    %c0_i32_0 = arith.constant 0 : i32
    %c0_i32_1 = arith.constant 0 : i32
    return %c0_i32, %c0_i32_0 : i32, i32
  }
  func.func @transform_5(%arg0: i32) -> (i32, i32) {
    %c0_i32 = arith.constant 0 : i32
    %c0_i32_0 = arith.constant 0 : i32
    %c0_i32_1 = arith.constant 0 : i32
    return %c0_i32, %c0_i32_0 : i32, i32
  }
  func.func @transform_6(%arg0: i32) -> (i32, i32) {
    %c0_i32 = arith.constant 0 : i32
    %c0_i32_0 = arith.constant 0 : i32
    return %arg0, %c0_i32 : i32, i32
  }
  func.func @transform_7(%arg0: i32) -> (i32, i32) {
    %c0_i32 = arith.constant 0 : i32
    %c0_i32_0 = arith.constant 0 : i32
    return %arg0, %c0_i32 : i32, i32
  }
}

module attributes {stable_mosaic.version = 14 : i64} {
  func.func @body(%arg0: i32, %arg1: memref<2x2000x32xbf16, #tpu.memory_space<vmem>>, %arg2: memref<2000x1xf32, #tpu.memory_space<vmem>>, %arg3: memref<2000x32xf32, #tpu.memory_space<vmem>>, %arg4: memref<1x1x2000xi32, #tpu.memory_space<vmem>>, %arg5: memref<32x32xf32, #tpu.memory_space<vmem>>, %arg6: memref<1x32xf32, #tpu.memory_space<vmem>>, %arg7: memref<32x16xf32, #tpu.memory_space<vmem>>, %arg8: memref<1x16xf32, #tpu.memory_space<vmem>>, %arg9: memref<16x1xf32, #tpu.memory_space<vmem>>, %arg10: memref<1x1xf32, #tpu.memory_space<vmem>>, %arg11: memref<64x1xf32, #tpu.memory_space<vmem>>, %arg12: memref<64x32xf32, #tpu.memory_space<vmem>>, %arg13: memref<64x1xf32, #tpu.memory_space<vmem>>) attributes {dimension_semantics = [#tpu.dimension_semantics<arbitrary>], iteration_bounds = array<i64: 5>, scalar_prefetch = 0 : i64, scratch_operands = 2 : i64, tpu.core_type = #tpu.core_type<tc>, window_params = [{transform_indices = @transform_0, window_bounds = array<i64: 2, 2000, 32>}, {transform_indices = @transform_1, window_bounds = array<i64: 2000, 1>}, {transform_indices = @transform_2, window_bounds = array<i64: 2000, 32>}, {transform_indices = @transform_3, window_bounds = array<i64: 1, 1, 2000>}, {pipeline_mode = #tpu.pipeline_mode<synchronous>, transform_indices = @transform_4, window_bounds = array<i64: 32, 32>}, {pipeline_mode = #tpu.pipeline_mode<synchronous>, transform_indices = @transform_5, window_bounds = array<i64: 1, 32>}, {pipeline_mode = #tpu.pipeline_mode<synchronous>, transform_indices = @transform_6, window_bounds = array<i64: 32, 16>}, {pipeline_mode = #tpu.pipeline_mode<synchronous>, transform_indices = @transform_7, window_bounds = array<i64: 1, 16>}, {pipeline_mode = #tpu.pipeline_mode<synchronous>, transform_indices = @transform_8, window_bounds = array<i64: 16, 1>}, {pipeline_mode = #tpu.pipeline_mode<synchronous>, transform_indices = @transform_9, window_bounds = array<i64: 1, 1>}, {pipeline_mode = #tpu.pipeline_mode<synchronous>, transform_indices = @transform_10, window_bounds = array<i64: 64, 1>}]} {
    %get3A = arith.constant 0 : index
    %get3A_0 = arith.constant 0 : index
    %get3A_1 = arith.constant 0 : index
    %get3A_2 = vector.load %arg1[%get3A, %get3A_0, %get3A_1] : memref<2x2000x32xbf16, #tpu.memory_space<vmem>>, vector<1x2000x32xbf16>
    %get3A_3 = vector.shape_cast %get3A_2 : vector<1x2000x32xbf16> to vector<2000x32xbf16>
    %convert_element_type3A = arith.extf %get3A_3 : vector<2000x32xbf16> to vector<2000x32xf32>
    %add3A = arith.constant 0.000000e+00 : f32
    %add3A_4 = vector.broadcast %add3A : f32 to vector<2000x32xf32>
    %add3A_5 = arith.addf %add3A_4, %convert_element_type3A : vector<2000x32xf32>
    %get3A_6 = arith.constant 1 : index
    %get3A_7 = arith.constant 0 : index
    %get3A_8 = arith.constant 0 : index
    %get3A_9 = vector.load %arg1[%get3A_6, %get3A_7, %get3A_8] : memref<2x2000x32xbf16, #tpu.memory_space<vmem>>, vector<1x2000x32xbf16>
    %get3A_10 = vector.shape_cast %get3A_9 : vector<1x2000x32xbf16> to vector<2000x32xbf16>
    %convert_element_type3A_11 = arith.extf %get3A_10 : vector<2000x32xbf16> to vector<2000x32xf32>
    %add3A_12 = arith.addf %add3A_5, %convert_element_type3A_11 : vector<2000x32xf32>
    %get3A_13 = arith.constant 0 : index
    %get3A_14 = arith.constant 0 : index
    %get3A_15 = vector.load %arg2[%get3A_13, %get3A_14] : memref<2000x1xf32, #tpu.memory_space<vmem>>, vector<2000x1xf32>
    %mul3A = vector.broadcast %get3A_15 : vector<2000x1xf32> to vector<2000x32xf32>
    %mul3A_16 = arith.mulf %mul3A, %add3A_12 : vector<2000x32xf32>
    %get3A_17 = arith.constant 0 : index
    %get3A_18 = arith.constant 0 : index
    %get3A_19 = vector.load %arg3[%get3A_17, %get3A_18] : memref<2000x32xf32, #tpu.memory_space<vmem>>, vector<2000x32xf32>
    %add3A_20 = arith.addf %mul3A_16, %get3A_19 : vector<2000x32xf32>
    %max3A = arith.constant 0.000000e+00 : f32
    %max3A_21 = vector.broadcast %max3A : f32 to vector<2000x32xf32>
    %max3A_22 = arith.maximumf %add3A_20, %max3A_21 : vector<2000x32xf32>
    %get3A_23 = arith.constant 0 : index
    %get3A_24 = arith.constant 0 : index
    %get3A_25 = arith.constant 0 : index
    %get3A_26 = vector.load %arg4[%get3A_23, %get3A_24, %get3A_25] : memref<1x1x2000xi32, #tpu.memory_space<vmem>>, vector<1x1x2000xi32>
    %get3A_27 = vector.shape_cast %get3A_26 : vector<1x1x2000xi32> to vector<1x2000xi32>
    %iota3A = tpu.iota {dimensions = array<i32: 0>} : vector<64x2000xi32>
    %eq3A = vector.broadcast %get3A_27 : vector<1x2000xi32> to vector<64x2000xi32>
    %eq3A_28 = arith.cmpi eq, %iota3A, %eq3A : vector<64x2000xi32>
    %convert_element_type3A_29 = arith.extui %eq3A_28 : vector<64x2000xi1> to vector<64x2000xi32>
    %convert_element_type3A_30 = arith.sitofp %convert_element_type3A_29 : vector<64x2000xi32> to vector<64x2000xf32>
    %dot_general3A = arith.constant dense<0.000000e+00> : vector<64x32xf32>
    %dot_general3A_31 = tpu.matmul %convert_element_type3A_30, %max3A_22, %dot_general3A {dimension_numbers = #tpu.dot_dimension_numbers<[1], [0], [0], [1], [0, 0, 1, 1], [], []>, transpose_lhs_hint = false} : vector<64x2000xf32>, vector<2000x32xf32>, vector<64x32xf32> -> vector<64x32xf32>
    %broadcast_in_dim3A = arith.constant 1.000000e+00 : f32
    %broadcast_in_dim3A_32 = vector.broadcast %broadcast_in_dim3A : f32 to vector<2000x1xf32>
    %dot_general3A_33 = arith.constant dense<0.000000e+00> : vector<64x1xf32>
    %dot_general3A_34 = tpu.matmul %convert_element_type3A_30, %broadcast_in_dim3A_32, %dot_general3A_33 {dimension_numbers = #tpu.dot_dimension_numbers<[1], [0], [0], [1], [0, 0, 1, 1], [], []>, transpose_lhs_hint = false} : vector<64x2000xf32>, vector<2000x1xf32>, vector<64x1xf32> -> vector<64x1xf32>
    %eq3A_35 = arith.constant 0 : i32
    %eq3A_36 = arith.cmpi eq, %arg0, %eq3A_35 : i32
    %convert_element_type3A_37 = arith.extui %eq3A_36 : i1 to i32
    %cond3A = arith.constant 0 : i32
    %cond3A_38 = arith.cmpi ne, %convert_element_type3A_37, %cond3A : i32
    scf.if %cond3A_38 {
      %swap3A = arith.constant 0 : index
      %swap3A_48 = arith.constant 0 : index
      %swap3A_49 = vector.load %arg12[%swap3A, %swap3A_48] : memref<64x32xf32, #tpu.memory_space<vmem>>, vector<64x32xf32>
      tpu.vector_store %arg12[%swap3A, %swap3A_48], %dot_general3A_31 {strides = array<i32>} : memref<64x32xf32, #tpu.memory_space<vmem>>, vector<64x32xf32>,
      %swap3A_50 = arith.constant 0 : index
      %swap3A_51 = arith.constant 0 : index
      %swap3A_52 = vector.load %arg13[%swap3A_50, %swap3A_51] : memref<64x1xf32, #tpu.memory_space<vmem>>, vector<64x1xf32>
      tpu.vector_store %arg13[%swap3A_50, %swap3A_51], %dot_general3A_34 {strides = array<i32>} : memref<64x1xf32, #tpu.memory_space<vmem>>, vector<64x1xf32>,
    } else {
    }
    %gt3A = arith.constant 0 : i32
    %gt3A_39 = arith.cmpi sgt, %arg0, %gt3A : i32
    %convert_element_type3A_40 = arith.extui %gt3A_39 : i1 to i32
    %cond3A_41 = arith.constant 0 : i32
    %cond3A_42 = arith.cmpi ne, %convert_element_type3A_40, %cond3A_41 : i32
    scf.if %cond3A_42 {
      %get3A_48 = arith.constant 0 : index
      %get3A_49 = arith.constant 0 : index
      %get3A_50 = vector.load %arg12[%get3A_48, %get3A_49] : memref<64x32xf32, #tpu.memory_space<vmem>>, vector<64x32xf32>
      %add3A_51 = arith.addf %get3A_50, %dot_general3A_31 : vector<64x32xf32>
      %swap3A = arith.constant 0 : index
      %swap3A_52 = arith.constant 0 : index
      %swap3A_53 = vector.load %arg12[%swap3A, %swap3A_52] : memref<64x32xf32, #tpu.memory_space<vmem>>, vector<64x32xf32>
      tpu.vector_store %arg12[%swap3A, %swap3A_52], %add3A_51 {strides = array<i32>} : memref<64x32xf32, #tpu.memory_space<vmem>>, vector<64x32xf32>,
      %get3A_54 = arith.constant 0 : index
      %get3A_55 = arith.constant 0 : index
      %get3A_56 = vector.load %arg13[%get3A_54, %get3A_55] : memref<64x1xf32, #tpu.memory_space<vmem>>, vector<64x1xf32>
      %add3A_57 = arith.addf %get3A_56, %dot_general3A_34 : vector<64x1xf32>
      %swap3A_58 = arith.constant 0 : index
      %swap3A_59 = arith.constant 0 : index
      %swap3A_60 = vector.load %arg13[%swap3A_58, %swap3A_59] : memref<64x1xf32, #tpu.memory_space<vmem>>, vector<64x1xf32>
      tpu.vector_store %arg13[%swap3A_58, %swap3A_59], %add3A_57 {strides = array<i32>} : memref<64x1xf32, #tpu.memory_space<vmem>>, vector<64x1xf32>,
    } else {
    }
    %eq3A_43 = arith.constant 4 : i32
    %eq3A_44 = arith.cmpi eq, %arg0, %eq3A_43 : i32
    %convert_element_type3A_45 = arith.extui %eq3A_44 : i1 to i32
    %cond3A_46 = arith.constant 0 : i32
    %cond3A_47 = arith.cmpi ne, %convert_element_type3A_45, %cond3A_46 : i32
    scf.if %cond3A_47 {
      %get3A_48 = arith.constant 0 : index
      %get3A_49 = arith.constant 0 : index
      %get3A_50 = vector.load %arg12[%get3A_48, %get3A_49] : memref<64x32xf32, #tpu.memory_space<vmem>>, vector<64x32xf32>
      %get3A_51 = arith.constant 0 : index
      %get3A_52 = arith.constant 0 : index
      %get3A_53 = vector.load %arg13[%get3A_51, %get3A_52] : memref<64x1xf32, #tpu.memory_space<vmem>>, vector<64x1xf32>
      %max3A_54 = arith.constant 1.000000e+00 : f32
      %max3A_55 = vector.broadcast %max3A_54 : f32 to vector<64x1xf32>
      %max3A_56 = arith.maximumf %get3A_53, %max3A_55 : vector<64x1xf32>
      %div3A = vector.broadcast %max3A_56 : vector<64x1xf32> to vector<64x32xf32>
      %div3A_57 = arith.divf %get3A_50, %div3A : vector<64x32xf32>
      %get3A_58 = arith.constant 0 : index
      %get3A_59 = arith.constant 0 : index
      %get3A_60 = vector.load %arg5[%get3A_58, %get3A_59] : memref<32x32xf32, #tpu.memory_space<vmem>>, vector<32x32xf32>
      %dot_general3A_61 = arith.constant dense<0.000000e+00> : vector<64x32xf32>
      %dot_general3A_62 = tpu.matmul %div3A_57, %get3A_60, %dot_general3A_61 {dimension_numbers = #tpu.dot_dimension_numbers<[1], [0], [0], [1], [0, 0, 1, 1], [], []>, transpose_lhs_hint = false} : vector<64x32xf32>, vector<32x32xf32>, vector<64x32xf32> -> vector<64x32xf32>
      %get3A_63 = arith.constant 0 : index
      %get3A_64 = arith.constant 0 : index
      %get3A_65 = vector.load %arg6[%get3A_63, %get3A_64] : memref<1x32xf32, #tpu.memory_space<vmem>>, vector<1x32xf32>
      %add3A_66 = vector.broadcast %get3A_65 : vector<1x32xf32> to vector<64x32xf32>
      %add3A_67 = arith.addf %dot_general3A_62, %add3A_66 : vector<64x32xf32>
      %max3A_68 = arith.constant 0.000000e+00 : f32
      %max3A_69 = vector.broadcast %max3A_68 : f32 to vector<64x32xf32>
      %max3A_70 = arith.maximumf %add3A_67, %max3A_69 : vector<64x32xf32>
      %get3A_71 = arith.constant 0 : index
      %get3A_72 = arith.constant 0 : index
      %get3A_73 = vector.load %arg7[%get3A_71, %get3A_72] : memref<32x16xf32, #tpu.memory_space<vmem>>, vector<32x16xf32>
      %dot_general3A_74 = arith.constant dense<0.000000e+00> : vector<64x16xf32>
      %dot_general3A_75 = tpu.matmul %max3A_70, %get3A_73, %dot_general3A_74 {dimension_numbers = #tpu.dot_dimension_numbers<[1], [0], [0], [1], [0, 0, 1, 1], [], []>, transpose_lhs_hint = false} : vector<64x32xf32>, vector<32x16xf32>, vector<64x16xf32> -> vector<64x16xf32>
      %get3A_76 = arith.constant 0 : index
      %get3A_77 = arith.constant 0 : index
      %get3A_78 = vector.load %arg8[%get3A_76, %get3A_77] : memref<1x16xf32, #tpu.memory_space<vmem>>, vector<1x16xf32>
      %add3A_79 = vector.broadcast %get3A_78 : vector<1x16xf32> to vector<64x16xf32>
      %add3A_80 = arith.addf %dot_general3A_75, %add3A_79 : vector<64x16xf32>
      %max3A_81 = arith.constant 0.000000e+00 : f32
      %max3A_82 = vector.broadcast %max3A_81 : f32 to vector<64x16xf32>
      %max3A_83 = arith.maximumf %add3A_80, %max3A_82 : vector<64x16xf32>
      %get3A_84 = arith.constant 0 : index
      %get3A_85 = arith.constant 0 : index
      %get3A_86 = vector.load %arg9[%get3A_84, %get3A_85] : memref<16x1xf32, #tpu.memory_space<vmem>>, vector<16x1xf32>
      %dot_general3A_87 = arith.constant dense<0.000000e+00> : vector<64x1xf32>
      %dot_general3A_88 = tpu.matmul %max3A_83, %get3A_86, %dot_general3A_87 {dimension_numbers = #tpu.dot_dimension_numbers<[1], [0], [0], [1], [0, 0, 1, 1], [], []>, transpose_lhs_hint = false} : vector<64x16xf32>, vector<16x1xf32>, vector<64x1xf32> -> vector<64x1xf32>
      %get3A_89 = arith.constant 0 : index
      %get3A_90 = arith.constant 0 : index
      %get3A_91 = vector.load %arg10[%get3A_89, %get3A_90] : memref<1x1xf32, #tpu.memory_space<vmem>>, vector<1x1xf32>
      %add3A_92 = vector.broadcast %get3A_91 : vector<1x1xf32> to vector<64x1xf32>
      %add3A_93 = arith.addf %dot_general3A_88, %add3A_92 : vector<64x1xf32>
      %swap3A = arith.constant 0 : index
      %swap3A_94 = arith.constant 0 : index
      %swap3A_95 = vector.load %arg11[%swap3A, %swap3A_94] : memref<64x1xf32, #tpu.memory_space<vmem>>, vector<64x1xf32>
      tpu.vector_store %arg11[%swap3A, %swap3A_94], %add3A_93 {strides = array<i32>} : memref<64x1xf32, #tpu.memory_space<vmem>>, vector<64x1xf32>,
    } else {
    }
    return
  }
  func.func @transform_0(%arg0: i32) -> (i32, i32, i32) {
    %c0_i32 = arith.constant 0 : i32
    %c0_i32_0 = arith.constant 0 : i32
    %c0_i32_1 = arith.constant 0 : i32
    return %c0_i32, %arg0, %c0_i32_0 : i32, i32, i32
  }
  func.func @transform_1(%arg0: i32) -> (i32, i32) {
    %c0_i32 = arith.constant 0 : i32
    %c0_i32_0 = arith.constant 0 : i32
    return %arg0, %c0_i32 : i32, i32
  }
  func.func @transform_2(%arg0: i32) -> (i32, i32) {
    %c0_i32 = arith.constant 0 : i32
    %c0_i32_0 = arith.constant 0 : i32
    return %arg0, %c0_i32 : i32, i32
  }
  func.func @transform_3(%arg0: i32) -> (i32, i32, i32) {
    %c0_i32 = arith.constant 0 : i32
    %c0_i32_0 = arith.constant 0 : i32
    %c0_i32_1 = arith.constant 0 : i32
    return %arg0, %c0_i32, %c0_i32_0 : i32, i32, i32
  }
  func.func @transform_4(%arg0: i32) -> (i32, i32) {
    %c0_i32 = arith.constant 0 : i32
    %c0_i32_0 = arith.constant 0 : i32
    %c0_i32_1 = arith.constant 0 : i32
    return %c0_i32, %c0_i32_0 : i32, i32
  }
  func.func @transform_5(%arg0: i32) -> (i32, i32) {
    %c0_i32 = arith.constant 0 : i32
    %c0_i32_0 = arith.constant 0 : i32
    %c0_i32_1 = arith.constant 0 : i32
    return %c0_i32, %c0_i32_0 : i32, i32
  }
  func.func @transform_6(%arg0: i32) -> (i32, i32) {
    %c0_i32 = arith.constant 0 : i32
    %c0_i32_0 = arith.constant 0 : i32
    %c0_i32_1 = arith.constant 0 : i32
    return %c0_i32, %c0_i32_0 : i32, i32
  }
  func.func @transform_7(%arg0: i32) -> (i32, i32) {
    %c0_i32 = arith.constant 0 : i32
    %c0_i32_0 = arith.constant 0 : i32
    %c0_i32_1 = arith.constant 0 : i32
    return %c0_i32, %c0_i32_0 : i32, i32
  }
  func.func @transform_8(%arg0: i32) -> (i32, i32) {
    %c0_i32 = arith.constant 0 : i32
    %c0_i32_0 = arith.constant 0 : i32
    %c0_i32_1 = arith.constant 0 : i32
    return %c0_i32, %c0_i32_0 : i32, i32
  }
  func.func @transform_9(%arg0: i32) -> (i32, i32) {
    %c0_i32 = arith.constant 0 : i32
    %c0_i32_0 = arith.constant 0 : i32
    %c0_i32_1 = arith.constant 0 : i32
    return %c0_i32, %c0_i32_0 : i32, i32
  }
  func.func @transform_10(%arg0: i32) -> (i32, i32) {
    %c0_i32 = arith.constant 0 : i32
    %c0_i32_0 = arith.constant 0 : i32
    %c0_i32_1 = arith.constant 0 : i32
    return %c0_i32, %c0_i32_0 : i32, i32
  }
}

</mosaic_0001>

<sc_bundles>
// kernel: kernel.12.cloned.1.call-start
scs
__scs_entry_jumppad:
0x0: {  	(pc) =	sbr.rel $0x88, $3  }
0x1: {  	(tag) =	ssettag $0x0;
	lr =	simm.s32 $0x1  }
0x2: {  	[smem:$0x3F94] =	sst lr;
	_ =	strace $0xD0000000  }
0x3: {  	_ = 	snop  }
0x4: {  	_ = 	snop  }
0x5: {  	_ = 	snop  }
0x6: {  	_ = 	snop  }
0x7: {  	_ = 	snop  }
__scs_overlays_trampoline_lowered:
0x8: {  	[smem:$0x3FA3] =	sst s0  }
0x9: {  	[smem:$0x3FA4] =	sst s1  }
0xa: {  	[smem:$0x3FA5] =	sst s2  }
0xb: {  	[smem:$0x3FA6] =	sst s3  }
0xc: {  	[smem:$0x3FA7] =	sst s4  }
0xd: {  	[smem:$0x3FA8] =	sst s5  }
0xe: {  	[smem:$0x3FA9] =	sst s6  }
0xf: {  	[smem:$0x3FAA] =	sst s7  }
0x10: {  	[smem:$0x3FAB] =	sst s8  }
0x11: {  	[smem:$0x3FAC] =	sst s9;
	s0 =	simm.s32 @!p0 $0x0  }
0x12: {  	s1 =	sld [smem:$0x3F92];
	s0 =	simm.s32 @p0 $0x1  }
0x13: {  	[smem:$0x3FAD] =	sst s0;
	s0 =	simm.s32 @!p1 $0x0  }
0x14: {  	s2 =	sld [smem:$0x3F91];
	s0 =	simm.s32 @p1 $0x1  }
0x15: {  	[smem:$0x3FAE] =	sst s0;
	s0 =	simm.s32 @!p2 $0x0  }
0x16: {  	s3 =	sld [smem:$0x3FDB];
	s0 =	simm.s32 @p2 $0x1  }
0x17: {  	s4 =	simm.s32 $0x1BF5;
	[smem:$0x3FB0] =	sst s0  }
0x18: {  	s0 =	sld [smem:$0x3F93];
	_ =	swait.ge [sflag:s4], $0x0  }
0x19: {  	s7 =	sld [smem:$0x3F94]  }
0x1a: {  	s8 =	sadd.s32 $0xFFFFE003, lr  }
0x1b: {  	s9 =	sadd.s32 $0xFFFFFEF7, lr;
	s5 =	simm.s32 $0xFFFFFFFF;
	p2 =	slt.u32 s8, $0xFFFFF086  }
0x1c: {  	p1 =	slt.u32 s9, $0xF7A;
	s5 =	simm.s32 @!p2 $0x0  }
0x1d: {  	s5 =	simm.s32 @p1 $0x1;
	p0 =	seq.s32 s7, s2  }
0x1e: {  	s7 =	smul.u32 @!p0 $0xF7A, s2;
	p2 =	seq.s32 @!p0 s5, $0x0  }
0x1f: {  	s9 =	smul.u32 $0xF7A, s1;
	s8 =	simm.s32 @!p0 $0x1BF5;
	p2 =	por !p2, p0  }
0x20: {  	[sflag:s8] =	ssyncset.s32 @!p0 $0xFFFFF086;
	s6 =	sadd.s32 @!p0 s3, s7;
	s7 =	simm.s32 @!p0 $0x108  }
0x21: {  	s3 =	sadd.s32 s3, s9;
	s6 =	sadd.s32 @!p0 $0x88, s6;
	s7 =	simm.s32 @p2 $0x1082  }
0x22: {  	[simem:s7], [sflag:s8] =	dma.local @!p0 [hbm:s6], $0xF7A  }
0x23: {  	s9 =	sor.u32 $0xD0000000, s2;
	s6 =	simm.s32 $0x108;
	_ =	swait.ge @!p0 [sflag:s8], $0x0  }
0x24: {  	s3 =	sadd.s32 $0x88, s3;
	s6 =	simm.s32 @!p1 $0x1082;
	[sflag:s4] =	ssyncset.s32 $0xFFFFF086  }
0x25: {  	[simem:s6], [sflag:s4] =	dma.local [hbm:s3], $0xF7A  }
0x26: {  	[smem:$0x3F94] =	sst s1;
	(tag) =	ssettag s2;
	_ =	strace s9  }
0x27: {  	s1 =	sld [smem:$0x3FA4]  }
0x28: {  	s2 =	sld [smem:$0x3FA5]  }
0x29: {  	s4 =	sld [smem:$0x3FA7]  }
0x2a: {  	p0 =	seq.s32 s5, $0x0;
	s5 =	sld [smem:$0x3FA8]  }
0x2b: {  	s6 =	sld [smem:$0x3FA9]  }
0x2c: {  	s7 =	sld [smem:$0x3FAA]  }
0x2d: {  	s3 =	simm.s32 $0x108;
	s8 =	sld [smem:$0x3FAB]  }
0x2e: {  	s3 =	simm.s32 @!p0 $0x1082;
	s9 =	sld [smem:$0x3FAC]  }
0x2f: {  	lr =	sadd.s32 s0, s3;
	s0 =	sld [smem:$0x3FA3]  }
0x30: {  	s3 =	sld [smem:$0x3FA6]  }
0x31: {  	[smem:$0x3FAF] =	sst s10  }
0x32: {  	s10 =	sld [smem:$0x3FAD];
	_ =	sdelay $0x3  }
0x33: {  	p0 =	seq.s32 s10, $0x1;
	s10 =	sld [smem:$0x3FAF];
	_ =	sdelay $0x3  }
0x34: {  	[smem:$0x3FAF] =	sst s10  }
0x35: {  	s10 =	sld [smem:$0x3FAE];
	_ =	sdelay $0x3  }
0x36: {  	p1 =	seq.s32 s10, $0x1;
	s10 =	sld [smem:$0x3FAF];
	_ =	sdelay $0x3  }
0x37: {  	[smem:$0x3FAF] =	sst s10  }
0x38: {  	s10 =	sld [smem:$0x3FB0]  }
0x39: {  	_ = 	snop;
	(pc) =	sbr.ind lr, $3  }
0x3a: {  	_ = 	snop  }
0x3b: {  	_ = 	snop  }
0x3c: {  	p2 =	seq.s32 s10, $0x1;
	s10 =	sld [smem:$0x3FAF]  }
0x3d: {  	_ =	shalt  }
0x3e: {  	_ =	shalt  }
0x3f: {  	_ =	shalt  }
0x40: {  	_ =	shalt  }
0x41: {  	_ =	shalt  }
0x42: {  	_ =	shalt  }
0x43: {  	_ =	shalt  }
0x44: {  	_ =	shalt  }
0x45: {  	_ =	shalt  }
0x46: {  	_ =	shalt  }
0x47: {  	_ =	shalt  }
0x48: {  	_ =	shalt  }
0x49: {  	_ =	shalt  }
0x4a: {  	_ =	shalt  }
0x4b: {  	_ =	shalt  }
0x4c: {  	_ =	shalt  }
0x4d: {  	_ =	shalt  }
0x4e: {  	_ =	shalt  }
0x4f: {  	_ =	shalt  }
0x50: {  	_ =	shalt  }
0x51: {  	_ =	shalt  }
0x52: {  	_ =	shalt  }
0x53: {  	_ =	shalt  }
0x54: {  	_ =	shalt  }
0x55: {  	_ =	shalt  }
0x56: {  	_ =	shalt  }
0x57: {  	_ =	shalt  }
0x58: {  	_ =	shalt  }
0x59: {  	_ =	shalt  }
0x5a: {  	_ =	shalt  }
0x5b: {  	_ =	shalt  }
0x5c: {  	_ =	shalt  }
0x5d: {  	_ =	shalt  }
0x5e: {  	_ =	shalt  }
0x5f: {  	_ =	shalt  }
0x60: {  	_ =	shalt  }
0x61: {  	_ =	shalt  }
0x62: {  	_ =	shalt  }
0x63: {  	_ =	shalt  }
0x64: {  	_ =	shalt  }
0x65: {  	_ =	shalt  }
0x66: {  	_ =	shalt  }
0x67: {  	_ =	shalt  }
0x68: {  	_ =	shalt  }
0x69: {  	_ =	shalt  }
0x6a: {  	_ =	shalt  }
0x6b: {  	_ =	shalt  }
0x6c: {  	_ =	shalt  }
0x6d: {  	_ =	shalt  }
0x6e: {  	_ =	shalt  }
0x6f: {  	_ =	shalt  }
0x70: {  	_ =	shalt  }
0x71: {  	_ =	shalt  }
0x72: {  	_ =	shalt  }
0x73: {  	_ =	shalt  }
0x74: {  	_ =	shalt  }
0x75: {  	_ =	shalt  }
0x76: {  	_ =	shalt  }
0x77: {  	_ =	shalt  }
0x78: {  	_ =	shalt  }
0x79: {  	_ =	shalt  }
0x7a: {  	_ =	shalt  }
0x7b: {  	_ =	shalt  }
0x7c: {  	_ =	shalt  }
0x7d: {  	_ =	shalt  }
0x7e: {  	_ =	shalt  }
0x7f: {  	_ =	shalt  }
0x80: {  	_ =	shalt  }
0x81: {  	_ =	shalt  }
0x82: {  	_ =	shalt  }
0x83: {  	_ =	shalt  }
0x84: {  	_ =	shalt  }
0x85: {  	_ =	shalt  }
0x86: {  	_ =	shalt  }
0x87: {  	_ =	shalt  }
.Lfunc_end0:
.L_simem_size_0:
called_computation.1_lowered:
.L_overlay_start_0:
0x88: {  	s2 =	sld [smem:$0x3FD9]  }
0x89: {  	s3 =	sld [smem:$0x3FFE];
	_ =	sdelay $0x1  }
0x8a: {  	s1 =	srdreg.scid  }
0x8b: {  	s0 =	sand.u32 $0x1, s1  }
0x8c: {  	s16 =	sshll.u32 s0, $0xA;
	s2 =	sadd.s32 s3, s2  }
0x8d: {  	s2 =	sadd.s32 s2, s16  }
0x8e: {  	[smem:$0x3FBB] =	sst s2  }
0x8f: {  	_ = 	snop  }
0x90: {  	(tm) =	ssettm $0x1  }
0x91: {  	s17 =	sld [smem:$0x3FFB];
	_ =	sdelay $0x3  }
0x92: {  	_ =	strace s17  }
0x93: {  	s2 =	sld [smem:$0x3FFC];
	_ =	sdelay $0x3  }
0x94: {  	_ =	strace s2  }
0x95: {  	s2 =	sld [smem:$0x3FFD];
	_ =	sdelay $0x3  }
0x96: {  	_ =	strace s2  }
0x97: {  	_ =	strace $0x8FFFFFFF  }
0x98: {  	s18 =	sld [smem:$0x3FDB];
	_ =	sdelay $0x1  }
0x99: {  	s19 =	simm.s32 $_scs_section_size  }
0x9a: {  	s4 =	simm.s32 $_size__tile_overlayer_lowered;
	s5 =	simm.s32 $_tile_overlayer_lowered  }
0x9b: {  	s22 =	simm.s32 $0x1BFF;
	s21 =	sshll.u32 s5, $0x1;
	s2 =	sadd.s32 s19, s18  }
0x9c: {  	s6 =	simm.s32 $0x0;
	s20 =	sshll.u32 s4, $0x1;
	s4 =	sadd.s32 s21, s2  }
0x9d: {  	[timem:s6], [sflag:s22] =	dma.local [hbm:s4], s20  }
0x9e: {  	_ =	swait.ge [sflag:s22], s20  }
0x9f: {  	s3 =	ssub.s32 $0x0, s20;
	[sflag:s22] =	ssyncset.done $0x0  }
0xa0: {  	[sflag:s22] =	ssyncadd.s32 s3;
	_ =	sdelay $0x1  }
0xa1: {  	s23 =	simm.s32 $0x1B8B  }
0xa2: {  	_ =	swait.ge [sflag:s23], $0x1  }
0xa3: {  	[sflag:s23] =	ssyncset.done $0x0  }
0xa4: {  	s25 =	simm.s32 $0x1B8E;
	s24 =	sld [smem:$0x3FFE];
	[sflag:s23] =	ssyncadd.s32 $0xFFFFFFFF  }
0xa5: {  	s26 =	simm.s32 $execute0_lowered;
	[smem:$0x3FD2] =	sst s25  }
0xa6: {  	s4 =	sshll.u32 s26, $0x1;
	_ =	strace $0x80000049;
	[dreg:$0x1] =	wrdreg $0xFFFFFFFF  }
0xa7: {  	s28 =	simm.s32 $_size_execute0_lowered;
	s2 =	sadd.s32 s2, s4;
	[dreg:$0x0] =	wrdreg $0x0  }
0xa8: {  	s4 =	sshll.u32 s28, $0x1;
	[dreg:$0x2] =	wrdreg s2  }
0xa9: {  	[dreg:$0x3] =	wrdreg s4  }
0xaa: {  	[dreg:$0x4] =	wrdreg $0xC0  }
0xab: {  	_ =	task [dreg:s6], $0x5FFFF  }
0xac: {  	[dreg:$0x1] =	wrdreg $0xFFFFFFFF  }
0xad: {  	[dreg:$0x0] =	wrdreg $0x60  }
0xae: {  	[dreg:$0x2] =	wrdreg s24  }
0xaf: {  	[dreg:$0x3] =	wrdreg $0xCD000  }
0xb0: {  	[dreg:$0x4] =	wrdreg $0x9  }
0xb1: {  	_ =	task.clear_ibuf [dreg:s6], $0x5FFFF;
	_ =	strace $0x90000049  }
0xb2: {  	s29 =	simm.s32 $0x9;
	_ =	strace $0x8000004B  }
0xb3: {  	_ =	swait.ge [sflag:s29], $0x1  }
0xb4: {  	[sflag:s29] =	ssyncadd.s32 $0xFFFFFFFF  }
0xb5: {  	_ =	strace $0x9000004B  }
0xb6: {  	_ =	sfence  }
0xb7: {  	s30 =	sld [smem:$0x0];
	_ =	sdelay $0x2  }
0xb8: {  	s31 =	sshll.u32 s1, $0xD;
	s1 =	sshrl.u32 s1, $0x2  }
0xb9: {  	s3 =	sand.u32 $0x4000, s31;
	s1 =	sadd.s32 s1, s30  }
0xba: {  	s0 =	sor.u32 s3, s0;
	s1 =	sshll.u32 s1, $0x11  }
0xbb: {  	s0 =	sor.u32 s1, s0  }
0xbc: {  	s0 =	sadd.s32 $0x8F2B, s0  }
0xbd: {  	[sflag:s0] =	ssyncadd.remote.s32 $0x1  }
0xbe: {  	_ =	sfence.sel $0xFFFF  }
0xbf: {  	[dreg:$0x0] =	wrdreg $0xFFFFFFFF;
	(pc) =	sbr.abs _section_cstart, $3  }
0xc0: {  	[dreg:$0x1] =	wrdreg $0xFFFFFFFF  }
0xc1: {  	_ =	task.clear_ibuf [dreg:s6], $0x2FFFF;
	_ =	strace $0x9FFFFFFF  }
0xc2: {  	(tm) =	ssettm $0x7FFFFFFF  }
0xc3: {  	_ =	shalt  }
tec
execute0_lowered:
.L_overlay_start_1:
0x0: {  	(tag) =	ssettag $0x1  }
0x1: {  	s0 =	srdreg.scid;
	s5 =	rddreg [dreg:$0x0]  }
0x2: {  	s8 =	stileid.u32;
	s2 =	rddreg [dreg:$0x1]  }
0x3: {  	s3 =	simm.s32 $0x0;
	s17 =	simm.s32 $0x5000;
	s18 =	simm.s32 $0x5  }
0x4: {  	s28 =	simm.s32 $0x8E80;
	s29 =	simm.s32 $0x9E20;
	s30 =	simm.s32 $0xADC0  }
0x5: {  	s31 =	simm.s32 $0xBD60;
	s0 =	sand.u32 $0x1, s0;
	s6 =	smul.u32 $0xA000, s8  }
0x6: {  	s1 =	sshll.u32 s8, $0x1;
	[smem:$0x7FF] =	sst s3;
	s8 =	smul.u32 $0x14000, s8  }
0x7: {  	s4 =	sadd.s32 $0x3E200, s5;
	s1 =	sor.u32 s0, s1;
	s7 =	smul.u32 $0xA0000, s0  }
0x8: {  	_ =	strace $0x8000004A;
	s0 =	ssub.s32 $0x2, s0;
	s1 =	smul.u32 $0x2800, s1  }
0x9: {  	s19 =	sshrl.u32 s0, $0x1;
	s8 =	sshrl.u32 s8, $0x2;
	s20 =	sshrl.u32 s6, $0x1  }
0xa: {  	s7 =	sadd.s32 s6, s7;
	s0 =	ssub.s32 s0, s19;
	s21 =	sadd.s32 s8, s2  }
0xb: {  	s19 =	simm.s32 $0x3;
	s1 =	sshrl.u32 s1, $0x3;
	s8 =	sadd.s32 $0xA00, s21  }
0xc: {  	s7 =	sshrl.u32 s7, $0x4;
	s22 =	sadd.s32 $0x1400, s21;
	[dreg:$0x3] =	wrdreg s8  }
0xd: {  	s23 =	sadd.s32 $0x1E00, s21;
	s24 =	sadd.s32 $0x2800, s21;
	[dreg:$0x4] =	wrdreg s22  }
0xe: {  	s25 =	sadd.s32 $0x3200, s21;
	s26 =	sadd.s32 $0x3C00, s21;
	[dreg:$0x5] =	wrdreg s23  }
0xf: {  	s12 =	sadd.s32 $0x4600, s21;
	s16 =	smax.u32 s0, $0x1;
	[dreg:$0x6] =	wrdreg s24  }
0x10: {  	s21 =	simm.s32 $0x2;
	s1 =	sadd.s32 s1, s5;
	[dreg:$0x7] =	wrdreg s25  }
0x11: {  	s7 =	sadd.s32 s7, s5;
	s5 =	sadd.s32 s20, s2;
	[dreg:$0x8] =	wrdreg s26  }
0x12: {  	s20 =	simm.s32 $0x7D;
	s22 =	simm.s32 $0x5FA0;
	s24 =	simm.s32 $0x6F40  }
0x13: {  	s26 =	simm.s32 $0x7EE0;
	s23 =	simm.s32 $0x4;
	s13 =	sadd.s32 $0x3000, s1  }
0x14: {  	v0 =	vimm.bf16 $0.0e+00;
	s14 =	sadd.s32 $0xD000, s1;
	s15 =	sadd.s32 $0x48000, s7;
	s1 =	simm.s32 $0x1  }
.LBB2_1:
0x15: {  	s0 =	simm.s32 $0x80;
	s6 =	simm.s32 $0x0  }
.LBB2_2:
0x16: {  	p0 =	sne.s32 s0, $0x2780;
	[tilespmem:s6+$0x5000] =	vst v0;
	s7 =	smov.u32 s0;
	s0 =	sadd.s32 $0x80, s0  }
.Ltmp0:
0x17: {  	[tilespmem:s6+$0x5010] =	vst v0;
	(pc) =	sbr.rel @p0 .LBB2_2-.Ltmp0, $2  }
0x18: {  	_ =	sdelay $0x2  }
0x19: {  	s6 =	sshra.s32 s7, $0x2  }
0x1a: {  	[tilespmem:s6+$0x5000] =	vst v0  }
0x1b: {  	[tilespmem:s6+$0x5010] =	vst v0  }
0x1c: {  	[spmem:s5] =	stream.linear.scatter [tilespmem:s17], [sflag:$0x5], $0xA00, $0x38;
	[tilespmem:$0x11D00] =	vst v63  }
0x1d: {  	_ =	swait.ge [sflag:s18], $0xA00  }
0x1e: {  	[sflag:s18] =	ssyncset.done $0x0  }
0x1f: {  	s0 =	rddreg [dreg:$0x3];
	[sflag:s18] =	ssyncadd.s32 $0xFFFFF600  }
0x20: {  	[spmem:s0] =	stream.linear.scatter [tilespmem:s17], [sflag:$0x5], $0xA00, $0x38;
	[tilespmem:$0x11D00] =	vst v63  }
0x21: {  	_ =	swait.ge [sflag:s18], $0xA00  }
0x22: {  	[sflag:s18] =	ssyncset.done $0x0  }
0x23: {  	s25 =	rddreg [dreg:$0x4];
	[sflag:s18] =	ssyncadd.s32 $0xFFFFF600  }
0x24: {  	[spmem:s25] =	stream.linear.scatter [tilespmem:s17], [sflag:$0x5], $0xA00, $0x38;
	[tilespmem:$0x11D00] =	vst v63  }
0x25: {  	_ =	swait.ge [sflag:s18], $0xA00  }
0x26: {  	[sflag:s18] =	ssyncset.done $0x0  }
0x27: {  	s6 =	rddreg [dreg:$0x5];
	[sflag:s18] =	ssyncadd.s32 $0xFFFFF600  }
0x28: {  	[spmem:s6] =	stream.linear.scatter [tilespmem:s17], [sflag:$0x5], $0xA00, $0x38;
	[tilespmem:$0x11D00] =	vst v63  }
0x29: {  	_ =	swait.ge [sflag:s18], $0xA00  }
0x2a: {  	[sflag:s18] =	ssyncset.done $0x0  }
0x2b: {  	s7 =	rddreg [dreg:$0x6];
	[sflag:s18] =	ssyncadd.s32 $0xFFFFF600  }
0x2c: {  	[spmem:s7] =	stream.linear.scatter [tilespmem:s17], [sflag:$0x5], $0xA00, $0x38;
	[tilespmem:$0x11D00] =	vst v63  }
0x2d: {  	_ =	swait.ge [sflag:s18], $0xA00  }
0x2e: {  	[sflag:s18] =	ssyncset.done $0x0  }
0x2f: {  	s8 =	rddreg [dreg:$0x7];
	[sflag:s18] =	ssyncadd.s32 $0xFFFFF600  }
0x30: {  	[spmem:s8] =	stream.linear.scatter [tilespmem:s17], [sflag:$0x5], $0xA00, $0x38;
	[tilespmem:$0x11D00] =	vst v63  }
0x31: {  	_ =	swait.ge [sflag:s18], $0xA00  }
0x32: {  	[sflag:s18] =	ssyncset.done $0x0  }
0x33: {  	s9 =	rddreg [dreg:$0x8];
	[sflag:s18] =	ssyncadd.s32 $0xFFFFF600  }
0x34: {  	[spmem:s9] =	stream.linear.scatter [tilespmem:s17], [sflag:$0x5], $0xA00, $0x38;
	[tilespmem:$0x11D00] =	vst v63  }
0x35: {  	_ =	swait.ge [sflag:s18], $0xA00  }
0x36: {  	[sflag:s18] =	ssyncset.done $0x0  }
0x37: {  	[sflag:s18] =	ssyncadd.s32 $0xFFFFF600  }
0x38: {  	[spmem:s12] =	stream.linear.scatter [tilespmem:s17], [sflag:$0x5], $0xA00, $0x38;
	[tilespmem:$0x11D00] =	vst v63  }
0x39: {  	_ =	swait.ge [sflag:s18], $0xA00  }
0x3a: {  	[sflag:s18] =	ssyncset.done $0x0  }
0x3b: {  	s10 =	simm.s32 $0x0;
	[sflag:s18] =	ssyncadd.s32 $0xFFFFF600  }
0x3c: {  	[tilespmem:s10], [sflag:$0x5] =	stream.linear.gather [hbm4b:s13+s10], $0x2800, $0x38;
	[tilespmem:$0x11D00] =	vst v63  }
0x3d: {  	_ =	swait.ge [sflag:s18], $0x2800  }
0x3e: {  	[sflag:s18] =	ssyncset.done $0x0  }
0x3f: {  	s11 =	simm.s32 $0x2800;
	[sflag:s18] =	ssyncadd.s32 $0xFFFFD800  }
0x40: {  	[tilespmem:s11], [sflag:$0x5] =	stream.linear.gather [hbm4b:s14+s10], $0x2800, $0x38;
	[tilespmem:$0x11D00] =	vst v63  }
0x41: {  	_ =	swait.ge [sflag:s18], $0x2800  }
0x42: {  	[sflag:s18] =	ssyncset.done $0x0  }
0x43: {  	[sflag:s18] =	ssyncadd.s32 $0xFFFFD800  }
0x44: {  	[bflag:$0x0] =	sbarrier.arrive $0xFFFF  }
0x45: {  	[tilespmem:s17], [sflag:$0x1] =	stream.indirect.gather [hbm4b:s4+s20], $0x20, s10, s20, $0xb8;
	[tilespmem:$0x11D00] =	vst v63  }
0x46: {  	s25 =	simm.s32 $0x80  }
0x47: {  	[tilespmem:s22], [sflag:$0x1] =	stream.indirect.gather [hbm4b:s4+s20], $0x20, s25, s20, $0xb8;
	[tilespmem:$0x11D00] =	vst v63  }
0x48: {  	s6 =	simm.s32 $0x100  }
0x49: {  	[tilespmem:s24], [sflag:$0x1] =	stream.indirect.gather [hbm4b:s4+s20], $0x20, s6, s20, $0xb8;
	[tilespmem:$0x11D00] =	vst v63  }
0x4a: {  	s7 =	simm.s32 $0x180  }
0x4b: {  	[tilespmem:s26], [sflag:$0x1] =	stream.indirect.gather [hbm4b:s4+s20], $0x20, s7, s20, $0xb8;
	[tilespmem:$0x11D00] =	vst v63  }
0x4c: {  	s8 =	simm.s32 $0x200  }
0x4d: {  	[tilespmem:s28], [sflag:$0x2] =	stream.indirect.gather [hbm4b:s4+s20], $0x20, s8, s20, $0xb8;
	[tilespmem:$0x11D00] =	vst v63  }
0x4e: {  	s9 =	simm.s32 $0x280  }
0x4f: {  	[tilespmem:s29], [sflag:$0x2] =	stream.indirect.gather [hbm4b:s4+s20], $0x20, s9, s20, $0xb8;
	[tilespmem:$0x11D00] =	vst v63  }
0x50: {  	s10 =	simm.s32 $0x300  }
0x51: {  	[tilespmem:s30], [sflag:$0x2] =	stream.indirect.gather [hbm4b:s4+s20], $0x20, s10, s20, $0xb8;
	[tilespmem:$0x11D00] =	vst v63  }
0x52: {  	s11 =	simm.s32 $0x380  }
0x53: {  	[tilespmem:s31], [sflag:$0x2] =	stream.indirect.gather [hbm4b:s4+s20], $0x20, s11, s20, $0xb8;
	[tilespmem:$0x11D00] =	vst v63  }
0x54: {  	_ =	swait.ge [sflag:s1], $0xFA0  }
0x55: {  	[sflag:s1] =	ssyncset.done $0x0  }
0x56: {  	[sflag:s1] =	ssyncadd.s32 $0xFFFFF060  }
0x57: {  	_ =	swait.ge [sflag:s1], $0xFA0  }
0x58: {  	[sflag:s1] =	ssyncset.done $0x0  }
0x59: {  	[sflag:s1] =	ssyncadd.s32 $0xFFFFF060  }
0x5a: {  	_ =	swait.ge [sflag:s1], $0xFA0  }
0x5b: {  	[sflag:s1] =	ssyncset.done $0x0  }
0x5c: {  	[sflag:s1] =	ssyncadd.s32 $0xFFFFF060  }
0x5d: {  	_ =	swait.ge [sflag:s1], $0xFA0  }
0x5e: {  	[sflag:s1] =	ssyncset.done $0x0  }
0x5f: {  	s25 =	simm.s32 $0x2800;
	[sflag:s1] =	ssyncadd.s32 $0xFFFFF060  }
0x60: {  	[spmem:s2] =	stream.indirect.scatter.add.bf16 [tilespmem:s17], [sflag:$0x3], $0x20, s25, s20, $0xb8;
	[tilespmem:$0x11D00] =	vst v63  }
0x61: {  	s6 =	simm.s32 $0x2880  }
0x62: {  	[spmem:s2] =	stream.indirect.scatter.add.bf16 [tilespmem:s22], [sflag:$0x3], $0x20, s6, s20, $0xb8;
	[tilespmem:$0x11D00] =	vst v63  }
0x63: {  	s7 =	simm.s32 $0x2900  }
0x64: {  	[spmem:s2] =	stream.indirect.scatter.add.bf16 [tilespmem:s24], [sflag:$0x3], $0x20, s7, s20, $0xb8;
	[tilespmem:$0x11D00] =	vst v63  }
0x65: {  	s8 =	simm.s32 $0x2980  }
0x66: {  	[spmem:s2] =	stream.indirect.scatter.add.bf16 [tilespmem:s26], [sflag:$0x3], $0x20, s8, s20, $0xb8;
	[tilespmem:$0x11D00] =	vst v63  }
0x67: {  	_ =	swait.ge [sflag:s19], $0xFA0  }
0x68: {  	[sflag:s19] =	ssyncset.done $0x0  }
0x69: {  	[sflag:s19] =	ssyncadd.s32 $0xFFFFF060  }
0x6a: {  	_ =	swait.ge [sflag:s19], $0xFA0  }
0x6b: {  	[sflag:s19] =	ssyncset.done $0x0  }
0x6c: {  	[sflag:s19] =	ssyncadd.s32 $0xFFFFF060  }
0x6d: {  	_ =	swait.ge [sflag:s19], $0xFA0  }
0x6e: {  	[sflag:s19] =	ssyncset.done $0x0  }
0x6f: {  	[sflag:s19] =	ssyncadd.s32 $0xFFFFF060  }
0x70: {  	p0 =	por $0x0, $0x0;
	_ =	swait.ge [sflag:s19], $0xFA0  }
0x71: {  	s0 =	simm.s32 @!p0 $0x5000;
	[sflag:s19] =	ssyncset.done $0x0  }
0x72: {  	s6 =	simm.s32 @!p0 $0x400;
	s7 =	simm.s32 @!p0 $0x7D;
	[sflag:s19] =	ssyncadd.s32 $0xFFFFF060  }
0x73: {  	[tilespmem:s0], [sflag:$0x1] =	stream.indirect.gather @!p0 [hbm4b:s4+s7], $0x20, s6, s7, $0xb8;
	[tilespmem:$0x11D00] =	vst v63  }
0x74: {  	s0 =	simm.s32 @!p0 $0x480;
	s6 =	simm.s32 @!p0 $0x5FA0  }
0x75: {  	[tilespmem:s6], [sflag:$0x1] =	stream.indirect.gather @!p0 [hbm4b:s4+s7], $0x20, s0, s7, $0xb8;
	[tilespmem:$0x11D00] =	vst v63  }
0x76: {  	s0 =	simm.s32 @!p0 $0x500;
	s6 =	simm.s32 @!p0 $0x6F40  }
0x77: {  	[tilespmem:s6], [sflag:$0x1] =	stream.indirect.gather @!p0 [hbm4b:s4+s7], $0x20, s0, s7, $0xb8;
	[tilespmem:$0x11D00] =	vst v63  }
0x78: {  	s0 =	simm.s32 @!p0 $0x580;
	s6 =	simm.s32 @!p0 $0x7EE0  }
0x79: {  	[tilespmem:s6], [sflag:$0x1] =	stream.indirect.gather @!p0 [hbm4b:s4+s7], $0x20, s0, s7, $0xb8;
	[tilespmem:$0x11D00] =	vst v63  }
0x7a: {  	_ =	swait.ge [sflag:s21], $0xFA0  }
0x7b: {  	[sflag:s21] =	ssyncset.done $0x0  }
0x7c: {  	[sflag:s21] =	ssyncadd.s32 $0xFFFFF060  }
0x7d: {  	_ =	swait.ge [sflag:s21], $0xFA0  }
0x7e: {  	[sflag:s21] =	ssyncset.done $0x0  }
0x7f: {  	[sflag:s21] =	ssyncadd.s32 $0xFFFFF060  }
0x80: {  	_ =	swait.ge [sflag:s21], $0xFA0  }
0x81: {  	[sflag:s21] =	ssyncset.done $0x0  }
0x82: {  	[sflag:s21] =	ssyncadd.s32 $0xFFFFF060  }
0x83: {  	_ =	swait.ge [sflag:s21], $0xFA0  }
0x84: {  	[sflag:s21] =	ssyncset.done $0x0  }
0x85: {  	s9 =	simm.s32 $0x2A00;
	[sflag:s21] =	ssyncadd.s32 $0xFFFFF060  }
0x86: {  	[spmem:s2] =	stream.indirect.scatter.add.bf16 [tilespmem:s28], [sflag:$0x4], $0x20, s9, s20, $0xb8;
	[tilespmem:$0x11D00] =	vst v63  }
0x87: {  	s10 =	simm.s32 $0x2A80  }
0x88: {  	[spmem:s2] =	stream.indirect.scatter.add.bf16 [tilespmem:s29], [sflag:$0x4], $0x20, s10, s20, $0xb8;
	[tilespmem:$0x11D00] =	vst v63  }
0x89: {  	s11 =	simm.s32 $0x2B00  }
0x8a: {  	[spmem:s2] =	stream.indirect.scatter.add.bf16 [tilespmem:s30], [sflag:$0x4], $0x20, s11, s20, $0xb8;
	[tilespmem:$0x11D00] =	vst v63  }
0x8b: {  	s25 =	simm.s32 $0x2B80  }
0x8c: {  	[spmem:s2] =	stream.indirect.scatter.add.bf16 [tilespmem:s31], [sflag:$0x4], $0x20, s25, s20, $0xb8;
	[tilespmem:$0x11D00] =	vst v63  }
0x8d: {  	_ =	swait.ge [sflag:s23], $0xFA0  }
0x8e: {  	[sflag:s23] =	ssyncset.done $0x0  }
0x8f: {  	[sflag:s23] =	ssyncadd.s32 $0xFFFFF060  }
0x90: {  	_ =	swait.ge [sflag:s23], $0xFA0  }
0x91: {  	[sflag:s23] =	ssyncset.done $0x0  }
0x92: {  	[sflag:s23] =	ssyncadd.s32 $0xFFFFF060  }
0x93: {  	_ =	swait.ge [sflag:s23], $0xFA0  }
0x94: {  	[sflag:s23] =	ssyncset.done $0x0  }
0x95: {  	[sflag:s23] =	ssyncadd.s32 $0xFFFFF060  }
0x96: {  	s0 =	simm.s32 $0x1000;
	_ =	swait.ge [sflag:s23], $0xFA0  }
0x97: {  	s6 =	simm.s32 $0x2000;
	s25 =	simm.s32 $0x400;
	[sflag:s23] =	ssyncset.done $0x0  }
.LBB2_4:
0x98: {  	s8 =	sadd.s32 $0x200, s25  }
0x99: {  	[sflag:s23] =	ssyncadd.s32 $0xFFFFF060;
	s7 =	smov.u32 s6;
	s6 =	sadd.s32 $0x1000, s6  }
0x9a: {  	[tilespmem:s28], [sflag:$0x2] =	stream.indirect.gather [hbm4b:s4+s20], $0x20, s8, s20, $0xb8;
	[tilespmem:$0x11D00] =	vst v63  }
0x9b: {  	p0 =	sne.s32 s6, $0xA000;
	s8 =	sadd.s32 $0x280, s25  }
0x9c: {  	[tilespmem:s29], [sflag:$0x2] =	stream.indirect.gather [hbm4b:s4+s20], $0x20, s8, s20, $0xb8;
	[tilespmem:$0x11D00] =	vst v63  }
0x9d: {  	s8 =	sadd.s32 $0x300, s25  }
0x9e: {  	[tilespmem:s30], [sflag:$0x2] =	stream.indirect.gather [hbm4b:s4+s20], $0x20, s8, s20, $0xb8;
	[tilespmem:$0x11D00] =	vst v63  }
0x9f: {  	s8 =	sadd.s32 $0x380, s25  }
0xa0: {  	[tilespmem:s31], [sflag:$0x2] =	stream.indirect.gather [hbm4b:s4+s20], $0x20, s8, s20, $0xb8;
	[tilespmem:$0x11D00] =	vst v63  }
0xa1: {  	_ =	swait.ge [sflag:s1], $0xFA0  }
0xa2: {  	[sflag:s1] =	ssyncset.done $0x0  }
0xa3: {  	[sflag:s1] =	ssyncadd.s32 $0xFFFFF060  }
0xa4: {  	_ =	swait.ge [sflag:s1], $0xFA0  }
0xa5: {  	[sflag:s1] =	ssyncset.done $0x0  }
0xa6: {  	[sflag:s1] =	ssyncadd.s32 $0xFFFFF060  }
0xa7: {  	_ =	swait.ge [sflag:s1], $0xFA0  }
0xa8: {  	[sflag:s1] =	ssyncset.done $0x0  }
0xa9: {  	[sflag:s1] =	ssyncadd.s32 $0xFFFFF060  }
0xaa: {  	_ =	swait.ge [sflag:s1], $0xFA0  }
0xab: {  	[sflag:s1] =	ssyncset.done $0x0  }
0xac: {  	s8 =	sadd.s32 $0x2800, s25;
	[sflag:s1] =	ssyncadd.s32 $0xFFFFF060  }
0xad: {  	[spmem:s2] =	stream.indirect.scatter.add.bf16 [tilespmem:s17], [sflag:$0x3], $0x20, s8, s20, $0xb8;
	[tilespmem:$0x11D00] =	vst v63  }
0xae: {  	s8 =	sadd.s32 $0x2880, s25  }
0xaf: {  	[spmem:s2] =	stream.indirect.scatter.add.bf16 [tilespmem:s22], [sflag:$0x3], $0x20, s8, s20, $0xb8;
	[tilespmem:$0x11D00] =	vst v63  }
0xb0: {  	s8 =	sadd.s32 $0x2900, s25  }
0xb1: {  	[spmem:s2] =	stream.indirect.scatter.add.bf16 [tilespmem:s24], [sflag:$0x3], $0x20, s8, s20, $0xb8;
	[tilespmem:$0x11D00] =	vst v63  }
0xb2: {  	s8 =	sadd.s32 $0x2980, s25  }
0xb3: {  	[spmem:s2] =	stream.indirect.scatter.add.bf16 [tilespmem:s26], [sflag:$0x3], $0x20, s8, s20, $0xb8;
	[tilespmem:$0x11D00] =	vst v63  }
0xb4: {  	_ =	swait.ge [sflag:s19], $0xFA0  }
0xb5: {  	[sflag:s19] =	ssyncset.done $0x0  }
0xb6: {  	[sflag:s19] =	ssyncadd.s32 $0xFFFFF060  }
0xb7: {  	_ =	swait.ge [sflag:s19], $0xFA0  }
0xb8: {  	[sflag:s19] =	ssyncset.done $0x0  }
0xb9: {  	[sflag:s19] =	ssyncadd.s32 $0xFFFFF060  }
0xba: {  	_ =	swait.ge [sflag:s19], $0xFA0  }
0xbb: {  	[sflag:s19] =	ssyncset.done $0x0  }
0xbc: {  	[sflag:s19] =	ssyncadd.s32 $0xFFFFF060  }
0xbd: {  	p1 =	seq.s32 s0, $0x9000;
	_ =	swait.ge [sflag:s19], $0xFA0  }
0xbe: {  	s0 =	sshra.s32 @!p1 s0, $0x2;
	s8 =	simm.s32 @!p1 $0x5000;
	[sflag:s19] =	ssyncset.done $0x0  }
0xbf: {  	s10 =	simm.s32 @!p1 $0x7D;
	s9 =	sadd.s32 @!p1 $0x400, s0;
	[sflag:s19] =	ssyncadd.s32 $0xFFFFF060  }
0xc0: {  	[tilespmem:s8], [sflag:$0x1] =	stream.indirect.gather @!p1 [hbm4b:s4+s10], $0x20, s9, s10, $0xb8;
	[tilespmem:$0x11D00] =	vst v63  }
0xc1: {  	s11 =	sadd.s32 @!p1 $0x500, s0;
	s8 =	sadd.s32 @!p1 $0x480, s0;
	s9 =	simm.s32 @!p1 $0x5FA0  }
0xc2: {  	[tilespmem:s9], [sflag:$0x1] =	stream.indirect.gather @!p1 [hbm4b:s4+s10], $0x20, s8, s10, $0xb8;
	[tilespmem:$0x11D00] =	vst v63  }
0xc3: {  	s8 =	simm.s32 @!p1 $0x6F40;
	s9 =	sadd.s32 @!p1 $0x580, s0;
	s0 =	smov.u32 s7  }
0xc4: {  	[tilespmem:s8], [sflag:$0x1] =	stream.indirect.gather @!p1 [hbm4b:s4+s10], $0x20, s11, s10, $0xb8;
	[tilespmem:$0x11D00] =	vst v63  }
0xc5: {  	s7 =	simm.s32 @!p1 $0x7EE0  }
0xc6: {  	[tilespmem:s7], [sflag:$0x1] =	stream.indirect.gather @!p1 [hbm4b:s4+s10], $0x20, s9, s10, $0xb8;
	[tilespmem:$0x11D00] =	vst v63  }
0xc7: {  	_ =	swait.ge [sflag:s21], $0xFA0  }
0xc8: {  	[sflag:s21] =	ssyncset.done $0x0  }
0xc9: {  	[sflag:s21] =	ssyncadd.s32 $0xFFFFF060  }
0xca: {  	_ =	swait.ge [sflag:s21], $0xFA0  }
0xcb: {  	[sflag:s21] =	ssyncset.done $0x0  }
0xcc: {  	[sflag:s21] =	ssyncadd.s32 $0xFFFFF060  }
0xcd: {  	_ =	swait.ge [sflag:s21], $0xFA0  }
0xce: {  	[sflag:s21] =	ssyncset.done $0x0  }
0xcf: {  	[sflag:s21] =	ssyncadd.s32 $0xFFFFF060  }
0xd0: {  	_ =	swait.ge [sflag:s21], $0xFA0  }
0xd1: {  	[sflag:s21] =	ssyncset.done $0x0  }
0xd2: {  	s7 =	sadd.s32 $0x2A00, s25;
	[sflag:s21] =	ssyncadd.s32 $0xFFFFF060  }
0xd3: {  	[spmem:s2] =	stream.indirect.scatter.add.bf16 [tilespmem:s28], [sflag:$0x4], $0x20, s7, s20, $0xb8;
	[tilespmem:$0x11D00] =	vst v63  }
0xd4: {  	s7 =	sadd.s32 $0x2A80, s25  }
0xd5: {  	[spmem:s2] =	stream.indirect.scatter.add.bf16 [tilespmem:s29], [sflag:$0x4], $0x20, s7, s20, $0xb8;
	[tilespmem:$0x11D00] =	vst v63  }
0xd6: {  	s7 =	sadd.s32 $0x2B00, s25  }
0xd7: {  	[spmem:s2] =	stream.indirect.scatter.add.bf16 [tilespmem:s30], [sflag:$0x4], $0x20, s7, s20, $0xb8;
	[tilespmem:$0x11D00] =	vst v63  }
0xd8: {  	s7 =	sadd.s32 $0x2B80, s25  }
0xd9: {  	[spmem:s2] =	stream.indirect.scatter.add.bf16 [tilespmem:s31], [sflag:$0x4], $0x20, s7, s20, $0xb8;
	[tilespmem:$0x11D00] =	vst v63  }
0xda: {  	_ =	swait.ge [sflag:s23], $0xFA0  }
0xdb: {  	[sflag:s23] =	ssyncset.done $0x0  }
0xdc: {  	[sflag:s23] =	ssyncadd.s32 $0xFFFFF060  }
0xdd: {  	_ =	swait.ge [sflag:s23], $0xFA0  }
0xde: {  	[sflag:s23] =	ssyncset.done $0x0  }
0xdf: {  	[sflag:s23] =	ssyncadd.s32 $0xFFFFF060  }
.Ltmp1:
0xe0: {  	_ =	swait.ge [sflag:s23], $0xFA0;
	(pc) =	sbr.rel @p0 .LBB2_4-.Ltmp1, $4  }
0xe1: {  	[sflag:s23] =	ssyncset.done $0x0  }
0xe2: {  	[sflag:s23] =	ssyncadd.s32 $0xFFFFF060  }
0xe3: {  	_ =	swait.ge [sflag:s23], $0xFA0  }
0xe4: {  	s25 =	sshra.s32 s0, $0x2;
	[sflag:s23] =	ssyncset.done $0x0  }
0xe5: {  	s6 =	sadd.s32 $0x200, s25;
	[sflag:s23] =	ssyncadd.s32 $0xFFFFF060  }
0xe6: {  	[tilespmem:s28], [sflag:$0x2] =	stream.indirect.gather [hbm4b:s4+s20], $0x20, s6, s20, $0xb8;
	[tilespmem:$0x11D00] =	vst v63  }
0xe7: {  	s10 =	sadd.s32 $0x280, s25  }
0xe8: {  	[tilespmem:s29], [sflag:$0x2] =	stream.indirect.gather [hbm4b:s4+s20], $0x20, s10, s20, $0xb8;
	[tilespmem:$0x11D00] =	vst v63  }
0xe9: {  	s11 =	sadd.s32 $0x300, s25  }
0xea: {  	[tilespmem:s30], [sflag:$0x2] =	stream.indirect.gather [hbm4b:s4+s20], $0x20, s11, s20, $0xb8;
	[tilespmem:$0x11D00] =	vst v63  }
0xeb: {  	s7 =	sadd.s32 $0x380, s25  }
0xec: {  	[tilespmem:s31], [sflag:$0x2] =	stream.indirect.gather [hbm4b:s4+s20], $0x20, s7, s20, $0xb8;
	[tilespmem:$0x11D00] =	vst v63  }
0xed: {  	_ =	swait.ge [sflag:s1], $0xFA0  }
0xee: {  	[sflag:s1] =	ssyncset.done $0x0  }
0xef: {  	[sflag:s1] =	ssyncadd.s32 $0xFFFFF060  }
0xf0: {  	_ =	swait.ge [sflag:s1], $0xFA0  }
0xf1: {  	[sflag:s1] =	ssyncset.done $0x0  }
0xf2: {  	[sflag:s1] =	ssyncadd.s32 $0xFFFFF060  }
0xf3: {  	_ =	swait.ge [sflag:s1], $0xFA0  }
0xf4: {  	[sflag:s1] =	ssyncset.done $0x0  }
0xf5: {  	[sflag:s1] =	ssyncadd.s32 $0xFFFFF060  }
0xf6: {  	_ =	swait.ge [sflag:s1], $0xFA0  }
0xf7: {  	[sflag:s1] =	ssyncset.done $0x0  }
0xf8: {  	s8 =	sadd.s32 $0x2800, s25;
	[sflag:s1] =	ssyncadd.s32 $0xFFFFF060  }
0xf9: {  	[spmem:s2] =	stream.indirect.scatter.add.bf16 [tilespmem:s17], [sflag:$0x3], $0x20, s8, s20, $0xb8;
	[tilespmem:$0x11D00] =	vst v63  }
0xfa: {  	s9 =	sadd.s32 $0x2880, s25  }
0xfb: {  	[spmem:s2] =	stream.indirect.scatter.add.bf16 [tilespmem:s22], [sflag:$0x3], $0x20, s9, s20, $0xb8;
	[tilespmem:$0x11D00] =	vst v63  }
0xfc: {  	s10 =	sadd.s32 $0x2900, s25  }
0xfd: {  	[spmem:s2] =	stream.indirect.scatter.add.bf16 [tilespmem:s24], [sflag:$0x3], $0x20, s10, s20, $0xb8;
	[tilespmem:$0x11D00] =	vst v63  }
0xfe: {  	s11 =	sadd.s32 $0x2980, s25  }
0xff: {  	[spmem:s2] =	stream.indirect.scatter.add.bf16 [tilespmem:s26], [sflag:$0x3], $0x20, s11, s20, $0xb8;
	[tilespmem:$0x11D00] =	vst v63  }
0x100: {  	_ =	swait.ge [sflag:s19], $0xFA0  }
0x101: {  	[sflag:s19] =	ssyncset.done $0x0  }
0x102: {  	[sflag:s19] =	ssyncadd.s32 $0xFFFFF060  }
0x103: {  	_ =	swait.ge [sflag:s19], $0xFA0  }
0x104: {  	[sflag:s19] =	ssyncset.done $0x0  }
0x105: {  	[sflag:s19] =	ssyncadd.s32 $0xFFFFF060  }
0x106: {  	_ =	swait.ge [sflag:s19], $0xFA0  }
0x107: {  	[sflag:s19] =	ssyncset.done $0x0  }
0x108: {  	[sflag:s19] =	ssyncadd.s32 $0xFFFFF060  }
0x109: {  	p0 =	seq.s32 s0, $0x9000;
	_ =	swait.ge [sflag:s19], $0xFA0  }
0x10a: {  	s0 =	sshra.s32 @!p0 s0, $0x2;
	s6 =	simm.s32 @!p0 $0x5000;
	[sflag:s19] =	ssyncset.done $0x0  }
0x10b: {  	s7 =	sadd.s32 @!p0 $0x400, s0;
	s8 =	simm.s32 @!p0 $0x7D;
	[sflag:s19] =	ssyncadd.s32 $0xFFFFF060  }
0x10c: {  	[tilespmem:s6], [sflag:$0x1] =	stream.indirect.gather @!p0 [hbm4b:s4+s8], $0x20, s7, s8, $0xb8;
	[tilespmem:$0x11D00] =	vst v63  }
0x10d: {  	s6 =	sadd.s32 @!p0 $0x480, s0;
	s7 =	simm.s32 @!p0 $0x5FA0  }
0x10e: {  	[tilespmem:s7], [sflag:$0x1] =	stream.indirect.gather @!p0 [hbm4b:s4+s8], $0x20, s6, s8, $0xb8;
	[tilespmem:$0x11D00] =	vst v63  }
0x10f: {  	s6 =	sadd.s32 @!p0 $0x500, s0;
	s7 =	simm.s32 @!p0 $0x6F40  }
0x110: {  	[tilespmem:s7], [sflag:$0x1] =	stream.indirect.gather @!p0 [hbm4b:s4+s8], $0x20, s6, s8, $0xb8;
	[tilespmem:$0x11D00] =	vst v63  }
0x111: {  	s0 =	sadd.s32 @!p0 $0x580, s0;
	s6 =	simm.s32 @!p0 $0x7EE0  }
0x112: {  	[tilespmem:s6], [sflag:$0x1] =	stream.indirect.gather @!p0 [hbm4b:s4+s8], $0x20, s0, s8, $0xb8;
	[tilespmem:$0x11D00] =	vst v63  }
0x113: {  	_ =	swait.ge [sflag:s21], $0xFA0  }
0x114: {  	[sflag:s21] =	ssyncset.done $0x0  }
0x115: {  	[sflag:s21] =	ssyncadd.s32 $0xFFFFF060  }
0x116: {  	_ =	swait.ge [sflag:s21], $0xFA0  }
0x117: {  	[sflag:s21] =	ssyncset.done $0x0  }
0x118: {  	[sflag:s21] =	ssyncadd.s32 $0xFFFFF060  }
0x119: {  	_ =	swait.ge [sflag:s21], $0xFA0  }
0x11a: {  	[sflag:s21] =	ssyncset.done $0x0  }
0x11b: {  	[sflag:s21] =	ssyncadd.s32 $0xFFFFF060  }
0x11c: {  	_ =	swait.ge [sflag:s21], $0xFA0  }
0x11d: {  	[sflag:s21] =	ssyncset.done $0x0  }
0x11e: {  	s7 =	sadd.s32 $0x2A00, s25;
	[sflag:s21] =	ssyncadd.s32 $0xFFFFF060  }
0x11f: {  	[spmem:s2] =	stream.indirect.scatter.add.bf16 [tilespmem:s28], [sflag:$0x4], $0x20, s7, s20, $0xb8;
	[tilespmem:$0x11D00] =	vst v63  }
0x120: {  	s8 =	sadd.s32 $0x2A80, s25  }
0x121: {  	[spmem:s2] =	stream.indirect.scatter.add.bf16 [tilespmem:s29], [sflag:$0x4], $0x20, s8, s20, $0xb8;
	[tilespmem:$0x11D00] =	vst v63  }
0x122: {  	s9 =	sadd.s32 $0x2B00, s25  }
0x123: {  	[spmem:s2] =	stream.indirect.scatter.add.bf16 [tilespmem:s30], [sflag:$0x4], $0x20, s9, s20, $0xb8;
	[tilespmem:$0x11D00] =	vst v63  }
0x124: {  	s10 =	sadd.s32 $0x2B80, s25  }
0x125: {  	[spmem:s2] =	stream.indirect.scatter.add.bf16 [tilespmem:s31], [sflag:$0x4], $0x20, s10, s20, $0xb8;
	[tilespmem:$0x11D00] =	vst v63  }
0x126: {  	_ =	swait.ge [sflag:s23], $0xFA0  }
0x127: {  	[sflag:s23] =	ssyncset.done $0x0  }
0x128: {  	[sflag:s23] =	ssyncadd.s32 $0xFFFFF060  }
0x129: {  	_ =	swait.ge [sflag:s23], $0xFA0  }
0x12a: {  	[sflag:s23] =	ssyncset.done $0x0  }
0x12b: {  	[sflag:s23] =	ssyncadd.s32 $0xFFFFF060  }
0x12c: {  	_ =	swait.ge [sflag:s23], $0xFA0  }
0x12d: {  	[sflag:s23] =	ssyncset.done $0x0  }
0x12e: {  	[sflag:s23] =	ssyncadd.s32 $0xFFFFF060  }
0x12f: {  	s11 =	stileid.u32;
	_ =	swait.ge [sflag:s23], $0xFA0  }
0x130: {  	s3 =	sadd.s32 $0x1, s3;
	s0 =	sshll.u32 s11, $0x6;
	[sflag:s23] =	ssyncset.done $0x0  }
0x131: {  	s25 =	sshrl.u32 s5, $0x3;
	p0 =	sne.s32 s3, s16;
	[sflag:s23] =	ssyncadd.s32 $0xFFFFF060  }
.Ltmp2:
0x132: {  	s0 =	sor.u32 $0x1C05, s0;
	[bflag:$0x0] =	sbarrier.arrive $0xFFFF;
	(pc) =	sbr.rel @p0 .LBB2_1-.Ltmp2, $4  }
0x133: {  	[hbm:s15], [sflag:s0] =	dma.local [spmem:s25], $0xA00  }
0x134: {  	_ =	swait.ge [sflag:s18], $0xA00  }
0x135: {  	[sflag:s18] =	ssyncset.done $0x0  }
0x136: {  	[sflag:s18] =	ssyncadd.s32 $0xFFFFF600  }
0x137: {  	_ =	sfence.sel $0x180000  }
0x138: {  	[bflag:$0x0] =	sbarrier.arrive $0xFFFF  }
0x139: {  	_ =	strace $0x9000004A  }
0x13a: {  	s0 =	stileid.u32;
	[bflag:$0x2] =	sbarrier.arrive $0xFFFF  }
0x13b: {  	p0 =	sne.s32 s0, $0x0;
	s0 =	rddreg [dreg:$0x2]  }
0x13c: {  	s0 =	sadd.s32 @!p0 $0x100000, s0  }
0x13d: {  	[sflag:s0] =	ssyncadd.tile.s32 @!p0 $0x1;
	_ =	shalt  }
.Lfunc_end2:
_tile_overlayer_lowered:
.L_overlay_start_2:
0x13e: {  	(tag) =	ssettag $0x2  }
0x13f: {  	s0 =	rddreg [dreg:$0x0];
	s2 =	stileid.u32  }
0x140: {  	s1 =	rddreg [dreg:$0x1];
	p0 =	sne.s32 s2, $0x0  }
0x141: {  	s3 =	rddreg [dreg:$0x2];
	[bflag:$0x3] =	sbarrier.arrive $0xFFFF;
	s2 =	simm.s32 @!p0 $0x1C05  }
0x142: {  	[timem:s3], [sflag:s2] =	dma.local @!p0 [hbm:s0], s1  }
0x143: {  	s0 =	simm.s32 @!p0 $0x5  }
0x144: {  	_ =	swait.ge @!p0 [sflag:s0], s1  }
0x145: {  	s1 =	ssub.s32 @!p0 $0x0, s1;
	[sflag:s0] =	ssyncset.done @!p0 $0x0  }
0x146: {  	[sflag:s0] =	ssyncadd.s32 @!p0 s1  }
0x147: {  	[bflag:$0x3] =	sbarrier.arrive $0xFFFF  }
0x148: {  	_ =	shalt  }

// kernel: kernel.15.cloned.1.call-start
scs
__scs_entry_jumppad:
0x0: {  	(pc) =	sbr.rel $0x88, $3  }
0x1: {  	(tag) =	ssettag $0x0;
	lr =	simm.s32 $0x1  }
0x2: {  	[smem:$0x3F94] =	sst lr;
	_ =	strace $0xD0000000  }
0x3: {  	_ = 	snop  }
0x4: {  	_ = 	snop  }
0x5: {  	_ = 	snop  }
0x6: {  	_ = 	snop  }
0x7: {  	_ = 	snop  }
__scs_overlays_trampoline_lowered:
0x8: {  	[smem:$0x3FA3] =	sst s0  }
0x9: {  	[smem:$0x3FA4] =	sst s1  }
0xa: {  	[smem:$0x3FA5] =	sst s2  }
0xb: {  	[smem:$0x3FA6] =	sst s3  }
0xc: {  	[smem:$0x3FA7] =	sst s4  }
0xd: {  	[smem:$0x3FA8] =	sst s5  }
0xe: {  	[smem:$0x3FA9] =	sst s6  }
0xf: {  	[smem:$0x3FAA] =	sst s7  }
0x10: {  	[smem:$0x3FAB] =	sst s8  }
0x11: {  	[smem:$0x3FAC] =	sst s9;
	s0 =	simm.s32 @!p0 $0x0  }
0x12: {  	s1 =	sld [smem:$0x3F92];
	s0 =	simm.s32 @p0 $0x1  }
0x13: {  	[smem:$0x3FAD] =	sst s0;
	s0 =	simm.s32 @!p1 $0x0  }
0x14: {  	s2 =	sld [smem:$0x3F91];
	s0 =	simm.s32 @p1 $0x1  }
0x15: {  	[smem:$0x3FAE] =	sst s0;
	s0 =	simm.s32 @!p2 $0x0  }
0x16: {  	s3 =	sld [smem:$0x3FDB];
	s0 =	simm.s32 @p2 $0x1  }
0x17: {  	s4 =	simm.s32 $0x1BF5;
	[smem:$0x3FB0] =	sst s0  }
0x18: {  	s0 =	sld [smem:$0x3F93];
	_ =	swait.ge [sflag:s4], $0x0  }
0x19: {  	s7 =	sld [smem:$0x3F94]  }
0x1a: {  	s8 =	sadd.s32 $0xFFFFE003, lr  }
0x1b: {  	s9 =	sadd.s32 $0xFFFFFEF7, lr;
	s5 =	simm.s32 $0xFFFFFFFF;
	p2 =	slt.u32 s8, $0xFFFFF086  }
0x1c: {  	p1 =	slt.u32 s9, $0xF7A;
	s5 =	simm.s32 @!p2 $0x0  }
0x1d: {  	s5 =	simm.s32 @p1 $0x1;
	p0 =	seq.s32 s7, s2  }
0x1e: {  	s7 =	smul.u32 @!p0 $0xF7A, s2;
	p2 =	seq.s32 @!p0 s5, $0x0  }
0x1f: {  	s9 =	smul.u32 $0xF7A, s1;
	s8 =	simm.s32 @!p0 $0x1BF5;
	p2 =	por !p2, p0  }
0x20: {  	[sflag:s8] =	ssyncset.s32 @!p0 $0xFFFFF086;
	s6 =	sadd.s32 @!p0 s3, s7;
	s7 =	simm.s32 @!p0 $0x108  }
0x21: {  	s3 =	sadd.s32 s3, s9;
	s6 =	sadd.s32 @!p0 $0x88, s6;
	s7 =	simm.s32 @p2 $0x1082  }
0x22: {  	[simem:s7], [sflag:s8] =	dma.local @!p0 [hbm:s6], $0xF7A  }
0x23: {  	s9 =	sor.u32 $0xD0000000, s2;
	s6 =	simm.s32 $0x108;
	_ =	swait.ge @!p0 [sflag:s8], $0x0  }
0x24: {  	s3 =	sadd.s32 $0x88, s3;
	s6 =	simm.s32 @!p1 $0x1082;
	[sflag:s4] =	ssyncset.s32 $0xFFFFF086  }
0x25: {  	[simem:s6], [sflag:s4] =	dma.local [hbm:s3], $0xF7A  }
0x26: {  	[smem:$0x3F94] =	sst s1;
	(tag) =	ssettag s2;
	_ =	strace s9  }
0x27: {  	s1 =	sld [smem:$0x3FA4]  }
0x28: {  	s2 =	sld [smem:$0x3FA5]  }
0x29: {  	s4 =	sld [smem:$0x3FA7]  }
0x2a: {  	p0 =	seq.s32 s5, $0x0;
	s5 =	sld [smem:$0x3FA8]  }
0x2b: {  	s6 =	sld [smem:$0x3FA9]  }
0x2c: {  	s7 =	sld [smem:$0x3FAA]  }
0x2d: {  	s3 =	simm.s32 $0x108;
	s8 =	sld [smem:$0x3FAB]  }
0x2e: {  	s3 =	simm.s32 @!p0 $0x1082;
	s9 =	sld [smem:$0x3FAC]  }
0x2f: {  	lr =	sadd.s32 s0, s3;
	s0 =	sld [smem:$0x3FA3]  }
0x30: {  	s3 =	sld [smem:$0x3FA6]  }
0x31: {  	[smem:$0x3FAF] =	sst s10  }
0x32: {  	s10 =	sld [smem:$0x3FAD];
	_ =	sdelay $0x3  }
0x33: {  	p0 =	seq.s32 s10, $0x1;
	s10 =	sld [smem:$0x3FAF];
	_ =	sdelay $0x3  }
0x34: {  	[smem:$0x3FAF] =	sst s10  }
0x35: {  	s10 =	sld [smem:$0x3FAE];
	_ =	sdelay $0x3  }
0x36: {  	p1 =	seq.s32 s10, $0x1;
	s10 =	sld [smem:$0x3FAF];
	_ =	sdelay $0x3  }
0x37: {  	[smem:$0x3FAF] =	sst s10  }
0x38: {  	s10 =	sld [smem:$0x3FB0]  }
0x39: {  	_ = 	snop;
	(pc) =	sbr.ind lr, $3  }
0x3a: {  	_ = 	snop  }
0x3b: {  	_ = 	snop  }
0x3c: {  	p2 =	seq.s32 s10, $0x1;
	s10 =	sld [smem:$0x3FAF]  }
0x3d: {  	_ =	shalt  }
0x3e: {  	_ =	shalt  }
0x3f: {  	_ =	shalt  }
0x40: {  	_ =	shalt  }
0x41: {  	_ =	shalt  }
0x42: {  	_ =	shalt  }
0x43: {  	_ =	shalt  }
0x44: {  	_ =	shalt  }
0x45: {  	_ =	shalt  }
0x46: {  	_ =	shalt  }
0x47: {  	_ =	shalt  }
0x48: {  	_ =	shalt  }
0x49: {  	_ =	shalt  }
0x4a: {  	_ =	shalt  }
0x4b: {  	_ =	shalt  }
0x4c: {  	_ =	shalt  }
0x4d: {  	_ =	shalt  }
0x4e: {  	_ =	shalt  }
0x4f: {  	_ =	shalt  }
0x50: {  	_ =	shalt  }
0x51: {  	_ =	shalt  }
0x52: {  	_ =	shalt  }
0x53: {  	_ =	shalt  }
0x54: {  	_ =	shalt  }
0x55: {  	_ =	shalt  }
0x56: {  	_ =	shalt  }
0x57: {  	_ =	shalt  }
0x58: {  	_ =	shalt  }
0x59: {  	_ =	shalt  }
0x5a: {  	_ =	shalt  }
0x5b: {  	_ =	shalt  }
0x5c: {  	_ =	shalt  }
0x5d: {  	_ =	shalt  }
0x5e: {  	_ =	shalt  }
0x5f: {  	_ =	shalt  }
0x60: {  	_ =	shalt  }
0x61: {  	_ =	shalt  }
0x62: {  	_ =	shalt  }
0x63: {  	_ =	shalt  }
0x64: {  	_ =	shalt  }
0x65: {  	_ =	shalt  }
0x66: {  	_ =	shalt  }
0x67: {  	_ =	shalt  }
0x68: {  	_ =	shalt  }
0x69: {  	_ =	shalt  }
0x6a: {  	_ =	shalt  }
0x6b: {  	_ =	shalt  }
0x6c: {  	_ =	shalt  }
0x6d: {  	_ =	shalt  }
0x6e: {  	_ =	shalt  }
0x6f: {  	_ =	shalt  }
0x70: {  	_ =	shalt  }
0x71: {  	_ =	shalt  }
0x72: {  	_ =	shalt  }
0x73: {  	_ =	shalt  }
0x74: {  	_ =	shalt  }
0x75: {  	_ =	shalt  }
0x76: {  	_ =	shalt  }
0x77: {  	_ =	shalt  }
0x78: {  	_ =	shalt  }
0x79: {  	_ =	shalt  }
0x7a: {  	_ =	shalt  }
0x7b: {  	_ =	shalt  }
0x7c: {  	_ =	shalt  }
0x7d: {  	_ =	shalt  }
0x7e: {  	_ =	shalt  }
0x7f: {  	_ =	shalt  }
0x80: {  	_ =	shalt  }
0x81: {  	_ =	shalt  }
0x82: {  	_ =	shalt  }
0x83: {  	_ =	shalt  }
0x84: {  	_ =	shalt  }
0x85: {  	_ =	shalt  }
0x86: {  	_ =	shalt  }
0x87: {  	_ =	shalt  }
.Lfunc_end0:
.L_simem_size_0:
called_computation.2_lowered:
.L_overlay_start_0:
0x88: {  	s2 =	sld [smem:$0x3FD9]  }
0x89: {  	s3 =	sld [smem:$0x3FFE];
	_ =	sdelay $0x1  }
0x8a: {  	s1 =	srdreg.scid  }
0x8b: {  	s0 =	sand.u32 $0x1, s1  }
0x8c: {  	s16 =	sshll.u32 s0, $0xA;
	s2 =	sadd.s32 s3, s2  }
0x8d: {  	s2 =	sadd.s32 s2, s16  }
0x8e: {  	[smem:$0x3FBB] =	sst s2  }
0x8f: {  	_ = 	snop  }
0x90: {  	(tm) =	ssettm $0x1  }
0x91: {  	s17 =	sld [smem:$0x3FFB];
	_ =	sdelay $0x3  }
0x92: {  	_ =	strace s17  }
0x93: {  	s2 =	sld [smem:$0x3FFC];
	_ =	sdelay $0x3  }
0x94: {  	_ =	strace s2  }
0x95: {  	s2 =	sld [smem:$0x3FFD];
	_ =	sdelay $0x3  }
0x96: {  	_ =	strace s2  }
0x97: {  	_ =	strace $0x8FFFFFFF  }
0x98: {  	s18 =	sld [smem:$0x3FDB];
	_ =	sdelay $0x1  }
0x99: {  	s19 =	simm.s32 $_scs_section_size  }
0x9a: {  	s4 =	simm.s32 $_size__tile_overlayer_lowered;
	s5 =	simm.s32 $_tile_overlayer_lowered  }
0x9b: {  	s22 =	simm.s32 $0x1BFF;
	s21 =	sshll.u32 s5, $0x1;
	s2 =	sadd.s32 s19, s18  }
0x9c: {  	s6 =	simm.s32 $0x0;
	s20 =	sshll.u32 s4, $0x1;
	s4 =	sadd.s32 s21, s2  }
0x9d: {  	[timem:s6], [sflag:s22] =	dma.local [hbm:s4], s20  }
0x9e: {  	_ =	swait.ge [sflag:s22], s20  }
0x9f: {  	s3 =	ssub.s32 $0x0, s20;
	[sflag:s22] =	ssyncset.done $0x0  }
0xa0: {  	[sflag:s22] =	ssyncadd.s32 s3;
	_ =	sdelay $0x1  }
0xa1: {  	s23 =	simm.s32 $0x1B8B  }
0xa2: {  	_ =	swait.ge [sflag:s23], $0x1  }
0xa3: {  	[sflag:s23] =	ssyncset.done $0x0  }
0xa4: {  	s25 =	simm.s32 $0x1B8E;
	s24 =	sld [smem:$0x3FFE];
	[sflag:s23] =	ssyncadd.s32 $0xFFFFFFFF  }
0xa5: {  	s26 =	simm.s32 $execute0_lowered;
	[smem:$0x3FD2] =	sst s25  }
0xa6: {  	s4 =	sshll.u32 s26, $0x1;
	_ =	strace $0x8000004C;
	[dreg:$0x1] =	wrdreg $0xFFFFFFFF  }
0xa7: {  	s28 =	simm.s32 $_size_execute0_lowered;
	s2 =	sadd.s32 s2, s4;
	[dreg:$0x0] =	wrdreg $0x0  }
0xa8: {  	s4 =	sshll.u32 s28, $0x1;
	[dreg:$0x2] =	wrdreg s2  }
0xa9: {  	[dreg:$0x3] =	wrdreg s4  }
0xaa: {  	[dreg:$0x4] =	wrdreg $0xC0  }
0xab: {  	_ =	task [dreg:s6], $0x5FFFF  }
0xac: {  	[dreg:$0x1] =	wrdreg $0xFFFFFFFF  }
0xad: {  	[dreg:$0x0] =	wrdreg $0x60  }
0xae: {  	[dreg:$0x2] =	wrdreg s24  }
0xaf: {  	[dreg:$0x3] =	wrdreg $0x8E800  }
0xb0: {  	[dreg:$0x4] =	wrdreg $0x9  }
0xb1: {  	_ =	task.clear_ibuf [dreg:s6], $0x5FFFF;
	_ =	strace $0x9000004C  }
0xb2: {  	s29 =	simm.s32 $0x9;
	_ =	strace $0x8000004E  }
0xb3: {  	_ =	swait.ge [sflag:s29], $0x1  }
0xb4: {  	[sflag:s29] =	ssyncadd.s32 $0xFFFFFFFF  }
0xb5: {  	_ =	strace $0x9000004E  }
0xb6: {  	_ =	sfence  }
0xb7: {  	s30 =	sld [smem:$0x0];
	_ =	sdelay $0x2  }
0xb8: {  	s31 =	sshll.u32 s1, $0xD;
	s1 =	sshrl.u32 s1, $0x2  }
0xb9: {  	s3 =	sand.u32 $0x4000, s31;
	s1 =	sadd.s32 s1, s30  }
0xba: {  	s0 =	sor.u32 s3, s0;
	s1 =	sshll.u32 s1, $0x11  }
0xbb: {  	s0 =	sor.u32 s1, s0  }
0xbc: {  	s0 =	sadd.s32 $0x8F2B, s0  }
0xbd: {  	[sflag:s0] =	ssyncadd.remote.s32 $0x1  }
0xbe: {  	_ =	sfence.sel $0xFFFF  }
0xbf: {  	[dreg:$0x0] =	wrdreg $0xFFFFFFFF;
	(pc) =	sbr.abs _section_cstart, $3  }
0xc0: {  	[dreg:$0x1] =	wrdreg $0xFFFFFFFF  }
0xc1: {  	_ =	task.clear_ibuf [dreg:s6], $0x2FFFF;
	_ =	strace $0x9FFFFFFF  }
0xc2: {  	(tm) =	ssettm $0x7FFFFFFF  }
0xc3: {  	_ =	shalt  }
tec
execute0_lowered:
.L_overlay_start_1:
0x0: {  	(tag) =	ssettag $0x1  }
0x1: {  	s0 =	srdreg.scid;
	s5 =	rddreg [dreg:$0x0]  }
0x2: {  	s8 =	stileid.u32;
	s2 =	rddreg [dreg:$0x1]  }
0x3: {  	s3 =	simm.s32 $0x0;
	s17 =	simm.s32 $0x5000;
	s18 =	simm.s32 $0x5  }
0x4: {  	s28 =	simm.s32 $0x6F40;
	s29 =	simm.s32 $0x7710;
	s30 =	simm.s32 $0x7EE0  }
0x5: {  	s31 =	simm.s32 $0x86B0;
	s0 =	sand.u32 $0x1, s0;
	s6 =	smul.u32 $0x5000, s8  }
0x6: {  	s1 =	sshll.u32 s8, $0x1;
	[smem:$0x7FF] =	sst s3;
	s8 =	smul.u32 $0xA000, s8  }
0x7: {  	s4 =	sadd.s32 $0x17000, s5;
	s1 =	sor.u32 s0, s1;
	s7 =	smul.u32 $0x50000, s0  }
0x8: {  	_ =	strace $0x8000004D;
	s0 =	ssub.s32 $0x2, s0;
	s1 =	smul.u32 $0x2800, s1  }
0x9: {  	s19 =	sshrl.u32 s0, $0x1;
	s8 =	sshrl.u32 s8, $0x2;
	s20 =	sshrl.u32 s6, $0x1  }
0xa: {  	s7 =	sadd.s32 s6, s7;
	s0 =	ssub.s32 s0, s19;
	s21 =	sadd.s32 s8, s2  }
0xb: {  	s19 =	simm.s32 $0x3;
	s1 =	sshrl.u32 s1, $0x3;
	s8 =	sadd.s32 $0x500, s21  }
0xc: {  	s7 =	sshrl.u32 s7, $0x4;
	s22 =	sadd.s32 $0xA00, s21;
	[dreg:$0x3] =	wrdreg s8  }
0xd: {  	s23 =	sadd.s32 $0xF00, s21;
	s24 =	sadd.s32 $0x1400, s21;
	[dreg:$0x4] =	wrdreg s22  }
0xe: {  	s25 =	sadd.s32 $0x1900, s21;
	s26 =	sadd.s32 $0x1E00, s21;
	[dreg:$0x5] =	wrdreg s23  }
0xf: {  	s12 =	sadd.s32 $0x2300, s21;
	s16 =	smax.u32 s0, $0x1;
	[dreg:$0x6] =	wrdreg s24  }
0x10: {  	s21 =	simm.s32 $0x2;
	s1 =	sadd.s32 s1, s5;
	[dreg:$0x7] =	wrdreg s25  }
0x11: {  	s7 =	sadd.s32 s7, s5;
	s5 =	sadd.s32 s20, s2;
	[dreg:$0x8] =	wrdreg s26  }
0x12: {  	s20 =	simm.s32 $0x7D;
	s22 =	simm.s32 $0x57D0;
	s24 =	simm.s32 $0x5FA0  }
0x13: {  	s26 =	simm.s32 $0x6770;
	s23 =	simm.s32 $0x4;
	s13 =	sadd.s32 $0x3000, s1  }
0x14: {  	v0 =	vimm.bf16 $0.0e+00;
	s14 =	sadd.s32 $0xD000, s1;
	s15 =	sadd.s32 $0x1C000, s7;
	s1 =	simm.s32 $0x1  }
.LBB2_1:
0x15: {  	s0 =	simm.s32 $0x40;
	s6 =	simm.s32 $0x0  }
.LBB2_2:
0x16: {  	p0 =	sne.s32 s0, $0x13C0;
	[tilespmem:s6+$0x5000] =	vst v0;
	s6 =	smov.u32 s0;
	s0 =	sadd.s32 $0x40, s0  }
.Ltmp0:
0x17: {  	(pc) =	sbr.rel @p0 .LBB2_2-.Ltmp0, $2  }
0x18: {  	_ =	sdelay $0x2  }
0x19: {  	s6 =	sshra.s32 s6, $0x2  }
0x1a: {  	[tilespmem:s6+$0x5000] =	vst v0  }
0x1b: {  	[spmem:s5] =	stream.linear.scatter [tilespmem:s17], [sflag:$0x5], $0x500, $0x38;
	[tilespmem:$0xB680] =	vst v63  }
0x1c: {  	_ =	swait.ge [sflag:s18], $0x500  }
0x1d: {  	[sflag:s18] =	ssyncset.done $0x0  }
0x1e: {  	s0 =	rddreg [dreg:$0x3];
	[sflag:s18] =	ssyncadd.s32 $0xFFFFFB00  }
0x1f: {  	[spmem:s0] =	stream.linear.scatter [tilespmem:s17], [sflag:$0x5], $0x500, $0x38;
	[tilespmem:$0xB680] =	vst v63  }
0x20: {  	_ =	swait.ge [sflag:s18], $0x500  }
0x21: {  	[sflag:s18] =	ssyncset.done $0x0  }
0x22: {  	s25 =	rddreg [dreg:$0x4];
	[sflag:s18] =	ssyncadd.s32 $0xFFFFFB00  }
0x23: {  	[spmem:s25] =	stream.linear.scatter [tilespmem:s17], [sflag:$0x5], $0x500, $0x38;
	[tilespmem:$0xB680] =	vst v63  }
0x24: {  	_ =	swait.ge [sflag:s18], $0x500  }
0x25: {  	[sflag:s18] =	ssyncset.done $0x0  }
0x26: {  	s6 =	rddreg [dreg:$0x5];
	[sflag:s18] =	ssyncadd.s32 $0xFFFFFB00  }
0x27: {  	[spmem:s6] =	stream.linear.scatter [tilespmem:s17], [sflag:$0x5], $0x500, $0x38;
	[tilespmem:$0xB680] =	vst v63  }
0x28: {  	_ =	swait.ge [sflag:s18], $0x500  }
0x29: {  	[sflag:s18] =	ssyncset.done $0x0  }
0x2a: {  	s7 =	rddreg [dreg:$0x6];
	[sflag:s18] =	ssyncadd.s32 $0xFFFFFB00  }
0x2b: {  	[spmem:s7] =	stream.linear.scatter [tilespmem:s17], [sflag:$0x5], $0x500, $0x38;
	[tilespmem:$0xB680] =	vst v63  }
0x2c: {  	_ =	swait.ge [sflag:s18], $0x500  }
0x2d: {  	[sflag:s18] =	ssyncset.done $0x0  }
0x2e: {  	s8 =	rddreg [dreg:$0x7];
	[sflag:s18] =	ssyncadd.s32 $0xFFFFFB00  }
0x2f: {  	[spmem:s8] =	stream.linear.scatter [tilespmem:s17], [sflag:$0x5], $0x500, $0x38;
	[tilespmem:$0xB680] =	vst v63  }
0x30: {  	_ =	swait.ge [sflag:s18], $0x500  }
0x31: {  	[sflag:s18] =	ssyncset.done $0x0  }
0x32: {  	s9 =	rddreg [dreg:$0x8];
	[sflag:s18] =	ssyncadd.s32 $0xFFFFFB00  }
0x33: {  	[spmem:s9] =	stream.linear.scatter [tilespmem:s17], [sflag:$0x5], $0x500, $0x38;
	[tilespmem:$0xB680] =	vst v63  }
0x34: {  	_ =	swait.ge [sflag:s18], $0x500  }
0x35: {  	[sflag:s18] =	ssyncset.done $0x0  }
0x36: {  	[sflag:s18] =	ssyncadd.s32 $0xFFFFFB00  }
0x37: {  	[spmem:s12] =	stream.linear.scatter [tilespmem:s17], [sflag:$0x5], $0x500, $0x38;
	[tilespmem:$0xB680] =	vst v63  }
0x38: {  	_ =	swait.ge [sflag:s18], $0x500  }
0x39: {  	[sflag:s18] =	ssyncset.done $0x0  }
0x3a: {  	s10 =	simm.s32 $0x0;
	[sflag:s18] =	ssyncadd.s32 $0xFFFFFB00  }
0x3b: {  	[tilespmem:s10], [sflag:$0x5] =	stream.linear.gather [hbm4b:s13+s10], $0x2800, $0x38;
	[tilespmem:$0xB680] =	vst v63  }
0x3c: {  	_ =	swait.ge [sflag:s18], $0x2800  }
0x3d: {  	[sflag:s18] =	ssyncset.done $0x0  }
0x3e: {  	s11 =	simm.s32 $0x2800;
	[sflag:s18] =	ssyncadd.s32 $0xFFFFD800  }
0x3f: {  	[tilespmem:s11], [sflag:$0x5] =	stream.linear.gather [hbm4b:s14+s10], $0x2800, $0x38;
	[tilespmem:$0xB680] =	vst v63  }
0x40: {  	_ =	swait.ge [sflag:s18], $0x2800  }
0x41: {  	[sflag:s18] =	ssyncset.done $0x0  }
0x42: {  	[sflag:s18] =	ssyncadd.s32 $0xFFFFD800  }
0x43: {  	[bflag:$0x0] =	sbarrier.arrive $0xFFFF  }
0x44: {  	[tilespmem:s17], [sflag:$0x1] =	stream.indirect.gather [hbm4b:s4+s20], $0x10, s10, s20, $0xb8;
	[tilespmem:$0xB680] =	vst v63  }
0x45: {  	s25 =	simm.s32 $0x80  }
0x46: {  	[tilespmem:s22], [sflag:$0x1] =	stream.indirect.gather [hbm4b:s4+s20], $0x10, s25, s20, $0xb8;
	[tilespmem:$0xB680] =	vst v63  }
0x47: {  	s6 =	simm.s32 $0x100  }
0x48: {  	[tilespmem:s24], [sflag:$0x1] =	stream.indirect.gather [hbm4b:s4+s20], $0x10, s6, s20, $0xb8;
	[tilespmem:$0xB680] =	vst v63  }
0x49: {  	s7 =	simm.s32 $0x180  }
0x4a: {  	[tilespmem:s26], [sflag:$0x1] =	stream.indirect.gather [hbm4b:s4+s20], $0x10, s7, s20, $0xb8;
	[tilespmem:$0xB680] =	vst v63  }
0x4b: {  	s8 =	simm.s32 $0x200  }
0x4c: {  	[tilespmem:s28], [sflag:$0x2] =	stream.indirect.gather [hbm4b:s4+s20], $0x10, s8, s20, $0xb8;
	[tilespmem:$0xB680] =	vst v63  }
0x4d: {  	s9 =	simm.s32 $0x280  }
0x4e: {  	[tilespmem:s29], [sflag:$0x2] =	stream.indirect.gather [hbm4b:s4+s20], $0x10, s9, s20, $0xb8;
	[tilespmem:$0xB680] =	vst v63  }
0x4f: {  	s10 =	simm.s32 $0x300  }
0x50: {  	[tilespmem:s30], [sflag:$0x2] =	stream.indirect.gather [hbm4b:s4+s20], $0x10, s10, s20, $0xb8;
	[tilespmem:$0xB680] =	vst v63  }
0x51: {  	s11 =	simm.s32 $0x380  }
0x52: {  	[tilespmem:s31], [sflag:$0x2] =	stream.indirect.gather [hbm4b:s4+s20], $0x10, s11, s20, $0xb8;
	[tilespmem:$0xB680] =	vst v63  }
0x53: {  	_ =	swait.ge [sflag:s1], $0x7D0  }
0x54: {  	[sflag:s1] =	ssyncset.done $0x0  }
0x55: {  	[sflag:s1] =	ssyncadd.s32 $0xFFFFF830  }
0x56: {  	_ =	swait.ge [sflag:s1], $0x7D0  }
0x57: {  	[sflag:s1] =	ssyncset.done $0x0  }
0x58: {  	[sflag:s1] =	ssyncadd.s32 $0xFFFFF830  }
0x59: {  	_ =	swait.ge [sflag:s1], $0x7D0  }
0x5a: {  	[sflag:s1] =	ssyncset.done $0x0  }
0x5b: {  	[sflag:s1] =	ssyncadd.s32 $0xFFFFF830  }
0x5c: {  	_ =	swait.ge [sflag:s1], $0x7D0  }
0x5d: {  	[sflag:s1] =	ssyncset.done $0x0  }
0x5e: {  	s25 =	simm.s32 $0x2800;
	[sflag:s1] =	ssyncadd.s32 $0xFFFFF830  }
0x5f: {  	[spmem:s2] =	stream.indirect.scatter.add.bf16 [tilespmem:s17], [sflag:$0x3], $0x10, s25, s20, $0xb8;
	[tilespmem:$0xB680] =	vst v63  }
0x60: {  	s6 =	simm.s32 $0x2880  }
0x61: {  	[spmem:s2] =	stream.indirect.scatter.add.bf16 [tilespmem:s22], [sflag:$0x3], $0x10, s6, s20, $0xb8;
	[tilespmem:$0xB680] =	vst v63  }
0x62: {  	s7 =	simm.s32 $0x2900  }
0x63: {  	[spmem:s2] =	stream.indirect.scatter.add.bf16 [tilespmem:s24], [sflag:$0x3], $0x10, s7, s20, $0xb8;
	[tilespmem:$0xB680] =	vst v63  }
0x64: {  	s8 =	simm.s32 $0x2980  }
0x65: {  	[spmem:s2] =	stream.indirect.scatter.add.bf16 [tilespmem:s26], [sflag:$0x3], $0x10, s8, s20, $0xb8;
	[tilespmem:$0xB680] =	vst v63  }
0x66: {  	_ =	swait.ge [sflag:s19], $0x7D0  }
0x67: {  	[sflag:s19] =	ssyncset.done $0x0  }
0x68: {  	[sflag:s19] =	ssyncadd.s32 $0xFFFFF830  }
0x69: {  	_ =	swait.ge [sflag:s19], $0x7D0  }
0x6a: {  	[sflag:s19] =	ssyncset.done $0x0  }
0x6b: {  	[sflag:s19] =	ssyncadd.s32 $0xFFFFF830  }
0x6c: {  	_ =	swait.ge [sflag:s19], $0x7D0  }
0x6d: {  	[sflag:s19] =	ssyncset.done $0x0  }
0x6e: {  	[sflag:s19] =	ssyncadd.s32 $0xFFFFF830  }
0x6f: {  	p0 =	por $0x0, $0x0;
	_ =	swait.ge [sflag:s19], $0x7D0  }
0x70: {  	s0 =	simm.s32 @!p0 $0x5000;
	[sflag:s19] =	ssyncset.done $0x0  }
0x71: {  	s6 =	simm.s32 @!p0 $0x400;
	s7 =	simm.s32 @!p0 $0x7D;
	[sflag:s19] =	ssyncadd.s32 $0xFFFFF830  }
0x72: {  	[tilespmem:s0], [sflag:$0x1] =	stream.indirect.gather @!p0 [hbm4b:s4+s7], $0x10, s6, s7, $0xb8;
	[tilespmem:$0xB680] =	vst v63  }
0x73: {  	s0 =	simm.s32 @!p0 $0x480;
	s6 =	simm.s32 @!p0 $0x57D0  }
0x74: {  	[tilespmem:s6], [sflag:$0x1] =	stream.indirect.gather @!p0 [hbm4b:s4+s7], $0x10, s0, s7, $0xb8;
	[tilespmem:$0xB680] =	vst v63  }
0x75: {  	s0 =	simm.s32 @!p0 $0x500;
	s6 =	simm.s32 @!p0 $0x5FA0  }
0x76: {  	[tilespmem:s6], [sflag:$0x1] =	stream.indirect.gather @!p0 [hbm4b:s4+s7], $0x10, s0, s7, $0xb8;
	[tilespmem:$0xB680] =	vst v63  }
0x77: {  	s0 =	simm.s32 @!p0 $0x580;
	s6 =	simm.s32 @!p0 $0x6770  }
0x78: {  	[tilespmem:s6], [sflag:$0x1] =	stream.indirect.gather @!p0 [hbm4b:s4+s7], $0x10, s0, s7, $0xb8;
	[tilespmem:$0xB680] =	vst v63  }
0x79: {  	_ =	swait.ge [sflag:s21], $0x7D0  }
0x7a: {  	[sflag:s21] =	ssyncset.done $0x0  }
0x7b: {  	[sflag:s21] =	ssyncadd.s32 $0xFFFFF830  }
0x7c: {  	_ =	swait.ge [sflag:s21], $0x7D0  }
0x7d: {  	[sflag:s21] =	ssyncset.done $0x0  }
0x7e: {  	[sflag:s21] =	ssyncadd.s32 $0xFFFFF830  }
0x7f: {  	_ =	swait.ge [sflag:s21], $0x7D0  }
0x80: {  	[sflag:s21] =	ssyncset.done $0x0  }
0x81: {  	[sflag:s21] =	ssyncadd.s32 $0xFFFFF830  }
0x82: {  	_ =	swait.ge [sflag:s21], $0x7D0  }
0x83: {  	[sflag:s21] =	ssyncset.done $0x0  }
0x84: {  	s9 =	simm.s32 $0x2A00;
	[sflag:s21] =	ssyncadd.s32 $0xFFFFF830  }
0x85: {  	[spmem:s2] =	stream.indirect.scatter.add.bf16 [tilespmem:s28], [sflag:$0x4], $0x10, s9, s20, $0xb8;
	[tilespmem:$0xB680] =	vst v63  }
0x86: {  	s10 =	simm.s32 $0x2A80  }
0x87: {  	[spmem:s2] =	stream.indirect.scatter.add.bf16 [tilespmem:s29], [sflag:$0x4], $0x10, s10, s20, $0xb8;
	[tilespmem:$0xB680] =	vst v63  }
0x88: {  	s11 =	simm.s32 $0x2B00  }
0x89: {  	[spmem:s2] =	stream.indirect.scatter.add.bf16 [tilespmem:s30], [sflag:$0x4], $0x10, s11, s20, $0xb8;
	[tilespmem:$0xB680] =	vst v63  }
0x8a: {  	s25 =	simm.s32 $0x2B80  }
0x8b: {  	[spmem:s2] =	stream.indirect.scatter.add.bf16 [tilespmem:s31], [sflag:$0x4], $0x10, s25, s20, $0xb8;
	[tilespmem:$0xB680] =	vst v63  }
0x8c: {  	_ =	swait.ge [sflag:s23], $0x7D0  }
0x8d: {  	[sflag:s23] =	ssyncset.done $0x0  }
0x8e: {  	[sflag:s23] =	ssyncadd.s32 $0xFFFFF830  }
0x8f: {  	_ =	swait.ge [sflag:s23], $0x7D0  }
0x90: {  	[sflag:s23] =	ssyncset.done $0x0  }
0x91: {  	[sflag:s23] =	ssyncadd.s32 $0xFFFFF830  }
0x92: {  	_ =	swait.ge [sflag:s23], $0x7D0  }
0x93: {  	[sflag:s23] =	ssyncset.done $0x0  }
0x94: {  	[sflag:s23] =	ssyncadd.s32 $0xFFFFF830  }
0x95: {  	s0 =	simm.s32 $0x1000;
	_ =	swait.ge [sflag:s23], $0x7D0  }
0x96: {  	s6 =	simm.s32 $0x2000;
	s25 =	simm.s32 $0x400;
	[sflag:s23] =	ssyncset.done $0x0  }
.LBB2_4:
0x97: {  	s8 =	sadd.s32 $0x200, s25  }
0x98: {  	[sflag:s23] =	ssyncadd.s32 $0xFFFFF830;
	s7 =	smov.u32 s6;
	s6 =	sadd.s32 $0x1000, s6  }
0x99: {  	[tilespmem:s28], [sflag:$0x2] =	stream.indirect.gather [hbm4b:s4+s20], $0x10, s8, s20, $0xb8;
	[tilespmem:$0xB680] =	vst v63  }
0x9a: {  	p0 =	sne.s32 s6, $0xA000;
	s8 =	sadd.s32 $0x280, s25  }
0x9b: {  	[tilespmem:s29], [sflag:$0x2] =	stream.indirect.gather [hbm4b:s4+s20], $0x10, s8, s20, $0xb8;
	[tilespmem:$0xB680] =	vst v63  }
0x9c: {  	s8 =	sadd.s32 $0x300, s25  }
0x9d: {  	[tilespmem:s30], [sflag:$0x2] =	stream.indirect.gather [hbm4b:s4+s20], $0x10, s8, s20, $0xb8;
	[tilespmem:$0xB680] =	vst v63  }
0x9e: {  	s8 =	sadd.s32 $0x380, s25  }
0x9f: {  	[tilespmem:s31], [sflag:$0x2] =	stream.indirect.gather [hbm4b:s4+s20], $0x10, s8, s20, $0xb8;
	[tilespmem:$0xB680] =	vst v63  }
0xa0: {  	_ =	swait.ge [sflag:s1], $0x7D0  }
0xa1: {  	[sflag:s1] =	ssyncset.done $0x0  }
0xa2: {  	[sflag:s1] =	ssyncadd.s32 $0xFFFFF830  }
0xa3: {  	_ =	swait.ge [sflag:s1], $0x7D0  }
0xa4: {  	[sflag:s1] =	ssyncset.done $0x0  }
0xa5: {  	[sflag:s1] =	ssyncadd.s32 $0xFFFFF830  }
0xa6: {  	_ =	swait.ge [sflag:s1], $0x7D0  }
0xa7: {  	[sflag:s1] =	ssyncset.done $0x0  }
0xa8: {  	[sflag:s1] =	ssyncadd.s32 $0xFFFFF830  }
0xa9: {  	_ =	swait.ge [sflag:s1], $0x7D0  }
0xaa: {  	[sflag:s1] =	ssyncset.done $0x0  }
0xab: {  	s8 =	sadd.s32 $0x2800, s25;
	[sflag:s1] =	ssyncadd.s32 $0xFFFFF830  }
0xac: {  	[spmem:s2] =	stream.indirect.scatter.add.bf16 [tilespmem:s17], [sflag:$0x3], $0x10, s8, s20, $0xb8;
	[tilespmem:$0xB680] =	vst v63  }
0xad: {  	s8 =	sadd.s32 $0x2880, s25  }
0xae: {  	[spmem:s2] =	stream.indirect.scatter.add.bf16 [tilespmem:s22], [sflag:$0x3], $0x10, s8, s20, $0xb8;
	[tilespmem:$0xB680] =	vst v63  }
0xaf: {  	s8 =	sadd.s32 $0x2900, s25  }
0xb0: {  	[spmem:s2] =	stream.indirect.scatter.add.bf16 [tilespmem:s24], [sflag:$0x3], $0x10, s8, s20, $0xb8;
	[tilespmem:$0xB680] =	vst v63  }
0xb1: {  	s8 =	sadd.s32 $0x2980, s25  }
0xb2: {  	[spmem:s2] =	stream.indirect.scatter.add.bf16 [tilespmem:s26], [sflag:$0x3], $0x10, s8, s20, $0xb8;
	[tilespmem:$0xB680] =	vst v63  }
0xb3: {  	_ =	swait.ge [sflag:s19], $0x7D0  }
0xb4: {  	[sflag:s19] =	ssyncset.done $0x0  }
0xb5: {  	[sflag:s19] =	ssyncadd.s32 $0xFFFFF830  }
0xb6: {  	_ =	swait.ge [sflag:s19], $0x7D0  }
0xb7: {  	[sflag:s19] =	ssyncset.done $0x0  }
0xb8: {  	[sflag:s19] =	ssyncadd.s32 $0xFFFFF830  }
0xb9: {  	_ =	swait.ge [sflag:s19], $0x7D0  }
0xba: {  	[sflag:s19] =	ssyncset.done $0x0  }
0xbb: {  	[sflag:s19] =	ssyncadd.s32 $0xFFFFF830  }
0xbc: {  	p1 =	seq.s32 s0, $0x9000;
	_ =	swait.ge [sflag:s19], $0x7D0  }
0xbd: {  	s0 =	sshra.s32 @!p1 s0, $0x2;
	s8 =	simm.s32 @!p1 $0x5000;
	[sflag:s19] =	ssyncset.done $0x0  }
0xbe: {  	s10 =	simm.s32 @!p1 $0x7D;
	s9 =	sadd.s32 @!p1 $0x400, s0;
	[sflag:s19] =	ssyncadd.s32 $0xFFFFF830  }
0xbf: {  	[tilespmem:s8], [sflag:$0x1] =	stream.indirect.gather @!p1 [hbm4b:s4+s10], $0x10, s9, s10, $0xb8;
	[tilespmem:$0xB680] =	vst v63  }
0xc0: {  	s11 =	sadd.s32 @!p1 $0x500, s0;
	s8 =	sadd.s32 @!p1 $0x480, s0;
	s9 =	simm.s32 @!p1 $0x57D0  }
0xc1: {  	[tilespmem:s9], [sflag:$0x1] =	stream.indirect.gather @!p1 [hbm4b:s4+s10], $0x10, s8, s10, $0xb8;
	[tilespmem:$0xB680] =	vst v63  }
0xc2: {  	s8 =	simm.s32 @!p1 $0x5FA0;
	s9 =	sadd.s32 @!p1 $0x580, s0;
	s0 =	smov.u32 s7  }
0xc3: {  	[tilespmem:s8], [sflag:$0x1] =	stream.indirect.gather @!p1 [hbm4b:s4+s10], $0x10, s11, s10, $0xb8;
	[tilespmem:$0xB680] =	vst v63  }
0xc4: {  	s7 =	simm.s32 @!p1 $0x6770  }
0xc5: {  	[tilespmem:s7], [sflag:$0x1] =	stream.indirect.gather @!p1 [hbm4b:s4+s10], $0x10, s9, s10, $0xb8;
	[tilespmem:$0xB680] =	vst v63  }
0xc6: {  	_ =	swait.ge [sflag:s21], $0x7D0  }
0xc7: {  	[sflag:s21] =	ssyncset.done $0x0  }
0xc8: {  	[sflag:s21] =	ssyncadd.s32 $0xFFFFF830  }
0xc9: {  	_ =	swait.ge [sflag:s21], $0x7D0  }
0xca: {  	[sflag:s21] =	ssyncset.done $0x0  }
0xcb: {  	[sflag:s21] =	ssyncadd.s32 $0xFFFFF830  }
0xcc: {  	_ =	swait.ge [sflag:s21], $0x7D0  }
0xcd: {  	[sflag:s21] =	ssyncset.done $0x0  }
0xce: {  	[sflag:s21] =	ssyncadd.s32 $0xFFFFF830  }
0xcf: {  	_ =	swait.ge [sflag:s21], $0x7D0  }
0xd0: {  	[sflag:s21] =	ssyncset.done $0x0  }
0xd1: {  	s7 =	sadd.s32 $0x2A00, s25;
	[sflag:s21] =	ssyncadd.s32 $0xFFFFF830  }
0xd2: {  	[spmem:s2] =	stream.indirect.scatter.add.bf16 [tilespmem:s28], [sflag:$0x4], $0x10, s7, s20, $0xb8;
	[tilespmem:$0xB680] =	vst v63  }
0xd3: {  	s7 =	sadd.s32 $0x2A80, s25  }
0xd4: {  	[spmem:s2] =	stream.indirect.scatter.add.bf16 [tilespmem:s29], [sflag:$0x4], $0x10, s7, s20, $0xb8;
	[tilespmem:$0xB680] =	vst v63  }
0xd5: {  	s7 =	sadd.s32 $0x2B00, s25  }
0xd6: {  	[spmem:s2] =	stream.indirect.scatter.add.bf16 [tilespmem:s30], [sflag:$0x4], $0x10, s7, s20, $0xb8;
	[tilespmem:$0xB680] =	vst v63  }
0xd7: {  	s7 =	sadd.s32 $0x2B80, s25  }
0xd8: {  	[spmem:s2] =	stream.indirect.scatter.add.bf16 [tilespmem:s31], [sflag:$0x4], $0x10, s7, s20, $0xb8;
	[tilespmem:$0xB680] =	vst v63  }
0xd9: {  	_ =	swait.ge [sflag:s23], $0x7D0  }
0xda: {  	[sflag:s23] =	ssyncset.done $0x0  }
0xdb: {  	[sflag:s23] =	ssyncadd.s32 $0xFFFFF830  }
0xdc: {  	_ =	swait.ge [sflag:s23], $0x7D0  }
0xdd: {  	[sflag:s23] =	ssyncset.done $0x0  }
0xde: {  	[sflag:s23] =	ssyncadd.s32 $0xFFFFF830  }
.Ltmp1:
0xdf: {  	_ =	swait.ge [sflag:s23], $0x7D0;
	(pc) =	sbr.rel @p0 .LBB2_4-.Ltmp1, $4  }
0xe0: {  	[sflag:s23] =	ssyncset.done $0x0  }
0xe1: {  	[sflag:s23] =	ssyncadd.s32 $0xFFFFF830  }
0xe2: {  	_ =	swait.ge [sflag:s23], $0x7D0  }
0xe3: {  	s25 =	sshra.s32 s0, $0x2;
	[sflag:s23] =	ssyncset.done $0x0  }
0xe4: {  	s6 =	sadd.s32 $0x200, s25;
	[sflag:s23] =	ssyncadd.s32 $0xFFFFF830  }
0xe5: {  	[tilespmem:s28], [sflag:$0x2] =	stream.indirect.gather [hbm4b:s4+s20], $0x10, s6, s20, $0xb8;
	[tilespmem:$0xB680] =	vst v63  }
0xe6: {  	s10 =	sadd.s32 $0x280, s25  }
0xe7: {  	[tilespmem:s29], [sflag:$0x2] =	stream.indirect.gather [hbm4b:s4+s20], $0x10, s10, s20, $0xb8;
	[tilespmem:$0xB680] =	vst v63  }
0xe8: {  	s11 =	sadd.s32 $0x300, s25  }
0xe9: {  	[tilespmem:s30], [sflag:$0x2] =	stream.indirect.gather [hbm4b:s4+s20], $0x10, s11, s20, $0xb8;
	[tilespmem:$0xB680] =	vst v63  }
0xea: {  	s7 =	sadd.s32 $0x380, s25  }
0xeb: {  	[tilespmem:s31], [sflag:$0x2] =	stream.indirect.gather [hbm4b:s4+s20], $0x10, s7, s20, $0xb8;
	[tilespmem:$0xB680] =	vst v63  }
0xec: {  	_ =	swait.ge [sflag:s1], $0x7D0  }
0xed: {  	[sflag:s1] =	ssyncset.done $0x0  }
0xee: {  	[sflag:s1] =	ssyncadd.s32 $0xFFFFF830  }
0xef: {  	_ =	swait.ge [sflag:s1], $0x7D0  }
0xf0: {  	[sflag:s1] =	ssyncset.done $0x0  }
0xf1: {  	[sflag:s1] =	ssyncadd.s32 $0xFFFFF830  }
0xf2: {  	_ =	swait.ge [sflag:s1], $0x7D0  }
0xf3: {  	[sflag:s1] =	ssyncset.done $0x0  }
0xf4: {  	[sflag:s1] =	ssyncadd.s32 $0xFFFFF830  }
0xf5: {  	_ =	swait.ge [sflag:s1], $0x7D0  }
0xf6: {  	[sflag:s1] =	ssyncset.done $0x0  }
0xf7: {  	s8 =	sadd.s32 $0x2800, s25;
	[sflag:s1] =	ssyncadd.s32 $0xFFFFF830  }
0xf8: {  	[spmem:s2] =	stream.indirect.scatter.add.bf16 [tilespmem:s17], [sflag:$0x3], $0x10, s8, s20, $0xb8;
	[tilespmem:$0xB680] =	vst v63  }
0xf9: {  	s9 =	sadd.s32 $0x2880, s25  }
0xfa: {  	[spmem:s2] =	stream.indirect.scatter.add.bf16 [tilespmem:s22], [sflag:$0x3], $0x10, s9, s20, $0xb8;
	[tilespmem:$0xB680] =	vst v63  }
0xfb: {  	s10 =	sadd.s32 $0x2900, s25  }
0xfc: {  	[spmem:s2] =	stream.indirect.scatter.add.bf16 [tilespmem:s24], [sflag:$0x3], $0x10, s10, s20, $0xb8;
	[tilespmem:$0xB680] =	vst v63  }
0xfd: {  	s11 =	sadd.s32 $0x2980, s25  }
0xfe: {  	[spmem:s2] =	stream.indirect.scatter.add.bf16 [tilespmem:s26], [sflag:$0x3], $0x10, s11, s20, $0xb8;
	[tilespmem:$0xB680] =	vst v63  }
0xff: {  	_ =	swait.ge [sflag:s19], $0x7D0  }
0x100: {  	[sflag:s19] =	ssyncset.done $0x0  }
0x101: {  	[sflag:s19] =	ssyncadd.s32 $0xFFFFF830  }
0x102: {  	_ =	swait.ge [sflag:s19], $0x7D0  }
0x103: {  	[sflag:s19] =	ssyncset.done $0x0  }
0x104: {  	[sflag:s19] =	ssyncadd.s32 $0xFFFFF830  }
0x105: {  	_ =	swait.ge [sflag:s19], $0x7D0  }
0x106: {  	[sflag:s19] =	ssyncset.done $0x0  }
0x107: {  	[sflag:s19] =	ssyncadd.s32 $0xFFFFF830  }
0x108: {  	p0 =	seq.s32 s0, $0x9000;
	_ =	swait.ge [sflag:s19], $0x7D0  }
0x109: {  	s0 =	sshra.s32 @!p0 s0, $0x2;
	s6 =	simm.s32 @!p0 $0x5000;
	[sflag:s19] =	ssyncset.done $0x0  }
0x10a: {  	s7 =	sadd.s32 @!p0 $0x400, s0;
	s8 =	simm.s32 @!p0 $0x7D;
	[sflag:s19] =	ssyncadd.s32 $0xFFFFF830  }
0x10b: {  	[tilespmem:s6], [sflag:$0x1] =	stream.indirect.gather @!p0 [hbm4b:s4+s8], $0x10, s7, s8, $0xb8;
	[tilespmem:$0xB680] =	vst v63  }
0x10c: {  	s6 =	sadd.s32 @!p0 $0x480, s0;
	s7 =	simm.s32 @!p0 $0x57D0  }
0x10d: {  	[tilespmem:s7], [sflag:$0x1] =	stream.indirect.gather @!p0 [hbm4b:s4+s8], $0x10, s6, s8, $0xb8;
	[tilespmem:$0xB680] =	vst v63  }
0x10e: {  	s6 =	sadd.s32 @!p0 $0x500, s0;
	s7 =	simm.s32 @!p0 $0x5FA0  }
0x10f: {  	[tilespmem:s7], [sflag:$0x1] =	stream.indirect.gather @!p0 [hbm4b:s4+s8], $0x10, s6, s8, $0xb8;
	[tilespmem:$0xB680] =	vst v63  }
0x110: {  	s0 =	sadd.s32 @!p0 $0x580, s0;
	s6 =	simm.s32 @!p0 $0x6770  }
0x111: {  	[tilespmem:s6], [sflag:$0x1] =	stream.indirect.gather @!p0 [hbm4b:s4+s8], $0x10, s0, s8, $0xb8;
	[tilespmem:$0xB680] =	vst v63  }
0x112: {  	_ =	swait.ge [sflag:s21], $0x7D0  }
0x113: {  	[sflag:s21] =	ssyncset.done $0x0  }
0x114: {  	[sflag:s21] =	ssyncadd.s32 $0xFFFFF830  }
0x115: {  	_ =	swait.ge [sflag:s21], $0x7D0  }
0x116: {  	[sflag:s21] =	ssyncset.done $0x0  }
0x117: {  	[sflag:s21] =	ssyncadd.s32 $0xFFFFF830  }
0x118: {  	_ =	swait.ge [sflag:s21], $0x7D0  }
0x119: {  	[sflag:s21] =	ssyncset.done $0x0  }
0x11a: {  	[sflag:s21] =	ssyncadd.s32 $0xFFFFF830  }
0x11b: {  	_ =	swait.ge [sflag:s21], $0x7D0  }
0x11c: {  	[sflag:s21] =	ssyncset.done $0x0  }
0x11d: {  	s7 =	sadd.s32 $0x2A00, s25;
	[sflag:s21] =	ssyncadd.s32 $0xFFFFF830  }
0x11e: {  	[spmem:s2] =	stream.indirect.scatter.add.bf16 [tilespmem:s28], [sflag:$0x4], $0x10, s7, s20, $0xb8;
	[tilespmem:$0xB680] =	vst v63  }
0x11f: {  	s8 =	sadd.s32 $0x2A80, s25  }
0x120: {  	[spmem:s2] =	stream.indirect.scatter.add.bf16 [tilespmem:s29], [sflag:$0x4], $0x10, s8, s20, $0xb8;
	[tilespmem:$0xB680] =	vst v63  }
0x121: {  	s9 =	sadd.s32 $0x2B00, s25  }
0x122: {  	[spmem:s2] =	stream.indirect.scatter.add.bf16 [tilespmem:s30], [sflag:$0x4], $0x10, s9, s20, $0xb8;
	[tilespmem:$0xB680] =	vst v63  }
0x123: {  	s10 =	sadd.s32 $0x2B80, s25  }
0x124: {  	[spmem:s2] =	stream.indirect.scatter.add.bf16 [tilespmem:s31], [sflag:$0x4], $0x10, s10, s20, $0xb8;
	[tilespmem:$0xB680] =	vst v63  }
0x125: {  	_ =	swait.ge [sflag:s23], $0x7D0  }
0x126: {  	[sflag:s23] =	ssyncset.done $0x0  }
0x127: {  	[sflag:s23] =	ssyncadd.s32 $0xFFFFF830  }
0x128: {  	_ =	swait.ge [sflag:s23], $0x7D0  }
0x129: {  	[sflag:s23] =	ssyncset.done $0x0  }
0x12a: {  	[sflag:s23] =	ssyncadd.s32 $0xFFFFF830  }
0x12b: {  	_ =	swait.ge [sflag:s23], $0x7D0  }
0x12c: {  	[sflag:s23] =	ssyncset.done $0x0  }
0x12d: {  	[sflag:s23] =	ssyncadd.s32 $0xFFFFF830  }
0x12e: {  	s11 =	stileid.u32;
	_ =	swait.ge [sflag:s23], $0x7D0  }
0x12f: {  	s3 =	sadd.s32 $0x1, s3;
	s0 =	sshll.u32 s11, $0x6;
	[sflag:s23] =	ssyncset.done $0x0  }
0x130: {  	s25 =	sshrl.u32 s5, $0x3;
	p0 =	sne.s32 s3, s16;
	[sflag:s23] =	ssyncadd.s32 $0xFFFFF830  }
.Ltmp2:
0x131: {  	s0 =	sor.u32 $0x1C05, s0;
	[bflag:$0x0] =	sbarrier.arrive $0xFFFF;
	(pc) =	sbr.rel @p0 .LBB2_1-.Ltmp2, $4  }
0x132: {  	[hbm:s15], [sflag:s0] =	dma.local [spmem:s25], $0x500  }
0x133: {  	_ =	swait.ge [sflag:s18], $0x500  }
0x134: {  	[sflag:s18] =	ssyncset.done $0x0  }
0x135: {  	[sflag:s18] =	ssyncadd.s32 $0xFFFFFB00  }
0x136: {  	_ =	sfence.sel $0x180000  }
0x137: {  	[bflag:$0x0] =	sbarrier.arrive $0xFFFF  }
0x138: {  	_ =	strace $0x9000004D  }
0x139: {  	s0 =	stileid.u32;
	[bflag:$0x2] =	sbarrier.arrive $0xFFFF  }
0x13a: {  	p0 =	sne.s32 s0, $0x0;
	s0 =	rddreg [dreg:$0x2]  }
0x13b: {  	s0 =	sadd.s32 @!p0 $0x100000, s0  }
0x13c: {  	[sflag:s0] =	ssyncadd.tile.s32 @!p0 $0x1;
	_ =	shalt  }
.Lfunc_end2:
_tile_overlayer_lowered:
.L_overlay_start_2:
0x13d: {  	(tag) =	ssettag $0x2  }
0x13e: {  	s0 =	rddreg [dreg:$0x0];
	s2 =	stileid.u32  }
0x13f: {  	s1 =	rddreg [dreg:$0x1];
	p0 =	sne.s32 s2, $0x0  }
0x140: {  	s3 =	rddreg [dreg:$0x2];
	[bflag:$0x3] =	sbarrier.arrive $0xFFFF;
	s2 =	simm.s32 @!p0 $0x1C05  }
0x141: {  	[timem:s3], [sflag:s2] =	dma.local @!p0 [hbm:s0], s1  }
0x142: {  	s0 =	simm.s32 @!p0 $0x5  }
0x143: {  	_ =	swait.ge @!p0 [sflag:s0], s1  }
0x144: {  	s1 =	ssub.s32 @!p0 $0x0, s1;
	[sflag:s0] =	ssyncset.done @!p0 $0x0  }
0x145: {  	[sflag:s0] =	ssyncadd.s32 @!p0 s1  }
0x146: {  	[bflag:$0x3] =	sbarrier.arrive $0xFFFF  }
0x147: {  	_ =	shalt  }

// kernel: kernel.9.cloned.1.call-start
scs
__scs_entry_jumppad:
0x0: {  	(pc) =	sbr.rel $0x88, $3  }
0x1: {  	(tag) =	ssettag $0x0;
	lr =	simm.s32 $0x1  }
0x2: {  	[smem:$0x3F94] =	sst lr;
	_ =	strace $0xD0000000  }
0x3: {  	_ = 	snop  }
0x4: {  	_ = 	snop  }
0x5: {  	_ = 	snop  }
0x6: {  	_ = 	snop  }
0x7: {  	_ = 	snop  }
__scs_overlays_trampoline_lowered:
0x8: {  	[smem:$0x3FA3] =	sst s0  }
0x9: {  	[smem:$0x3FA4] =	sst s1  }
0xa: {  	[smem:$0x3FA5] =	sst s2  }
0xb: {  	[smem:$0x3FA6] =	sst s3  }
0xc: {  	[smem:$0x3FA7] =	sst s4  }
0xd: {  	[smem:$0x3FA8] =	sst s5  }
0xe: {  	[smem:$0x3FA9] =	sst s6  }
0xf: {  	[smem:$0x3FAA] =	sst s7  }
0x10: {  	[smem:$0x3FAB] =	sst s8  }
0x11: {  	[smem:$0x3FAC] =	sst s9;
	s0 =	simm.s32 @!p0 $0x0  }
0x12: {  	s1 =	sld [smem:$0x3F92];
	s0 =	simm.s32 @p0 $0x1  }
0x13: {  	[smem:$0x3FAD] =	sst s0;
	s0 =	simm.s32 @!p1 $0x0  }
0x14: {  	s2 =	sld [smem:$0x3F91];
	s0 =	simm.s32 @p1 $0x1  }
0x15: {  	[smem:$0x3FAE] =	sst s0;
	s0 =	simm.s32 @!p2 $0x0  }
0x16: {  	s3 =	sld [smem:$0x3FDB];
	s0 =	simm.s32 @p2 $0x1  }
0x17: {  	s4 =	simm.s32 $0x1BF5;
	[smem:$0x3FB0] =	sst s0  }
0x18: {  	s0 =	sld [smem:$0x3F93];
	_ =	swait.ge [sflag:s4], $0x0  }
0x19: {  	s7 =	sld [smem:$0x3F94]  }
0x1a: {  	s8 =	sadd.s32 $0xFFFFE003, lr  }
0x1b: {  	s9 =	sadd.s32 $0xFFFFFEF7, lr;
	s5 =	simm.s32 $0xFFFFFFFF;
	p2 =	slt.u32 s8, $0xFFFFF086  }
0x1c: {  	p1 =	slt.u32 s9, $0xF7A;
	s5 =	simm.s32 @!p2 $0x0  }
0x1d: {  	s5 =	simm.s32 @p1 $0x1;
	p0 =	seq.s32 s7, s2  }
0x1e: {  	s7 =	smul.u32 @!p0 $0xF7A, s2;
	p2 =	seq.s32 @!p0 s5, $0x0  }
0x1f: {  	s9 =	smul.u32 $0xF7A, s1;
	s8 =	simm.s32 @!p0 $0x1BF5;
	p2 =	por !p2, p0  }
0x20: {  	[sflag:s8] =	ssyncset.s32 @!p0 $0xFFFFF086;
	s6 =	sadd.s32 @!p0 s3, s7;
	s7 =	simm.s32 @!p0 $0x108  }
0x21: {  	s3 =	sadd.s32 s3, s9;
	s6 =	sadd.s32 @!p0 $0x88, s6;
	s7 =	simm.s32 @p2 $0x1082  }
0x22: {  	[simem:s7], [sflag:s8] =	dma.local @!p0 [hbm:s6], $0xF7A  }
0x23: {  	s9 =	sor.u32 $0xD0000000, s2;
	s6 =	simm.s32 $0x108;
	_ =	swait.ge @!p0 [sflag:s8], $0x0  }
0x24: {  	s3 =	sadd.s32 $0x88, s3;
	s6 =	simm.s32 @!p1 $0x1082;
	[sflag:s4] =	ssyncset.s32 $0xFFFFF086  }
0x25: {  	[simem:s6], [sflag:s4] =	dma.local [hbm:s3], $0xF7A  }
0x26: {  	[smem:$0x3F94] =	sst s1;
	(tag) =	ssettag s2;
	_ =	strace s9  }
0x27: {  	s1 =	sld [smem:$0x3FA4]  }
0x28: {  	s2 =	sld [smem:$0x3FA5]  }
0x29: {  	s4 =	sld [smem:$0x3FA7]  }
0x2a: {  	p0 =	seq.s32 s5, $0x0;
	s5 =	sld [smem:$0x3FA8]  }
0x2b: {  	s6 =	sld [smem:$0x3FA9]  }
0x2c: {  	s7 =	sld [smem:$0x3FAA]  }
0x2d: {  	s3 =	simm.s32 $0x108;
	s8 =	sld [smem:$0x3FAB]  }
0x2e: {  	s3 =	simm.s32 @!p0 $0x1082;
	s9 =	sld [smem:$0x3FAC]  }
0x2f: {  	lr =	sadd.s32 s0, s3;
	s0 =	sld [smem:$0x3FA3]  }
0x30: {  	s3 =	sld [smem:$0x3FA6]  }
0x31: {  	[smem:$0x3FAF] =	sst s10  }
0x32: {  	s10 =	sld [smem:$0x3FAD];
	_ =	sdelay $0x3  }
0x33: {  	p0 =	seq.s32 s10, $0x1;
	s10 =	sld [smem:$0x3FAF];
	_ =	sdelay $0x3  }
0x34: {  	[smem:$0x3FAF] =	sst s10  }
0x35: {  	s10 =	sld [smem:$0x3FAE];
	_ =	sdelay $0x3  }
0x36: {  	p1 =	seq.s32 s10, $0x1;
	s10 =	sld [smem:$0x3FAF];
	_ =	sdelay $0x3  }
0x37: {  	[smem:$0x3FAF] =	sst s10  }
0x38: {  	s10 =	sld [smem:$0x3FB0]  }
0x39: {  	_ = 	snop;
	(pc) =	sbr.ind lr, $3  }
0x3a: {  	_ = 	snop  }
0x3b: {  	_ = 	snop  }
0x3c: {  	p2 =	seq.s32 s10, $0x1;
	s10 =	sld [smem:$0x3FAF]  }
0x3d: {  	_ =	shalt  }
0x3e: {  	_ =	shalt  }
0x3f: {  	_ =	shalt  }
0x40: {  	_ =	shalt  }
0x41: {  	_ =	shalt  }
0x42: {  	_ =	shalt  }
0x43: {  	_ =	shalt  }
0x44: {  	_ =	shalt  }
0x45: {  	_ =	shalt  }
0x46: {  	_ =	shalt  }
0x47: {  	_ =	shalt  }
0x48: {  	_ =	shalt  }
0x49: {  	_ =	shalt  }
0x4a: {  	_ =	shalt  }
0x4b: {  	_ =	shalt  }
0x4c: {  	_ =	shalt  }
0x4d: {  	_ =	shalt  }
0x4e: {  	_ =	shalt  }
0x4f: {  	_ =	shalt  }
0x50: {  	_ =	shalt  }
0x51: {  	_ =	shalt  }
0x52: {  	_ =	shalt  }
0x53: {  	_ =	shalt  }
0x54: {  	_ =	shalt  }
0x55: {  	_ =	shalt  }
0x56: {  	_ =	shalt  }
0x57: {  	_ =	shalt  }
0x58: {  	_ =	shalt  }
0x59: {  	_ =	shalt  }
0x5a: {  	_ =	shalt  }
0x5b: {  	_ =	shalt  }
0x5c: {  	_ =	shalt  }
0x5d: {  	_ =	shalt  }
0x5e: {  	_ =	shalt  }
0x5f: {  	_ =	shalt  }
0x60: {  	_ =	shalt  }
0x61: {  	_ =	shalt  }
0x62: {  	_ =	shalt  }
0x63: {  	_ =	shalt  }
0x64: {  	_ =	shalt  }
0x65: {  	_ =	shalt  }
0x66: {  	_ =	shalt  }
0x67: {  	_ =	shalt  }
0x68: {  	_ =	shalt  }
0x69: {  	_ =	shalt  }
0x6a: {  	_ =	shalt  }
0x6b: {  	_ =	shalt  }
0x6c: {  	_ =	shalt  }
0x6d: {  	_ =	shalt  }
0x6e: {  	_ =	shalt  }
0x6f: {  	_ =	shalt  }
0x70: {  	_ =	shalt  }
0x71: {  	_ =	shalt  }
0x72: {  	_ =	shalt  }
0x73: {  	_ =	shalt  }
0x74: {  	_ =	shalt  }
0x75: {  	_ =	shalt  }
0x76: {  	_ =	shalt  }
0x77: {  	_ =	shalt  }
0x78: {  	_ =	shalt  }
0x79: {  	_ =	shalt  }
0x7a: {  	_ =	shalt  }
0x7b: {  	_ =	shalt  }
0x7c: {  	_ =	shalt  }
0x7d: {  	_ =	shalt  }
0x7e: {  	_ =	shalt  }
0x7f: {  	_ =	shalt  }
0x80: {  	_ =	shalt  }
0x81: {  	_ =	shalt  }
0x82: {  	_ =	shalt  }
0x83: {  	_ =	shalt  }
0x84: {  	_ =	shalt  }
0x85: {  	_ =	shalt  }
0x86: {  	_ =	shalt  }
0x87: {  	_ =	shalt  }
.Lfunc_end0:
.L_simem_size_0:
called_computation_lowered:
.L_overlay_start_0:
0x88: {  	s2 =	sld [smem:$0x3FD9]  }
0x89: {  	s3 =	sld [smem:$0x3FFE];
	_ =	sdelay $0x1  }
0x8a: {  	s1 =	srdreg.scid  }
0x8b: {  	s0 =	sand.u32 $0x1, s1  }
0x8c: {  	s16 =	sshll.u32 s0, $0xA;
	s2 =	sadd.s32 s3, s2  }
0x8d: {  	s2 =	sadd.s32 s2, s16  }
0x8e: {  	[smem:$0x3FBB] =	sst s2  }
0x8f: {  	_ = 	snop  }
0x90: {  	(tm) =	ssettm $0x1  }
0x91: {  	s17 =	sld [smem:$0x3FFB];
	_ =	sdelay $0x3  }
0x92: {  	_ =	strace s17  }
0x93: {  	s2 =	sld [smem:$0x3FFC];
	_ =	sdelay $0x3  }
0x94: {  	_ =	strace s2  }
0x95: {  	s2 =	sld [smem:$0x3FFD];
	_ =	sdelay $0x3  }
0x96: {  	_ =	strace s2  }
0x97: {  	_ =	strace $0x8FFFFFFF  }
0x98: {  	s18 =	sld [smem:$0x3FDB];
	_ =	sdelay $0x1  }
0x99: {  	s19 =	simm.s32 $_scs_section_size  }
0x9a: {  	s4 =	simm.s32 $_size__tile_overlayer_lowered;
	s5 =	simm.s32 $_tile_overlayer_lowered  }
0x9b: {  	s22 =	simm.s32 $0x1BFF;
	s21 =	sshll.u32 s5, $0x1;
	s2 =	sadd.s32 s19, s18  }
0x9c: {  	s6 =	simm.s32 $0x0;
	s20 =	sshll.u32 s4, $0x1;
	s4 =	sadd.s32 s21, s2  }
0x9d: {  	[timem:s6], [sflag:s22] =	dma.local [hbm:s4], s20  }
0x9e: {  	_ =	swait.ge [sflag:s22], s20  }
0x9f: {  	s3 =	ssub.s32 $0x0, s20;
	[sflag:s22] =	ssyncset.done $0x0  }
0xa0: {  	[sflag:s22] =	ssyncadd.s32 s3;
	_ =	sdelay $0x1  }
0xa1: {  	s23 =	simm.s32 $0x1B8B  }
0xa2: {  	_ =	swait.ge [sflag:s23], $0x1  }
0xa3: {  	[sflag:s23] =	ssyncset.done $0x0  }
0xa4: {  	s25 =	simm.s32 $0x1B8E;
	s24 =	sld [smem:$0x3FFE];
	[sflag:s23] =	ssyncadd.s32 $0xFFFFFFFF  }
0xa5: {  	s26 =	simm.s32 $execute0_lowered;
	[smem:$0x3FD2] =	sst s25  }
0xa6: {  	s4 =	sshll.u32 s26, $0x1;
	_ =	strace $0x80000046;
	[dreg:$0x1] =	wrdreg $0xFFFFFFFF  }
0xa7: {  	s28 =	simm.s32 $_size_execute0_lowered;
	s2 =	sadd.s32 s2, s4;
	[dreg:$0x0] =	wrdreg $0x0  }
0xa8: {  	s4 =	sshll.u32 s28, $0x1;
	[dreg:$0x2] =	wrdreg s2  }
0xa9: {  	[dreg:$0x3] =	wrdreg s4  }
0xaa: {  	[dreg:$0x4] =	wrdreg $0xC0  }
0xab: {  	_ =	task [dreg:s6], $0x5FFFF  }
0xac: {  	[dreg:$0x1] =	wrdreg $0xFFFFFFFF  }
0xad: {  	[dreg:$0x0] =	wrdreg $0x60  }
0xae: {  	[dreg:$0x2] =	wrdreg s24  }
0xaf: {  	[dreg:$0x3] =	wrdreg $0x57D00  }
0xb0: {  	[dreg:$0x4] =	wrdreg $0x9  }
0xb1: {  	_ =	task.clear_ibuf [dreg:s6], $0x5FFFF;
	_ =	strace $0x90000046  }
0xb2: {  	s29 =	simm.s32 $0x9;
	_ =	strace $0x80000048  }
0xb3: {  	_ =	swait.ge [sflag:s29], $0x1  }
0xb4: {  	[sflag:s29] =	ssyncadd.s32 $0xFFFFFFFF  }
0xb5: {  	_ =	strace $0x90000048  }
0xb6: {  	_ =	sfence  }
0xb7: {  	s30 =	sld [smem:$0x0];
	_ =	sdelay $0x2  }
0xb8: {  	s31 =	sshll.u32 s1, $0xD;
	s1 =	sshrl.u32 s1, $0x2  }
0xb9: {  	s3 =	sand.u32 $0x4000, s31;
	s1 =	sadd.s32 s1, s30  }
0xba: {  	s0 =	sor.u32 s3, s0;
	s1 =	sshll.u32 s1, $0x11  }
0xbb: {  	s0 =	sor.u32 s1, s0  }
0xbc: {  	s0 =	sadd.s32 $0x8F2B, s0  }
0xbd: {  	[sflag:s0] =	ssyncadd.remote.s32 $0x1  }
0xbe: {  	_ =	sfence.sel $0xFFFF  }
0xbf: {  	[dreg:$0x0] =	wrdreg $0xFFFFFFFF;
	(pc) =	sbr.abs _section_cstart, $3  }
0xc0: {  	[dreg:$0x1] =	wrdreg $0xFFFFFFFF  }
0xc1: {  	_ =	task.clear_ibuf [dreg:s6], $0x2FFFF;
	_ =	strace $0x9FFFFFFF  }
0xc2: {  	(tm) =	ssettm $0x7FFFFFFF  }
0xc3: {  	_ =	shalt  }
tec
execute0_lowered:
.L_overlay_start_1:
0x0: {  	(tag) =	ssettag $0x1  }
0x1: {  	s4 =	rddreg [dreg:$0x0]  }
0x2: {  	s2 =	rddreg [dreg:$0x1]  }
0x3: {  	s0 =	rddreg [dreg:$0x2];
	s3 =	srdreg.scid  }
0x4: {  	s1 =	stileid.u32;
	s10 =	simm.s32 $0x7D;
	s11 =	simm.s32 $0x2800  }
0x5: {  	s12 =	simm.s32 $0x1;
	s5 =	sand.u32 $0x1, s3;
	s6 =	smul.u32 $0x2800, s1  }
0x6: {  	s7 =	sshll.u32 s1, $0x1;
	s3 =	simm.s32 $0x0;
	s13 =	sshll.u32 s1, $0x6  }
0x7: {  	s8 =	smul.u32 $0x28000, s5;
	s7 =	sor.u32 s5, s7;
	[smem:$0x7FF] =	sst s3  }
0x8: {  	s5 =	ssub.s32 $0x2, s5;
	s13 =	sor.u32 $0x1C02, s13;
	s7 =	smul.u32 $0x2800, s7  }
0x9: {  	_ =	strace $0x80000047;
	s9 =	sshrl.u32 s5, $0x1;
	s8 =	sadd.s32 s6, s8  }
0xa: {  	s9 =	ssub.s32 s5, s9;
	s8 =	sshrl.u32 s8, $0x3;
	s7 =	sshrl.u32 s7, $0x3  }
0xb: {  	s8 =	sadd.s32 s8, s4;
	s31 =	sadd.s32 s4, s7;
	s4 =	sadd.s32 s6, s2  }
0xc: {  	s7 =	smax.u32 s9, $0x1;
	s9 =	simm.s32 $0x2;
	s5 =	sadd.s32 $0xD000, s31  }
0xd: {  	v0 =	vimm.f32 $1.000000000e+00;
	v1 =	vimm.f32 $0.0e+00;
	s6 =	sadd.s32 $0x17000, s8;
	s8 =	simm.s32 $0x2FD0;
	s14 =	sshrl.u32 s4, $0x3  }
.LBB2_1:
0xe: {  	s15 =	simm.s32 $0x0  }
.LBB2_2:
0xf: {  	p0 =	sne.s32 s15, $0x1F00  }
.Ltmp0:
0x10: {  	_ = 	snop;
	(pc) =	sbr.rel @p0 .LBB2_2-.Ltmp0, $3  }
0x11: {  	_ =	sdelay $0x1  }
0x12: {  	s16 =	sshra.s32 s15, $0x2  }
0x13: {  	s15 =	sadd.s32 $0x40, s15;
	[tilespmem:s16+$0x2800] =	vst v0  }
0x14: {  	s15 =	simm.s32 $0x40;
	s16 =	simm.s32 $0x0  }
.LBB2_4:
0x15: {  	p0 =	sne.s32 s15, $0x9FC0;
	[tilespmem:s16+$0x2FD0] =	vst v1;
	s16 =	smov.u32 s15;
	s15 =	sadd.s32 $0x40, s15  }
.Ltmp1:
0x16: {  	(pc) =	sbr.rel @p0 .LBB2_4-.Ltmp1, $2  }
0x17: {  	_ =	sdelay $0x2  }
0x18: {  	s16 =	sshra.s32 s16, $0x2  }
0x19: {  	[tilespmem:s16+$0x2FD0] =	vst v1  }
0x1a: {  	[spmem:s4] =	stream.linear.scatter [tilespmem:s8], [sflag:$0x2], $0x2800, $0x38;
	[tilespmem:$0x7FD0] =	vst v63  }
0x1b: {  	_ =	swait.ge [sflag:s9], $0x2800  }
0x1c: {  	[sflag:s9] =	ssyncset.done $0x0  }
0x1d: {  	s15 =	simm.s32 $0x0;
	[sflag:s9] =	ssyncadd.s32 $0xFFFFD800  }
0x1e: {  	[tilespmem:s15], [sflag:$0x2] =	stream.linear.gather [hbm4b:s5+s15], $0x2800, $0x38;
	[tilespmem:$0x7FD0] =	vst v63  }
0x1f: {  	_ =	swait.ge [sflag:s9], $0x2800  }
0x20: {  	[sflag:s9] =	ssyncset.done $0x0  }
0x21: {  	[sflag:s9] =	ssyncadd.s32 $0xFFFFD800  }
0x22: {  	s23 =	simm.s32 $0x0;
	[bflag:$0x0] =	sbarrier.arrive $0xFFFF  }
0x23: {  	[spmem:s2] =	stream.indirect.scatter.add.f32 [tilespmem:s11], [sflag:$0x1], $0x10, s23, s10, $0xb8;
	[tilespmem:$0x7FD0] =	vst v63  }
0x24: {  	s24 =	simm.s32 $0x80  }
0x25: {  	[spmem:s2] =	stream.indirect.scatter.add.f32 [tilespmem:s11], [sflag:$0x1], $0x10, s24, s10, $0xb8;
	[tilespmem:$0x7FD0] =	vst v63  }
0x26: {  	s25 =	simm.s32 $0x100  }
0x27: {  	[spmem:s2] =	stream.indirect.scatter.add.f32 [tilespmem:s11], [sflag:$0x1], $0x10, s25, s10, $0xb8;
	[tilespmem:$0x7FD0] =	vst v63  }
0x28: {  	s26 =	simm.s32 $0x180  }
0x29: {  	[spmem:s2] =	stream.indirect.scatter.add.f32 [tilespmem:s11], [sflag:$0x1], $0x10, s26, s10, $0xb8;
	[tilespmem:$0x7FD0] =	vst v63  }
0x2a: {  	s28 =	simm.s32 $0x200  }
0x2b: {  	[spmem:s2] =	stream.indirect.scatter.add.f32 [tilespmem:s11], [sflag:$0x1], $0x10, s28, s10, $0xb8;
	[tilespmem:$0x7FD0] =	vst v63  }
0x2c: {  	s29 =	simm.s32 $0x280  }
0x2d: {  	[spmem:s2] =	stream.indirect.scatter.add.f32 [tilespmem:s11], [sflag:$0x1], $0x10, s29, s10, $0xb8;
	[tilespmem:$0x7FD0] =	vst v63  }
0x2e: {  	s30 =	simm.s32 $0x300  }
0x2f: {  	[spmem:s2] =	stream.indirect.scatter.add.f32 [tilespmem:s11], [sflag:$0x1], $0x10, s30, s10, $0xb8;
	[tilespmem:$0x7FD0] =	vst v63  }
0x30: {  	s31 =	simm.s32 $0x380  }
0x31: {  	[spmem:s2] =	stream.indirect.scatter.add.f32 [tilespmem:s11], [sflag:$0x1], $0x10, s31, s10, $0xb8;
	[tilespmem:$0x7FD0] =	vst v63  }
0x32: {  	_ =	swait.ge [sflag:s12], $0x7D0  }
0x33: {  	[sflag:s12] =	ssyncset.done $0x0  }
0x34: {  	[sflag:s12] =	ssyncadd.s32 $0xFFFFF830  }
0x35: {  	_ =	swait.ge [sflag:s12], $0x7D0  }
0x36: {  	[sflag:s12] =	ssyncset.done $0x0  }
0x37: {  	[sflag:s12] =	ssyncadd.s32 $0xFFFFF830  }
0x38: {  	_ =	swait.ge [sflag:s12], $0x7D0  }
0x39: {  	[sflag:s12] =	ssyncset.done $0x0  }
0x3a: {  	[sflag:s12] =	ssyncadd.s32 $0xFFFFF830  }
0x3b: {  	_ =	swait.ge [sflag:s12], $0x7D0  }
0x3c: {  	[sflag:s12] =	ssyncset.done $0x0  }
0x3d: {  	[sflag:s12] =	ssyncadd.s32 $0xFFFFF830  }
0x3e: {  	_ =	swait.ge [sflag:s12], $0x7D0  }
0x3f: {  	[sflag:s12] =	ssyncset.done $0x0  }
0x40: {  	[sflag:s12] =	ssyncadd.s32 $0xFFFFF830  }
0x41: {  	_ =	swait.ge [sflag:s12], $0x7D0  }
0x42: {  	[sflag:s12] =	ssyncset.done $0x0  }
0x43: {  	[sflag:s12] =	ssyncadd.s32 $0xFFFFF830  }
0x44: {  	_ =	swait.ge [sflag:s12], $0x7D0  }
0x45: {  	[sflag:s12] =	ssyncset.done $0x0  }
0x46: {  	[sflag:s12] =	ssyncadd.s32 $0xFFFFF830  }
0x47: {  	_ =	swait.ge [sflag:s12], $0x7D0  }
0x48: {  	s17 =	simm.s32 $0x2000;
	s15 =	simm.s32 $0x1000;
	[sflag:s12] =	ssyncset.done $0x0  }
.LBB2_6:
0x49: {  	s18 =	sshra.s32 s15, $0x2  }
0x4a: {  	[sflag:s12] =	ssyncadd.s32 $0xFFFFF830;
	s15 =	smov.u32 s17;
	s16 =	sadd.s32 $0x1000, s17  }
0x4b: {  	[spmem:s2] =	stream.indirect.scatter.add.f32 [tilespmem:s11], [sflag:$0x1], $0x10, s18, s10, $0xb8;
	[tilespmem:$0x7FD0] =	vst v63  }
0x4c: {  	p0 =	sne.s32 s17, $0x9000;
	s17 =	sadd.s32 $0x80, s18  }
0x4d: {  	[spmem:s2] =	stream.indirect.scatter.add.f32 [tilespmem:s11], [sflag:$0x1], $0x10, s17, s10, $0xb8;
	[tilespmem:$0x7FD0] =	vst v63  }
0x4e: {  	s17 =	sadd.s32 $0x100, s18  }
0x4f: {  	[spmem:s2] =	stream.indirect.scatter.add.f32 [tilespmem:s11], [sflag:$0x1], $0x10, s17, s10, $0xb8;
	[tilespmem:$0x7FD0] =	vst v63  }
0x50: {  	s17 =	sadd.s32 $0x180, s18  }
0x51: {  	[spmem:s2] =	stream.indirect.scatter.add.f32 [tilespmem:s11], [sflag:$0x1], $0x10, s17, s10, $0xb8;
	[tilespmem:$0x7FD0] =	vst v63  }
0x52: {  	s17 =	sadd.s32 $0x200, s18  }
0x53: {  	[spmem:s2] =	stream.indirect.scatter.add.f32 [tilespmem:s11], [sflag:$0x1], $0x10, s17, s10, $0xb8;
	[tilespmem:$0x7FD0] =	vst v63  }
0x54: {  	s17 =	sadd.s32 $0x280, s18  }
0x55: {  	[spmem:s2] =	stream.indirect.scatter.add.f32 [tilespmem:s11], [sflag:$0x1], $0x10, s17, s10, $0xb8;
	[tilespmem:$0x7FD0] =	vst v63  }
0x56: {  	s17 =	sadd.s32 $0x300, s18  }
0x57: {  	[spmem:s2] =	stream.indirect.scatter.add.f32 [tilespmem:s11], [sflag:$0x1], $0x10, s17, s10, $0xb8;
	[tilespmem:$0x7FD0] =	vst v63  }
0x58: {  	s17 =	sadd.s32 $0x380, s18  }
0x59: {  	[spmem:s2] =	stream.indirect.scatter.add.f32 [tilespmem:s11], [sflag:$0x1], $0x10, s17, s10, $0xb8;
	[tilespmem:$0x7FD0] =	vst v63  }
0x5a: {  	_ =	swait.ge [sflag:s12], $0x7D0  }
0x5b: {  	[sflag:s12] =	ssyncset.done $0x0  }
0x5c: {  	[sflag:s12] =	ssyncadd.s32 $0xFFFFF830  }
0x5d: {  	_ =	swait.ge [sflag:s12], $0x7D0  }
0x5e: {  	[sflag:s12] =	ssyncset.done $0x0  }
0x5f: {  	[sflag:s12] =	ssyncadd.s32 $0xFFFFF830  }
0x60: {  	_ =	swait.ge [sflag:s12], $0x7D0  }
0x61: {  	[sflag:s12] =	ssyncset.done $0x0  }
0x62: {  	[sflag:s12] =	ssyncadd.s32 $0xFFFFF830  }
0x63: {  	_ =	swait.ge [sflag:s12], $0x7D0  }
0x64: {  	[sflag:s12] =	ssyncset.done $0x0  }
0x65: {  	[sflag:s12] =	ssyncadd.s32 $0xFFFFF830  }
0x66: {  	_ =	swait.ge [sflag:s12], $0x7D0  }
0x67: {  	[sflag:s12] =	ssyncset.done $0x0  }
0x68: {  	[sflag:s12] =	ssyncadd.s32 $0xFFFFF830  }
0x69: {  	_ =	swait.ge [sflag:s12], $0x7D0  }
0x6a: {  	[sflag:s12] =	ssyncset.done $0x0  }
0x6b: {  	[sflag:s12] =	ssyncadd.s32 $0xFFFFF830  }
.Ltmp2:
0x6c: {  	_ =	swait.ge [sflag:s12], $0x7D0;
	(pc) =	sbr.rel @p0 .LBB2_6-.Ltmp2, $4  }
0x6d: {  	[sflag:s12] =	ssyncset.done $0x0  }
0x6e: {  	[sflag:s12] =	ssyncadd.s32 $0xFFFFF830  }
0x6f: {  	_ =	swait.ge [sflag:s12], $0x7D0  }
0x70: {  	s17 =	smov.u32 s16;
	[sflag:s12] =	ssyncset.done $0x0  }
0x71: {  	s15 =	sshra.s32 s15, $0x2;
	[sflag:s12] =	ssyncadd.s32 $0xFFFFF830  }
0x72: {  	[spmem:s2] =	stream.indirect.scatter.add.f32 [tilespmem:s11], [sflag:$0x1], $0x10, s15, s10, $0xb8;
	[tilespmem:$0x7FD0] =	vst v63  }
0x73: {  	s16 =	sadd.s32 $0x80, s15  }
0x74: {  	[spmem:s2] =	stream.indirect.scatter.add.f32 [tilespmem:s11], [sflag:$0x1], $0x10, s16, s10, $0xb8;
	[tilespmem:$0x7FD0] =	vst v63  }
0x75: {  	s26 =	sadd.s32 $0x100, s15  }
0x76: {  	[spmem:s2] =	stream.indirect.scatter.add.f32 [tilespmem:s11], [sflag:$0x1], $0x10, s26, s10, $0xb8;
	[tilespmem:$0x7FD0] =	vst v63  }
0x77: {  	s28 =	sadd.s32 $0x180, s15  }
0x78: {  	[spmem:s2] =	stream.indirect.scatter.add.f32 [tilespmem:s11], [sflag:$0x1], $0x10, s28, s10, $0xb8;
	[tilespmem:$0x7FD0] =	vst v63  }
0x79: {  	s29 =	sadd.s32 $0x200, s15  }
0x7a: {  	[spmem:s2] =	stream.indirect.scatter.add.f32 [tilespmem:s11], [sflag:$0x1], $0x10, s29, s10, $0xb8;
	[tilespmem:$0x7FD0] =	vst v63  }
0x7b: {  	s30 =	sadd.s32 $0x280, s15  }
0x7c: {  	[spmem:s2] =	stream.indirect.scatter.add.f32 [tilespmem:s11], [sflag:$0x1], $0x10, s30, s10, $0xb8;
	[tilespmem:$0x7FD0] =	vst v63  }
0x7d: {  	s31 =	sadd.s32 $0x300, s15  }
0x7e: {  	[spmem:s2] =	stream.indirect.scatter.add.f32 [tilespmem:s11], [sflag:$0x1], $0x10, s31, s10, $0xb8;
	[tilespmem:$0x7FD0] =	vst v63  }
0x7f: {  	s15 =	sadd.s32 $0x380, s15  }
0x80: {  	[spmem:s2] =	stream.indirect.scatter.add.f32 [tilespmem:s11], [sflag:$0x1], $0x10, s15, s10, $0xb8;
	[tilespmem:$0x7FD0] =	vst v63  }
0x81: {  	_ =	swait.ge [sflag:s12], $0x7D0  }
0x82: {  	[sflag:s12] =	ssyncset.done $0x0  }
0x83: {  	[sflag:s12] =	ssyncadd.s32 $0xFFFFF830  }
0x84: {  	_ =	swait.ge [sflag:s12], $0x7D0  }
0x85: {  	[sflag:s12] =	ssyncset.done $0x0  }
0x86: {  	[sflag:s12] =	ssyncadd.s32 $0xFFFFF830  }
0x87: {  	_ =	swait.ge [sflag:s12], $0x7D0  }
0x88: {  	[sflag:s12] =	ssyncset.done $0x0  }
0x89: {  	[sflag:s12] =	ssyncadd.s32 $0xFFFFF830  }
0x8a: {  	_ =	swait.ge [sflag:s12], $0x7D0  }
0x8b: {  	[sflag:s12] =	ssyncset.done $0x0  }
0x8c: {  	[sflag:s12] =	ssyncadd.s32 $0xFFFFF830  }
0x8d: {  	_ =	swait.ge [sflag:s12], $0x7D0  }
0x8e: {  	[sflag:s12] =	ssyncset.done $0x0  }
0x8f: {  	[sflag:s12] =	ssyncadd.s32 $0xFFFFF830  }
0x90: {  	_ =	swait.ge [sflag:s12], $0x7D0  }
0x91: {  	[sflag:s12] =	ssyncset.done $0x0  }
0x92: {  	[sflag:s12] =	ssyncadd.s32 $0xFFFFF830  }
0x93: {  	_ =	swait.ge [sflag:s12], $0x7D0  }
0x94: {  	[sflag:s12] =	ssyncset.done $0x0  }
0x95: {  	[sflag:s12] =	ssyncadd.s32 $0xFFFFF830  }
0x96: {  	_ =	swait.ge [sflag:s12], $0x7D0  }
0x97: {  	s3 =	sadd.s32 $0x1, s3;
	[sflag:s12] =	ssyncset.done $0x0  }
0x98: {  	p0 =	sne.s32 s3, s7;
	[sflag:s12] =	ssyncadd.s32 $0xFFFFF830  }
.Ltmp3:
0x99: {  	[bflag:$0x0] =	sbarrier.arrive $0xFFFF;
	(pc) =	sbr.rel @p0 .LBB2_1-.Ltmp3, $4  }
0x9a: {  	[hbm:s6], [sflag:s13] =	dma.local [spmem:s14], $0x500  }
0x9b: {  	_ =	swait.ge [sflag:s9], $0x500  }
0x9c: {  	[sflag:s9] =	ssyncset.done $0x0  }
0x9d: {  	[sflag:s9] =	ssyncadd.s32 $0xFFFFFB00  }
0x9e: {  	_ =	sfence.sel $0x180000  }
0x9f: {  	[bflag:$0x0] =	sbarrier.arrive $0xFFFF  }
0xa0: {  	p0 =	sne.s32 s1, $0x0;
	_ =	strace $0x90000047  }
0xa1: {  	s0 =	sadd.s32 @!p0 $0x100000, s0;
	[bflag:$0x2] =	sbarrier.arrive $0xFFFF  }
0xa2: {  	[sflag:s0] =	ssyncadd.tile.s32 @!p0 $0x1;
	_ =	shalt  }
.Lfunc_end2:
_tile_overlayer_lowered:
.L_overlay_start_2:
0xa3: {  	(tag) =	ssettag $0x2  }
0xa4: {  	s0 =	rddreg [dreg:$0x0];
	s2 =	stileid.u32  }
0xa5: {  	s1 =	rddreg [dreg:$0x1];
	p0 =	sne.s32 s2, $0x0  }
0xa6: {  	s3 =	rddreg [dreg:$0x2];
	[bflag:$0x3] =	sbarrier.arrive $0xFFFF;
	s2 =	simm.s32 @!p0 $0x1C02  }
0xa7: {  	[timem:s3], [sflag:s2] =	dma.local @!p0 [hbm:s0], s1  }
0xa8: {  	s0 =	simm.s32 @!p0 $0x2  }
0xa9: {  	_ =	swait.ge @!p0 [sflag:s0], s1  }
0xaa: {  	s1 =	ssub.s32 @!p0 $0x0, s1;
	[sflag:s0] =	ssyncset.done @!p0 $0x0  }
0xab: {  	[sflag:s0] =	ssyncadd.s32 @!p0 s1  }
0xac: {  	[bflag:$0x3] =	sbarrier.arrive $0xFFFF  }
0xad: {  	_ =	shalt  }

</sc_bundles>
